<compile_context>
chip_gen: v7x
topology: tpu7x:2x2x1
jax: 0.10.2.dev20260603
libtpu: 0.0.44.dev20260713+nightly
codegen_flags: <defaults>
</compile_context>

<pallas_src>
import functools

import jax
import jax.numpy as jnp
from jax import lax
from jax.experimental import pallas as pl
from jax.experimental.pallas import tpu as pltpu
from jax.experimental.pallas import tpu_sc as plsc

N_NODES = 10000
N_EDGES = 320000
D = 128
NT = 1024

NC, NS = 2, 16
NW = NC * NS
EPW = N_EDGES // NW
EK = 80
NCHUNK = EPW // EK
SPR = 640
SPR_LAST = N_NODES - (NS - 1) * SPR
ZR = 80
TPS = NT // NS
DEGP_R = 80


def _mesh():
    return plsc.VectorSubcoreMesh(core_axis_name="c", subcore_axis_name="s",
                                  num_cores=NC, num_subcores=NS)


def _per_stripe(sid, fn):

    @pl.when(sid < NS - 1)
    def _():
        fn(pl.multiple_of(sid * SPR, 8), SPR)

    @pl.when(sid == NS - 1)
    def _():
        fn((NS - 1) * SPR, SPR_LAST)


def _fill_rows(buf, nrows, ncol16, val16):
    def frow(i, c):
        for j in range(ncol16):
            buf[i, pl.ds(j * 16, 16)] = val16
        return c

    lax.fori_loop(0, nrows, frow, 0)


def _fill_iota(idx_ref, n, base):
    for j in range(n // 16):
        idx_ref[pl.ds(j * 16, 16)] = lax.iota(jnp.int32, 16) + (base + j * 16)


def _sc_layer1_body(edges_ref, x_ref, eye_ref,
                    agg, degp_out,
                    sd_v, rows_v, hot_v, prow_v, pcol_v, zbuf, zidx_v,
                    s_agg, s_degp, sem, sem2):
    cid = lax.axis_index("c")
    sid = lax.axis_index("s")
    wid = sid * NC + cid

    z16 = jnp.zeros((16,), jnp.float32)
    _fill_rows(zbuf, ZR, D // 16, z16)

    def _zero_stripe(r0, nrows):
        for t in range(nrows // ZR):
            _fill_iota(zidx_v, ZR, r0 + t * ZR)
            pltpu.sync_copy(zbuf, s_agg.at[zidx_v])

    _per_stripe(sid, _zero_stripe)

    @pl.when(sid == 0)
    def _():
        _fill_iota(zidx_v, ZR, 0)
        pltpu.sync_copy(zbuf, s_degp.at[zidx_v])

    plsc.subcore_barrier()

    def ebody(i, c):
        pltpu.sync_copy(edges_ref.at[wid * NCHUNK + i], sd_v)
        gx = pltpu.async_copy(x_ref.at[sd_v.at[0]], rows_v, sem)
        for off in range(0, EK, 16):
            dv = sd_v[1, pl.ds(off, 16)]
            prow_v[pl.ds(off, 16)] = lax.shift_right_logical(dv, 7)
            pcol_v[pl.ds(off, 16)] = lax.bitwise_and(dv, 127)
        ge = pltpu.async_copy(eye_ref.at[pcol_v], hot_v, sem2)
        gx.wait()
        pltpu.sync_copy(rows_v, s_agg.at[sd_v.at[1]], add=True)
        ge.wait()
        pltpu.sync_copy(hot_v, s_degp.at[prow_v], add=True)
        return c

    lax.fori_loop(0, NCHUNK, ebody, 0)
    plsc.subcore_barrier()

    def _out_stripe(r0, nrows):
        for t in range(nrows // ZR):
            r = r0 + t * ZR
            _fill_iota(zidx_v, ZR, r)
            pltpu.async_copy(s_agg.at[zidx_v], zbuf, sem).wait()
            pltpu.sync_copy(zbuf, agg.at[cid, pl.ds(r, ZR)])

    _per_stripe(sid, _out_stripe)

    @pl.when(sid == 0)
    def _():
        _fill_iota(zidx_v, ZR, 0)
        pltpu.async_copy(s_degp.at[zidx_v], zbuf, sem).wait()
        pltpu.sync_copy(zbuf, degp_out.at[cid])


def _sc_layer2_body(edges_ref, hr_ref, tgt_ref,
                    att, hrt,
                    sd_v, rows_v, tix_v, tix2_v, tbuf, zbuf, zidx_v,
                    s_agg, sem):
    cid = lax.axis_index("c")
    sid = lax.axis_index("s")
    wid = sid * NC + cid

    _fill_rows(zbuf, ZR, D // 16, jnp.zeros((16,), jnp.float32))

    def _zero_stripe(r0, nrows):
        for t in range(nrows // ZR):
            _fill_iota(zidx_v, ZR, r0 + t * ZR)
            pltpu.sync_copy(zbuf, s_agg.at[zidx_v])

    _per_stripe(sid, _zero_stripe)
    plsc.subcore_barrier()

    def ebody(i, c):
        pltpu.sync_copy(edges_ref.at[wid * NCHUNK + i], sd_v)
        pltpu.async_copy(hr_ref.at[sd_v.at[0]], rows_v, sem).wait()
        pltpu.sync_copy(rows_v, s_agg.at[sd_v.at[1]], add=True)
        return c

    lax.fori_loop(0, NCHUNK, ebody, 0)
    plsc.subcore_barrier()

    t0 = sid * TPS
    pltpu.sync_copy(tgt_ref.at[pl.ds(t0, TPS)], tix_v)
    pltpu.async_copy(s_agg.at[tix_v], tbuf, sem).wait()
    pltpu.sync_copy(tbuf, att.at[cid, pl.ds(t0, TPS)])

    off = cid * N_NODES
    for j in range(TPS // 16):
        tix2_v[pl.ds(j * 16, 16)] = tix_v[pl.ds(j * 16, 16)] + off
    pltpu.async_copy(hr_ref.at[tix2_v], tbuf, sem).wait()
    pltpu.sync_copy(tbuf, hrt.at[cid, pl.ds(t0, TPS)])


def _sc_layer1(edges, x):
    f32 = jnp.float32
    out_type = (
        jax.ShapeDtypeStruct((NC, N_NODES, D), f32),
        jax.ShapeDtypeStruct((NC, DEGP_R, D), f32),
    )
    scratch = [
        pltpu.VMEM((2, EK), jnp.int32),
        pltpu.VMEM((EK, D), f32),
        pltpu.VMEM((EK, D), f32),
        pltpu.VMEM((EK,), jnp.int32),
        pltpu.VMEM((EK,), jnp.int32),
        pltpu.VMEM((ZR, D), f32),
        pltpu.VMEM((ZR,), jnp.int32),
        pltpu.VMEM_SHARED((N_NODES, D), f32),
        pltpu.VMEM_SHARED((DEGP_R, D), f32),
        pltpu.SemaphoreType.DMA,
        pltpu.SemaphoreType.DMA,
    ]
    k = pl.kernel(_sc_layer1_body, out_type=out_type, mesh=_mesh(),
                  scratch_types=scratch)
    return k(edges, x, jnp.eye(D, dtype=f32))


def _sc_layer2(edges, hr, tgt):
    f32 = jnp.float32
    out_type = (
        jax.ShapeDtypeStruct((NC, NT, D), f32),
        jax.ShapeDtypeStruct((NC, NT, D), f32),
    )
    scratch = [
        pltpu.VMEM((2, EK), jnp.int32),
        pltpu.VMEM((EK, D), f32),
        pltpu.VMEM((TPS,), jnp.int32),
        pltpu.VMEM((TPS,), jnp.int32),
        pltpu.VMEM((TPS, D), f32),
        pltpu.VMEM((ZR, D), f32),
        pltpu.VMEM((ZR,), jnp.int32),
        pltpu.VMEM_SHARED((N_NODES, D), f32),
        pltpu.SemaphoreType.DMA,
    ]
    k = pl.kernel(_sc_layer2_body, out_type=out_type, mesh=_mesh(),
                  scratch_types=scratch)
    return k(edges, hr, tgt)


def _tc1_body(x_ref, a_ref, d_ref, ws, wn, b, o_ref, rd_ref):
    deg = d_ref[...]
    rdeg = 1.0 / jnp.maximum(deg, 1.0)
    mean = (a_ref[0] + a_ref[1]) * rdeg
    h = (jnp.dot(x_ref[...], ws[...], preferred_element_type=jnp.float32)
         + jnp.dot(mean, wn[...], preferred_element_type=jnp.float32)
         + b[...])
    o_ref[...] = jnp.maximum(h, 0.0)
    rd_ref[...] = jnp.broadcast_to(rdeg, rd_ref.shape)


def _tc1(x, agg, deg_col, ws, wn, b):
    BR = 1000
    grid = (N_NODES // BR,)
    return pl.pallas_call(
        _tc1_body,
        grid=grid,
        in_specs=[
            pl.BlockSpec((BR, D), lambda i: (i, 0)),
            pl.BlockSpec((NC, BR, D), lambda i: (0, i, 0)),
            pl.BlockSpec((BR, 1), lambda i: (i, 0)),
            pl.BlockSpec((D, D), lambda i: (0, 0)),
            pl.BlockSpec((D, D), lambda i: (0, 0)),
            pl.BlockSpec((1, D), lambda i: (0, 0)),
        ],
        out_specs=[
            pl.BlockSpec((BR, D), lambda i: (i, 0)),
            pl.BlockSpec((BR, D), lambda i: (i, 0)),
        ],
        out_shape=[
            jax.ShapeDtypeStruct((N_NODES, D), jnp.float32),
            jax.ShapeDtypeStruct((N_NODES, D), jnp.float32),
        ],
    )(x, agg, deg_col, ws, wn, b.reshape(1, D))


def _tc2_body(att, hrt, ws, wn, b, o_ref):
    mean = (att[0] + att[1]) * hrt[1]
    o_ref[...] = (jnp.dot(hrt[0], ws[...], preferred_element_type=jnp.float32)
                  + jnp.dot(mean, wn[...], preferred_element_type=jnp.float32)
                  + b[...])


def _tc2(att, hrt, ws, wn, b):
    return pl.pallas_call(
        _tc2_body,
        grid=(1,),
        in_specs=[
            pl.BlockSpec((NC, NT, D), lambda i: (0, 0, 0)),
            pl.BlockSpec((NC, NT, D), lambda i: (0, 0, 0)),
            pl.BlockSpec((D, D), lambda i: (0, 0)),
            pl.BlockSpec((D, D), lambda i: (0, 0)),
            pl.BlockSpec((1, D), lambda i: (0, 0)),
        ],
        out_specs=pl.BlockSpec((NT, D), lambda i: (0, 0)),
        out_shape=jax.ShapeDtypeStruct((NT, D), jnp.float32),
    )(att, hrt, ws, wn, b.reshape(1, D))


@jax.jit
def kernel(x, edge_index, target_indices, W_self1, W_neigh1, b1,
           W_self2, W_neigh2, b2):
    edge = edge_index.astype(jnp.int32)
    edges = jnp.stack(
        [edge[0].reshape(N_EDGES // EK, EK), edge[1].reshape(N_EDGES // EK, EK)],
        axis=1)
    tgt = target_indices.astype(jnp.int32)
    agg, degp = _sc_layer1(edges, x)
    deg_col = (degp[0] + degp[1]).reshape(DEGP_R * D)[:N_NODES].reshape(
        N_NODES, 1)
    h1, rdeg = _tc1(x, agg, deg_col, W_self1, W_neigh1, b1)
    hr = jnp.concatenate([h1, rdeg], axis=0)
    att, hrt = _sc_layer2(edges, hr, tgt)
    return _tc2(att, hrt, W_self2, W_neigh2, b2)

# --- scband reference (transcript-rebuilt; emitter-appended) ---
"""Pipeline reference for scband-sageencode-46780783788143 (READ-ONLY COPY).

The authoritative reference and input builder live on the scoring server;
editing this copy changes nothing except your own understanding.
"""

import jax, jax.numpy as jnp
import numpy as np

N_NODES = 10000
N_EDGES = 320000
D_FEAT = 128
HIDDEN = 128
N_TARGETS = 1024


def setup_inputs(seed: int = 0) -> dict:
    key = jax.random.key(seed)
    ks = jax.random.split(key, 10)
    x = jax.random.normal(ks[0], (N_NODES, D_FEAT), dtype=jnp.float32)
    edge_index = jax.random.randint(ks[1], (2, N_EDGES), 0, N_NODES, dtype=jnp.int64)
    target_indices = jax.random.randint(ks[2], (N_TARGETS,), 0, N_NODES, dtype=jnp.int64)
    s1 = 1.0 / np.sqrt(D_FEAT)
    s2 = 1.0 / np.sqrt(HIDDEN)
    W_self1 = jax.random.uniform(ks[3], (D_FEAT, HIDDEN), jnp.float32, -s1, s1)
    W_neigh1 = jax.random.uniform(ks[4], (D_FEAT, HIDDEN), jnp.float32, -s1, s1)
    b1 = jnp.zeros((HIDDEN,), jnp.float32)
    W_self2 = jax.random.uniform(ks[5], (HIDDEN, HIDDEN), jnp.float32, -s2, s2)
    W_neigh2 = jax.random.uniform(ks[6], (HIDDEN, HIDDEN), jnp.float32, -s2, s2)
    b2 = jnp.zeros((HIDDEN,), jnp.float32)
    return {"x": x, "edge_index": edge_index, "target_indices": target_indices,
            "W_self1": W_self1, "W_neigh1": W_neigh1, "b1": b1,
            "W_self2": W_self2, "W_neigh2": W_neigh2, "b2": b2}


def _sage_mean_layer(feat, src, dst, W_self, W_neigh, b, activation):
    # gather neighbor (src) features, mean-aggregate onto dst nodes
    msgs = jnp.take(feat, src, axis=0)
    agg = jax.ops.segment_sum(msgs, dst, num_segments=N_NODES)
    deg = jax.ops.segment_sum(jnp.ones((src.shape[0],), feat.dtype), dst, num_segments=N_NODES)
    mean = agg / jnp.clip(deg, 1.0, None)[:, None]
    h = feat @ W_self + mean @ W_neigh + b
    if activation:
        h = jax.nn.relu(h)
    return h


def reference(x, edge_index, target_indices, W_self1, W_neigh1, b1, W_self2, W_neigh2, b2):
    # FeatureCombiner with a single dense feature block -> identity concat
    feature = x
    src = edge_index[0]
    dst = edge_index[1]
    # layer 1 (relu), layer 2 (no activation), matching num_layers=len(fanouts)=2
    feature = _sage_mean_layer(feature, src, dst, W_self1, W_neigh1, b1, activation=True)
    feature = _sage_mean_layer(feature, src, dst, W_self2, W_neigh2, b2, activation=False)
    out = jnp.take(feature, target_indices, axis=0)
    return out

if __name__ == "__main__":
    import jax
    _d = setup_inputs()
    print(jax.jit(kernel)(*tuple(_d.values())))

</pallas_src>

<mosaic_0001>
#map = affine_map<(d0, d1) -> (0, 0, 0)>
#map1 = affine_map<(d0, d1) -> (0, 0)>
module attributes {stable_mosaic.version = 14 : i64} {
  func.func @_sc_layer1_body(%arg0: i32, %arg1: i32, %arg2: memref<4000x2x80xi32, #tpu.memory_space<hbm>>, %arg3: memref<10000x128xf32, #tpu.memory_space<hbm>>, %arg4: memref<128x128xf32, #tpu.memory_space<hbm>>, %arg5: memref<2x10000x128xf32, #tpu.memory_space<hbm>>, %arg6: memref<2x80x128xf32, #tpu.memory_space<hbm>>, %arg7: memref<2x80xi32, #tpu.memory_space<vmem>>, %arg8: memref<80x128xf32, #tpu.memory_space<vmem>>, %arg9: memref<80x128xf32, #tpu.memory_space<vmem>>, %arg10: memref<80xi32, #tpu.memory_space<vmem>>, %arg11: memref<80xi32, #tpu.memory_space<vmem>>, %arg12: memref<80x128xf32, #tpu.memory_space<vmem>>, %arg13: memref<80xi32, #tpu.memory_space<vmem>>, %arg14: memref<10000x128xf32, #tpu.memory_space<vmem_shared>>, %arg15: memref<80x128xf32, #tpu.memory_space<vmem_shared>>, %arg16: memref<!tpu.dma_semaphore, #tpu.memory_space<semaphore_mem>>, %arg17: memref<!tpu.dma_semaphore, #tpu.memory_space<semaphore_mem>>) attributes {dimension_semantics = [#tpu.dimension_semantics<core_parallel>, #tpu.dimension_semantics<subcore_parallel>], iteration_bounds = array<i64: 2, 16>, scalar_prefetch = 0 : i64, scratch_operands = 11 : i64, tpu.core_type = #tpu.core_type<sc_vector_subcore>, window_params = [{transform_indices = #map}, {transform_indices = #map1}, {transform_indices = #map1}, {transform_indices = #map}, {transform_indices = #map}]} {
    %mul3A = arith.constant 2 : i32
    %mul3A_0 = arith.muli %arg1, %mul3A : i32
    %add3A = arith.addi %mul3A_0, %arg0 : i32
    %broadcast_in_dim3A = arith.constant 0.000000e+00 : f32
    %broadcast_in_dim3A_1 = vector.broadcast %broadcast_in_dim3A : f32 to vector<16xf32>
    %scan3A = arith.constant 0 : i32
    %scan3A_2 = arith.constant 0 : i32
    %scan3A_3 = arith.constant 80 : i32
    %scan3A_4 = arith.addi %scan3A_2, %scan3A_3 : i32
    %scan3A_5 = arith.constant 1 : i32
    scf.for %scan3A_40 = %scan3A_2 to %scan3A_4 step %scan3A_5  : i32 {
      %swap3A = arith.index_cast %scan3A_40 : i32 to index
      %swap3A_41 = arith.constant 0 : index
      %swap3A_42 = tpu.vector_load %arg12[%swap3A, %swap3A_41] {strides = array<i32>} : memref<80x128xf32, #tpu.memory_space<vmem>>, vector<1x16xf32>,
      %swap3A_43 = vector.shape_cast %swap3A_42 : vector<1x16xf32> to vector<16xf32>
      %swap3A_44 = vector.shape_cast %broadcast_in_dim3A_1 : vector<16xf32> to vector<1x16xf32>
      tpu.vector_store %arg12[%swap3A, %swap3A_41], %swap3A_44 {strides = array<i32>} : memref<80x128xf32, #tpu.memory_space<vmem>>, vector<1x16xf32>,
      %swap3A_45 = arith.index_cast %scan3A_40 : i32 to index
      %swap3A_46 = arith.constant 16 : index
      %swap3A_47 = tpu.vector_load %arg12[%swap3A_45, %swap3A_46] {strides = array<i32>} : memref<80x128xf32, #tpu.memory_space<vmem>>, vector<1x16xf32>,
      %swap3A_48 = vector.shape_cast %swap3A_47 : vector<1x16xf32> to vector<16xf32>
      %swap3A_49 = vector.shape_cast %broadcast_in_dim3A_1 : vector<16xf32> to vector<1x16xf32>
      tpu.vector_store %arg12[%swap3A_45, %swap3A_46], %swap3A_49 {strides = array<i32>} : memref<80x128xf32, #tpu.memory_space<vmem>>, vector<1x16xf32>,
      %swap3A_50 = arith.index_cast %scan3A_40 : i32 to index
      %swap3A_51 = arith.constant 32 : index
      %swap3A_52 = tpu.vector_load %arg12[%swap3A_50, %swap3A_51] {strides = array<i32>} : memref<80x128xf32, #tpu.memory_space<vmem>>, vector<1x16xf32>,
      %swap3A_53 = vector.shape_cast %swap3A_52 : vector<1x16xf32> to vector<16xf32>
      %swap3A_54 = vector.shape_cast %broadcast_in_dim3A_1 : vector<16xf32> to vector<1x16xf32>
      tpu.vector_store %arg12[%swap3A_50, %swap3A_51], %swap3A_54 {strides = array<i32>} : memref<80x128xf32, #tpu.memory_space<vmem>>, vector<1x16xf32>,
      %swap3A_55 = arith.index_cast %scan3A_40 : i32 to index
      %swap3A_56 = arith.constant 48 : index
      %swap3A_57 = tpu.vector_load %arg12[%swap3A_55, %swap3A_56] {strides = array<i32>} : memref<80x128xf32, #tpu.memory_space<vmem>>, vector<1x16xf32>,
      %swap3A_58 = vector.shape_cast %swap3A_57 : vector<1x16xf32> to vector<16xf32>
      %swap3A_59 = vector.shape_cast %broadcast_in_dim3A_1 : vector<16xf32> to vector<1x16xf32>
      tpu.vector_store %arg12[%swap3A_55, %swap3A_56], %swap3A_59 {strides = array<i32>} : memref<80x128xf32, #tpu.memory_space<vmem>>, vector<1x16xf32>,
      %swap3A_60 = arith.index_cast %scan3A_40 : i32 to index
      %swap3A_61 = arith.constant 64 : index
      %swap3A_62 = tpu.vector_load %arg12[%swap3A_60, %swap3A_61] {strides = array<i32>} : memref<80x128xf32, #tpu.memory_space<vmem>>, vector<1x16xf32>,
      %swap3A_63 = vector.shape_cast %swap3A_62 : vector<1x16xf32> to vector<16xf32>
      %swap3A_64 = vector.shape_cast %broadcast_in_dim3A_1 : vector<16xf32> to vector<1x16xf32>
      tpu.vector_store %arg12[%swap3A_60, %swap3A_61], %swap3A_64 {strides = array<i32>} : memref<80x128xf32, #tpu.memory_space<vmem>>, vector<1x16xf32>,
      %swap3A_65 = arith.index_cast %scan3A_40 : i32 to index
      %swap3A_66 = arith.constant 80 : index
      %swap3A_67 = tpu.vector_load %arg12[%swap3A_65, %swap3A_66] {strides = array<i32>} : memref<80x128xf32, #tpu.memory_space<vmem>>, vector<1x16xf32>,
      %swap3A_68 = vector.shape_cast %swap3A_67 : vector<1x16xf32> to vector<16xf32>
      %swap3A_69 = vector.shape_cast %broadcast_in_dim3A_1 : vector<16xf32> to vector<1x16xf32>
      tpu.vector_store %arg12[%swap3A_65, %swap3A_66], %swap3A_69 {strides = array<i32>} : memref<80x128xf32, #tpu.memory_space<vmem>>, vector<1x16xf32>,
      %swap3A_70 = arith.index_cast %scan3A_40 : i32 to index
      %swap3A_71 = arith.constant 96 : index
      %swap3A_72 = tpu.vector_load %arg12[%swap3A_70, %swap3A_71] {strides = array<i32>} : memref<80x128xf32, #tpu.memory_space<vmem>>, vector<1x16xf32>,
      %swap3A_73 = vector.shape_cast %swap3A_72 : vector<1x16xf32> to vector<16xf32>
      %swap3A_74 = vector.shape_cast %broadcast_in_dim3A_1 : vector<16xf32> to vector<1x16xf32>
      tpu.vector_store %arg12[%swap3A_70, %swap3A_71], %swap3A_74 {strides = array<i32>} : memref<80x128xf32, #tpu.memory_space<vmem>>, vector<1x16xf32>,
      %swap3A_75 = arith.index_cast %scan3A_40 : i32 to index
      %swap3A_76 = arith.constant 112 : index
      %swap3A_77 = tpu.vector_load %arg12[%swap3A_75, %swap3A_76] {strides = array<i32>} : memref<80x128xf32, #tpu.memory_space<vmem>>, vector<1x16xf32>,
      %swap3A_78 = vector.shape_cast %swap3A_77 : vector<1x16xf32> to vector<16xf32>
      %swap3A_79 = vector.shape_cast %broadcast_in_dim3A_1 : vector<16xf32> to vector<1x16xf32>
      tpu.vector_store %arg12[%swap3A_75, %swap3A_76], %swap3A_79 {strides = array<i32>} : memref<80x128xf32, #tpu.memory_space<vmem>>, vector<1x16xf32>,
    }
    %scan3A_6 = arith.constant 80 : i32
    %lt3A = arith.constant 15 : i32
    %lt3A_7 = arith.cmpi slt, %arg1, %lt3A : i32
    %convert_element_type3A = arith.extui %lt3A_7 : i1 to i32
    %cond3A = arith.constant 0 : i32
    %cond3A_8 = arith.cmpi ne, %convert_element_type3A, %cond3A : i32
    scf.if %cond3A_8 {
      %mul3A_40 = arith.constant 640 : i32
      %mul3A_41 = arith.muli %arg1, %mul3A_40 : i32
      %multiple_of3A = tpu.assume_multiple %mul3A_41, 8 : i32
      %add3A_42 = arith.constant 0 : i32
      %add3A_43 = arith.addi %multiple_of3A, %add3A_42 : i32
      %iota3A = tpu.iota {dimensions = array<i32: 0>} : vector<16xi32>
      %add3A_44 = arith.constant 0 : i32
      %add3A_45 = arith.addi %add3A_43, %add3A_44 : i32
      %add3A_46 = vector.broadcast %add3A_45 : i32 to vector<16xi32>
      %add3A_47 = arith.addi %iota3A, %add3A_46 : vector<16xi32>
      %swap3A = arith.constant 0 : index
      %swap3A_48 = tpu.vector_load %arg13[%swap3A] {strides = array<i32>} : memref<80xi32, #tpu.memory_space<vmem>>, vector<16xi32>,
      %swap3A_49 = vector.shape_cast %swap3A_48 : vector<16xi32> to vector<16xi32>
      %swap3A_50 = vector.shape_cast %add3A_47 : vector<16xi32> to vector<16xi32>
      tpu.vector_store %arg13[%swap3A], %swap3A_50 {strides = array<i32>} : memref<80xi32, #tpu.memory_space<vmem>>, vector<16xi32>,
      %iota3A_51 = tpu.iota {dimensions = array<i32: 0>} : vector<16xi32>
      %add3A_52 = arith.constant 16 : i32
      %add3A_53 = arith.addi %add3A_43, %add3A_52 : i32
      %add3A_54 = vector.broadcast %add3A_53 : i32 to vector<16xi32>
      %add3A_55 = arith.addi %iota3A_51, %add3A_54 : vector<16xi32>
      %swap3A_56 = arith.constant 16 : index
      %swap3A_57 = tpu.vector_load %arg13[%swap3A_56] {strides = array<i32>} : memref<80xi32, #tpu.memory_space<vmem>>, vector<16xi32>,
      %swap3A_58 = vector.shape_cast %swap3A_57 : vector<16xi32> to vector<16xi32>
      %swap3A_59 = vector.shape_cast %add3A_55 : vector<16xi32> to vector<16xi32>
      tpu.vector_store %arg13[%swap3A_56], %swap3A_59 {strides = array<i32>} : memref<80xi32, #tpu.memory_space<vmem>>, vector<16xi32>,
      %iota3A_60 = tpu.iota {dimensions = array<i32: 0>} : vector<16xi32>
      %add3A_61 = arith.constant 32 : i32
      %add3A_62 = arith.addi %add3A_43, %add3A_61 : i32
      %add3A_63 = vector.broadcast %add3A_62 : i32 to vector<16xi32>
      %add3A_64 = arith.addi %iota3A_60, %add3A_63 : vector<16xi32>
      %swap3A_65 = arith.constant 32 : index
      %swap3A_66 = tpu.vector_load %arg13[%swap3A_65] {strides = array<i32>} : memref<80xi32, #tpu.memory_space<vmem>>, vector<16xi32>,
      %swap3A_67 = vector.shape_cast %swap3A_66 : vector<16xi32> to vector<16xi32>
      %swap3A_68 = vector.shape_cast %add3A_64 : vector<16xi32> to vector<16xi32>
      tpu.vector_store %arg13[%swap3A_65], %swap3A_68 {strides = array<i32>} : memref<80xi32, #tpu.memory_space<vmem>>, vector<16xi32>,
      %iota3A_69 = tpu.iota {dimensions = array<i32: 0>} : vector<16xi32>
      %add3A_70 = arith.constant 48 : i32
      %add3A_71 = arith.addi %add3A_43, %add3A_70 : i32
      %add3A_72 = vector.broadcast %add3A_71 : i32 to vector<16xi32>
      %add3A_73 = arith.addi %iota3A_69, %add3A_72 : vector<16xi32>
      %swap3A_74 = arith.constant 48 : index
      %swap3A_75 = tpu.vector_load %arg13[%swap3A_74] {strides = array<i32>} : memref<80xi32, #tpu.memory_space<vmem>>, vector<16xi32>,
      %swap3A_76 = vector.shape_cast %swap3A_75 : vector<16xi32> to vector<16xi32>
      %swap3A_77 = vector.shape_cast %add3A_73 : vector<16xi32> to vector<16xi32>
      tpu.vector_store %arg13[%swap3A_74], %swap3A_77 {strides = array<i32>} : memref<80xi32, #tpu.memory_space<vmem>>, vector<16xi32>,
      %iota3A_78 = tpu.iota {dimensions = array<i32: 0>} : vector<16xi32>
      %add3A_79 = arith.constant 64 : i32
      %add3A_80 = arith.addi %add3A_43, %add3A_79 : i32
      %add3A_81 = vector.broadcast %add3A_80 : i32 to vector<16xi32>
      %add3A_82 = arith.addi %iota3A_78, %add3A_81 : vector<16xi32>
      %swap3A_83 = arith.constant 64 : index
      %swap3A_84 = tpu.vector_load %arg13[%swap3A_83] {strides = array<i32>} : memref<80xi32, #tpu.memory_space<vmem>>, vector<16xi32>,
      %swap3A_85 = vector.shape_cast %swap3A_84 : vector<16xi32> to vector<16xi32>
      %swap3A_86 = vector.shape_cast %add3A_82 : vector<16xi32> to vector<16xi32>
      tpu.vector_store %arg13[%swap3A_83], %swap3A_86 {strides = array<i32>} : memref<80xi32, #tpu.memory_space<vmem>>, vector<16xi32>,
      "tpu.region"() ({
        %run_scoped3A = tpu.sem_alloc : memref<!tpu.dma_semaphore, #tpu.memory_space<semaphore_mem>>
        %dma_start3A = arith.constant 0 : i32
        %dma_start3A_416 = arith.constant 0 : i32
        %dma_start3A_417 = tpu.memref_slice %arg14[%dma_start3A, %dma_start3A_416] : memref<10000x128xf32, #tpu.memory_space<vmem_shared>> -> memref<10000x128xf32, #tpu.memory_space<vmem_shared>>
        tpu.enqueue_indirect_dma source(%arg12 : memref<80x128xf32, #tpu.memory_space<vmem>>) target(%dma_start3A_417 : memref<10000x128xf32, #tpu.memory_space<vmem_shared>>) offsets(%arg13 : memref<80xi32, #tpu.memory_space<vmem>>) semaphore(%run_scoped3A : memref<!tpu.dma_semaphore, #tpu.memory_space<semaphore_mem>>)
        %dma_wait3A = arith.constant 0 : i32
        %dma_wait3A_418 = arith.constant 0 : i32
        %dma_wait3A_419 = tpu.memref_slice %arg14[%dma_wait3A, %dma_wait3A_418] : memref<10000x128xf32, #tpu.memory_space<vmem_shared>> -> memref<10000x128xf32, #tpu.memory_space<vmem_shared>>
        tpu.wait_indirect_dma semaphore(%run_scoped3A : memref<!tpu.dma_semaphore, #tpu.memory_space<semaphore_mem>>) src(%arg12 : memref<80x128xf32, #tpu.memory_space<vmem>>) dst(%dma_wait3A_419 : memref<10000x128xf32, #tpu.memory_space<vmem_shared>>)
        tpu.yield
      }) : () -> ()
      %add3A_87 = arith.constant 80 : i32
      %add3A_88 = arith.addi %multiple_of3A, %add3A_87 : i32
      %iota3A_89 = tpu.iota {dimensions = array<i32: 0>} : vector<16xi32>
      %add3A_90 = arith.constant 0 : i32
      %add3A_91 = arith.addi %add3A_88, %add3A_90 : i32
      %add3A_92 = vector.broadcast %add3A_91 : i32 to vector<16xi32>
      %add3A_93 = arith.addi %iota3A_89, %add3A_92 : vector<16xi32>
      %swap3A_94 = arith.constant 0 : index
      %swap3A_95 = tpu.vector_load %arg13[%swap3A_94] {strides = array<i32>} : memref<80xi32, #tpu.memory_space<vmem>>, vector<16xi32>,
      %swap3A_96 = vector.shape_cast %swap3A_95 : vector<16xi32> to vector<16xi32>
      %swap3A_97 = vector.shape_cast %add3A_93 : vector<16xi32> to vector<16xi32>
      tpu.vector_store %arg13[%swap3A_94], %swap3A_97 {strides = array<i32>} : memref<80xi32, #tpu.memory_space<vmem>>, vector<16xi32>,
      %iota3A_98 = tpu.iota {dimensions = array<i32: 0>} : vector<16xi32>
      %add3A_99 = arith.constant 16 : i32
      %add3A_100 = arith.addi %add3A_88, %add3A_99 : i32
      %add3A_101 = vector.broadcast %add3A_100 : i32 to vector<16xi32>
      %add3A_102 = arith.addi %iota3A_98, %add3A_101 : vector<16xi32>
      %swap3A_103 = arith.constant 16 : index
      %swap3A_104 = tpu.vector_load %arg13[%swap3A_103] {strides = array<i32>} : memref<80xi32, #tpu.memory_space<vmem>>, vector<16xi32>,
      %swap3A_105 = vector.shape_cast %swap3A_104 : vector<16xi32> to vector<16xi32>
      %swap3A_106 = vector.shape_cast %add3A_102 : vector<16xi32> to vector<16xi32>
      tpu.vector_store %arg13[%swap3A_103], %swap3A_106 {strides = array<i32>} : memref<80xi32, #tpu.memory_space<vmem>>, vector<16xi32>,
      %iota3A_107 = tpu.iota {dimensions = array<i32: 0>} : vector<16xi32>
      %add3A_108 = arith.constant 32 : i32
      %add3A_109 = arith.addi %add3A_88, %add3A_108 : i32
      %add3A_110 = vector.broadcast %add3A_109 : i32 to vector<16xi32>
      %add3A_111 = arith.addi %iota3A_107, %add3A_110 : vector<16xi32>
      %swap3A_112 = arith.constant 32 : index
      %swap3A_113 = tpu.vector_load %arg13[%swap3A_112] {strides = array<i32>} : memref<80xi32, #tpu.memory_space<vmem>>, vector<16xi32>,
      %swap3A_114 = vector.shape_cast %swap3A_113 : vector<16xi32> to vector<16xi32>
      %swap3A_115 = vector.shape_cast %add3A_111 : vector<16xi32> to vector<16xi32>
      tpu.vector_store %arg13[%swap3A_112], %swap3A_115 {strides = array<i32>} : memref<80xi32, #tpu.memory_space<vmem>>, vector<16xi32>,
      %iota3A_116 = tpu.iota {dimensions = array<i32: 0>} : vector<16xi32>
      %add3A_117 = arith.constant 48 : i32
      %add3A_118 = arith.addi %add3A_88, %add3A_117 : i32
      %add3A_119 = vector.broadcast %add3A_118 : i32 to vector<16xi32>
      %add3A_120 = arith.addi %iota3A_116, %add3A_119 : vector<16xi32>
      %swap3A_121 = arith.constant 48 : index
      %swap3A_122 = tpu.vector_load %arg13[%swap3A_121] {strides = array<i32>} : memref<80xi32, #tpu.memory_space<vmem>>, vector<16xi32>,
      %swap3A_123 = vector.shape_cast %swap3A_122 : vector<16xi32> to vector<16xi32>
      %swap3A_124 = vector.shape_cast %add3A_120 : vector<16xi32> to vector<16xi32>
      tpu.vector_store %arg13[%swap3A_121], %swap3A_124 {strides = array<i32>} : memref<80xi32, #tpu.memory_space<vmem>>, vector<16xi32>,
      %iota3A_125 = tpu.iota {dimensions = array<i32: 0>} : vector<16xi32>
      %add3A_126 = arith.constant 64 : i32
      %add3A_127 = arith.addi %add3A_88, %add3A_126 : i32
      %add3A_128 = vector.broadcast %add3A_127 : i32 to vector<16xi32>
      %add3A_129 = arith.addi %iota3A_125, %add3A_128 : vector<16xi32>
      %swap3A_130 = arith.constant 64 : index
      %swap3A_131 = tpu.vector_load %arg13[%swap3A_130] {strides = array<i32>} : memref<80xi32, #tpu.memory_space<vmem>>, vector<16xi32>,
      %swap3A_132 = vector.shape_cast %swap3A_131 : vector<16xi32> to vector<16xi32>
      %swap3A_133 = vector.shape_cast %add3A_129 : vector<16xi32> to vector<16xi32>
      tpu.vector_store %arg13[%swap3A_130], %swap3A_133 {strides = array<i32>} : memref<80xi32, #tpu.memory_space<vmem>>, vector<16xi32>,
      "tpu.region"() ({
        %run_scoped3A = tpu.sem_alloc : memref<!tpu.dma_semaphore, #tpu.memory_space<semaphore_mem>>
        %dma_start3A = arith.constant 0 : i32
        %dma_start3A_416 = arith.constant 0 : i32
        %dma_start3A_417 = tpu.memref_slice %arg14[%dma_start3A, %dma_start3A_416] : memref<10000x128xf32, #tpu.memory_space<vmem_shared>> -> memref<10000x128xf32, #tpu.memory_space<vmem_shared>>
        tpu.enqueue_indirect_dma source(%arg12 : memref<80x128xf32, #tpu.memory_space<vmem>>) target(%dma_start3A_417 : memref<10000x128xf32, #tpu.memory_space<vmem_shared>>) offsets(%arg13 : memref<80xi32, #tpu.memory_space<vmem>>) semaphore(%run_scoped3A : memref<!tpu.dma_semaphore, #tpu.memory_space<semaphore_mem>>)
        %dma_wait3A = arith.constant 0 : i32
        %dma_wait3A_418 = arith.constant 0 : i32
        %dma_wait3A_419 = tpu.memref_slice %arg14[%dma_wait3A, %dma_wait3A_418] : memref<10000x128xf32, #tpu.memory_space<vmem_shared>> -> memref<10000x128xf32, #tpu.memory_space<vmem_shared>>
        tpu.wait_indirect_dma semaphore(%run_scoped3A : memref<!tpu.dma_semaphore, #tpu.memory_space<semaphore_mem>>) src(%arg12 : memref<80x128xf32, #tpu.memory_space<vmem>>) dst(%dma_wait3A_419 : memref<10000x128xf32, #tpu.memory_space<vmem_shared>>)
        tpu.yield
      }) : () -> ()
      %add3A_134 = arith.constant 160 : i32
      %add3A_135 = arith.addi %multiple_of3A, %add3A_134 : i32
      %iota3A_136 = tpu.iota {dimensions = array<i32: 0>} : vector<16xi32>
      %add3A_137 = arith.constant 0 : i32
      %add3A_138 = arith.addi %add3A_135, %add3A_137 : i32
      %add3A_139 = vector.broadcast %add3A_138 : i32 to vector<16xi32>
      %add3A_140 = arith.addi %iota3A_136, %add3A_139 : vector<16xi32>
      %swap3A_141 = arith.constant 0 : index
      %swap3A_142 = tpu.vector_load %arg13[%swap3A_141] {strides = array<i32>} : memref<80xi32, #tpu.memory_space<vmem>>, vector<16xi32>,
      %swap3A_143 = vector.shape_cast %swap3A_142 : vector<16xi32> to vector<16xi32>
      %swap3A_144 = vector.shape_cast %add3A_140 : vector<16xi32> to vector<16xi32>
      tpu.vector_store %arg13[%swap3A_141], %swap3A_144 {strides = array<i32>} : memref<80xi32, #tpu.memory_space<vmem>>, vector<16xi32>,
      %iota3A_145 = tpu.iota {dimensions = array<i32: 0>} : vector<16xi32>
      %add3A_146 = arith.constant 16 : i32
      %add3A_147 = arith.addi %add3A_135, %add3A_146 : i32
      %add3A_148 = vector.broadcast %add3A_147 : i32 to vector<16xi32>
      %add3A_149 = arith.addi %iota3A_145, %add3A_148 : vector<16xi32>
      %swap3A_150 = arith.constant 16 : index
      %swap3A_151 = tpu.vector_load %arg13[%swap3A_150] {strides = array<i32>} : memref<80xi32, #tpu.memory_space<vmem>>, vector<16xi32>,
      %swap3A_152 = vector.shape_cast %swap3A_151 : vector<16xi32> to vector<16xi32>
      %swap3A_153 = vector.shape_cast %add3A_149 : vector<16xi32> to vector<16xi32>
      tpu.vector_store %arg13[%swap3A_150], %swap3A_153 {strides = array<i32>} : memref<80xi32, #tpu.memory_space<vmem>>, vector<16xi32>,
      %iota3A_154 = tpu.iota {dimensions = array<i32: 0>} : vector<16xi32>
      %add3A_155 = arith.constant 32 : i32
      %add3A_156 = arith.addi %add3A_135, %add3A_155 : i32
      %add3A_157 = vector.broadcast %add3A_156 : i32 to vector<16xi32>
      %add3A_158 = arith.addi %iota3A_154, %add3A_157 : vector<16xi32>
      %swap3A_159 = arith.constant 32 : index
      %swap3A_160 = tpu.vector_load %arg13[%swap3A_159] {strides = array<i32>} : memref<80xi32, #tpu.memory_space<vmem>>, vector<16xi32>,
      %swap3A_161 = vector.shape_cast %swap3A_160 : vector<16xi32> to vector<16xi32>
      %swap3A_162 = vector.shape_cast %add3A_158 : vector<16xi32> to vector<16xi32>
      tpu.vector_store %arg13[%swap3A_159], %swap3A_162 {strides = array<i32>} : memref<80xi32, #tpu.memory_space<vmem>>, vector<16xi32>,
      %iota3A_163 = tpu.iota {dimensions = array<i32: 0>} : vector<16xi32>
      %add3A_164 = arith.constant 48 : i32
      %add3A_165 = arith.addi %add3A_135, %add3A_164 : i32
      %add3A_166 = vector.broadcast %add3A_165 : i32 to vector<16xi32>
      %add3A_167 = arith.addi %iota3A_163, %add3A_166 : vector<16xi32>
      %swap3A_168 = arith.constant 48 : index
      %swap3A_169 = tpu.vector_load %arg13[%swap3A_168] {strides = array<i32>} : memref<80xi32, #tpu.memory_space<vmem>>, vector<16xi32>,
      %swap3A_170 = vector.shape_cast %swap3A_169 : vector<16xi32> to vector<16xi32>
      %swap3A_171 = vector.shape_cast %add3A_167 : vector<16xi32> to vector<16xi32>
      tpu.vector_store %arg13[%swap3A_168], %swap3A_171 {strides = array<i32>} : memref<80xi32, #tpu.memory_space<vmem>>, vector<16xi32>,
      %iota3A_172 = tpu.iota {dimensions = array<i32: 0>} : vector<16xi32>
      %add3A_173 = arith.constant 64 : i32
      %add3A_174 = arith.addi %add3A_135, %add3A_173 : i32
      %add3A_175 = vector.broadcast %add3A_174 : i32 to vector<16xi32>
      %add3A_176 = arith.addi %iota3A_172, %add3A_175 : vector<16xi32>
      %swap3A_177 = arith.constant 64 : index
      %swap3A_178 = tpu.vector_load %arg13[%swap3A_177] {strides = array<i32>} : memref<80xi32, #tpu.memory_space<vmem>>, vector<16xi32>,
      %swap3A_179 = vector.shape_cast %swap3A_178 : vector<16xi32> to vector<16xi32>
      %swap3A_180 = vector.shape_cast %add3A_176 : vector<16xi32> to vector<16xi32>
      tpu.vector_store %arg13[%swap3A_177], %swap3A_180 {strides = array<i32>} : memref<80xi32, #tpu.memory_space<vmem>>, vector<16xi32>,
      "tpu.region"() ({
        %run_scoped3A = tpu.sem_alloc : memref<!tpu.dma_semaphore, #tpu.memory_space<semaphore_mem>>
        %dma_start3A = arith.constant 0 : i32
        %dma_start3A_416 = arith.constant 0 : i32
        %dma_start3A_417 = tpu.memref_slice %arg14[%dma_start3A, %dma_start3A_416] : memref<10000x128xf32, #tpu.memory_space<vmem_shared>> -> memref<10000x128xf32, #tpu.memory_space<vmem_shared>>
        tpu.enqueue_indirect_dma source(%arg12 : memref<80x128xf32, #tpu.memory_space<vmem>>) target(%dma_start3A_417 : memref<10000x128xf32, #tpu.memory_space<vmem_shared>>) offsets(%arg13 : memref<80xi32, #tpu.memory_space<vmem>>) semaphore(%run_scoped3A : memref<!tpu.dma_semaphore, #tpu.memory_space<semaphore_mem>>)
        %dma_wait3A = arith.constant 0 : i32
        %dma_wait3A_418 = arith.constant 0 : i32
        %dma_wait3A_419 = tpu.memref_slice %arg14[%dma_wait3A, %dma_wait3A_418] : memref<10000x128xf32, #tpu.memory_space<vmem_shared>> -> memref<10000x128xf32, #tpu.memory_space<vmem_shared>>
        tpu.wait_indirect_dma semaphore(%run_scoped3A : memref<!tpu.dma_semaphore, #tpu.memory_space<semaphore_mem>>) src(%arg12 : memref<80x128xf32, #tpu.memory_space<vmem>>) dst(%dma_wait3A_419 : memref<10000x128xf32, #tpu.memory_space<vmem_shared>>)
        tpu.yield
      }) : () -> ()
      %add3A_181 = arith.constant 240 : i32
      %add3A_182 = arith.addi %multiple_of3A, %add3A_181 : i32
      %iota3A_183 = tpu.iota {dimensions = array<i32: 0>} : vector<16xi32>
      %add3A_184 = arith.constant 0 : i32
      %add3A_185 = arith.addi %add3A_182, %add3A_184 : i32
      %add3A_186 = vector.broadcast %add3A_185 : i32 to vector<16xi32>
      %add3A_187 = arith.addi %iota3A_183, %add3A_186 : vector<16xi32>
      %swap3A_188 = arith.constant 0 : index
      %swap3A_189 = tpu.vector_load %arg13[%swap3A_188] {strides = array<i32>} : memref<80xi32, #tpu.memory_space<vmem>>, vector<16xi32>,
      %swap3A_190 = vector.shape_cast %swap3A_189 : vector<16xi32> to vector<16xi32>
      %swap3A_191 = vector.shape_cast %add3A_187 : vector<16xi32> to vector<16xi32>
      tpu.vector_store %arg13[%swap3A_188], %swap3A_191 {strides = array<i32>} : memref<80xi32, #tpu.memory_space<vmem>>, vector<16xi32>,
      %iota3A_192 = tpu.iota {dimensions = array<i32: 0>} : vector<16xi32>
      %add3A_193 = arith.constant 16 : i32
      %add3A_194 = arith.addi %add3A_182, %add3A_193 : i32
      %add3A_195 = vector.broadcast %add3A_194 : i32 to vector<16xi32>
      %add3A_196 = arith.addi %iota3A_192, %add3A_195 : vector<16xi32>
      %swap3A_197 = arith.constant 16 : index
      %swap3A_198 = tpu.vector_load %arg13[%swap3A_197] {strides = array<i32>} : memref<80xi32, #tpu.memory_space<vmem>>, vector<16xi32>,
      %swap3A_199 = vector.shape_cast %swap3A_198 : vector<16xi32> to vector<16xi32>
      %swap3A_200 = vector.shape_cast %add3A_196 : vector<16xi32> to vector<16xi32>
      tpu.vector_store %arg13[%swap3A_197], %swap3A_200 {strides = array<i32>} : memref<80xi32, #tpu.memory_space<vmem>>, vector<16xi32>,
      %iota3A_201 = tpu.iota {dimensions = array<i32: 0>} : vector<16xi32>
      %add3A_202 = arith.constant 32 : i32
      %add3A_203 = arith.addi %add3A_182, %add3A_202 : i32
      %add3A_204 = vector.broadcast %add3A_203 : i32 to vector<16xi32>
      %add3A_205 = arith.addi %iota3A_201, %add3A_204 : vector<16xi32>
      %swap3A_206 = arith.constant 32 : index
      %swap3A_207 = tpu.vector_load %arg13[%swap3A_206] {strides = array<i32>} : memref<80xi32, #tpu.memory_space<vmem>>, vector<16xi32>,
      %swap3A_208 = vector.shape_cast %swap3A_207 : vector<16xi32> to vector<16xi32>
      %swap3A_209 = vector.shape_cast %add3A_205 : vector<16xi32> to vector<16xi32>
      tpu.vector_store %arg13[%swap3A_206], %swap3A_209 {strides = array<i32>} : memref<80xi32, #tpu.memory_space<vmem>>, vector<16xi32>,
      %iota3A_210 = tpu.iota {dimensions = array<i32: 0>} : vector<16xi32>
      %add3A_211 = arith.constant 48 : i32
      %add3A_212 = arith.addi %add3A_182, %add3A_211 : i32
      %add3A_213 = vector.broadcast %add3A_212 : i32 to vector<16xi32>
      %add3A_214 = arith.addi %iota3A_210, %add3A_213 : vector<16xi32>
      %swap3A_215 = arith.constant 48 : index
      %swap3A_216 = tpu.vector_load %arg13[%swap3A_215] {strides = array<i32>} : memref<80xi32, #tpu.memory_space<vmem>>, vector<16xi32>,
      %swap3A_217 = vector.shape_cast %swap3A_216 : vector<16xi32> to vector<16xi32>
      %swap3A_218 = vector.shape_cast %add3A_214 : vector<16xi32> to vector<16xi32>
      tpu.vector_store %arg13[%swap3A_215], %swap3A_218 {strides = array<i32>} : memref<80xi32, #tpu.memory_space<vmem>>, vector<16xi32>,
      %iota3A_219 = tpu.iota {dimensions = array<i32: 0>} : vector<16xi32>
      %add3A_220 = arith.constant 64 : i32
      %add3A_221 = arith.addi %add3A_182, %add3A_220 : i32
      %add3A_222 = vector.broadcast %add3A_221 : i32 to vector<16xi32>
      %add3A_223 = arith.addi %iota3A_219, %add3A_222 : vector<16xi32>
      %swap3A_224 = arith.constant 64 : index
      %swap3A_225 = tpu.vector_load %arg13[%swap3A_224] {strides = array<i32>} : memref<80xi32, #tpu.memory_space<vmem>>, vector<16xi32>,
      %swap3A_226 = vector.shape_cast %swap3A_225 : vector<16xi32> to vector<16xi32>
      %swap3A_227 = vector.shape_cast %add3A_223 : vector<16xi32> to vector<16xi32>
      tpu.vector_store %arg13[%swap3A_224], %swap3A_227 {strides = array<i32>} : memref<80xi32, #tpu.memory_space<vmem>>, vector<16xi32>,
      "tpu.region"() ({
        %run_scoped3A = tpu.sem_alloc : memref<!tpu.dma_semaphore, #tpu.memory_space<semaphore_mem>>
        %dma_start3A = arith.constant 0 : i32
        %dma_start3A_416 = arith.constant 0 : i32
        %dma_start3A_417 = tpu.memref_slice %arg14[%dma_start3A, %dma_start3A_416] : memref<10000x128xf32, #tpu.memory_space<vmem_shared>> -> memref<10000x128xf32, #tpu.memory_space<vmem_shared>>
        tpu.enqueue_indirect_dma source(%arg12 : memref<80x128xf32, #tpu.memory_space<vmem>>) target(%dma_start3A_417 : memref<10000x128xf32, #tpu.memory_space<vmem_shared>>) offsets(%arg13 : memref<80xi32, #tpu.memory_space<vmem>>) semaphore(%run_scoped3A : memref<!tpu.dma_semaphore, #tpu.memory_space<semaphore_mem>>)
        %dma_wait3A = arith.constant 0 : i32
        %dma_wait3A_418 = arith.constant 0 : i32
        %dma_wait3A_419 = tpu.memref_slice %arg14[%dma_wait3A, %dma_wait3A_418] : memref<10000x128xf32, #tpu.memory_space<vmem_shared>> -> memref<10000x128xf32, #tpu.memory_space<vmem_shared>>
        tpu.wait_indirect_dma semaphore(%run_scoped3A : memref<!tpu.dma_semaphore, #tpu.memory_space<semaphore_mem>>) src(%arg12 : memref<80x128xf32, #tpu.memory_space<vmem>>) dst(%dma_wait3A_419 : memref<10000x128xf32, #tpu.memory_space<vmem_shared>>)
        tpu.yield
      }) : () -> ()
      %add3A_228 = arith.constant 320 : i32
      %add3A_229 = arith.addi %multiple_of3A, %add3A_228 : i32
      %iota3A_230 = tpu.iota {dimensions = array<i32: 0>} : vector<16xi32>
      %add3A_231 = arith.constant 0 : i32
      %add3A_232 = arith.addi %add3A_229, %add3A_231 : i32
      %add3A_233 = vector.broadcast %add3A_232 : i32 to vector<16xi32>
      %add3A_234 = arith.addi %iota3A_230, %add3A_233 : vector<16xi32>
      %swap3A_235 = arith.constant 0 : index
      %swap3A_236 = tpu.vector_load %arg13[%swap3A_235] {strides = array<i32>} : memref<80xi32, #tpu.memory_space<vmem>>, vector<16xi32>,
      %swap3A_237 = vector.shape_cast %swap3A_236 : vector<16xi32> to vector<16xi32>
      %swap3A_238 = vector.shape_cast %add3A_234 : vector<16xi32> to vector<16xi32>
      tpu.vector_store %arg13[%swap3A_235], %swap3A_238 {strides = array<i32>} : memref<80xi32, #tpu.memory_space<vmem>>, vector<16xi32>,
      %iota3A_239 = tpu.iota {dimensions = array<i32: 0>} : vector<16xi32>
      %add3A_240 = arith.constant 16 : i32
      %add3A_241 = arith.addi %add3A_229, %add3A_240 : i32
      %add3A_242 = vector.broadcast %add3A_241 : i32 to vector<16xi32>
      %add3A_243 = arith.addi %iota3A_239, %add3A_242 : vector<16xi32>
      %swap3A_244 = arith.constant 16 : index
      %swap3A_245 = tpu.vector_load %arg13[%swap3A_244] {strides = array<i32>} : memref<80xi32, #tpu.memory_space<vmem>>, vector<16xi32>,
      %swap3A_246 = vector.shape_cast %swap3A_245 : vector<16xi32> to vector<16xi32>
      %swap3A_247 = vector.shape_cast %add3A_243 : vector<16xi32> to vector<16xi32>
      tpu.vector_store %arg13[%swap3A_244], %swap3A_247 {strides = array<i32>} : memref<80xi32, #tpu.memory_space<vmem>>, vector<16xi32>,
      %iota3A_248 = tpu.iota {dimensions = array<i32: 0>} : vector<16xi32>
      %add3A_249 = arith.constant 32 : i32
      %add3A_250 = arith.addi %add3A_229, %add3A_249 : i32
      %add3A_251 = vector.broadcast %add3A_250 : i32 to vector<16xi32>
      %add3A_252 = arith.addi %iota3A_248, %add3A_251 : vector<16xi32>
      %swap3A_253 = arith.constant 32 : index
      %swap3A_254 = tpu.vector_load %arg13[%swap3A_253] {strides = array<i32>} : memref<80xi32, #tpu.memory_space<vmem>>, vector<16xi32>,
      %swap3A_255 = vector.shape_cast %swap3A_254 : vector<16xi32> to vector<16xi32>
      %swap3A_256 = vector.shape_cast %add3A_252 : vector<16xi32> to vector<16xi32>
      tpu.vector_store %arg13[%swap3A_253], %swap3A_256 {strides = array<i32>} : memref<80xi32, #tpu.memory_space<vmem>>, vector<16xi32>,
      %iota3A_257 = tpu.iota {dimensions = array<i32: 0>} : vector<16xi32>
      %add3A_258 = arith.constant 48 : i32
      %add3A_259 = arith.addi %add3A_229, %add3A_258 : i32
      %add3A_260 = vector.broadcast %add3A_259 : i32 to vector<16xi32>
      %add3A_261 = arith.addi %iota3A_257, %add3A_260 : vector<16xi32>
      %swap3A_262 = arith.constant 48 : index
      %swap3A_263 = tpu.vector_load %arg13[%swap3A_262] {strides = array<i32>} : memref<80xi32, #tpu.memory_space<vmem>>, vector<16xi32>,
      %swap3A_264 = vector.shape_cast %swap3A_263 : vector<16xi32> to vector<16xi32>
      %swap3A_265 = vector.shape_cast %add3A_261 : vector<16xi32> to vector<16xi32>
      tpu.vector_store %arg13[%swap3A_262], %swap3A_265 {strides = array<i32>} : memref<80xi32, #tpu.memory_space<vmem>>, vector<16xi32>,
      %iota3A_266 = tpu.iota {dimensions = array<i32: 0>} : vector<16xi32>
      %add3A_267 = arith.constant 64 : i32
      %add3A_268 = arith.addi %add3A_229, %add3A_267 : i32
      %add3A_269 = vector.broadcast %add3A_268 : i32 to vector<16xi32>
      %add3A_270 = arith.addi %iota3A_266, %add3A_269 : vector<16xi32>
      %swap3A_271 = arith.constant 64 : index
      %swap3A_272 = tpu.vector_load %arg13[%swap3A_271] {strides = array<i32>} : memref<80xi32, #tpu.memory_space<vmem>>, vector<16xi32>,
      %swap3A_273 = vector.shape_cast %swap3A_272 : vector<16xi32> to vector<16xi32>
      %swap3A_274 = vector.shape_cast %add3A_270 : vector<16xi32> to vector<16xi32>
      tpu.vector_store %arg13[%swap3A_271], %swap3A_274 {strides = array<i32>} : memref<80xi32, #tpu.memory_space<vmem>>, vector<16xi32>,
      "tpu.region"() ({
        %run_scoped3A = tpu.sem_alloc : memref<!tpu.dma_semaphore, #tpu.memory_space<semaphore_mem>>
        %dma_start3A = arith.constant 0 : i32
        %dma_start3A_416 = arith.constant 0 : i32
        %dma_start3A_417 = tpu.memref_slice %arg14[%dma_start3A, %dma_start3A_416] : memref<10000x128xf32, #tpu.memory_space<vmem_shared>> -> memref<10000x128xf32, #tpu.memory_space<vmem_shared>>
        tpu.enqueue_indirect_dma source(%arg12 : memref<80x128xf32, #tpu.memory_space<vmem>>) target(%dma_start3A_417 : memref<10000x128xf32, #tpu.memory_space<vmem_shared>>) offsets(%arg13 : memref<80xi32, #tpu.memory_space<vmem>>) semaphore(%run_scoped3A : memref<!tpu.dma_semaphore, #tpu.memory_space<semaphore_mem>>)
        %dma_wait3A = arith.constant 0 : i32
        %dma_wait3A_418 = arith.constant 0 : i32
        %dma_wait3A_419 = tpu.memref_slice %arg14[%dma_wait3A, %dma_wait3A_418] : memref<10000x128xf32, #tpu.memory_space<vmem_shared>> -> memref<10000x128xf32, #tpu.memory_space<vmem_shared>>
        tpu.wait_indirect_dma semaphore(%run_scoped3A : memref<!tpu.dma_semaphore, #tpu.memory_space<semaphore_mem>>) src(%arg12 : memref<80x128xf32, #tpu.memory_space<vmem>>) dst(%dma_wait3A_419 : memref<10000x128xf32, #tpu.memory_space<vmem_shared>>)
        tpu.yield
      }) : () -> ()
      %add3A_275 = arith.constant 400 : i32
      %add3A_276 = arith.addi %multiple_of3A, %add3A_275 : i32
      %iota3A_277 = tpu.iota {dimensions = array<i32: 0>} : vector<16xi32>
      %add3A_278 = arith.constant 0 : i32
      %add3A_279 = arith.addi %add3A_276, %add3A_278 : i32
      %add3A_280 = vector.broadcast %add3A_279 : i32 to vector<16xi32>
      %add3A_281 = arith.addi %iota3A_277, %add3A_280 : vector<16xi32>
      %swap3A_282 = arith.constant 0 : index
      %swap3A_283 = tpu.vector_load %arg13[%swap3A_282] {strides = array<i32>} : memref<80xi32, #tpu.memory_space<vmem>>, vector<16xi32>,
      %swap3A_284 = vector.shape_cast %swap3A_283 : vector<16xi32> to vector<16xi32>
      %swap3A_285 = vector.shape_cast %add3A_281 : vector<16xi32> to vector<16xi32>
      tpu.vector_store %arg13[%swap3A_282], %swap3A_285 {strides = array<i32>} : memref<80xi32, #tpu.memory_space<vmem>>, vector<16xi32>,
      %iota3A_286 = tpu.iota {dimensions = array<i32: 0>} : vector<16xi32>
      %add3A_287 = arith.constant 16 : i32
      %add3A_288 = arith.addi %add3A_276, %add3A_287 : i32
      %add3A_289 = vector.broadcast %add3A_288 : i32 to vector<16xi32>
      %add3A_290 = arith.addi %iota3A_286, %add3A_289 : vector<16xi32>
      %swap3A_291 = arith.constant 16 : index
      %swap3A_292 = tpu.vector_load %arg13[%swap3A_291] {strides = array<i32>} : memref<80xi32, #tpu.memory_space<vmem>>, vector<16xi32>,
      %swap3A_293 = vector.shape_cast %swap3A_292 : vector<16xi32> to vector<16xi32>
      %swap3A_294 = vector.shape_cast %add3A_290 : vector<16xi32> to vector<16xi32>
      tpu.vector_store %arg13[%swap3A_291], %swap3A_294 {strides = array<i32>} : memref<80xi32, #tpu.memory_space<vmem>>, vector<16xi32>,
      %iota3A_295 = tpu.iota {dimensions = array<i32: 0>} : vector<16xi32>
      %add3A_296 = arith.constant 32 : i32
      %add3A_297 = arith.addi %add3A_276, %add3A_296 : i32
      %add3A_298 = vector.broadcast %add3A_297 : i32 to vector<16xi32>
      %add3A_299 = arith.addi %iota3A_295, %add3A_298 : vector<16xi32>
      %swap3A_300 = arith.constant 32 : index
      %swap3A_301 = tpu.vector_load %arg13[%swap3A_300] {strides = array<i32>} : memref<80xi32, #tpu.memory_space<vmem>>, vector<16xi32>,
      %swap3A_302 = vector.shape_cast %swap3A_301 : vector<16xi32> to vector<16xi32>
      %swap3A_303 = vector.shape_cast %add3A_299 : vector<16xi32> to vector<16xi32>
      tpu.vector_store %arg13[%swap3A_300], %swap3A_303 {strides = array<i32>} : memref<80xi32, #tpu.memory_space<vmem>>, vector<16xi32>,
      %iota3A_304 = tpu.iota {dimensions = array<i32: 0>} : vector<16xi32>
      %add3A_305 = arith.constant 48 : i32
      %add3A_306 = arith.addi %add3A_276, %add3A_305 : i32
      %add3A_307 = vector.broadcast %add3A_306 : i32 to vector<16xi32>
      %add3A_308 = arith.addi %iota3A_304, %add3A_307 : vector<16xi32>
      %swap3A_309 = arith.constant 48 : index
      %swap3A_310 = tpu.vector_load %arg13[%swap3A_309] {strides = array<i32>} : memref<80xi32, #tpu.memory_space<vmem>>, vector<16xi32>,
      %swap3A_311 = vector.shape_cast %swap3A_310 : vector<16xi32> to vector<16xi32>
      %swap3A_312 = vector.shape_cast %add3A_308 : vector<16xi32> to vector<16xi32>
      tpu.vector_store %arg13[%swap3A_309], %swap3A_312 {strides = array<i32>} : memref<80xi32, #tpu.memory_space<vmem>>, vector<16xi32>,
      %iota3A_313 = tpu.iota {dimensions = array<i32: 0>} : vector<16xi32>
      %add3A_314 = arith.constant 64 : i32
      %add3A_315 = arith.addi %add3A_276, %add3A_314 : i32
      %add3A_316 = vector.broadcast %add3A_315 : i32 to vector<16xi32>
      %add3A_317 = arith.addi %iota3A_313, %add3A_316 : vector<16xi32>
      %swap3A_318 = arith.constant 64 : index
      %swap3A_319 = tpu.vector_load %arg13[%swap3A_318] {strides = array<i32>} : memref<80xi32, #tpu.memory_space<vmem>>, vector<16xi32>,
      %swap3A_320 = vector.shape_cast %swap3A_319 : vector<16xi32> to vector<16xi32>
      %swap3A_321 = vector.shape_cast %add3A_317 : vector<16xi32> to vector<16xi32>
      tpu.vector_store %arg13[%swap3A_318], %swap3A_321 {strides = array<i32>} : memref<80xi32, #tpu.memory_space<vmem>>, vector<16xi32>,
      "tpu.region"() ({
        %run_scoped3A = tpu.sem_alloc : memref<!tpu.dma_semaphore, #tpu.memory_space<semaphore_mem>>
        %dma_start3A = arith.constant 0 : i32
        %dma_start3A_416 = arith.constant 0 : i32
        %dma_start3A_417 = tpu.memref_slice %arg14[%dma_start3A, %dma_start3A_416] : memref<10000x128xf32, #tpu.memory_space<vmem_shared>> -> memref<10000x128xf32, #tpu.memory_space<vmem_shared>>
        tpu.enqueue_indirect_dma source(%arg12 : memref<80x128xf32, #tpu.memory_space<vmem>>) target(%dma_start3A_417 : memref<10000x128xf32, #tpu.memory_space<vmem_shared>>) offsets(%arg13 : memref<80xi32, #tpu.memory_space<vmem>>) semaphore(%run_scoped3A : memref<!tpu.dma_semaphore, #tpu.memory_space<semaphore_mem>>)
        %dma_wait3A = arith.constant 0 : i32
        %dma_wait3A_418 = arith.constant 0 : i32
        %dma_wait3A_419 = tpu.memref_slice %arg14[%dma_wait3A, %dma_wait3A_418] : memref<10000x128xf32, #tpu.memory_space<vmem_shared>> -> memref<10000x128xf32, #tpu.memory_space<vmem_shared>>
        tpu.wait_indirect_dma semaphore(%run_scoped3A : memref<!tpu.dma_semaphore, #tpu.memory_space<semaphore_mem>>) src(%arg12 : memref<80x128xf32, #tpu.memory_space<vmem>>) dst(%dma_wait3A_419 : memref<10000x128xf32, #tpu.memory_space<vmem_shared>>)
        tpu.yield
      }) : () -> ()
      %add3A_322 = arith.constant 480 : i32
      %add3A_323 = arith.addi %multiple_of3A, %add3A_322 : i32
      %iota3A_324 = tpu.iota {dimensions = array<i32: 0>} : vector<16xi32>
      %add3A_325 = arith.constant 0 : i32
      %add3A_326 = arith.addi %add3A_323, %add3A_325 : i32
      %add3A_327 = vector.broadcast %add3A_326 : i32 to vector<16xi32>
      %add3A_328 = arith.addi %iota3A_324, %add3A_327 : vector<16xi32>
      %swap3A_329 = arith.constant 0 : index
      %swap3A_330 = tpu.vector_load %arg13[%swap3A_329] {strides = array<i32>} : memref<80xi32, #tpu.memory_space<vmem>>, vector<16xi32>,
      %swap3A_331 = vector.shape_cast %swap3A_330 : vector<16xi32> to vector<16xi32>
      %swap3A_332 = vector.shape_cast %add3A_328 : vector<16xi32> to vector<16xi32>
      tpu.vector_store %arg13[%swap3A_329], %swap3A_332 {strides = array<i32>} : memref<80xi32, #tpu.memory_space<vmem>>, vector<16xi32>,
      %iota3A_333 = tpu.iota {dimensions = array<i32: 0>} : vector<16xi32>
      %add3A_334 = arith.constant 16 : i32
      %add3A_335 = arith.addi %add3A_323, %add3A_334 : i32
      %add3A_336 = vector.broadcast %add3A_335 : i32 to vector<16xi32>
      %add3A_337 = arith.addi %iota3A_333, %add3A_336 : vector<16xi32>
      %swap3A_338 = arith.constant 16 : index
      %swap3A_339 = tpu.vector_load %arg13[%swap3A_338] {strides = array<i32>} : memref<80xi32, #tpu.memory_space<vmem>>, vector<16xi32>,
      %swap3A_340 = vector.shape_cast %swap3A_339 : vector<16xi32> to vector<16xi32>
      %swap3A_341 = vector.shape_cast %add3A_337 : vector<16xi32> to vector<16xi32>
      tpu.vector_store %arg13[%swap3A_338], %swap3A_341 {strides = array<i32>} : memref<80xi32, #tpu.memory_space<vmem>>, vector<16xi32>,
      %iota3A_342 = tpu.iota {dimensions = array<i32: 0>} : vector<16xi32>
      %add3A_343 = arith.constant 32 : i32
      %add3A_344 = arith.addi %add3A_323, %add3A_343 : i32
      %add3A_345 = vector.broadcast %add3A_344 : i32 to vector<16xi32>
      %add3A_346 = arith.addi %iota3A_342, %add3A_345 : vector<16xi32>
      %swap3A_347 = arith.constant 32 : index
      %swap3A_348 = tpu.vector_load %arg13[%swap3A_347] {strides = array<i32>} : memref<80xi32, #tpu.memory_space<vmem>>, vector<16xi32>,
      %swap3A_349 = vector.shape_cast %swap3A_348 : vector<16xi32> to vector<16xi32>
      %swap3A_350 = vector.shape_cast %add3A_346 : vector<16xi32> to vector<16xi32>
      tpu.vector_store %arg13[%swap3A_347], %swap3A_350 {strides = array<i32>} : memref<80xi32, #tpu.memory_space<vmem>>, vector<16xi32>,
      %iota3A_351 = tpu.iota {dimensions = array<i32: 0>} : vector<16xi32>
      %add3A_352 = arith.constant 48 : i32
      %add3A_353 = arith.addi %add3A_323, %add3A_352 : i32
      %add3A_354 = vector.broadcast %add3A_353 : i32 to vector<16xi32>
      %add3A_355 = arith.addi %iota3A_351, %add3A_354 : vector<16xi32>
      %swap3A_356 = arith.constant 48 : index
      %swap3A_357 = tpu.vector_load %arg13[%swap3A_356] {strides = array<i32>} : memref<80xi32, #tpu.memory_space<vmem>>, vector<16xi32>,
      %swap3A_358 = vector.shape_cast %swap3A_357 : vector<16xi32> to vector<16xi32>
      %swap3A_359 = vector.shape_cast %add3A_355 : vector<16xi32> to vector<16xi32>
      tpu.vector_store %arg13[%swap3A_356], %swap3A_359 {strides = array<i32>} : memref<80xi32, #tpu.memory_space<vmem>>, vector<16xi32>,
      %iota3A_360 = tpu.iota {dimensions = array<i32: 0>} : vector<16xi32>
      %add3A_361 = arith.constant 64 : i32
      %add3A_362 = arith.addi %add3A_323, %add3A_361 : i32
      %add3A_363 = vector.broadcast %add3A_362 : i32 to vector<16xi32>
      %add3A_364 = arith.addi %iota3A_360, %add3A_363 : vector<16xi32>
      %swap3A_365 = arith.constant 64 : index
      %swap3A_366 = tpu.vector_load %arg13[%swap3A_365] {strides = array<i32>} : memref<80xi32, #tpu.memory_space<vmem>>, vector<16xi32>,
      %swap3A_367 = vector.shape_cast %swap3A_366 : vector<16xi32> to vector<16xi32>
      %swap3A_368 = vector.shape_cast %add3A_364 : vector<16xi32> to vector<16xi32>
      tpu.vector_store %arg13[%swap3A_365], %swap3A_368 {strides = array<i32>} : memref<80xi32, #tpu.memory_space<vmem>>, vector<16xi32>,
      "tpu.region"() ({
        %run_scoped3A = tpu.sem_alloc : memref<!tpu.dma_semaphore, #tpu.memory_space<semaphore_mem>>
        %dma_start3A = arith.constant 0 : i32
        %dma_start3A_416 = arith.constant 0 : i32
        %dma_start3A_417 = tpu.memref_slice %arg14[%dma_start3A, %dma_start3A_416] : memref<10000x128xf32, #tpu.memory_space<vmem_shared>> -> memref<10000x128xf32, #tpu.memory_space<vmem_shared>>
        tpu.enqueue_indirect_dma source(%arg12 : memref<80x128xf32, #tpu.memory_space<vmem>>) target(%dma_start3A_417 : memref<10000x128xf32, #tpu.memory_space<vmem_shared>>) offsets(%arg13 : memref<80xi32, #tpu.memory_space<vmem>>) semaphore(%run_scoped3A : memref<!tpu.dma_semaphore, #tpu.memory_space<semaphore_mem>>)
        %dma_wait3A = arith.constant 0 : i32
        %dma_wait3A_418 = arith.constant 0 : i32
        %dma_wait3A_419 = tpu.memref_slice %arg14[%dma_wait3A, %dma_wait3A_418] : memref<10000x128xf32, #tpu.memory_space<vmem_shared>> -> memref<10000x128xf32, #tpu.memory_space<vmem_shared>>
        tpu.wait_indirect_dma semaphore(%run_scoped3A : memref<!tpu.dma_semaphore, #tpu.memory_space<semaphore_mem>>) src(%arg12 : memref<80x128xf32, #tpu.memory_space<vmem>>) dst(%dma_wait3A_419 : memref<10000x128xf32, #tpu.memory_space<vmem_shared>>)
        tpu.yield
      }) : () -> ()
      %add3A_369 = arith.constant 560 : i32
      %add3A_370 = arith.addi %multiple_of3A, %add3A_369 : i32
      %iota3A_371 = tpu.iota {dimensions = array<i32: 0>} : vector<16xi32>
      %add3A_372 = arith.constant 0 : i32
      %add3A_373 = arith.addi %add3A_370, %add3A_372 : i32
      %add3A_374 = vector.broadcast %add3A_373 : i32 to vector<16xi32>
      %add3A_375 = arith.addi %iota3A_371, %add3A_374 : vector<16xi32>
      %swap3A_376 = arith.constant 0 : index
      %swap3A_377 = tpu.vector_load %arg13[%swap3A_376] {strides = array<i32>} : memref<80xi32, #tpu.memory_space<vmem>>, vector<16xi32>,
      %swap3A_378 = vector.shape_cast %swap3A_377 : vector<16xi32> to vector<16xi32>
      %swap3A_379 = vector.shape_cast %add3A_375 : vector<16xi32> to vector<16xi32>
      tpu.vector_store %arg13[%swap3A_376], %swap3A_379 {strides = array<i32>} : memref<80xi32, #tpu.memory_space<vmem>>, vector<16xi32>,
      %iota3A_380 = tpu.iota {dimensions = array<i32: 0>} : vector<16xi32>
      %add3A_381 = arith.constant 16 : i32
      %add3A_382 = arith.addi %add3A_370, %add3A_381 : i32
      %add3A_383 = vector.broadcast %add3A_382 : i32 to vector<16xi32>
      %add3A_384 = arith.addi %iota3A_380, %add3A_383 : vector<16xi32>
      %swap3A_385 = arith.constant 16 : index
      %swap3A_386 = tpu.vector_load %arg13[%swap3A_385] {strides = array<i32>} : memref<80xi32, #tpu.memory_space<vmem>>, vector<16xi32>,
      %swap3A_387 = vector.shape_cast %swap3A_386 : vector<16xi32> to vector<16xi32>
      %swap3A_388 = vector.shape_cast %add3A_384 : vector<16xi32> to vector<16xi32>
      tpu.vector_store %arg13[%swap3A_385], %swap3A_388 {strides = array<i32>} : memref<80xi32, #tpu.memory_space<vmem>>, vector<16xi32>,
      %iota3A_389 = tpu.iota {dimensions = array<i32: 0>} : vector<16xi32>
      %add3A_390 = arith.constant 32 : i32
      %add3A_391 = arith.addi %add3A_370, %add3A_390 : i32
      %add3A_392 = vector.broadcast %add3A_391 : i32 to vector<16xi32>
      %add3A_393 = arith.addi %iota3A_389, %add3A_392 : vector<16xi32>
      %swap3A_394 = arith.constant 32 : index
      %swap3A_395 = tpu.vector_load %arg13[%swap3A_394] {strides = array<i32>} : memref<80xi32, #tpu.memory_space<vmem>>, vector<16xi32>,
      %swap3A_396 = vector.shape_cast %swap3A_395 : vector<16xi32> to vector<16xi32>
      %swap3A_397 = vector.shape_cast %add3A_393 : vector<16xi32> to vector<16xi32>
      tpu.vector_store %arg13[%swap3A_394], %swap3A_397 {strides = array<i32>} : memref<80xi32, #tpu.memory_space<vmem>>, vector<16xi32>,
      %iota3A_398 = tpu.iota {dimensions = array<i32: 0>} : vector<16xi32>
      %add3A_399 = arith.constant 48 : i32
      %add3A_400 = arith.addi %add3A_370, %add3A_399 : i32
      %add3A_401 = vector.broadcast %add3A_400 : i32 to vector<16xi32>
      %add3A_402 = arith.addi %iota3A_398, %add3A_401 : vector<16xi32>
      %swap3A_403 = arith.constant 48 : index
      %swap3A_404 = tpu.vector_load %arg13[%swap3A_403] {strides = array<i32>} : memref<80xi32, #tpu.memory_space<vmem>>, vector<16xi32>,
      %swap3A_405 = vector.shape_cast %swap3A_404 : vector<16xi32> to vector<16xi32>
      %swap3A_406 = vector.shape_cast %add3A_402 : vector<16xi32> to vector<16xi32>
      tpu.vector_store %arg13[%swap3A_403], %swap3A_406 {strides = array<i32>} : memref<80xi32, #tpu.memory_space<vmem>>, vector<16xi32>,
      %iota3A_407 = tpu.iota {dimensions = array<i32: 0>} : vector<16xi32>
      %add3A_408 = arith.constant 64 : i32
      %add3A_409 = arith.addi %add3A_370, %add3A_408 : i32
      %add3A_410 = vector.broadcast %add3A_409 : i32 to vector<16xi32>
      %add3A_411 = arith.addi %iota3A_407, %add3A_410 : vector<16xi32>
      %swap3A_412 = arith.constant 64 : index
      %swap3A_413 = tpu.vector_load %arg13[%swap3A_412] {strides = array<i32>} : memref<80xi32, #tpu.memory_space<vmem>>, vector<16xi32>,
      %swap3A_414 = vector.shape_cast %swap3A_413 : vector<16xi32> to vector<16xi32>
      %swap3A_415 = vector.shape_cast %add3A_411 : vector<16xi32> to vector<16xi32>
      tpu.vector_store %arg13[%swap3A_412], %swap3A_415 {strides = array<i32>} : memref<80xi32, #tpu.memory_space<vmem>>, vector<16xi32>,
      "tpu.region"() ({
        %run_scoped3A = tpu.sem_alloc : memref<!tpu.dma_semaphore, #tpu.memory_space<semaphore_mem>>
        %dma_start3A = arith.constant 0 : i32
        %dma_start3A_416 = arith.constant 0 : i32
        %dma_start3A_417 = tpu.memref_slice %arg14[%dma_start3A, %dma_start3A_416] : memref<10000x128xf32, #tpu.memory_space<vmem_shared>> -> memref<10000x128xf32, #tpu.memory_space<vmem_shared>>
        tpu.enqueue_indirect_dma source(%arg12 : memref<80x128xf32, #tpu.memory_space<vmem>>) target(%dma_start3A_417 : memref<10000x128xf32, #tpu.memory_space<vmem_shared>>) offsets(%arg13 : memref<80xi32, #tpu.memory_space<vmem>>) semaphore(%run_scoped3A : memref<!tpu.dma_semaphore, #tpu.memory_space<semaphore_mem>>)
        %dma_wait3A = arith.constant 0 : i32
        %dma_wait3A_418 = arith.constant 0 : i32
        %dma_wait3A_419 = tpu.memref_slice %arg14[%dma_wait3A, %dma_wait3A_418] : memref<10000x128xf32, #tpu.memory_space<vmem_shared>> -> memref<10000x128xf32, #tpu.memory_space<vmem_shared>>
        tpu.wait_indirect_dma semaphore(%run_scoped3A : memref<!tpu.dma_semaphore, #tpu.memory_space<semaphore_mem>>) src(%arg12 : memref<80x128xf32, #tpu.memory_space<vmem>>) dst(%dma_wait3A_419 : memref<10000x128xf32, #tpu.memory_space<vmem_shared>>)
        tpu.yield
      }) : () -> ()
    } else {
    }
    %eq3A = arith.constant 15 : i32
    %eq3A_9 = arith.cmpi eq, %arg1, %eq3A : i32
    %convert_element_type3A_10 = arith.extui %eq3A_9 : i1 to i32
    %cond3A_11 = arith.constant 0 : i32
    %cond3A_12 = arith.cmpi ne, %convert_element_type3A_10, %cond3A_11 : i32
    scf.if %cond3A_12 {
      %iota3A = tpu.iota {dimensions = array<i32: 0>} : vector<16xi32>
      %add3A_40 = arith.constant 9600 : i32
      %add3A_41 = vector.broadcast %add3A_40 : i32 to vector<16xi32>
      %add3A_42 = arith.addi %iota3A, %add3A_41 : vector<16xi32>
      %swap3A = arith.constant 0 : index
      %swap3A_43 = tpu.vector_load %arg13[%swap3A] {strides = array<i32>} : memref<80xi32, #tpu.memory_space<vmem>>, vector<16xi32>,
      %swap3A_44 = vector.shape_cast %swap3A_43 : vector<16xi32> to vector<16xi32>
      %swap3A_45 = vector.shape_cast %add3A_42 : vector<16xi32> to vector<16xi32>
      tpu.vector_store %arg13[%swap3A], %swap3A_45 {strides = array<i32>} : memref<80xi32, #tpu.memory_space<vmem>>, vector<16xi32>,
      %iota3A_46 = tpu.iota {dimensions = array<i32: 0>} : vector<16xi32>
      %add3A_47 = arith.constant 9616 : i32
      %add3A_48 = vector.broadcast %add3A_47 : i32 to vector<16xi32>
      %add3A_49 = arith.addi %iota3A_46, %add3A_48 : vector<16xi32>
      %swap3A_50 = arith.constant 16 : index
      %swap3A_51 = tpu.vector_load %arg13[%swap3A_50] {strides = array<i32>} : memref<80xi32, #tpu.memory_space<vmem>>, vector<16xi32>,
      %swap3A_52 = vector.shape_cast %swap3A_51 : vector<16xi32> to vector<16xi32>
      %swap3A_53 = vector.shape_cast %add3A_49 : vector<16xi32> to vector<16xi32>
      tpu.vector_store %arg13[%swap3A_50], %swap3A_53 {strides = array<i32>} : memref<80xi32, #tpu.memory_space<vmem>>, vector<16xi32>,
      %iota3A_54 = tpu.iota {dimensions = array<i32: 0>} : vector<16xi32>
      %add3A_55 = arith.constant 9632 : i32
      %add3A_56 = vector.broadcast %add3A_55 : i32 to vector<16xi32>
      %add3A_57 = arith.addi %iota3A_54, %add3A_56 : vector<16xi32>
      %swap3A_58 = arith.constant 32 : index
      %swap3A_59 = tpu.vector_load %arg13[%swap3A_58] {strides = array<i32>} : memref<80xi32, #tpu.memory_space<vmem>>, vector<16xi32>,
      %swap3A_60 = vector.shape_cast %swap3A_59 : vector<16xi32> to vector<16xi32>
      %swap3A_61 = vector.shape_cast %add3A_57 : vector<16xi32> to vector<16xi32>
      tpu.vector_store %arg13[%swap3A_58], %swap3A_61 {strides = array<i32>} : memref<80xi32, #tpu.memory_space<vmem>>, vector<16xi32>,
      %iota3A_62 = tpu.iota {dimensions = array<i32: 0>} : vector<16xi32>
      %add3A_63 = arith.constant 9648 : i32
      %add3A_64 = vector.broadcast %add3A_63 : i32 to vector<16xi32>
      %add3A_65 = arith.addi %iota3A_62, %add3A_64 : vector<16xi32>
      %swap3A_66 = arith.constant 48 : index
      %swap3A_67 = tpu.vector_load %arg13[%swap3A_66] {strides = array<i32>} : memref<80xi32, #tpu.memory_space<vmem>>, vector<16xi32>,
      %swap3A_68 = vector.shape_cast %swap3A_67 : vector<16xi32> to vector<16xi32>
      %swap3A_69 = vector.shape_cast %add3A_65 : vector<16xi32> to vector<16xi32>
      tpu.vector_store %arg13[%swap3A_66], %swap3A_69 {strides = array<i32>} : memref<80xi32, #tpu.memory_space<vmem>>, vector<16xi32>,
      %iota3A_70 = tpu.iota {dimensions = array<i32: 0>} : vector<16xi32>
      %add3A_71 = arith.constant 9664 : i32
      %add3A_72 = vector.broadcast %add3A_71 : i32 to vector<16xi32>
      %add3A_73 = arith.addi %iota3A_70, %add3A_72 : vector<16xi32>
      %swap3A_74 = arith.constant 64 : index
      %swap3A_75 = tpu.vector_load %arg13[%swap3A_74] {strides = array<i32>} : memref<80xi32, #tpu.memory_space<vmem>>, vector<16xi32>,
      %swap3A_76 = vector.shape_cast %swap3A_75 : vector<16xi32> to vector<16xi32>
      %swap3A_77 = vector.shape_cast %add3A_73 : vector<16xi32> to vector<16xi32>
      tpu.vector_store %arg13[%swap3A_74], %swap3A_77 {strides = array<i32>} : memref<80xi32, #tpu.memory_space<vmem>>, vector<16xi32>,
      "tpu.region"() ({
        %run_scoped3A = tpu.sem_alloc : memref<!tpu.dma_semaphore, #tpu.memory_space<semaphore_mem>>
        %dma_start3A = arith.constant 0 : i32
        %dma_start3A_238 = arith.constant 0 : i32
        %dma_start3A_239 = tpu.memref_slice %arg14[%dma_start3A, %dma_start3A_238] : memref<10000x128xf32, #tpu.memory_space<vmem_shared>> -> memref<10000x128xf32, #tpu.memory_space<vmem_shared>>
        tpu.enqueue_indirect_dma source(%arg12 : memref<80x128xf32, #tpu.memory_space<vmem>>) target(%dma_start3A_239 : memref<10000x128xf32, #tpu.memory_space<vmem_shared>>) offsets(%arg13 : memref<80xi32, #tpu.memory_space<vmem>>) semaphore(%run_scoped3A : memref<!tpu.dma_semaphore, #tpu.memory_space<semaphore_mem>>)
        %dma_wait3A = arith.constant 0 : i32
        %dma_wait3A_240 = arith.constant 0 : i32
        %dma_wait3A_241 = tpu.memref_slice %arg14[%dma_wait3A, %dma_wait3A_240] : memref<10000x128xf32, #tpu.memory_space<vmem_shared>> -> memref<10000x128xf32, #tpu.memory_space<vmem_shared>>
        tpu.wait_indirect_dma semaphore(%run_scoped3A : memref<!tpu.dma_semaphore, #tpu.memory_space<semaphore_mem>>) src(%arg12 : memref<80x128xf32, #tpu.memory_space<vmem>>) dst(%dma_wait3A_241 : memref<10000x128xf32, #tpu.memory_space<vmem_shared>>)
        tpu.yield
      }) : () -> ()
      %iota3A_78 = tpu.iota {dimensions = array<i32: 0>} : vector<16xi32>
      %add3A_79 = arith.constant 9680 : i32
      %add3A_80 = vector.broadcast %add3A_79 : i32 to vector<16xi32>
      %add3A_81 = arith.addi %iota3A_78, %add3A_80 : vector<16xi32>
      %swap3A_82 = arith.constant 0 : index
      %swap3A_83 = tpu.vector_load %arg13[%swap3A_82] {strides = array<i32>} : memref<80xi32, #tpu.memory_space<vmem>>, vector<16xi32>,
      %swap3A_84 = vector.shape_cast %swap3A_83 : vector<16xi32> to vector<16xi32>
      %swap3A_85 = vector.shape_cast %add3A_81 : vector<16xi32> to vector<16xi32>
      tpu.vector_store %arg13[%swap3A_82], %swap3A_85 {strides = array<i32>} : memref<80xi32, #tpu.memory_space<vmem>>, vector<16xi32>,
      %iota3A_86 = tpu.iota {dimensions = array<i32: 0>} : vector<16xi32>
      %add3A_87 = arith.constant 9696 : i32
      %add3A_88 = vector.broadcast %add3A_87 : i32 to vector<16xi32>
      %add3A_89 = arith.addi %iota3A_86, %add3A_88 : vector<16xi32>
      %swap3A_90 = arith.constant 16 : index
      %swap3A_91 = tpu.vector_load %arg13[%swap3A_90] {strides = array<i32>} : memref<80xi32, #tpu.memory_space<vmem>>, vector<16xi32>,
      %swap3A_92 = vector.shape_cast %swap3A_91 : vector<16xi32> to vector<16xi32>
      %swap3A_93 = vector.shape_cast %add3A_89 : vector<16xi32> to vector<16xi32>
      tpu.vector_store %arg13[%swap3A_90], %swap3A_93 {strides = array<i32>} : memref<80xi32, #tpu.memory_space<vmem>>, vector<16xi32>,
      %iota3A_94 = tpu.iota {dimensions = array<i32: 0>} : vector<16xi32>
      %add3A_95 = arith.constant 9712 : i32
      %add3A_96 = vector.broadcast %add3A_95 : i32 to vector<16xi32>
      %add3A_97 = arith.addi %iota3A_94, %add3A_96 : vector<16xi32>
      %swap3A_98 = arith.constant 32 : index
      %swap3A_99 = tpu.vector_load %arg13[%swap3A_98] {strides = array<i32>} : memref<80xi32, #tpu.memory_space<vmem>>, vector<16xi32>,
      %swap3A_100 = vector.shape_cast %swap3A_99 : vector<16xi32> to vector<16xi32>
      %swap3A_101 = vector.shape_cast %add3A_97 : vector<16xi32> to vector<16xi32>
      tpu.vector_store %arg13[%swap3A_98], %swap3A_101 {strides = array<i32>} : memref<80xi32, #tpu.memory_space<vmem>>, vector<16xi32>,
      %iota3A_102 = tpu.iota {dimensions = array<i32: 0>} : vector<16xi32>
      %add3A_103 = arith.constant 9728 : i32
      %add3A_104 = vector.broadcast %add3A_103 : i32 to vector<16xi32>
      %add3A_105 = arith.addi %iota3A_102, %add3A_104 : vector<16xi32>
      %swap3A_106 = arith.constant 48 : index
      %swap3A_107 = tpu.vector_load %arg13[%swap3A_106] {strides = array<i32>} : memref<80xi32, #tpu.memory_space<vmem>>, vector<16xi32>,
      %swap3A_108 = vector.shape_cast %swap3A_107 : vector<16xi32> to vector<16xi32>
      %swap3A_109 = vector.shape_cast %add3A_105 : vector<16xi32> to vector<16xi32>
      tpu.vector_store %arg13[%swap3A_106], %swap3A_109 {strides = array<i32>} : memref<80xi32, #tpu.memory_space<vmem>>, vector<16xi32>,
      %iota3A_110 = tpu.iota {dimensions = array<i32: 0>} : vector<16xi32>
      %add3A_111 = arith.constant 9744 : i32
      %add3A_112 = vector.broadcast %add3A_111 : i32 to vector<16xi32>
      %add3A_113 = arith.addi %iota3A_110, %add3A_112 : vector<16xi32>
      %swap3A_114 = arith.constant 64 : index
      %swap3A_115 = tpu.vector_load %arg13[%swap3A_114] {strides = array<i32>} : memref<80xi32, #tpu.memory_space<vmem>>, vector<16xi32>,
      %swap3A_116 = vector.shape_cast %swap3A_115 : vector<16xi32> to vector<16xi32>
      %swap3A_117 = vector.shape_cast %add3A_113 : vector<16xi32> to vector<16xi32>
      tpu.vector_store %arg13[%swap3A_114], %swap3A_117 {strides = array<i32>} : memref<80xi32, #tpu.memory_space<vmem>>, vector<16xi32>,
      "tpu.region"() ({
        %run_scoped3A = tpu.sem_alloc : memref<!tpu.dma_semaphore, #tpu.memory_space<semaphore_mem>>
        %dma_start3A = arith.constant 0 : i32
        %dma_start3A_238 = arith.constant 0 : i32
        %dma_start3A_239 = tpu.memref_slice %arg14[%dma_start3A, %dma_start3A_238] : memref<10000x128xf32, #tpu.memory_space<vmem_shared>> -> memref<10000x128xf32, #tpu.memory_space<vmem_shared>>
        tpu.enqueue_indirect_dma source(%arg12 : memref<80x128xf32, #tpu.memory_space<vmem>>) target(%dma_start3A_239 : memref<10000x128xf32, #tpu.memory_space<vmem_shared>>) offsets(%arg13 : memref<80xi32, #tpu.memory_space<vmem>>) semaphore(%run_scoped3A : memref<!tpu.dma_semaphore, #tpu.memory_space<semaphore_mem>>)
        %dma_wait3A = arith.constant 0 : i32
        %dma_wait3A_240 = arith.constant 0 : i32
        %dma_wait3A_241 = tpu.memref_slice %arg14[%dma_wait3A, %dma_wait3A_240] : memref<10000x128xf32, #tpu.memory_space<vmem_shared>> -> memref<10000x128xf32, #tpu.memory_space<vmem_shared>>
        tpu.wait_indirect_dma semaphore(%run_scoped3A : memref<!tpu.dma_semaphore, #tpu.memory_space<semaphore_mem>>) src(%arg12 : memref<80x128xf32, #tpu.memory_space<vmem>>) dst(%dma_wait3A_241 : memref<10000x128xf32, #tpu.memory_space<vmem_shared>>)
        tpu.yield
      }) : () -> ()
      %iota3A_118 = tpu.iota {dimensions = array<i32: 0>} : vector<16xi32>
      %add3A_119 = arith.constant 9760 : i32
      %add3A_120 = vector.broadcast %add3A_119 : i32 to vector<16xi32>
      %add3A_121 = arith.addi %iota3A_118, %add3A_120 : vector<16xi32>
      %swap3A_122 = arith.constant 0 : index
      %swap3A_123 = tpu.vector_load %arg13[%swap3A_122] {strides = array<i32>} : memref<80xi32, #tpu.memory_space<vmem>>, vector<16xi32>,
      %swap3A_124 = vector.shape_cast %swap3A_123 : vector<16xi32> to vector<16xi32>
      %swap3A_125 = vector.shape_cast %add3A_121 : vector<16xi32> to vector<16xi32>
      tpu.vector_store %arg13[%swap3A_122], %swap3A_125 {strides = array<i32>} : memref<80xi32, #tpu.memory_space<vmem>>, vector<16xi32>,
      %iota3A_126 = tpu.iota {dimensions = array<i32: 0>} : vector<16xi32>
      %add3A_127 = arith.constant 9776 : i32
      %add3A_128 = vector.broadcast %add3A_127 : i32 to vector<16xi32>
      %add3A_129 = arith.addi %iota3A_126, %add3A_128 : vector<16xi32>
      %swap3A_130 = arith.constant 16 : index
      %swap3A_131 = tpu.vector_load %arg13[%swap3A_130] {strides = array<i32>} : memref<80xi32, #tpu.memory_space<vmem>>, vector<16xi32>,
      %swap3A_132 = vector.shape_cast %swap3A_131 : vector<16xi32> to vector<16xi32>
      %swap3A_133 = vector.shape_cast %add3A_129 : vector<16xi32> to vector<16xi32>
      tpu.vector_store %arg13[%swap3A_130], %swap3A_133 {strides = array<i32>} : memref<80xi32, #tpu.memory_space<vmem>>, vector<16xi32>,
      %iota3A_134 = tpu.iota {dimensions = array<i32: 0>} : vector<16xi32>
      %add3A_135 = arith.constant 9792 : i32
      %add3A_136 = vector.broadcast %add3A_135 : i32 to vector<16xi32>
      %add3A_137 = arith.addi %iota3A_134, %add3A_136 : vector<16xi32>
      %swap3A_138 = arith.constant 32 : index
      %swap3A_139 = tpu.vector_load %arg13[%swap3A_138] {strides = array<i32>} : memref<80xi32, #tpu.memory_space<vmem>>, vector<16xi32>,
      %swap3A_140 = vector.shape_cast %swap3A_139 : vector<16xi32> to vector<16xi32>
      %swap3A_141 = vector.shape_cast %add3A_137 : vector<16xi32> to vector<16xi32>
      tpu.vector_store %arg13[%swap3A_138], %swap3A_141 {strides = array<i32>} : memref<80xi32, #tpu.memory_space<vmem>>, vector<16xi32>,
      %iota3A_142 = tpu.iota {dimensions = array<i32: 0>} : vector<16xi32>
      %add3A_143 = arith.constant 9808 : i32
      %add3A_144 = vector.broadcast %add3A_143 : i32 to vector<16xi32>
      %add3A_145 = arith.addi %iota3A_142, %add3A_144 : vector<16xi32>
      %swap3A_146 = arith.constant 48 : index
      %swap3A_147 = tpu.vector_load %arg13[%swap3A_146] {strides = array<i32>} : memref<80xi32, #tpu.memory_space<vmem>>, vector<16xi32>,
      %swap3A_148 = vector.shape_cast %swap3A_147 : vector<16xi32> to vector<16xi32>
      %swap3A_149 = vector.shape_cast %add3A_145 : vector<16xi32> to vector<16xi32>
      tpu.vector_store %arg13[%swap3A_146], %swap3A_149 {strides = array<i32>} : memref<80xi32, #tpu.memory_space<vmem>>, vector<16xi32>,
      %iota3A_150 = tpu.iota {dimensions = array<i32: 0>} : vector<16xi32>
      %add3A_151 = arith.constant 9824 : i32
      %add3A_152 = vector.broadcast %add3A_151 : i32 to vector<16xi32>
      %add3A_153 = arith.addi %iota3A_150, %add3A_152 : vector<16xi32>
      %swap3A_154 = arith.constant 64 : index
      %swap3A_155 = tpu.vector_load %arg13[%swap3A_154] {strides = array<i32>} : memref<80xi32, #tpu.memory_space<vmem>>, vector<16xi32>,
      %swap3A_156 = vector.shape_cast %swap3A_155 : vector<16xi32> to vector<16xi32>
      %swap3A_157 = vector.shape_cast %add3A_153 : vector<16xi32> to vector<16xi32>
      tpu.vector_store %arg13[%swap3A_154], %swap3A_157 {strides = array<i32>} : memref<80xi32, #tpu.memory_space<vmem>>, vector<16xi32>,
      "tpu.region"() ({
        %run_scoped3A = tpu.sem_alloc : memref<!tpu.dma_semaphore, #tpu.memory_space<semaphore_mem>>
        %dma_start3A = arith.constant 0 : i32
        %dma_start3A_238 = arith.constant 0 : i32
        %dma_start3A_239 = tpu.memref_slice %arg14[%dma_start3A, %dma_start3A_238] : memref<10000x128xf32, #tpu.memory_space<vmem_shared>> -> memref<10000x128xf32, #tpu.memory_space<vmem_shared>>
        tpu.enqueue_indirect_dma source(%arg12 : memref<80x128xf32, #tpu.memory_space<vmem>>) target(%dma_start3A_239 : memref<10000x128xf32, #tpu.memory_space<vmem_shared>>) offsets(%arg13 : memref<80xi32, #tpu.memory_space<vmem>>) semaphore(%run_scoped3A : memref<!tpu.dma_semaphore, #tpu.memory_space<semaphore_mem>>)
        %dma_wait3A = arith.constant 0 : i32
        %dma_wait3A_240 = arith.constant 0 : i32
        %dma_wait3A_241 = tpu.memref_slice %arg14[%dma_wait3A, %dma_wait3A_240] : memref<10000x128xf32, #tpu.memory_space<vmem_shared>> -> memref<10000x128xf32, #tpu.memory_space<vmem_shared>>
        tpu.wait_indirect_dma semaphore(%run_scoped3A : memref<!tpu.dma_semaphore, #tpu.memory_space<semaphore_mem>>) src(%arg12 : memref<80x128xf32, #tpu.memory_space<vmem>>) dst(%dma_wait3A_241 : memref<10000x128xf32, #tpu.memory_space<vmem_shared>>)
        tpu.yield
      }) : () -> ()
      %iota3A_158 = tpu.iota {dimensions = array<i32: 0>} : vector<16xi32>
      %add3A_159 = arith.constant 9840 : i32
      %add3A_160 = vector.broadcast %add3A_159 : i32 to vector<16xi32>
      %add3A_161 = arith.addi %iota3A_158, %add3A_160 : vector<16xi32>
      %swap3A_162 = arith.constant 0 : index
      %swap3A_163 = tpu.vector_load %arg13[%swap3A_162] {strides = array<i32>} : memref<80xi32, #tpu.memory_space<vmem>>, vector<16xi32>,
      %swap3A_164 = vector.shape_cast %swap3A_163 : vector<16xi32> to vector<16xi32>
      %swap3A_165 = vector.shape_cast %add3A_161 : vector<16xi32> to vector<16xi32>
      tpu.vector_store %arg13[%swap3A_162], %swap3A_165 {strides = array<i32>} : memref<80xi32, #tpu.memory_space<vmem>>, vector<16xi32>,
      %iota3A_166 = tpu.iota {dimensions = array<i32: 0>} : vector<16xi32>
      %add3A_167 = arith.constant 9856 : i32
      %add3A_168 = vector.broadcast %add3A_167 : i32 to vector<16xi32>
      %add3A_169 = arith.addi %iota3A_166, %add3A_168 : vector<16xi32>
      %swap3A_170 = arith.constant 16 : index
      %swap3A_171 = tpu.vector_load %arg13[%swap3A_170] {strides = array<i32>} : memref<80xi32, #tpu.memory_space<vmem>>, vector<16xi32>,
      %swap3A_172 = vector.shape_cast %swap3A_171 : vector<16xi32> to vector<16xi32>
      %swap3A_173 = vector.shape_cast %add3A_169 : vector<16xi32> to vector<16xi32>
      tpu.vector_store %arg13[%swap3A_170], %swap3A_173 {strides = array<i32>} : memref<80xi32, #tpu.memory_space<vmem>>, vector<16xi32>,
      %iota3A_174 = tpu.iota {dimensions = array<i32: 0>} : vector<16xi32>
      %add3A_175 = arith.constant 9872 : i32
      %add3A_176 = vector.broadcast %add3A_175 : i32 to vector<16xi32>
      %add3A_177 = arith.addi %iota3A_174, %add3A_176 : vector<16xi32>
      %swap3A_178 = arith.constant 32 : index
      %swap3A_179 = tpu.vector_load %arg13[%swap3A_178] {strides = array<i32>} : memref<80xi32, #tpu.memory_space<vmem>>, vector<16xi32>,
      %swap3A_180 = vector.shape_cast %swap3A_179 : vector<16xi32> to vector<16xi32>
      %swap3A_181 = vector.shape_cast %add3A_177 : vector<16xi32> to vector<16xi32>
      tpu.vector_store %arg13[%swap3A_178], %swap3A_181 {strides = array<i32>} : memref<80xi32, #tpu.memory_space<vmem>>, vector<16xi32>,
      %iota3A_182 = tpu.iota {dimensions = array<i32: 0>} : vector<16xi32>
      %add3A_183 = arith.constant 9888 : i32
      %add3A_184 = vector.broadcast %add3A_183 : i32 to vector<16xi32>
      %add3A_185 = arith.addi %iota3A_182, %add3A_184 : vector<16xi32>
      %swap3A_186 = arith.constant 48 : index
      %swap3A_187 = tpu.vector_load %arg13[%swap3A_186] {strides = array<i32>} : memref<80xi32, #tpu.memory_space<vmem>>, vector<16xi32>,
      %swap3A_188 = vector.shape_cast %swap3A_187 : vector<16xi32> to vector<16xi32>
      %swap3A_189 = vector.shape_cast %add3A_185 : vector<16xi32> to vector<16xi32>
      tpu.vector_store %arg13[%swap3A_186], %swap3A_189 {strides = array<i32>} : memref<80xi32, #tpu.memory_space<vmem>>, vector<16xi32>,
      %iota3A_190 = tpu.iota {dimensions = array<i32: 0>} : vector<16xi32>
      %add3A_191 = arith.constant 9904 : i32
      %add3A_192 = vector.broadcast %add3A_191 : i32 to vector<16xi32>
      %add3A_193 = arith.addi %iota3A_190, %add3A_192 : vector<16xi32>
      %swap3A_194 = arith.constant 64 : index
      %swap3A_195 = tpu.vector_load %arg13[%swap3A_194] {strides = array<i32>} : memref<80xi32, #tpu.memory_space<vmem>>, vector<16xi32>,
      %swap3A_196 = vector.shape_cast %swap3A_195 : vector<16xi32> to vector<16xi32>
      %swap3A_197 = vector.shape_cast %add3A_193 : vector<16xi32> to vector<16xi32>
      tpu.vector_store %arg13[%swap3A_194], %swap3A_197 {strides = array<i32>} : memref<80xi32, #tpu.memory_space<vmem>>, vector<16xi32>,
      "tpu.region"() ({
        %run_scoped3A = tpu.sem_alloc : memref<!tpu.dma_semaphore, #tpu.memory_space<semaphore_mem>>
        %dma_start3A = arith.constant 0 : i32
        %dma_start3A_238 = arith.constant 0 : i32
        %dma_start3A_239 = tpu.memref_slice %arg14[%dma_start3A, %dma_start3A_238] : memref<10000x128xf32, #tpu.memory_space<vmem_shared>> -> memref<10000x128xf32, #tpu.memory_space<vmem_shared>>
        tpu.enqueue_indirect_dma source(%arg12 : memref<80x128xf32, #tpu.memory_space<vmem>>) target(%dma_start3A_239 : memref<10000x128xf32, #tpu.memory_space<vmem_shared>>) offsets(%arg13 : memref<80xi32, #tpu.memory_space<vmem>>) semaphore(%run_scoped3A : memref<!tpu.dma_semaphore, #tpu.memory_space<semaphore_mem>>)
        %dma_wait3A = arith.constant 0 : i32
        %dma_wait3A_240 = arith.constant 0 : i32
        %dma_wait3A_241 = tpu.memref_slice %arg14[%dma_wait3A, %dma_wait3A_240] : memref<10000x128xf32, #tpu.memory_space<vmem_shared>> -> memref<10000x128xf32, #tpu.memory_space<vmem_shared>>
        tpu.wait_indirect_dma semaphore(%run_scoped3A : memref<!tpu.dma_semaphore, #tpu.memory_space<semaphore_mem>>) src(%arg12 : memref<80x128xf32, #tpu.memory_space<vmem>>) dst(%dma_wait3A_241 : memref<10000x128xf32, #tpu.memory_space<vmem_shared>>)
        tpu.yield
      }) : () -> ()
      %iota3A_198 = tpu.iota {dimensions = array<i32: 0>} : vector<16xi32>
      %add3A_199 = arith.constant 9920 : i32
      %add3A_200 = vector.broadcast %add3A_199 : i32 to vector<16xi32>
      %add3A_201 = arith.addi %iota3A_198, %add3A_200 : vector<16xi32>
      %swap3A_202 = arith.constant 0 : index
      %swap3A_203 = tpu.vector_load %arg13[%swap3A_202] {strides = array<i32>} : memref<80xi32, #tpu.memory_space<vmem>>, vector<16xi32>,
      %swap3A_204 = vector.shape_cast %swap3A_203 : vector<16xi32> to vector<16xi32>
      %swap3A_205 = vector.shape_cast %add3A_201 : vector<16xi32> to vector<16xi32>
      tpu.vector_store %arg13[%swap3A_202], %swap3A_205 {strides = array<i32>} : memref<80xi32, #tpu.memory_space<vmem>>, vector<16xi32>,
      %iota3A_206 = tpu.iota {dimensions = array<i32: 0>} : vector<16xi32>
      %add3A_207 = arith.constant 9936 : i32
      %add3A_208 = vector.broadcast %add3A_207 : i32 to vector<16xi32>
      %add3A_209 = arith.addi %iota3A_206, %add3A_208 : vector<16xi32>
      %swap3A_210 = arith.constant 16 : index
      %swap3A_211 = tpu.vector_load %arg13[%swap3A_210] {strides = array<i32>} : memref<80xi32, #tpu.memory_space<vmem>>, vector<16xi32>,
      %swap3A_212 = vector.shape_cast %swap3A_211 : vector<16xi32> to vector<16xi32>
      %swap3A_213 = vector.shape_cast %add3A_209 : vector<16xi32> to vector<16xi32>
      tpu.vector_store %arg13[%swap3A_210], %swap3A_213 {strides = array<i32>} : memref<80xi32, #tpu.memory_space<vmem>>, vector<16xi32>,
      %iota3A_214 = tpu.iota {dimensions = array<i32: 0>} : vector<16xi32>
      %add3A_215 = arith.constant 9952 : i32
      %add3A_216 = vector.broadcast %add3A_215 : i32 to vector<16xi32>
      %add3A_217 = arith.addi %iota3A_214, %add3A_216 : vector<16xi32>
      %swap3A_218 = arith.constant 32 : index
      %swap3A_219 = tpu.vector_load %arg13[%swap3A_218] {strides = array<i32>} : memref<80xi32, #tpu.memory_space<vmem>>, vector<16xi32>,
      %swap3A_220 = vector.shape_cast %swap3A_219 : vector<16xi32> to vector<16xi32>
      %swap3A_221 = vector.shape_cast %add3A_217 : vector<16xi32> to vector<16xi32>
      tpu.vector_store %arg13[%swap3A_218], %swap3A_221 {strides = array<i32>} : memref<80xi32, #tpu.memory_space<vmem>>, vector<16xi32>,
      %iota3A_222 = tpu.iota {dimensions = array<i32: 0>} : vector<16xi32>
      %add3A_223 = arith.constant 9968 : i32
      %add3A_224 = vector.broadcast %add3A_223 : i32 to vector<16xi32>
      %add3A_225 = arith.addi %iota3A_222, %add3A_224 : vector<16xi32>
      %swap3A_226 = arith.constant 48 : index
      %swap3A_227 = tpu.vector_load %arg13[%swap3A_226] {strides = array<i32>} : memref<80xi32, #tpu.memory_space<vmem>>, vector<16xi32>,
      %swap3A_228 = vector.shape_cast %swap3A_227 : vector<16xi32> to vector<16xi32>
      %swap3A_229 = vector.shape_cast %add3A_225 : vector<16xi32> to vector<16xi32>
      tpu.vector_store %arg13[%swap3A_226], %swap3A_229 {strides = array<i32>} : memref<80xi32, #tpu.memory_space<vmem>>, vector<16xi32>,
      %iota3A_230 = tpu.iota {dimensions = array<i32: 0>} : vector<16xi32>
      %add3A_231 = arith.constant 9984 : i32
      %add3A_232 = vector.broadcast %add3A_231 : i32 to vector<16xi32>
      %add3A_233 = arith.addi %iota3A_230, %add3A_232 : vector<16xi32>
      %swap3A_234 = arith.constant 64 : index
      %swap3A_235 = tpu.vector_load %arg13[%swap3A_234] {strides = array<i32>} : memref<80xi32, #tpu.memory_space<vmem>>, vector<16xi32>,
      %swap3A_236 = vector.shape_cast %swap3A_235 : vector<16xi32> to vector<16xi32>
      %swap3A_237 = vector.shape_cast %add3A_233 : vector<16xi32> to vector<16xi32>
      tpu.vector_store %arg13[%swap3A_234], %swap3A_237 {strides = array<i32>} : memref<80xi32, #tpu.memory_space<vmem>>, vector<16xi32>,
      "tpu.region"() ({
        %run_scoped3A = tpu.sem_alloc : memref<!tpu.dma_semaphore, #tpu.memory_space<semaphore_mem>>
        %dma_start3A = arith.constant 0 : i32
        %dma_start3A_238 = arith.constant 0 : i32
        %dma_start3A_239 = tpu.memref_slice %arg14[%dma_start3A, %dma_start3A_238] : memref<10000x128xf32, #tpu.memory_space<vmem_shared>> -> memref<10000x128xf32, #tpu.memory_space<vmem_shared>>
        tpu.enqueue_indirect_dma source(%arg12 : memref<80x128xf32, #tpu.memory_space<vmem>>) target(%dma_start3A_239 : memref<10000x128xf32, #tpu.memory_space<vmem_shared>>) offsets(%arg13 : memref<80xi32, #tpu.memory_space<vmem>>) semaphore(%run_scoped3A : memref<!tpu.dma_semaphore, #tpu.memory_space<semaphore_mem>>)
        %dma_wait3A = arith.constant 0 : i32
        %dma_wait3A_240 = arith.constant 0 : i32
        %dma_wait3A_241 = tpu.memref_slice %arg14[%dma_wait3A, %dma_wait3A_240] : memref<10000x128xf32, #tpu.memory_space<vmem_shared>> -> memref<10000x128xf32, #tpu.memory_space<vmem_shared>>
        tpu.wait_indirect_dma semaphore(%run_scoped3A : memref<!tpu.dma_semaphore, #tpu.memory_space<semaphore_mem>>) src(%arg12 : memref<80x128xf32, #tpu.memory_space<vmem>>) dst(%dma_wait3A_241 : memref<10000x128xf32, #tpu.memory_space<vmem_shared>>)
        tpu.yield
      }) : () -> ()
    } else {
    }
    %eq3A_13 = arith.constant 0 : i32
    %eq3A_14 = arith.cmpi eq, %arg1, %eq3A_13 : i32
    %convert_element_type3A_15 = arith.extui %eq3A_14 : i1 to i32
    %cond3A_16 = arith.constant 0 : i32
    %cond3A_17 = arith.cmpi ne, %convert_element_type3A_15, %cond3A_16 : i32
    scf.if %cond3A_17 {
      %iota3A = tpu.iota {dimensions = array<i32: 0>} : vector<16xi32>
      %add3A_40 = arith.constant 0 : i32
      %add3A_41 = vector.broadcast %add3A_40 : i32 to vector<16xi32>
      %add3A_42 = arith.addi %iota3A, %add3A_41 : vector<16xi32>
      %swap3A = arith.constant 0 : index
      %swap3A_43 = tpu.vector_load %arg13[%swap3A] {strides = array<i32>} : memref<80xi32, #tpu.memory_space<vmem>>, vector<16xi32>,
      %swap3A_44 = vector.shape_cast %swap3A_43 : vector<16xi32> to vector<16xi32>
      %swap3A_45 = vector.shape_cast %add3A_42 : vector<16xi32> to vector<16xi32>
      tpu.vector_store %arg13[%swap3A], %swap3A_45 {strides = array<i32>} : memref<80xi32, #tpu.memory_space<vmem>>, vector<16xi32>,
      %iota3A_46 = tpu.iota {dimensions = array<i32: 0>} : vector<16xi32>
      %add3A_47 = arith.constant 16 : i32
      %add3A_48 = vector.broadcast %add3A_47 : i32 to vector<16xi32>
      %add3A_49 = arith.addi %iota3A_46, %add3A_48 : vector<16xi32>
      %swap3A_50 = arith.constant 16 : index
      %swap3A_51 = tpu.vector_load %arg13[%swap3A_50] {strides = array<i32>} : memref<80xi32, #tpu.memory_space<vmem>>, vector<16xi32>,
      %swap3A_52 = vector.shape_cast %swap3A_51 : vector<16xi32> to vector<16xi32>
      %swap3A_53 = vector.shape_cast %add3A_49 : vector<16xi32> to vector<16xi32>
      tpu.vector_store %arg13[%swap3A_50], %swap3A_53 {strides = array<i32>} : memref<80xi32, #tpu.memory_space<vmem>>, vector<16xi32>,
      %iota3A_54 = tpu.iota {dimensions = array<i32: 0>} : vector<16xi32>
      %add3A_55 = arith.constant 32 : i32
      %add3A_56 = vector.broadcast %add3A_55 : i32 to vector<16xi32>
      %add3A_57 = arith.addi %iota3A_54, %add3A_56 : vector<16xi32>
      %swap3A_58 = arith.constant 32 : index
      %swap3A_59 = tpu.vector_load %arg13[%swap3A_58] {strides = array<i32>} : memref<80xi32, #tpu.memory_space<vmem>>, vector<16xi32>,
      %swap3A_60 = vector.shape_cast %swap3A_59 : vector<16xi32> to vector<16xi32>
      %swap3A_61 = vector.shape_cast %add3A_57 : vector<16xi32> to vector<16xi32>
      tpu.vector_store %arg13[%swap3A_58], %swap3A_61 {strides = array<i32>} : memref<80xi32, #tpu.memory_space<vmem>>, vector<16xi32>,
      %iota3A_62 = tpu.iota {dimensions = array<i32: 0>} : vector<16xi32>
      %add3A_63 = arith.constant 48 : i32
      %add3A_64 = vector.broadcast %add3A_63 : i32 to vector<16xi32>
      %add3A_65 = arith.addi %iota3A_62, %add3A_64 : vector<16xi32>
      %swap3A_66 = arith.constant 48 : index
      %swap3A_67 = tpu.vector_load %arg13[%swap3A_66] {strides = array<i32>} : memref<80xi32, #tpu.memory_space<vmem>>, vector<16xi32>,
      %swap3A_68 = vector.shape_cast %swap3A_67 : vector<16xi32> to vector<16xi32>
      %swap3A_69 = vector.shape_cast %add3A_65 : vector<16xi32> to vector<16xi32>
      tpu.vector_store %arg13[%swap3A_66], %swap3A_69 {strides = array<i32>} : memref<80xi32, #tpu.memory_space<vmem>>, vector<16xi32>,
      %iota3A_70 = tpu.iota {dimensions = array<i32: 0>} : vector<16xi32>
      %add3A_71 = arith.constant 64 : i32
      %add3A_72 = vector.broadcast %add3A_71 : i32 to vector<16xi32>
      %add3A_73 = arith.addi %iota3A_70, %add3A_72 : vector<16xi32>
      %swap3A_74 = arith.constant 64 : index
      %swap3A_75 = tpu.vector_load %arg13[%swap3A_74] {strides = array<i32>} : memref<80xi32, #tpu.memory_space<vmem>>, vector<16xi32>,
      %swap3A_76 = vector.shape_cast %swap3A_75 : vector<16xi32> to vector<16xi32>
      %swap3A_77 = vector.shape_cast %add3A_73 : vector<16xi32> to vector<16xi32>
      tpu.vector_store %arg13[%swap3A_74], %swap3A_77 {strides = array<i32>} : memref<80xi32, #tpu.memory_space<vmem>>, vector<16xi32>,
      "tpu.region"() ({
        %run_scoped3A = tpu.sem_alloc : memref<!tpu.dma_semaphore, #tpu.memory_space<semaphore_mem>>
        %dma_start3A = arith.constant 0 : i32
        %dma_start3A_78 = arith.constant 0 : i32
        %dma_start3A_79 = tpu.memref_slice %arg15[%dma_start3A, %dma_start3A_78] : memref<80x128xf32, #tpu.memory_space<vmem_shared>> -> memref<80x128xf32, #tpu.memory_space<vmem_shared>>
        tpu.enqueue_indirect_dma source(%arg12 : memref<80x128xf32, #tpu.memory_space<vmem>>) target(%dma_start3A_79 : memref<80x128xf32, #tpu.memory_space<vmem_shared>>) offsets(%arg13 : memref<80xi32, #tpu.memory_space<vmem>>) semaphore(%run_scoped3A : memref<!tpu.dma_semaphore, #tpu.memory_space<semaphore_mem>>)
        %dma_wait3A = arith.constant 0 : i32
        %dma_wait3A_80 = arith.constant 0 : i32
        %dma_wait3A_81 = tpu.memref_slice %arg15[%dma_wait3A, %dma_wait3A_80] : memref<80x128xf32, #tpu.memory_space<vmem_shared>> -> memref<80x128xf32, #tpu.memory_space<vmem_shared>>
        tpu.wait_indirect_dma semaphore(%run_scoped3A : memref<!tpu.dma_semaphore, #tpu.memory_space<semaphore_mem>>) src(%arg12 : memref<80x128xf32, #tpu.memory_space<vmem>>) dst(%dma_wait3A_81 : memref<80x128xf32, #tpu.memory_space<vmem_shared>>)
        tpu.yield
      }) : () -> ()
    } else {
    }
    %barrier3A = arith.constant 0 : index
    tpu.barrier barrier_id(%barrier3A)
    %scan3A_18 = arith.constant 0 : i32
    %scan3A_19 = arith.constant 0 : i32
    %scan3A_20 = arith.constant 125 : i32
    %scan3A_21 = arith.addi %scan3A_19, %scan3A_20 : i32
    %scan3A_22 = arith.constant 1 : i32
    scf.for %scan3A_40 = %scan3A_19 to %scan3A_21 step %scan3A_22  : i32 {
      %mul3A_41 = arith.constant 125 : i32
      %mul3A_42 = arith.muli %add3A, %mul3A_41 : i32
      %add3A_43 = arith.addi %mul3A_42, %scan3A_40 : i32
      "tpu.region"() ({
        %run_scoped3A_153 = tpu.sem_alloc : memref<!tpu.dma_semaphore, #tpu.memory_space<semaphore_mem>>
        %dma_start3A_154 = arith.constant 0 : i32
        %dma_start3A_155 = arith.constant 0 : i32
        %dma_start3A_156 = tpu.memref_slice %arg2[%add3A_43, %dma_start3A_154, %dma_start3A_155] : memref<4000x2x80xi32, #tpu.memory_space<hbm>> -> memref<1x2x80xi32, #tpu.memory_space<hbm>>
        %dma_start3A_157 = tpu.memref_squeeze %dma_start3A_156 : memref<1x2x80xi32, #tpu.memory_space<hbm>> -> memref<2x80xi32, #tpu.memory_space<hbm>>
        %dma_start3A_158 = arith.constant 0 : i32
        %dma_start3A_159 = arith.constant 0 : i32
        %dma_start3A_160 = tpu.memref_slice %arg2[%add3A_43, %dma_start3A_158, %dma_start3A_159] : memref<4000x2x80xi32, #tpu.memory_space<hbm>> -> memref<1x2x80xi32, #tpu.memory_space<hbm>>
        %dma_start3A_161 = tpu.memref_squeeze %dma_start3A_160 : memref<1x2x80xi32, #tpu.memory_space<hbm>> -> memref<2x80xi32, #tpu.memory_space<hbm>>
        tpu.enqueue_dma source(%dma_start3A_161 : memref<2x80xi32, #tpu.memory_space<hbm>>) target(%arg7 : memref<2x80xi32, #tpu.memory_space<vmem>>) target_semaphore(%run_scoped3A_153 : memref<!tpu.dma_semaphore, #tpu.memory_space<semaphore_mem>>)
        %dma_wait3A_162 = arith.constant 0 : i32
        %dma_wait3A_163 = arith.constant 0 : i32
        %dma_wait3A_164 = tpu.memref_slice %arg2[%add3A_43, %dma_wait3A_162, %dma_wait3A_163] : memref<4000x2x80xi32, #tpu.memory_space<hbm>> -> memref<1x2x80xi32, #tpu.memory_space<hbm>>
        %dma_wait3A_165 = tpu.memref_squeeze %dma_wait3A_164 : memref<1x2x80xi32, #tpu.memory_space<hbm>> -> memref<2x80xi32, #tpu.memory_space<hbm>>
        %dma_wait3A_166 = arith.constant 0 : i32
        %dma_wait3A_167 = arith.constant 0 : i32
        %dma_wait3A_168 = tpu.memref_slice %arg2[%add3A_43, %dma_wait3A_166, %dma_wait3A_167] : memref<4000x2x80xi32, #tpu.memory_space<hbm>> -> memref<1x2x80xi32, #tpu.memory_space<hbm>>
        %dma_wait3A_169 = tpu.memref_squeeze %dma_wait3A_168 : memref<1x2x80xi32, #tpu.memory_space<hbm>> -> memref<2x80xi32, #tpu.memory_space<hbm>>
        tpu.wait_dma2 semaphore(%run_scoped3A_153 : memref<!tpu.dma_semaphore, #tpu.memory_space<semaphore_mem>>) src(%dma_wait3A_169 : memref<2x80xi32, #tpu.memory_space<hbm>>) dst(%arg7 : memref<2x80xi32, #tpu.memory_space<vmem>>)
        tpu.yield
      }) : () -> ()
      %dma_start3A = arith.constant 0 : i32
      %dma_start3A_44 = arith.constant 0 : i32
      %dma_start3A_45 = tpu.memref_slice %arg7[%dma_start3A, %dma_start3A_44] : memref<2x80xi32, #tpu.memory_space<vmem>> -> memref<1x80xi32, #tpu.memory_space<vmem>>
      %dma_start3A_46 = tpu.memref_squeeze %dma_start3A_45 : memref<1x80xi32, #tpu.memory_space<vmem>> -> memref<80xi32, #tpu.memory_space<vmem>>
      %dma_start3A_47 = arith.constant 0 : i32
      %dma_start3A_48 = arith.constant 0 : i32
      %dma_start3A_49 = tpu.memref_slice %arg3[%dma_start3A_47, %dma_start3A_48] : memref<10000x128xf32, #tpu.memory_space<hbm>> -> memref<10000x128xf32, #tpu.memory_space<hbm>>
      tpu.enqueue_indirect_dma source(%dma_start3A_49 : memref<10000x128xf32, #tpu.memory_space<hbm>>) target(%arg8 : memref<80x128xf32, #tpu.memory_space<vmem>>) offsets(%dma_start3A_46 : memref<80xi32, #tpu.memory_space<vmem>>) semaphore(%arg16 : memref<!tpu.dma_semaphore, #tpu.memory_space<semaphore_mem>>)
      %get3A = arith.constant 1 : i32
      %get3A_50 = arith.index_cast %get3A : i32 to index
      %get3A_51 = arith.constant 0 : index
      %get3A_52 = tpu.vector_load %arg7[%get3A_50, %get3A_51] {strides = array<i32>} : memref<2x80xi32, #tpu.memory_space<vmem>>, vector<1x16xi32>,
      %get3A_53 = vector.shape_cast %get3A_52 : vector<1x16xi32> to vector<16xi32>
      %shift_right_logical3A = arith.constant 7 : i32
      %shift_right_logical3A_54 = vector.broadcast %shift_right_logical3A : i32 to vector<16xi32>
      %shift_right_logical3A_55 = arith.shrui %get3A_53, %shift_right_logical3A_54 : vector<16xi32>
      %swap3A = arith.constant 0 : index
      %swap3A_56 = tpu.vector_load %arg10[%swap3A] {strides = array<i32>} : memref<80xi32, #tpu.memory_space<vmem>>, vector<16xi32>,
      %swap3A_57 = vector.shape_cast %swap3A_56 : vector<16xi32> to vector<16xi32>
      %swap3A_58 = vector.shape_cast %shift_right_logical3A_55 : vector<16xi32> to vector<16xi32>
      tpu.vector_store %arg10[%swap3A], %swap3A_58 {strides = array<i32>} : memref<80xi32, #tpu.memory_space<vmem>>, vector<16xi32>,
      %and3A = arith.constant 127 : i32
      %and3A_59 = vector.broadcast %and3A : i32 to vector<16xi32>
      %and3A_60 = arith.andi %get3A_53, %and3A_59 : vector<16xi32>
      %swap3A_61 = arith.constant 0 : index
      %swap3A_62 = tpu.vector_load %arg11[%swap3A_61] {strides = array<i32>} : memref<80xi32, #tpu.memory_space<vmem>>, vector<16xi32>,
      %swap3A_63 = vector.shape_cast %swap3A_62 : vector<16xi32> to vector<16xi32>
      %swap3A_64 = vector.shape_cast %and3A_60 : vector<16xi32> to vector<16xi32>
      tpu.vector_store %arg11[%swap3A_61], %swap3A_64 {strides = array<i32>} : memref<80xi32, #tpu.memory_space<vmem>>, vector<16xi32>,
      %get3A_65 = arith.constant 1 : i32
      %get3A_66 = arith.index_cast %get3A_65 : i32 to index
      %get3A_67 = arith.constant 16 : index
      %get3A_68 = tpu.vector_load %arg7[%get3A_66, %get3A_67] {strides = array<i32>} : memref<2x80xi32, #tpu.memory_space<vmem>>, vector<1x16xi32>,
      %get3A_69 = vector.shape_cast %get3A_68 : vector<1x16xi32> to vector<16xi32>
      %shift_right_logical3A_70 = arith.constant 7 : i32
      %shift_right_logical3A_71 = vector.broadcast %shift_right_logical3A_70 : i32 to vector<16xi32>
      %shift_right_logical3A_72 = arith.shrui %get3A_69, %shift_right_logical3A_71 : vector<16xi32>
      %swap3A_73 = arith.constant 16 : index
      %swap3A_74 = tpu.vector_load %arg10[%swap3A_73] {strides = array<i32>} : memref<80xi32, #tpu.memory_space<vmem>>, vector<16xi32>,
      %swap3A_75 = vector.shape_cast %swap3A_74 : vector<16xi32> to vector<16xi32>
      %swap3A_76 = vector.shape_cast %shift_right_logical3A_72 : vector<16xi32> to vector<16xi32>
      tpu.vector_store %arg10[%swap3A_73], %swap3A_76 {strides = array<i32>} : memref<80xi32, #tpu.memory_space<vmem>>, vector<16xi32>,
      %and3A_77 = arith.constant 127 : i32
      %and3A_78 = vector.broadcast %and3A_77 : i32 to vector<16xi32>
      %and3A_79 = arith.andi %get3A_69, %and3A_78 : vector<16xi32>
      %swap3A_80 = arith.constant 16 : index
      %swap3A_81 = tpu.vector_load %arg11[%swap3A_80] {strides = array<i32>} : memref<80xi32, #tpu.memory_space<vmem>>, vector<16xi32>,
      %swap3A_82 = vector.shape_cast %swap3A_81 : vector<16xi32> to vector<16xi32>
      %swap3A_83 = vector.shape_cast %and3A_79 : vector<16xi32> to vector<16xi32>
      tpu.vector_store %arg11[%swap3A_80], %swap3A_83 {strides = array<i32>} : memref<80xi32, #tpu.memory_space<vmem>>, vector<16xi32>,
      %get3A_84 = arith.constant 1 : i32
      %get3A_85 = arith.index_cast %get3A_84 : i32 to index
      %get3A_86 = arith.constant 32 : index
      %get3A_87 = tpu.vector_load %arg7[%get3A_85, %get3A_86] {strides = array<i32>} : memref<2x80xi32, #tpu.memory_space<vmem>>, vector<1x16xi32>,
      %get3A_88 = vector.shape_cast %get3A_87 : vector<1x16xi32> to vector<16xi32>
      %shift_right_logical3A_89 = arith.constant 7 : i32
      %shift_right_logical3A_90 = vector.broadcast %shift_right_logical3A_89 : i32 to vector<16xi32>
      %shift_right_logical3A_91 = arith.shrui %get3A_88, %shift_right_logical3A_90 : vector<16xi32>
      %swap3A_92 = arith.constant 32 : index
      %swap3A_93 = tpu.vector_load %arg10[%swap3A_92] {strides = array<i32>} : memref<80xi32, #tpu.memory_space<vmem>>, vector<16xi32>,
      %swap3A_94 = vector.shape_cast %swap3A_93 : vector<16xi32> to vector<16xi32>
      %swap3A_95 = vector.shape_cast %shift_right_logical3A_91 : vector<16xi32> to vector<16xi32>
      tpu.vector_store %arg10[%swap3A_92], %swap3A_95 {strides = array<i32>} : memref<80xi32, #tpu.memory_space<vmem>>, vector<16xi32>,
      %and3A_96 = arith.constant 127 : i32
      %and3A_97 = vector.broadcast %and3A_96 : i32 to vector<16xi32>
      %and3A_98 = arith.andi %get3A_88, %and3A_97 : vector<16xi32>
      %swap3A_99 = arith.constant 32 : index
      %swap3A_100 = tpu.vector_load %arg11[%swap3A_99] {strides = array<i32>} : memref<80xi32, #tpu.memory_space<vmem>>, vector<16xi32>,
      %swap3A_101 = vector.shape_cast %swap3A_100 : vector<16xi32> to vector<16xi32>
      %swap3A_102 = vector.shape_cast %and3A_98 : vector<16xi32> to vector<16xi32>
      tpu.vector_store %arg11[%swap3A_99], %swap3A_102 {strides = array<i32>} : memref<80xi32, #tpu.memory_space<vmem>>, vector<16xi32>,
      %get3A_103 = arith.constant 1 : i32
      %get3A_104 = arith.index_cast %get3A_103 : i32 to index
      %get3A_105 = arith.constant 48 : index
      %get3A_106 = tpu.vector_load %arg7[%get3A_104, %get3A_105] {strides = array<i32>} : memref<2x80xi32, #tpu.memory_space<vmem>>, vector<1x16xi32>,
      %get3A_107 = vector.shape_cast %get3A_106 : vector<1x16xi32> to vector<16xi32>
      %shift_right_logical3A_108 = arith.constant 7 : i32
      %shift_right_logical3A_109 = vector.broadcast %shift_right_logical3A_108 : i32 to vector<16xi32>
      %shift_right_logical3A_110 = arith.shrui %get3A_107, %shift_right_logical3A_109 : vector<16xi32>
      %swap3A_111 = arith.constant 48 : index
      %swap3A_112 = tpu.vector_load %arg10[%swap3A_111] {strides = array<i32>} : memref<80xi32, #tpu.memory_space<vmem>>, vector<16xi32>,
      %swap3A_113 = vector.shape_cast %swap3A_112 : vector<16xi32> to vector<16xi32>
      %swap3A_114 = vector.shape_cast %shift_right_logical3A_110 : vector<16xi32> to vector<16xi32>
      tpu.vector_store %arg10[%swap3A_111], %swap3A_114 {strides = array<i32>} : memref<80xi32, #tpu.memory_space<vmem>>, vector<16xi32>,
      %and3A_115 = arith.constant 127 : i32
      %and3A_116 = vector.broadcast %and3A_115 : i32 to vector<16xi32>
      %and3A_117 = arith.andi %get3A_107, %and3A_116 : vector<16xi32>
      %swap3A_118 = arith.constant 48 : index
      %swap3A_119 = tpu.vector_load %arg11[%swap3A_118] {strides = array<i32>} : memref<80xi32, #tpu.memory_space<vmem>>, vector<16xi32>,
      %swap3A_120 = vector.shape_cast %swap3A_119 : vector<16xi32> to vector<16xi32>
      %swap3A_121 = vector.shape_cast %and3A_117 : vector<16xi32> to vector<16xi32>
      tpu.vector_store %arg11[%swap3A_118], %swap3A_121 {strides = array<i32>} : memref<80xi32, #tpu.memory_space<vmem>>, vector<16xi32>,
      %get3A_122 = arith.constant 1 : i32
      %get3A_123 = arith.index_cast %get3A_122 : i32 to index
      %get3A_124 = arith.constant 64 : index
      %get3A_125 = tpu.vector_load %arg7[%get3A_123, %get3A_124] {strides = array<i32>} : memref<2x80xi32, #tpu.memory_space<vmem>>, vector<1x16xi32>,
      %get3A_126 = vector.shape_cast %get3A_125 : vector<1x16xi32> to vector<16xi32>
      %shift_right_logical3A_127 = arith.constant 7 : i32
      %shift_right_logical3A_128 = vector.broadcast %shift_right_logical3A_127 : i32 to vector<16xi32>
      %shift_right_logical3A_129 = arith.shrui %get3A_126, %shift_right_logical3A_128 : vector<16xi32>
      %swap3A_130 = arith.constant 64 : index
      %swap3A_131 = tpu.vector_load %arg10[%swap3A_130] {strides = array<i32>} : memref<80xi32, #tpu.memory_space<vmem>>, vector<16xi32>,
      %swap3A_132 = vector.shape_cast %swap3A_131 : vector<16xi32> to vector<16xi32>
      %swap3A_133 = vector.shape_cast %shift_right_logical3A_129 : vector<16xi32> to vector<16xi32>
      tpu.vector_store %arg10[%swap3A_130], %swap3A_133 {strides = array<i32>} : memref<80xi32, #tpu.memory_space<vmem>>, vector<16xi32>,
      %and3A_134 = arith.constant 127 : i32
      %and3A_135 = vector.broadcast %and3A_134 : i32 to vector<16xi32>
      %and3A_136 = arith.andi %get3A_126, %and3A_135 : vector<16xi32>
      %swap3A_137 = arith.constant 64 : index
      %swap3A_138 = tpu.vector_load %arg11[%swap3A_137] {strides = array<i32>} : memref<80xi32, #tpu.memory_space<vmem>>, vector<16xi32>,
      %swap3A_139 = vector.shape_cast %swap3A_138 : vector<16xi32> to vector<16xi32>
      %swap3A_140 = vector.shape_cast %and3A_136 : vector<16xi32> to vector<16xi32>
      tpu.vector_store %arg11[%swap3A_137], %swap3A_140 {strides = array<i32>} : memref<80xi32, #tpu.memory_space<vmem>>, vector<16xi32>,
      %dma_start3A_141 = arith.constant 0 : i32
      %dma_start3A_142 = arith.constant 0 : i32
      %dma_start3A_143 = tpu.memref_slice %arg4[%dma_start3A_141, %dma_start3A_142] : memref<128x128xf32, #tpu.memory_space<hbm>> -> memref<128x128xf32, #tpu.memory_space<hbm>>
      tpu.enqueue_indirect_dma source(%dma_start3A_143 : memref<128x128xf32, #tpu.memory_space<hbm>>) target(%arg9 : memref<80x128xf32, #tpu.memory_space<vmem>>) offsets(%arg11 : memref<80xi32, #tpu.memory_space<vmem>>) semaphore(%arg17 : memref<!tpu.dma_semaphore, #tpu.memory_space<semaphore_mem>>)
      %dma_wait3A = arith.constant 0 : i32
      %dma_wait3A_144 = arith.constant 0 : i32
      %dma_wait3A_145 = tpu.memref_slice %arg7[%dma_wait3A, %dma_wait3A_144] : memref<2x80xi32, #tpu.memory_space<vmem>> -> memref<1x80xi32, #tpu.memory_space<vmem>>
      %dma_wait3A_146 = tpu.memref_squeeze %dma_wait3A_145 : memref<1x80xi32, #tpu.memory_space<vmem>> -> memref<80xi32, #tpu.memory_space<vmem>>
      %dma_wait3A_147 = arith.constant 0 : i32
      %dma_wait3A_148 = arith.constant 0 : i32
      %dma_wait3A_149 = tpu.memref_slice %arg3[%dma_wait3A_147, %dma_wait3A_148] : memref<10000x128xf32, #tpu.memory_space<hbm>> -> memref<10000x128xf32, #tpu.memory_space<hbm>>
      tpu.wait_indirect_dma semaphore(%arg16 : memref<!tpu.dma_semaphore, #tpu.memory_space<semaphore_mem>>) src(%dma_wait3A_149 : memref<10000x128xf32, #tpu.memory_space<hbm>>) dst(%arg8 : memref<80x128xf32, #tpu.memory_space<vmem>>)
      %run_scoped3A = arith.constant 1 : i32
      "tpu.region"() ({
        %run_scoped3A_153 = tpu.sem_alloc : memref<!tpu.dma_semaphore, #tpu.memory_space<semaphore_mem>>
        %dma_start3A_154 = arith.constant 0 : i32
        %dma_start3A_155 = tpu.memref_slice %arg7[%run_scoped3A, %dma_start3A_154] : memref<2x80xi32, #tpu.memory_space<vmem>> -> memref<1x80xi32, #tpu.memory_space<vmem>>
        %dma_start3A_156 = tpu.memref_squeeze %dma_start3A_155 : memref<1x80xi32, #tpu.memory_space<vmem>> -> memref<80xi32, #tpu.memory_space<vmem>>
        %dma_start3A_157 = arith.constant 0 : i32
        %dma_start3A_158 = arith.constant 0 : i32
        %dma_start3A_159 = tpu.memref_slice %arg14[%dma_start3A_157, %dma_start3A_158] : memref<10000x128xf32, #tpu.memory_space<vmem_shared>> -> memref<10000x128xf32, #tpu.memory_space<vmem_shared>>
        tpu.enqueue_indirect_dma source(%arg8 : memref<80x128xf32, #tpu.memory_space<vmem>>) target(%dma_start3A_159 : memref<10000x128xf32, #tpu.memory_space<vmem_shared>>) offsets(%dma_start3A_156 : memref<80xi32, #tpu.memory_space<vmem>>) semaphore(%run_scoped3A_153 : memref<!tpu.dma_semaphore, #tpu.memory_space<semaphore_mem>>) {add = true}
        %dma_wait3A_160 = arith.constant 0 : i32
        %dma_wait3A_161 = tpu.memref_slice %arg7[%run_scoped3A, %dma_wait3A_160] : memref<2x80xi32, #tpu.memory_space<vmem>> -> memref<1x80xi32, #tpu.memory_space<vmem>>
        %dma_wait3A_162 = tpu.memref_squeeze %dma_wait3A_161 : memref<1x80xi32, #tpu.memory_space<vmem>> -> memref<80xi32, #tpu.memory_space<vmem>>
        %dma_wait3A_163 = arith.constant 0 : i32
        %dma_wait3A_164 = arith.constant 0 : i32
        %dma_wait3A_165 = tpu.memref_slice %arg14[%dma_wait3A_163, %dma_wait3A_164] : memref<10000x128xf32, #tpu.memory_space<vmem_shared>> -> memref<10000x128xf32, #tpu.memory_space<vmem_shared>>
        tpu.wait_indirect_dma semaphore(%run_scoped3A_153 : memref<!tpu.dma_semaphore, #tpu.memory_space<semaphore_mem>>) src(%arg8 : memref<80x128xf32, #tpu.memory_space<vmem>>) dst(%dma_wait3A_165 : memref<10000x128xf32, #tpu.memory_space<vmem_shared>>)
        tpu.yield
      }) : () -> ()
      %dma_wait3A_150 = arith.constant 0 : i32
      %dma_wait3A_151 = arith.constant 0 : i32
      %dma_wait3A_152 = tpu.memref_slice %arg4[%dma_wait3A_150, %dma_wait3A_151] : memref<128x128xf32, #tpu.memory_space<hbm>> -> memref<128x128xf32, #tpu.memory_space<hbm>>
      tpu.wait_indirect_dma semaphore(%arg17 : memref<!tpu.dma_semaphore, #tpu.memory_space<semaphore_mem>>) src(%dma_wait3A_152 : memref<128x128xf32, #tpu.memory_space<hbm>>) dst(%arg9 : memref<80x128xf32, #tpu.memory_space<vmem>>)
      "tpu.region"() ({
        %run_scoped3A_153 = tpu.sem_alloc : memref<!tpu.dma_semaphore, #tpu.memory_space<semaphore_mem>>
        %dma_start3A_154 = arith.constant 0 : i32
        %dma_start3A_155 = arith.constant 0 : i32
        %dma_start3A_156 = tpu.memref_slice %arg15[%dma_start3A_154, %dma_start3A_155] : memref<80x128xf32, #tpu.memory_space<vmem_shared>> -> memref<80x128xf32, #tpu.memory_space<vmem_shared>>
        tpu.enqueue_indirect_dma source(%arg9 : memref<80x128xf32, #tpu.memory_space<vmem>>) target(%dma_start3A_156 : memref<80x128xf32, #tpu.memory_space<vmem_shared>>) offsets(%arg10 : memref<80xi32, #tpu.memory_space<vmem>>) semaphore(%run_scoped3A_153 : memref<!tpu.dma_semaphore, #tpu.memory_space<semaphore_mem>>) {add = true}
        %dma_wait3A_157 = arith.constant 0 : i32
        %dma_wait3A_158 = arith.constant 0 : i32
        %dma_wait3A_159 = tpu.memref_slice %arg15[%dma_wait3A_157, %dma_wait3A_158] : memref<80x128xf32, #tpu.memory_space<vmem_shared>> -> memref<80x128xf32, #tpu.memory_space<vmem_shared>>
        tpu.wait_indirect_dma semaphore(%run_scoped3A_153 : memref<!tpu.dma_semaphore, #tpu.memory_space<semaphore_mem>>) src(%arg9 : memref<80x128xf32, #tpu.memory_space<vmem>>) dst(%dma_wait3A_159 : memref<80x128xf32, #tpu.memory_space<vmem_shared>>)
        tpu.yield
      }) : () -> ()
    }
    %scan3A_23 = arith.constant 125 : i32
    %barrier3A_24 = arith.constant 0 : index
    tpu.barrier barrier_id(%barrier3A_24)
    %lt3A_25 = arith.constant 15 : i32
    %lt3A_26 = arith.cmpi slt, %arg1, %lt3A_25 : i32
    %convert_element_type3A_27 = arith.extui %lt3A_26 : i1 to i32
    %cond3A_28 = arith.constant 0 : i32
    %cond3A_29 = arith.cmpi ne, %convert_element_type3A_27, %cond3A_28 : i32
    scf.if %cond3A_29 {
      %mul3A_40 = arith.constant 640 : i32
      %mul3A_41 = arith.muli %arg1, %mul3A_40 : i32
      %multiple_of3A = tpu.assume_multiple %mul3A_41, 8 : i32
      %add3A_42 = arith.constant 0 : i32
      %add3A_43 = arith.addi %multiple_of3A, %add3A_42 : i32
      %iota3A = tpu.iota {dimensions = array<i32: 0>} : vector<16xi32>
      %add3A_44 = arith.constant 0 : i32
      %add3A_45 = arith.addi %add3A_43, %add3A_44 : i32
      %add3A_46 = vector.broadcast %add3A_45 : i32 to vector<16xi32>
      %add3A_47 = arith.addi %iota3A, %add3A_46 : vector<16xi32>
      %swap3A = arith.constant 0 : index
      %swap3A_48 = tpu.vector_load %arg13[%swap3A] {strides = array<i32>} : memref<80xi32, #tpu.memory_space<vmem>>, vector<16xi32>,
      %swap3A_49 = vector.shape_cast %swap3A_48 : vector<16xi32> to vector<16xi32>
      %swap3A_50 = vector.shape_cast %add3A_47 : vector<16xi32> to vector<16xi32>
      tpu.vector_store %arg13[%swap3A], %swap3A_50 {strides = array<i32>} : memref<80xi32, #tpu.memory_space<vmem>>, vector<16xi32>,
      %iota3A_51 = tpu.iota {dimensions = array<i32: 0>} : vector<16xi32>
      %add3A_52 = arith.constant 16 : i32
      %add3A_53 = arith.addi %add3A_43, %add3A_52 : i32
      %add3A_54 = vector.broadcast %add3A_53 : i32 to vector<16xi32>
      %add3A_55 = arith.addi %iota3A_51, %add3A_54 : vector<16xi32>
      %swap3A_56 = arith.constant 16 : index
      %swap3A_57 = tpu.vector_load %arg13[%swap3A_56] {strides = array<i32>} : memref<80xi32, #tpu.memory_space<vmem>>, vector<16xi32>,
      %swap3A_58 = vector.shape_cast %swap3A_57 : vector<16xi32> to vector<16xi32>
      %swap3A_59 = vector.shape_cast %add3A_55 : vector<16xi32> to vector<16xi32>
      tpu.vector_store %arg13[%swap3A_56], %swap3A_59 {strides = array<i32>} : memref<80xi32, #tpu.memory_space<vmem>>, vector<16xi32>,
      %iota3A_60 = tpu.iota {dimensions = array<i32: 0>} : vector<16xi32>
      %add3A_61 = arith.constant 32 : i32
      %add3A_62 = arith.addi %add3A_43, %add3A_61 : i32
      %add3A_63 = vector.broadcast %add3A_62 : i32 to vector<16xi32>
      %add3A_64 = arith.addi %iota3A_60, %add3A_63 : vector<16xi32>
      %swap3A_65 = arith.constant 32 : index
      %swap3A_66 = tpu.vector_load %arg13[%swap3A_65] {strides = array<i32>} : memref<80xi32, #tpu.memory_space<vmem>>, vector<16xi32>,
      %swap3A_67 = vector.shape_cast %swap3A_66 : vector<16xi32> to vector<16xi32>
      %swap3A_68 = vector.shape_cast %add3A_64 : vector<16xi32> to vector<16xi32>
      tpu.vector_store %arg13[%swap3A_65], %swap3A_68 {strides = array<i32>} : memref<80xi32, #tpu.memory_space<vmem>>, vector<16xi32>,
      %iota3A_69 = tpu.iota {dimensions = array<i32: 0>} : vector<16xi32>
      %add3A_70 = arith.constant 48 : i32
      %add3A_71 = arith.addi %add3A_43, %add3A_70 : i32
      %add3A_72 = vector.broadcast %add3A_71 : i32 to vector<16xi32>
      %add3A_73 = arith.addi %iota3A_69, %add3A_72 : vector<16xi32>
      %swap3A_74 = arith.constant 48 : index
      %swap3A_75 = tpu.vector_load %arg13[%swap3A_74] {strides = array<i32>} : memref<80xi32, #tpu.memory_space<vmem>>, vector<16xi32>,
      %swap3A_76 = vector.shape_cast %swap3A_75 : vector<16xi32> to vector<16xi32>
      %swap3A_77 = vector.shape_cast %add3A_73 : vector<16xi32> to vector<16xi32>
      tpu.vector_store %arg13[%swap3A_74], %swap3A_77 {strides = array<i32>} : memref<80xi32, #tpu.memory_space<vmem>>, vector<16xi32>,
      %iota3A_78 = tpu.iota {dimensions = array<i32: 0>} : vector<16xi32>
      %add3A_79 = arith.constant 64 : i32
      %add3A_80 = arith.addi %add3A_43, %add3A_79 : i32
      %add3A_81 = vector.broadcast %add3A_80 : i32 to vector<16xi32>
      %add3A_82 = arith.addi %iota3A_78, %add3A_81 : vector<16xi32>
      %swap3A_83 = arith.constant 64 : index
      %swap3A_84 = tpu.vector_load %arg13[%swap3A_83] {strides = array<i32>} : memref<80xi32, #tpu.memory_space<vmem>>, vector<16xi32>,
      %swap3A_85 = vector.shape_cast %swap3A_84 : vector<16xi32> to vector<16xi32>
      %swap3A_86 = vector.shape_cast %add3A_82 : vector<16xi32> to vector<16xi32>
      tpu.vector_store %arg13[%swap3A_83], %swap3A_86 {strides = array<i32>} : memref<80xi32, #tpu.memory_space<vmem>>, vector<16xi32>,
      %dma_start3A = arith.constant 0 : i32
      %dma_start3A_87 = arith.constant 0 : i32
      %dma_start3A_88 = tpu.memref_slice %arg14[%dma_start3A, %dma_start3A_87] : memref<10000x128xf32, #tpu.memory_space<vmem_shared>> -> memref<10000x128xf32, #tpu.memory_space<vmem_shared>>
      tpu.enqueue_indirect_dma source(%dma_start3A_88 : memref<10000x128xf32, #tpu.memory_space<vmem_shared>>) target(%arg12 : memref<80x128xf32, #tpu.memory_space<vmem>>) offsets(%arg13 : memref<80xi32, #tpu.memory_space<vmem>>) semaphore(%arg16 : memref<!tpu.dma_semaphore, #tpu.memory_space<semaphore_mem>>)
      %dma_wait3A = arith.constant 0 : i32
      %dma_wait3A_89 = arith.constant 0 : i32
      %dma_wait3A_90 = tpu.memref_slice %arg14[%dma_wait3A, %dma_wait3A_89] : memref<10000x128xf32, #tpu.memory_space<vmem_shared>> -> memref<10000x128xf32, #tpu.memory_space<vmem_shared>>
      tpu.wait_indirect_dma semaphore(%arg16 : memref<!tpu.dma_semaphore, #tpu.memory_space<semaphore_mem>>) src(%dma_wait3A_90 : memref<10000x128xf32, #tpu.memory_space<vmem_shared>>) dst(%arg12 : memref<80x128xf32, #tpu.memory_space<vmem>>)
      "tpu.region"() ({
        %run_scoped3A = tpu.sem_alloc : memref<!tpu.dma_semaphore, #tpu.memory_space<semaphore_mem>>
        %dma_start3A_462 = arith.constant 0 : i32
        %dma_start3A_463 = tpu.memref_slice %arg5[%arg0, %add3A_43, %dma_start3A_462] : memref<2x10000x128xf32, #tpu.memory_space<hbm>> -> memref<1x80x128xf32, #tpu.memory_space<hbm>>
        %dma_start3A_464 = tpu.memref_squeeze %dma_start3A_463 : memref<1x80x128xf32, #tpu.memory_space<hbm>> -> memref<80x128xf32, #tpu.memory_space<hbm>>
        %dma_start3A_465 = arith.constant 0 : i32
        %dma_start3A_466 = tpu.memref_slice %arg5[%arg0, %add3A_43, %dma_start3A_465] : memref<2x10000x128xf32, #tpu.memory_space<hbm>> -> memref<1x80x128xf32, #tpu.memory_space<hbm>>
        %dma_start3A_467 = tpu.memref_squeeze %dma_start3A_466 : memref<1x80x128xf32, #tpu.memory_space<hbm>> -> memref<80x128xf32, #tpu.memory_space<hbm>>
        tpu.enqueue_dma source(%arg12 : memref<80x128xf32, #tpu.memory_space<vmem>>) target(%dma_start3A_467 : memref<80x128xf32, #tpu.memory_space<hbm>>) target_semaphore(%run_scoped3A : memref<!tpu.dma_semaphore, #tpu.memory_space<semaphore_mem>>)
        %dma_wait3A_468 = arith.constant 0 : i32
        %dma_wait3A_469 = tpu.memref_slice %arg5[%arg0, %add3A_43, %dma_wait3A_468] : memref<2x10000x128xf32, #tpu.memory_space<hbm>> -> memref<1x80x128xf32, #tpu.memory_space<hbm>>
        %dma_wait3A_470 = tpu.memref_squeeze %dma_wait3A_469 : memref<1x80x128xf32, #tpu.memory_space<hbm>> -> memref<80x128xf32, #tpu.memory_space<hbm>>
        %dma_wait3A_471 = arith.constant 0 : i32
        %dma_wait3A_472 = tpu.memref_slice %arg5[%arg0, %add3A_43, %dma_wait3A_471] : memref<2x10000x128xf32, #tpu.memory_space<hbm>> -> memref<1x80x128xf32, #tpu.memory_space<hbm>>
        %dma_wait3A_473 = tpu.memref_squeeze %dma_wait3A_472 : memref<1x80x128xf32, #tpu.memory_space<hbm>> -> memref<80x128xf32, #tpu.memory_space<hbm>>
        tpu.wait_dma2 semaphore(%run_scoped3A : memref<!tpu.dma_semaphore, #tpu.memory_space<semaphore_mem>>) src(%arg12 : memref<80x128xf32, #tpu.memory_space<vmem>>) dst(%dma_wait3A_473 : memref<80x128xf32, #tpu.memory_space<hbm>>)
        tpu.yield
      }) : () -> ()
      %add3A_91 = arith.constant 80 : i32
      %add3A_92 = arith.addi %multiple_of3A, %add3A_91 : i32
      %iota3A_93 = tpu.iota {dimensions = array<i32: 0>} : vector<16xi32>
      %add3A_94 = arith.constant 0 : i32
      %add3A_95 = arith.addi %add3A_92, %add3A_94 : i32
      %add3A_96 = vector.broadcast %add3A_95 : i32 to vector<16xi32>
      %add3A_97 = arith.addi %iota3A_93, %add3A_96 : vector<16xi32>
      %swap3A_98 = arith.constant 0 : index
      %swap3A_99 = tpu.vector_load %arg13[%swap3A_98] {strides = array<i32>} : memref<80xi32, #tpu.memory_space<vmem>>, vector<16xi32>,
      %swap3A_100 = vector.shape_cast %swap3A_99 : vector<16xi32> to vector<16xi32>
      %swap3A_101 = vector.shape_cast %add3A_97 : vector<16xi32> to vector<16xi32>
      tpu.vector_store %arg13[%swap3A_98], %swap3A_101 {strides = array<i32>} : memref<80xi32, #tpu.memory_space<vmem>>, vector<16xi32>,
      %iota3A_102 = tpu.iota {dimensions = array<i32: 0>} : vector<16xi32>
      %add3A_103 = arith.constant 16 : i32
      %add3A_104 = arith.addi %add3A_92, %add3A_103 : i32
      %add3A_105 = vector.broadcast %add3A_104 : i32 to vector<16xi32>
      %add3A_106 = arith.addi %iota3A_102, %add3A_105 : vector<16xi32>
      %swap3A_107 = arith.constant 16 : index
      %swap3A_108 = tpu.vector_load %arg13[%swap3A_107] {strides = array<i32>} : memref<80xi32, #tpu.memory_space<vmem>>, vector<16xi32>,
      %swap3A_109 = vector.shape_cast %swap3A_108 : vector<16xi32> to vector<16xi32>
      %swap3A_110 = vector.shape_cast %add3A_106 : vector<16xi32> to vector<16xi32>
      tpu.vector_store %arg13[%swap3A_107], %swap3A_110 {strides = array<i32>} : memref<80xi32, #tpu.memory_space<vmem>>, vector<16xi32>,
      %iota3A_111 = tpu.iota {dimensions = array<i32: 0>} : vector<16xi32>
      %add3A_112 = arith.constant 32 : i32
      %add3A_113 = arith.addi %add3A_92, %add3A_112 : i32
      %add3A_114 = vector.broadcast %add3A_113 : i32 to vector<16xi32>
      %add3A_115 = arith.addi %iota3A_111, %add3A_114 : vector<16xi32>
      %swap3A_116 = arith.constant 32 : index
      %swap3A_117 = tpu.vector_load %arg13[%swap3A_116] {strides = array<i32>} : memref<80xi32, #tpu.memory_space<vmem>>, vector<16xi32>,
      %swap3A_118 = vector.shape_cast %swap3A_117 : vector<16xi32> to vector<16xi32>
      %swap3A_119 = vector.shape_cast %add3A_115 : vector<16xi32> to vector<16xi32>
      tpu.vector_store %arg13[%swap3A_116], %swap3A_119 {strides = array<i32>} : memref<80xi32, #tpu.memory_space<vmem>>, vector<16xi32>,
      %iota3A_120 = tpu.iota {dimensions = array<i32: 0>} : vector<16xi32>
      %add3A_121 = arith.constant 48 : i32
      %add3A_122 = arith.addi %add3A_92, %add3A_121 : i32
      %add3A_123 = vector.broadcast %add3A_122 : i32 to vector<16xi32>
      %add3A_124 = arith.addi %iota3A_120, %add3A_123 : vector<16xi32>
      %swap3A_125 = arith.constant 48 : index
      %swap3A_126 = tpu.vector_load %arg13[%swap3A_125] {strides = array<i32>} : memref<80xi32, #tpu.memory_space<vmem>>, vector<16xi32>,
      %swap3A_127 = vector.shape_cast %swap3A_126 : vector<16xi32> to vector<16xi32>
      %swap3A_128 = vector.shape_cast %add3A_124 : vector<16xi32> to vector<16xi32>
      tpu.vector_store %arg13[%swap3A_125], %swap3A_128 {strides = array<i32>} : memref<80xi32, #tpu.memory_space<vmem>>, vector<16xi32>,
      %iota3A_129 = tpu.iota {dimensions = array<i32: 0>} : vector<16xi32>
      %add3A_130 = arith.constant 64 : i32
      %add3A_131 = arith.addi %add3A_92, %add3A_130 : i32
      %add3A_132 = vector.broadcast %add3A_131 : i32 to vector<16xi32>
      %add3A_133 = arith.addi %iota3A_129, %add3A_132 : vector<16xi32>
      %swap3A_134 = arith.constant 64 : index
      %swap3A_135 = tpu.vector_load %arg13[%swap3A_134] {strides = array<i32>} : memref<80xi32, #tpu.memory_space<vmem>>, vector<16xi32>,
      %swap3A_136 = vector.shape_cast %swap3A_135 : vector<16xi32> to vector<16xi32>
      %swap3A_137 = vector.shape_cast %add3A_133 : vector<16xi32> to vector<16xi32>
      tpu.vector_store %arg13[%swap3A_134], %swap3A_137 {strides = array<i32>} : memref<80xi32, #tpu.memory_space<vmem>>, vector<16xi32>,
      %dma_start3A_138 = arith.constant 0 : i32
      %dma_start3A_139 = arith.constant 0 : i32
      %dma_start3A_140 = tpu.memref_slice %arg14[%dma_start3A_138, %dma_start3A_139] : memref<10000x128xf32, #tpu.memory_space<vmem_shared>> -> memref<10000x128xf32, #tpu.memory_space<vmem_shared>>
      tpu.enqueue_indirect_dma source(%dma_start3A_140 : memref<10000x128xf32, #tpu.memory_space<vmem_shared>>) target(%arg12 : memref<80x128xf32, #tpu.memory_space<vmem>>) offsets(%arg13 : memref<80xi32, #tpu.memory_space<vmem>>) semaphore(%arg16 : memref<!tpu.dma_semaphore, #tpu.memory_space<semaphore_mem>>)
      %dma_wait3A_141 = arith.constant 0 : i32
      %dma_wait3A_142 = arith.constant 0 : i32
      %dma_wait3A_143 = tpu.memref_slice %arg14[%dma_wait3A_141, %dma_wait3A_142] : memref<10000x128xf32, #tpu.memory_space<vmem_shared>> -> memref<10000x128xf32, #tpu.memory_space<vmem_shared>>
      tpu.wait_indirect_dma semaphore(%arg16 : memref<!tpu.dma_semaphore, #tpu.memory_space<semaphore_mem>>) src(%dma_wait3A_143 : memref<10000x128xf32, #tpu.memory_space<vmem_shared>>) dst(%arg12 : memref<80x128xf32, #tpu.memory_space<vmem>>)
      "tpu.region"() ({
        %run_scoped3A = tpu.sem_alloc : memref<!tpu.dma_semaphore, #tpu.memory_space<semaphore_mem>>
        %dma_start3A_462 = arith.constant 0 : i32
        %dma_start3A_463 = tpu.memref_slice %arg5[%arg0, %add3A_92, %dma_start3A_462] : memref<2x10000x128xf32, #tpu.memory_space<hbm>> -> memref<1x80x128xf32, #tpu.memory_space<hbm>>
        %dma_start3A_464 = tpu.memref_squeeze %dma_start3A_463 : memref<1x80x128xf32, #tpu.memory_space<hbm>> -> memref<80x128xf32, #tpu.memory_space<hbm>>
        %dma_start3A_465 = arith.constant 0 : i32
        %dma_start3A_466 = tpu.memref_slice %arg5[%arg0, %add3A_92, %dma_start3A_465] : memref<2x10000x128xf32, #tpu.memory_space<hbm>> -> memref<1x80x128xf32, #tpu.memory_space<hbm>>
        %dma_start3A_467 = tpu.memref_squeeze %dma_start3A_466 : memref<1x80x128xf32, #tpu.memory_space<hbm>> -> memref<80x128xf32, #tpu.memory_space<hbm>>
        tpu.enqueue_dma source(%arg12 : memref<80x128xf32, #tpu.memory_space<vmem>>) target(%dma_start3A_467 : memref<80x128xf32, #tpu.memory_space<hbm>>) target_semaphore(%run_scoped3A : memref<!tpu.dma_semaphore, #tpu.memory_space<semaphore_mem>>)
        %dma_wait3A_468 = arith.constant 0 : i32
        %dma_wait3A_469 = tpu.memref_slice %arg5[%arg0, %add3A_92, %dma_wait3A_468] : memref<2x10000x128xf32, #tpu.memory_space<hbm>> -> memref<1x80x128xf32, #tpu.memory_space<hbm>>
        %dma_wait3A_470 = tpu.memref_squeeze %dma_wait3A_469 : memref<1x80x128xf32, #tpu.memory_space<hbm>> -> memref<80x128xf32, #tpu.memory_space<hbm>>
        %dma_wait3A_471 = arith.constant 0 : i32
        %dma_wait3A_472 = tpu.memref_slice %arg5[%arg0, %add3A_92, %dma_wait3A_471] : memref<2x10000x128xf32, #tpu.memory_space<hbm>> -> memref<1x80x128xf32, #tpu.memory_space<hbm>>
        %dma_wait3A_473 = tpu.memref_squeeze %dma_wait3A_472 : memref<1x80x128xf32, #tpu.memory_space<hbm>> -> memref<80x128xf32, #tpu.memory_space<hbm>>
        tpu.wait_dma2 semaphore(%run_scoped3A : memref<!tpu.dma_semaphore, #tpu.memory_space<semaphore_mem>>) src(%arg12 : memref<80x128xf32, #tpu.memory_space<vmem>>) dst(%dma_wait3A_473 : memref<80x128xf32, #tpu.memory_space<hbm>>)
        tpu.yield
      }) : () -> ()
      %add3A_144 = arith.constant 160 : i32
      %add3A_145 = arith.addi %multiple_of3A, %add3A_144 : i32
      %iota3A_146 = tpu.iota {dimensions = array<i32: 0>} : vector<16xi32>
      %add3A_147 = arith.constant 0 : i32
      %add3A_148 = arith.addi %add3A_145, %add3A_147 : i32
      %add3A_149 = vector.broadcast %add3A_148 : i32 to vector<16xi32>
      %add3A_150 = arith.addi %iota3A_146, %add3A_149 : vector<16xi32>
      %swap3A_151 = arith.constant 0 : index
      %swap3A_152 = tpu.vector_load %arg13[%swap3A_151] {strides = array<i32>} : memref<80xi32, #tpu.memory_space<vmem>>, vector<16xi32>,
      %swap3A_153 = vector.shape_cast %swap3A_152 : vector<16xi32> to vector<16xi32>
      %swap3A_154 = vector.shape_cast %add3A_150 : vector<16xi32> to vector<16xi32>
      tpu.vector_store %arg13[%swap3A_151], %swap3A_154 {strides = array<i32>} : memref<80xi32, #tpu.memory_space<vmem>>, vector<16xi32>,
      %iota3A_155 = tpu.iota {dimensions = array<i32: 0>} : vector<16xi32>
      %add3A_156 = arith.constant 16 : i32
      %add3A_157 = arith.addi %add3A_145, %add3A_156 : i32
      %add3A_158 = vector.broadcast %add3A_157 : i32 to vector<16xi32>
      %add3A_159 = arith.addi %iota3A_155, %add3A_158 : vector<16xi32>
      %swap3A_160 = arith.constant 16 : index
      %swap3A_161 = tpu.vector_load %arg13[%swap3A_160] {strides = array<i32>} : memref<80xi32, #tpu.memory_space<vmem>>, vector<16xi32>,
      %swap3A_162 = vector.shape_cast %swap3A_161 : vector<16xi32> to vector<16xi32>
      %swap3A_163 = vector.shape_cast %add3A_159 : vector<16xi32> to vector<16xi32>
      tpu.vector_store %arg13[%swap3A_160], %swap3A_163 {strides = array<i32>} : memref<80xi32, #tpu.memory_space<vmem>>, vector<16xi32>,
      %iota3A_164 = tpu.iota {dimensions = array<i32: 0>} : vector<16xi32>
      %add3A_165 = arith.constant 32 : i32
      %add3A_166 = arith.addi %add3A_145, %add3A_165 : i32
      %add3A_167 = vector.broadcast %add3A_166 : i32 to vector<16xi32>
      %add3A_168 = arith.addi %iota3A_164, %add3A_167 : vector<16xi32>
      %swap3A_169 = arith.constant 32 : index
      %swap3A_170 = tpu.vector_load %arg13[%swap3A_169] {strides = array<i32>} : memref<80xi32, #tpu.memory_space<vmem>>, vector<16xi32>,
      %swap3A_171 = vector.shape_cast %swap3A_170 : vector<16xi32> to vector<16xi32>
      %swap3A_172 = vector.shape_cast %add3A_168 : vector<16xi32> to vector<16xi32>
      tpu.vector_store %arg13[%swap3A_169], %swap3A_172 {strides = array<i32>} : memref<80xi32, #tpu.memory_space<vmem>>, vector<16xi32>,
      %iota3A_173 = tpu.iota {dimensions = array<i32: 0>} : vector<16xi32>
      %add3A_174 = arith.constant 48 : i32
      %add3A_175 = arith.addi %add3A_145, %add3A_174 : i32
      %add3A_176 = vector.broadcast %add3A_175 : i32 to vector<16xi32>
      %add3A_177 = arith.addi %iota3A_173, %add3A_176 : vector<16xi32>
      %swap3A_178 = arith.constant 48 : index
      %swap3A_179 = tpu.vector_load %arg13[%swap3A_178] {strides = array<i32>} : memref<80xi32, #tpu.memory_space<vmem>>, vector<16xi32>,
      %swap3A_180 = vector.shape_cast %swap3A_179 : vector<16xi32> to vector<16xi32>
      %swap3A_181 = vector.shape_cast %add3A_177 : vector<16xi32> to vector<16xi32>
      tpu.vector_store %arg13[%swap3A_178], %swap3A_181 {strides = array<i32>} : memref<80xi32, #tpu.memory_space<vmem>>, vector<16xi32>,
      %iota3A_182 = tpu.iota {dimensions = array<i32: 0>} : vector<16xi32>
      %add3A_183 = arith.constant 64 : i32
      %add3A_184 = arith.addi %add3A_145, %add3A_183 : i32
      %add3A_185 = vector.broadcast %add3A_184 : i32 to vector<16xi32>
      %add3A_186 = arith.addi %iota3A_182, %add3A_185 : vector<16xi32>
      %swap3A_187 = arith.constant 64 : index
      %swap3A_188 = tpu.vector_load %arg13[%swap3A_187] {strides = array<i32>} : memref<80xi32, #tpu.memory_space<vmem>>, vector<16xi32>,
      %swap3A_189 = vector.shape_cast %swap3A_188 : vector<16xi32> to vector<16xi32>
      %swap3A_190 = vector.shape_cast %add3A_186 : vector<16xi32> to vector<16xi32>
      tpu.vector_store %arg13[%swap3A_187], %swap3A_190 {strides = array<i32>} : memref<80xi32, #tpu.memory_space<vmem>>, vector<16xi32>,
      %dma_start3A_191 = arith.constant 0 : i32
      %dma_start3A_192 = arith.constant 0 : i32
      %dma_start3A_193 = tpu.memref_slice %arg14[%dma_start3A_191, %dma_start3A_192] : memref<10000x128xf32, #tpu.memory_space<vmem_shared>> -> memref<10000x128xf32, #tpu.memory_space<vmem_shared>>
      tpu.enqueue_indirect_dma source(%dma_start3A_193 : memref<10000x128xf32, #tpu.memory_space<vmem_shared>>) target(%arg12 : memref<80x128xf32, #tpu.memory_space<vmem>>) offsets(%arg13 : memref<80xi32, #tpu.memory_space<vmem>>) semaphore(%arg16 : memref<!tpu.dma_semaphore, #tpu.memory_space<semaphore_mem>>)
      %dma_wait3A_194 = arith.constant 0 : i32
      %dma_wait3A_195 = arith.constant 0 : i32
      %dma_wait3A_196 = tpu.memref_slice %arg14[%dma_wait3A_194, %dma_wait3A_195] : memref<10000x128xf32, #tpu.memory_space<vmem_shared>> -> memref<10000x128xf32, #tpu.memory_space<vmem_shared>>
      tpu.wait_indirect_dma semaphore(%arg16 : memref<!tpu.dma_semaphore, #tpu.memory_space<semaphore_mem>>) src(%dma_wait3A_196 : memref<10000x128xf32, #tpu.memory_space<vmem_shared>>) dst(%arg12 : memref<80x128xf32, #tpu.memory_space<vmem>>)
      "tpu.region"() ({
        %run_scoped3A = tpu.sem_alloc : memref<!tpu.dma_semaphore, #tpu.memory_space<semaphore_mem>>
        %dma_start3A_462 = arith.constant 0 : i32
        %dma_start3A_463 = tpu.memref_slice %arg5[%arg0, %add3A_145, %dma_start3A_462] : memref<2x10000x128xf32, #tpu.memory_space<hbm>> -> memref<1x80x128xf32, #tpu.memory_space<hbm>>
        %dma_start3A_464 = tpu.memref_squeeze %dma_start3A_463 : memref<1x80x128xf32, #tpu.memory_space<hbm>> -> memref<80x128xf32, #tpu.memory_space<hbm>>
        %dma_start3A_465 = arith.constant 0 : i32
        %dma_start3A_466 = tpu.memref_slice %arg5[%arg0, %add3A_145, %dma_start3A_465] : memref<2x10000x128xf32, #tpu.memory_space<hbm>> -> memref<1x80x128xf32, #tpu.memory_space<hbm>>
        %dma_start3A_467 = tpu.memref_squeeze %dma_start3A_466 : memref<1x80x128xf32, #tpu.memory_space<hbm>> -> memref<80x128xf32, #tpu.memory_space<hbm>>
        tpu.enqueue_dma source(%arg12 : memref<80x128xf32, #tpu.memory_space<vmem>>) target(%dma_start3A_467 : memref<80x128xf32, #tpu.memory_space<hbm>>) target_semaphore(%run_scoped3A : memref<!tpu.dma_semaphore, #tpu.memory_space<semaphore_mem>>)
        %dma_wait3A_468 = arith.constant 0 : i32
        %dma_wait3A_469 = tpu.memref_slice %arg5[%arg0, %add3A_145, %dma_wait3A_468] : memref<2x10000x128xf32, #tpu.memory_space<hbm>> -> memref<1x80x128xf32, #tpu.memory_space<hbm>>
        %dma_wait3A_470 = tpu.memref_squeeze %dma_wait3A_469 : memref<1x80x128xf32, #tpu.memory_space<hbm>> -> memref<80x128xf32, #tpu.memory_space<hbm>>
        %dma_wait3A_471 = arith.constant 0 : i32
        %dma_wait3A_472 = tpu.memref_slice %arg5[%arg0, %add3A_145, %dma_wait3A_471] : memref<2x10000x128xf32, #tpu.memory_space<hbm>> -> memref<1x80x128xf32, #tpu.memory_space<hbm>>
        %dma_wait3A_473 = tpu.memref_squeeze %dma_wait3A_472 : memref<1x80x128xf32, #tpu.memory_space<hbm>> -> memref<80x128xf32, #tpu.memory_space<hbm>>
        tpu.wait_dma2 semaphore(%run_scoped3A : memref<!tpu.dma_semaphore, #tpu.memory_space<semaphore_mem>>) src(%arg12 : memref<80x128xf32, #tpu.memory_space<vmem>>) dst(%dma_wait3A_473 : memref<80x128xf32, #tpu.memory_space<hbm>>)
        tpu.yield
      }) : () -> ()
      %add3A_197 = arith.constant 240 : i32
      %add3A_198 = arith.addi %multiple_of3A, %add3A_197 : i32
      %iota3A_199 = tpu.iota {dimensions = array<i32: 0>} : vector<16xi32>
      %add3A_200 = arith.constant 0 : i32
      %add3A_201 = arith.addi %add3A_198, %add3A_200 : i32
      %add3A_202 = vector.broadcast %add3A_201 : i32 to vector<16xi32>
      %add3A_203 = arith.addi %iota3A_199, %add3A_202 : vector<16xi32>
      %swap3A_204 = arith.constant 0 : index
      %swap3A_205 = tpu.vector_load %arg13[%swap3A_204] {strides = array<i32>} : memref<80xi32, #tpu.memory_space<vmem>>, vector<16xi32>,
      %swap3A_206 = vector.shape_cast %swap3A_205 : vector<16xi32> to vector<16xi32>
      %swap3A_207 = vector.shape_cast %add3A_203 : vector<16xi32> to vector<16xi32>
      tpu.vector_store %arg13[%swap3A_204], %swap3A_207 {strides = array<i32>} : memref<80xi32, #tpu.memory_space<vmem>>, vector<16xi32>,
      %iota3A_208 = tpu.iota {dimensions = array<i32: 0>} : vector<16xi32>
      %add3A_209 = arith.constant 16 : i32
      %add3A_210 = arith.addi %add3A_198, %add3A_209 : i32
      %add3A_211 = vector.broadcast %add3A_210 : i32 to vector<16xi32>
      %add3A_212 = arith.addi %iota3A_208, %add3A_211 : vector<16xi32>
      %swap3A_213 = arith.constant 16 : index
      %swap3A_214 = tpu.vector_load %arg13[%swap3A_213] {strides = array<i32>} : memref<80xi32, #tpu.memory_space<vmem>>, vector<16xi32>,
      %swap3A_215 = vector.shape_cast %swap3A_214 : vector<16xi32> to vector<16xi32>
      %swap3A_216 = vector.shape_cast %add3A_212 : vector<16xi32> to vector<16xi32>
      tpu.vector_store %arg13[%swap3A_213], %swap3A_216 {strides = array<i32>} : memref<80xi32, #tpu.memory_space<vmem>>, vector<16xi32>,
      %iota3A_217 = tpu.iota {dimensions = array<i32: 0>} : vector<16xi32>
      %add3A_218 = arith.constant 32 : i32
      %add3A_219 = arith.addi %add3A_198, %add3A_218 : i32
      %add3A_220 = vector.broadcast %add3A_219 : i32 to vector<16xi32>
      %add3A_221 = arith.addi %iota3A_217, %add3A_220 : vector<16xi32>
      %swap3A_222 = arith.constant 32 : index
      %swap3A_223 = tpu.vector_load %arg13[%swap3A_222] {strides = array<i32>} : memref<80xi32, #tpu.memory_space<vmem>>, vector<16xi32>,
      %swap3A_224 = vector.shape_cast %swap3A_223 : vector<16xi32> to vector<16xi32>
      %swap3A_225 = vector.shape_cast %add3A_221 : vector<16xi32> to vector<16xi32>
      tpu.vector_store %arg13[%swap3A_222], %swap3A_225 {strides = array<i32>} : memref<80xi32, #tpu.memory_space<vmem>>, vector<16xi32>,
      %iota3A_226 = tpu.iota {dimensions = array<i32: 0>} : vector<16xi32>
      %add3A_227 = arith.constant 48 : i32
      %add3A_228 = arith.addi %add3A_198, %add3A_227 : i32
      %add3A_229 = vector.broadcast %add3A_228 : i32 to vector<16xi32>
      %add3A_230 = arith.addi %iota3A_226, %add3A_229 : vector<16xi32>
      %swap3A_231 = arith.constant 48 : index
      %swap3A_232 = tpu.vector_load %arg13[%swap3A_231] {strides = array<i32>} : memref<80xi32, #tpu.memory_space<vmem>>, vector<16xi32>,
      %swap3A_233 = vector.shape_cast %swap3A_232 : vector<16xi32> to vector<16xi32>
      %swap3A_234 = vector.shape_cast %add3A_230 : vector<16xi32> to vector<16xi32>
      tpu.vector_store %arg13[%swap3A_231], %swap3A_234 {strides = array<i32>} : memref<80xi32, #tpu.memory_space<vmem>>, vector<16xi32>,
      %iota3A_235 = tpu.iota {dimensions = array<i32: 0>} : vector<16xi32>
      %add3A_236 = arith.constant 64 : i32
      %add3A_237 = arith.addi %add3A_198, %add3A_236 : i32
      %add3A_238 = vector.broadcast %add3A_237 : i32 to vector<16xi32>
      %add3A_239 = arith.addi %iota3A_235, %add3A_238 : vector<16xi32>
      %swap3A_240 = arith.constant 64 : index
      %swap3A_241 = tpu.vector_load %arg13[%swap3A_240] {strides = array<i32>} : memref<80xi32, #tpu.memory_space<vmem>>, vector<16xi32>,
      %swap3A_242 = vector.shape_cast %swap3A_241 : vector<16xi32> to vector<16xi32>
      %swap3A_243 = vector.shape_cast %add3A_239 : vector<16xi32> to vector<16xi32>
      tpu.vector_store %arg13[%swap3A_240], %swap3A_243 {strides = array<i32>} : memref<80xi32, #tpu.memory_space<vmem>>, vector<16xi32>,
      %dma_start3A_244 = arith.constant 0 : i32
      %dma_start3A_245 = arith.constant 0 : i32
      %dma_start3A_246 = tpu.memref_slice %arg14[%dma_start3A_244, %dma_start3A_245] : memref<10000x128xf32, #tpu.memory_space<vmem_shared>> -> memref<10000x128xf32, #tpu.memory_space<vmem_shared>>
      tpu.enqueue_indirect_dma source(%dma_start3A_246 : memref<10000x128xf32, #tpu.memory_space<vmem_shared>>) target(%arg12 : memref<80x128xf32, #tpu.memory_space<vmem>>) offsets(%arg13 : memref<80xi32, #tpu.memory_space<vmem>>) semaphore(%arg16 : memref<!tpu.dma_semaphore, #tpu.memory_space<semaphore_mem>>)
      %dma_wait3A_247 = arith.constant 0 : i32
      %dma_wait3A_248 = arith.constant 0 : i32
      %dma_wait3A_249 = tpu.memref_slice %arg14[%dma_wait3A_247, %dma_wait3A_248] : memref<10000x128xf32, #tpu.memory_space<vmem_shared>> -> memref<10000x128xf32, #tpu.memory_space<vmem_shared>>
      tpu.wait_indirect_dma semaphore(%arg16 : memref<!tpu.dma_semaphore, #tpu.memory_space<semaphore_mem>>) src(%dma_wait3A_249 : memref<10000x128xf32, #tpu.memory_space<vmem_shared>>) dst(%arg12 : memref<80x128xf32, #tpu.memory_space<vmem>>)
      "tpu.region"() ({
        %run_scoped3A = tpu.sem_alloc : memref<!tpu.dma_semaphore, #tpu.memory_space<semaphore_mem>>
        %dma_start3A_462 = arith.constant 0 : i32
        %dma_start3A_463 = tpu.memref_slice %arg5[%arg0, %add3A_198, %dma_start3A_462] : memref<2x10000x128xf32, #tpu.memory_space<hbm>> -> memref<1x80x128xf32, #tpu.memory_space<hbm>>
        %dma_start3A_464 = tpu.memref_squeeze %dma_start3A_463 : memref<1x80x128xf32, #tpu.memory_space<hbm>> -> memref<80x128xf32, #tpu.memory_space<hbm>>
        %dma_start3A_465 = arith.constant 0 : i32
        %dma_start3A_466 = tpu.memref_slice %arg5[%arg0, %add3A_198, %dma_start3A_465] : memref<2x10000x128xf32, #tpu.memory_space<hbm>> -> memref<1x80x128xf32, #tpu.memory_space<hbm>>
        %dma_start3A_467 = tpu.memref_squeeze %dma_start3A_466 : memref<1x80x128xf32, #tpu.memory_space<hbm>> -> memref<80x128xf32, #tpu.memory_space<hbm>>
        tpu.enqueue_dma source(%arg12 : memref<80x128xf32, #tpu.memory_space<vmem>>) target(%dma_start3A_467 : memref<80x128xf32, #tpu.memory_space<hbm>>) target_semaphore(%run_scoped3A : memref<!tpu.dma_semaphore, #tpu.memory_space<semaphore_mem>>)
        %dma_wait3A_468 = arith.constant 0 : i32
        %dma_wait3A_469 = tpu.memref_slice %arg5[%arg0, %add3A_198, %dma_wait3A_468] : memref<2x10000x128xf32, #tpu.memory_space<hbm>> -> memref<1x80x128xf32, #tpu.memory_space<hbm>>
        %dma_wait3A_470 = tpu.memref_squeeze %dma_wait3A_469 : memref<1x80x128xf32, #tpu.memory_space<hbm>> -> memref<80x128xf32, #tpu.memory_space<hbm>>
        %dma_wait3A_471 = arith.constant 0 : i32
        %dma_wait3A_472 = tpu.memref_slice %arg5[%arg0, %add3A_198, %dma_wait3A_471] : memref<2x10000x128xf32, #tpu.memory_space<hbm>> -> memref<1x80x128xf32, #tpu.memory_space<hbm>>
        %dma_wait3A_473 = tpu.memref_squeeze %dma_wait3A_472 : memref<1x80x128xf32, #tpu.memory_space<hbm>> -> memref<80x128xf32, #tpu.memory_space<hbm>>
        tpu.wait_dma2 semaphore(%run_scoped3A : memref<!tpu.dma_semaphore, #tpu.memory_space<semaphore_mem>>) src(%arg12 : memref<80x128xf32, #tpu.memory_space<vmem>>) dst(%dma_wait3A_473 : memref<80x128xf32, #tpu.memory_space<hbm>>)
        tpu.yield
      }) : () -> ()
      %add3A_250 = arith.constant 320 : i32
      %add3A_251 = arith.addi %multiple_of3A, %add3A_250 : i32
      %iota3A_252 = tpu.iota {dimensions = array<i32: 0>} : vector<16xi32>
      %add3A_253 = arith.constant 0 : i32
      %add3A_254 = arith.addi %add3A_251, %add3A_253 : i32
      %add3A_255 = vector.broadcast %add3A_254 : i32 to vector<16xi32>
      %add3A_256 = arith.addi %iota3A_252, %add3A_255 : vector<16xi32>
      %swap3A_257 = arith.constant 0 : index
      %swap3A_258 = tpu.vector_load %arg13[%swap3A_257] {strides = array<i32>} : memref<80xi32, #tpu.memory_space<vmem>>, vector<16xi32>,
      %swap3A_259 = vector.shape_cast %swap3A_258 : vector<16xi32> to vector<16xi32>
      %swap3A_260 = vector.shape_cast %add3A_256 : vector<16xi32> to vector<16xi32>
      tpu.vector_store %arg13[%swap3A_257], %swap3A_260 {strides = array<i32>} : memref<80xi32, #tpu.memory_space<vmem>>, vector<16xi32>,
      %iota3A_261 = tpu.iota {dimensions = array<i32: 0>} : vector<16xi32>
      %add3A_262 = arith.constant 16 : i32
      %add3A_263 = arith.addi %add3A_251, %add3A_262 : i32
      %add3A_264 = vector.broadcast %add3A_263 : i32 to vector<16xi32>
      %add3A_265 = arith.addi %iota3A_261, %add3A_264 : vector<16xi32>
      %swap3A_266 = arith.constant 16 : index
      %swap3A_267 = tpu.vector_load %arg13[%swap3A_266] {strides = array<i32>} : memref<80xi32, #tpu.memory_space<vmem>>, vector<16xi32>,
      %swap3A_268 = vector.shape_cast %swap3A_267 : vector<16xi32> to vector<16xi32>
      %swap3A_269 = vector.shape_cast %add3A_265 : vector<16xi32> to vector<16xi32>
      tpu.vector_store %arg13[%swap3A_266], %swap3A_269 {strides = array<i32>} : memref<80xi32, #tpu.memory_space<vmem>>, vector<16xi32>,
      %iota3A_270 = tpu.iota {dimensions = array<i32: 0>} : vector<16xi32>
      %add3A_271 = arith.constant 32 : i32
      %add3A_272 = arith.addi %add3A_251, %add3A_271 : i32
      %add3A_273 = vector.broadcast %add3A_272 : i32 to vector<16xi32>
      %add3A_274 = arith.addi %iota3A_270, %add3A_273 : vector<16xi32>
      %swap3A_275 = arith.constant 32 : index
      %swap3A_276 = tpu.vector_load %arg13[%swap3A_275] {strides = array<i32>} : memref<80xi32, #tpu.memory_space<vmem>>, vector<16xi32>,
      %swap3A_277 = vector.shape_cast %swap3A_276 : vector<16xi32> to vector<16xi32>
      %swap3A_278 = vector.shape_cast %add3A_274 : vector<16xi32> to vector<16xi32>
      tpu.vector_store %arg13[%swap3A_275], %swap3A_278 {strides = array<i32>} : memref<80xi32, #tpu.memory_space<vmem>>, vector<16xi32>,
      %iota3A_279 = tpu.iota {dimensions = array<i32: 0>} : vector<16xi32>
      %add3A_280 = arith.constant 48 : i32
      %add3A_281 = arith.addi %add3A_251, %add3A_280 : i32
      %add3A_282 = vector.broadcast %add3A_281 : i32 to vector<16xi32>
      %add3A_283 = arith.addi %iota3A_279, %add3A_282 : vector<16xi32>
      %swap3A_284 = arith.constant 48 : index
      %swap3A_285 = tpu.vector_load %arg13[%swap3A_284] {strides = array<i32>} : memref<80xi32, #tpu.memory_space<vmem>>, vector<16xi32>,
      %swap3A_286 = vector.shape_cast %swap3A_285 : vector<16xi32> to vector<16xi32>
      %swap3A_287 = vector.shape_cast %add3A_283 : vector<16xi32> to vector<16xi32>
      tpu.vector_store %arg13[%swap3A_284], %swap3A_287 {strides = array<i32>} : memref<80xi32, #tpu.memory_space<vmem>>, vector<16xi32>,
      %iota3A_288 = tpu.iota {dimensions = array<i32: 0>} : vector<16xi32>
      %add3A_289 = arith.constant 64 : i32
      %add3A_290 = arith.addi %add3A_251, %add3A_289 : i32
      %add3A_291 = vector.broadcast %add3A_290 : i32 to vector<16xi32>
      %add3A_292 = arith.addi %iota3A_288, %add3A_291 : vector<16xi32>
      %swap3A_293 = arith.constant 64 : index
      %swap3A_294 = tpu.vector_load %arg13[%swap3A_293] {strides = array<i32>} : memref<80xi32, #tpu.memory_space<vmem>>, vector<16xi32>,
      %swap3A_295 = vector.shape_cast %swap3A_294 : vector<16xi32> to vector<16xi32>
      %swap3A_296 = vector.shape_cast %add3A_292 : vector<16xi32> to vector<16xi32>
      tpu.vector_store %arg13[%swap3A_293], %swap3A_296 {strides = array<i32>} : memref<80xi32, #tpu.memory_space<vmem>>, vector<16xi32>,
      %dma_start3A_297 = arith.constant 0 : i32
      %dma_start3A_298 = arith.constant 0 : i32
      %dma_start3A_299 = tpu.memref_slice %arg14[%dma_start3A_297, %dma_start3A_298] : memref<10000x128xf32, #tpu.memory_space<vmem_shared>> -> memref<10000x128xf32, #tpu.memory_space<vmem_shared>>
      tpu.enqueue_indirect_dma source(%dma_start3A_299 : memref<10000x128xf32, #tpu.memory_space<vmem_shared>>) target(%arg12 : memref<80x128xf32, #tpu.memory_space<vmem>>) offsets(%arg13 : memref<80xi32, #tpu.memory_space<vmem>>) semaphore(%arg16 : memref<!tpu.dma_semaphore, #tpu.memory_space<semaphore_mem>>)
      %dma_wait3A_300 = arith.constant 0 : i32
      %dma_wait3A_301 = arith.constant 0 : i32
      %dma_wait3A_302 = tpu.memref_slice %arg14[%dma_wait3A_300, %dma_wait3A_301] : memref<10000x128xf32, #tpu.memory_space<vmem_shared>> -> memref<10000x128xf32, #tpu.memory_space<vmem_shared>>
      tpu.wait_indirect_dma semaphore(%arg16 : memref<!tpu.dma_semaphore, #tpu.memory_space<semaphore_mem>>) src(%dma_wait3A_302 : memref<10000x128xf32, #tpu.memory_space<vmem_shared>>) dst(%arg12 : memref<80x128xf32, #tpu.memory_space<vmem>>)
      "tpu.region"() ({
        %run_scoped3A = tpu.sem_alloc : memref<!tpu.dma_semaphore, #tpu.memory_space<semaphore_mem>>
        %dma_start3A_462 = arith.constant 0 : i32
        %dma_start3A_463 = tpu.memref_slice %arg5[%arg0, %add3A_251, %dma_start3A_462] : memref<2x10000x128xf32, #tpu.memory_space<hbm>> -> memref<1x80x128xf32, #tpu.memory_space<hbm>>
        %dma_start3A_464 = tpu.memref_squeeze %dma_start3A_463 : memref<1x80x128xf32, #tpu.memory_space<hbm>> -> memref<80x128xf32, #tpu.memory_space<hbm>>
        %dma_start3A_465 = arith.constant 0 : i32
        %dma_start3A_466 = tpu.memref_slice %arg5[%arg0, %add3A_251, %dma_start3A_465] : memref<2x10000x128xf32, #tpu.memory_space<hbm>> -> memref<1x80x128xf32, #tpu.memory_space<hbm>>
        %dma_start3A_467 = tpu.memref_squeeze %dma_start3A_466 : memref<1x80x128xf32, #tpu.memory_space<hbm>> -> memref<80x128xf32, #tpu.memory_space<hbm>>
        tpu.enqueue_dma source(%arg12 : memref<80x128xf32, #tpu.memory_space<vmem>>) target(%dma_start3A_467 : memref<80x128xf32, #tpu.memory_space<hbm>>) target_semaphore(%run_scoped3A : memref<!tpu.dma_semaphore, #tpu.memory_space<semaphore_mem>>)
        %dma_wait3A_468 = arith.constant 0 : i32
        %dma_wait3A_469 = tpu.memref_slice %arg5[%arg0, %add3A_251, %dma_wait3A_468] : memref<2x10000x128xf32, #tpu.memory_space<hbm>> -> memref<1x80x128xf32, #tpu.memory_space<hbm>>
        %dma_wait3A_470 = tpu.memref_squeeze %dma_wait3A_469 : memref<1x80x128xf32, #tpu.memory_space<hbm>> -> memref<80x128xf32, #tpu.memory_space<hbm>>
        %dma_wait3A_471 = arith.constant 0 : i32
        %dma_wait3A_472 = tpu.memref_slice %arg5[%arg0, %add3A_251, %dma_wait3A_471] : memref<2x10000x128xf32, #tpu.memory_space<hbm>> -> memref<1x80x128xf32, #tpu.memory_space<hbm>>
        %dma_wait3A_473 = tpu.memref_squeeze %dma_wait3A_472 : memref<1x80x128xf32, #tpu.memory_space<hbm>> -> memref<80x128xf32, #tpu.memory_space<hbm>>
        tpu.wait_dma2 semaphore(%run_scoped3A : memref<!tpu.dma_semaphore, #tpu.memory_space<semaphore_mem>>) src(%arg12 : memref<80x128xf32, #tpu.memory_space<vmem>>) dst(%dma_wait3A_473 : memref<80x128xf32, #tpu.memory_space<hbm>>)
        tpu.yield
      }) : () -> ()
      %add3A_303 = arith.constant 400 : i32
      %add3A_304 = arith.addi %multiple_of3A, %add3A_303 : i32
      %iota3A_305 = tpu.iota {dimensions = array<i32: 0>} : vector<16xi32>
      %add3A_306 = arith.constant 0 : i32
      %add3A_307 = arith.addi %add3A_304, %add3A_306 : i32
      %add3A_308 = vector.broadcast %add3A_307 : i32 to vector<16xi32>
      %add3A_309 = arith.addi %iota3A_305, %add3A_308 : vector<16xi32>
      %swap3A_310 = arith.constant 0 : index
      %swap3A_311 = tpu.vector_load %arg13[%swap3A_310] {strides = array<i32>} : memref<80xi32, #tpu.memory_space<vmem>>, vector<16xi32>,
      %swap3A_312 = vector.shape_cast %swap3A_311 : vector<16xi32> to vector<16xi32>
      %swap3A_313 = vector.shape_cast %add3A_309 : vector<16xi32> to vector<16xi32>
      tpu.vector_store %arg13[%swap3A_310], %swap3A_313 {strides = array<i32>} : memref<80xi32, #tpu.memory_space<vmem>>, vector<16xi32>,
      %iota3A_314 = tpu.iota {dimensions = array<i32: 0>} : vector<16xi32>
      %add3A_315 = arith.constant 16 : i32
      %add3A_316 = arith.addi %add3A_304, %add3A_315 : i32
      %add3A_317 = vector.broadcast %add3A_316 : i32 to vector<16xi32>
      %add3A_318 = arith.addi %iota3A_314, %add3A_317 : vector<16xi32>
      %swap3A_319 = arith.constant 16 : index
      %swap3A_320 = tpu.vector_load %arg13[%swap3A_319] {strides = array<i32>} : memref<80xi32, #tpu.memory_space<vmem>>, vector<16xi32>,
      %swap3A_321 = vector.shape_cast %swap3A_320 : vector<16xi32> to vector<16xi32>
      %swap3A_322 = vector.shape_cast %add3A_318 : vector<16xi32> to vector<16xi32>
      tpu.vector_store %arg13[%swap3A_319], %swap3A_322 {strides = array<i32>} : memref<80xi32, #tpu.memory_space<vmem>>, vector<16xi32>,
      %iota3A_323 = tpu.iota {dimensions = array<i32: 0>} : vector<16xi32>
      %add3A_324 = arith.constant 32 : i32
      %add3A_325 = arith.addi %add3A_304, %add3A_324 : i32
      %add3A_326 = vector.broadcast %add3A_325 : i32 to vector<16xi32>
      %add3A_327 = arith.addi %iota3A_323, %add3A_326 : vector<16xi32>
      %swap3A_328 = arith.constant 32 : index
      %swap3A_329 = tpu.vector_load %arg13[%swap3A_328] {strides = array<i32>} : memref<80xi32, #tpu.memory_space<vmem>>, vector<16xi32>,
      %swap3A_330 = vector.shape_cast %swap3A_329 : vector<16xi32> to vector<16xi32>
      %swap3A_331 = vector.shape_cast %add3A_327 : vector<16xi32> to vector<16xi32>
      tpu.vector_store %arg13[%swap3A_328], %swap3A_331 {strides = array<i32>} : memref<80xi32, #tpu.memory_space<vmem>>, vector<16xi32>,
      %iota3A_332 = tpu.iota {dimensions = array<i32: 0>} : vector<16xi32>
      %add3A_333 = arith.constant 48 : i32
      %add3A_334 = arith.addi %add3A_304, %add3A_333 : i32
      %add3A_335 = vector.broadcast %add3A_334 : i32 to vector<16xi32>
      %add3A_336 = arith.addi %iota3A_332, %add3A_335 : vector<16xi32>
      %swap3A_337 = arith.constant 48 : index
      %swap3A_338 = tpu.vector_load %arg13[%swap3A_337] {strides = array<i32>} : memref<80xi32, #tpu.memory_space<vmem>>, vector<16xi32>,
      %swap3A_339 = vector.shape_cast %swap3A_338 : vector<16xi32> to vector<16xi32>
      %swap3A_340 = vector.shape_cast %add3A_336 : vector<16xi32> to vector<16xi32>
      tpu.vector_store %arg13[%swap3A_337], %swap3A_340 {strides = array<i32>} : memref<80xi32, #tpu.memory_space<vmem>>, vector<16xi32>,
      %iota3A_341 = tpu.iota {dimensions = array<i32: 0>} : vector<16xi32>
      %add3A_342 = arith.constant 64 : i32
      %add3A_343 = arith.addi %add3A_304, %add3A_342 : i32
      %add3A_344 = vector.broadcast %add3A_343 : i32 to vector<16xi32>
      %add3A_345 = arith.addi %iota3A_341, %add3A_344 : vector<16xi32>
      %swap3A_346 = arith.constant 64 : index
      %swap3A_347 = tpu.vector_load %arg13[%swap3A_346] {strides = array<i32>} : memref<80xi32, #tpu.memory_space<vmem>>, vector<16xi32>,
      %swap3A_348 = vector.shape_cast %swap3A_347 : vector<16xi32> to vector<16xi32>
      %swap3A_349 = vector.shape_cast %add3A_345 : vector<16xi32> to vector<16xi32>
      tpu.vector_store %arg13[%swap3A_346], %swap3A_349 {strides = array<i32>} : memref<80xi32, #tpu.memory_space<vmem>>, vector<16xi32>,
      %dma_start3A_350 = arith.constant 0 : i32
      %dma_start3A_351 = arith.constant 0 : i32
      %dma_start3A_352 = tpu.memref_slice %arg14[%dma_start3A_350, %dma_start3A_351] : memref<10000x128xf32, #tpu.memory_space<vmem_shared>> -> memref<10000x128xf32, #tpu.memory_space<vmem_shared>>
      tpu.enqueue_indirect_dma source(%dma_start3A_352 : memref<10000x128xf32, #tpu.memory_space<vmem_shared>>) target(%arg12 : memref<80x128xf32, #tpu.memory_space<vmem>>) offsets(%arg13 : memref<80xi32, #tpu.memory_space<vmem>>) semaphore(%arg16 : memref<!tpu.dma_semaphore, #tpu.memory_space<semaphore_mem>>)
      %dma_wait3A_353 = arith.constant 0 : i32
      %dma_wait3A_354 = arith.constant 0 : i32
      %dma_wait3A_355 = tpu.memref_slice %arg14[%dma_wait3A_353, %dma_wait3A_354] : memref<10000x128xf32, #tpu.memory_space<vmem_shared>> -> memref<10000x128xf32, #tpu.memory_space<vmem_shared>>
      tpu.wait_indirect_dma semaphore(%arg16 : memref<!tpu.dma_semaphore, #tpu.memory_space<semaphore_mem>>) src(%dma_wait3A_355 : memref<10000x128xf32, #tpu.memory_space<vmem_shared>>) dst(%arg12 : memref<80x128xf32, #tpu.memory_space<vmem>>)
      "tpu.region"() ({
        %run_scoped3A = tpu.sem_alloc : memref<!tpu.dma_semaphore, #tpu.memory_space<semaphore_mem>>
        %dma_start3A_462 = arith.constant 0 : i32
        %dma_start3A_463 = tpu.memref_slice %arg5[%arg0, %add3A_304, %dma_start3A_462] : memref<2x10000x128xf32, #tpu.memory_space<hbm>> -> memref<1x80x128xf32, #tpu.memory_space<hbm>>
        %dma_start3A_464 = tpu.memref_squeeze %dma_start3A_463 : memref<1x80x128xf32, #tpu.memory_space<hbm>> -> memref<80x128xf32, #tpu.memory_space<hbm>>
        %dma_start3A_465 = arith.constant 0 : i32
        %dma_start3A_466 = tpu.memref_slice %arg5[%arg0, %add3A_304, %dma_start3A_465] : memref<2x10000x128xf32, #tpu.memory_space<hbm>> -> memref<1x80x128xf32, #tpu.memory_space<hbm>>
        %dma_start3A_467 = tpu.memref_squeeze %dma_start3A_466 : memref<1x80x128xf32, #tpu.memory_space<hbm>> -> memref<80x128xf32, #tpu.memory_space<hbm>>
        tpu.enqueue_dma source(%arg12 : memref<80x128xf32, #tpu.memory_space<vmem>>) target(%dma_start3A_467 : memref<80x128xf32, #tpu.memory_space<hbm>>) target_semaphore(%run_scoped3A : memref<!tpu.dma_semaphore, #tpu.memory_space<semaphore_mem>>)
        %dma_wait3A_468 = arith.constant 0 : i32
        %dma_wait3A_469 = tpu.memref_slice %arg5[%arg0, %add3A_304, %dma_wait3A_468] : memref<2x10000x128xf32, #tpu.memory_space<hbm>> -> memref<1x80x128xf32, #tpu.memory_space<hbm>>
        %dma_wait3A_470 = tpu.memref_squeeze %dma_wait3A_469 : memref<1x80x128xf32, #tpu.memory_space<hbm>> -> memref<80x128xf32, #tpu.memory_space<hbm>>
        %dma_wait3A_471 = arith.constant 0 : i32
        %dma_wait3A_472 = tpu.memref_slice %arg5[%arg0, %add3A_304, %dma_wait3A_471] : memref<2x10000x128xf32, #tpu.memory_space<hbm>> -> memref<1x80x128xf32, #tpu.memory_space<hbm>>
        %dma_wait3A_473 = tpu.memref_squeeze %dma_wait3A_472 : memref<1x80x128xf32, #tpu.memory_space<hbm>> -> memref<80x128xf32, #tpu.memory_space<hbm>>
        tpu.wait_dma2 semaphore(%run_scoped3A : memref<!tpu.dma_semaphore, #tpu.memory_space<semaphore_mem>>) src(%arg12 : memref<80x128xf32, #tpu.memory_space<vmem>>) dst(%dma_wait3A_473 : memref<80x128xf32, #tpu.memory_space<hbm>>)
        tpu.yield
      }) : () -> ()
      %add3A_356 = arith.constant 480 : i32
      %add3A_357 = arith.addi %multiple_of3A, %add3A_356 : i32
      %iota3A_358 = tpu.iota {dimensions = array<i32: 0>} : vector<16xi32>
      %add3A_359 = arith.constant 0 : i32
      %add3A_360 = arith.addi %add3A_357, %add3A_359 : i32
      %add3A_361 = vector.broadcast %add3A_360 : i32 to vector<16xi32>
      %add3A_362 = arith.addi %iota3A_358, %add3A_361 : vector<16xi32>
      %swap3A_363 = arith.constant 0 : index
      %swap3A_364 = tpu.vector_load %arg13[%swap3A_363] {strides = array<i32>} : memref<80xi32, #tpu.memory_space<vmem>>, vector<16xi32>,
      %swap3A_365 = vector.shape_cast %swap3A_364 : vector<16xi32> to vector<16xi32>
      %swap3A_366 = vector.shape_cast %add3A_362 : vector<16xi32> to vector<16xi32>
      tpu.vector_store %arg13[%swap3A_363], %swap3A_366 {strides = array<i32>} : memref<80xi32, #tpu.memory_space<vmem>>, vector<16xi32>,
      %iota3A_367 = tpu.iota {dimensions = array<i32: 0>} : vector<16xi32>
      %add3A_368 = arith.constant 16 : i32
      %add3A_369 = arith.addi %add3A_357, %add3A_368 : i32
      %add3A_370 = vector.broadcast %add3A_369 : i32 to vector<16xi32>
      %add3A_371 = arith.addi %iota3A_367, %add3A_370 : vector<16xi32>
      %swap3A_372 = arith.constant 16 : index
      %swap3A_373 = tpu.vector_load %arg13[%swap3A_372] {strides = array<i32>} : memref<80xi32, #tpu.memory_space<vmem>>, vector<16xi32>,
      %swap3A_374 = vector.shape_cast %swap3A_373 : vector<16xi32> to vector<16xi32>
      %swap3A_375 = vector.shape_cast %add3A_371 : vector<16xi32> to vector<16xi32>
      tpu.vector_store %arg13[%swap3A_372], %swap3A_375 {strides = array<i32>} : memref<80xi32, #tpu.memory_space<vmem>>, vector<16xi32>,
      %iota3A_376 = tpu.iota {dimensions = array<i32: 0>} : vector<16xi32>
      %add3A_377 = arith.constant 32 : i32
      %add3A_378 = arith.addi %add3A_357, %add3A_377 : i32
      %add3A_379 = vector.broadcast %add3A_378 : i32 to vector<16xi32>
      %add3A_380 = arith.addi %iota3A_376, %add3A_379 : vector<16xi32>
      %swap3A_381 = arith.constant 32 : index
      %swap3A_382 = tpu.vector_load %arg13[%swap3A_381] {strides = array<i32>} : memref<80xi32, #tpu.memory_space<vmem>>, vector<16xi32>,
      %swap3A_383 = vector.shape_cast %swap3A_382 : vector<16xi32> to vector<16xi32>
      %swap3A_384 = vector.shape_cast %add3A_380 : vector<16xi32> to vector<16xi32>
      tpu.vector_store %arg13[%swap3A_381], %swap3A_384 {strides = array<i32>} : memref<80xi32, #tpu.memory_space<vmem>>, vector<16xi32>,
      %iota3A_385 = tpu.iota {dimensions = array<i32: 0>} : vector<16xi32>
      %add3A_386 = arith.constant 48 : i32
      %add3A_387 = arith.addi %add3A_357, %add3A_386 : i32
      %add3A_388 = vector.broadcast %add3A_387 : i32 to vector<16xi32>
      %add3A_389 = arith.addi %iota3A_385, %add3A_388 : vector<16xi32>
      %swap3A_390 = arith.constant 48 : index
      %swap3A_391 = tpu.vector_load %arg13[%swap3A_390] {strides = array<i32>} : memref<80xi32, #tpu.memory_space<vmem>>, vector<16xi32>,
      %swap3A_392 = vector.shape_cast %swap3A_391 : vector<16xi32> to vector<16xi32>
      %swap3A_393 = vector.shape_cast %add3A_389 : vector<16xi32> to vector<16xi32>
      tpu.vector_store %arg13[%swap3A_390], %swap3A_393 {strides = array<i32>} : memref<80xi32, #tpu.memory_space<vmem>>, vector<16xi32>,
      %iota3A_394 = tpu.iota {dimensions = array<i32: 0>} : vector<16xi32>
      %add3A_395 = arith.constant 64 : i32
      %add3A_396 = arith.addi %add3A_357, %add3A_395 : i32
      %add3A_397 = vector.broadcast %add3A_396 : i32 to vector<16xi32>
      %add3A_398 = arith.addi %iota3A_394, %add3A_397 : vector<16xi32>
      %swap3A_399 = arith.constant 64 : index
      %swap3A_400 = tpu.vector_load %arg13[%swap3A_399] {strides = array<i32>} : memref<80xi32, #tpu.memory_space<vmem>>, vector<16xi32>,
      %swap3A_401 = vector.shape_cast %swap3A_400 : vector<16xi32> to vector<16xi32>
      %swap3A_402 = vector.shape_cast %add3A_398 : vector<16xi32> to vector<16xi32>
      tpu.vector_store %arg13[%swap3A_399], %swap3A_402 {strides = array<i32>} : memref<80xi32, #tpu.memory_space<vmem>>, vector<16xi32>,
      %dma_start3A_403 = arith.constant 0 : i32
      %dma_start3A_404 = arith.constant 0 : i32
      %dma_start3A_405 = tpu.memref_slice %arg14[%dma_start3A_403, %dma_start3A_404] : memref<10000x128xf32, #tpu.memory_space<vmem_shared>> -> memref<10000x128xf32, #tpu.memory_space<vmem_shared>>
      tpu.enqueue_indirect_dma source(%dma_start3A_405 : memref<10000x128xf32, #tpu.memory_space<vmem_shared>>) target(%arg12 : memref<80x128xf32, #tpu.memory_space<vmem>>) offsets(%arg13 : memref<80xi32, #tpu.memory_space<vmem>>) semaphore(%arg16 : memref<!tpu.dma_semaphore, #tpu.memory_space<semaphore_mem>>)
      %dma_wait3A_406 = arith.constant 0 : i32
      %dma_wait3A_407 = arith.constant 0 : i32
      %dma_wait3A_408 = tpu.memref_slice %arg14[%dma_wait3A_406, %dma_wait3A_407] : memref<10000x128xf32, #tpu.memory_space<vmem_shared>> -> memref<10000x128xf32, #tpu.memory_space<vmem_shared>>
      tpu.wait_indirect_dma semaphore(%arg16 : memref<!tpu.dma_semaphore, #tpu.memory_space<semaphore_mem>>) src(%dma_wait3A_408 : memref<10000x128xf32, #tpu.memory_space<vmem_shared>>) dst(%arg12 : memref<80x128xf32, #tpu.memory_space<vmem>>)
      "tpu.region"() ({
        %run_scoped3A = tpu.sem_alloc : memref<!tpu.dma_semaphore, #tpu.memory_space<semaphore_mem>>
        %dma_start3A_462 = arith.constant 0 : i32
        %dma_start3A_463 = tpu.memref_slice %arg5[%arg0, %add3A_357, %dma_start3A_462] : memref<2x10000x128xf32, #tpu.memory_space<hbm>> -> memref<1x80x128xf32, #tpu.memory_space<hbm>>
        %dma_start3A_464 = tpu.memref_squeeze %dma_start3A_463 : memref<1x80x128xf32, #tpu.memory_space<hbm>> -> memref<80x128xf32, #tpu.memory_space<hbm>>
        %dma_start3A_465 = arith.constant 0 : i32
        %dma_start3A_466 = tpu.memref_slice %arg5[%arg0, %add3A_357, %dma_start3A_465] : memref<2x10000x128xf32, #tpu.memory_space<hbm>> -> memref<1x80x128xf32, #tpu.memory_space<hbm>>
        %dma_start3A_467 = tpu.memref_squeeze %dma_start3A_466 : memref<1x80x128xf32, #tpu.memory_space<hbm>> -> memref<80x128xf32, #tpu.memory_space<hbm>>
        tpu.enqueue_dma source(%arg12 : memref<80x128xf32, #tpu.memory_space<vmem>>) target(%dma_start3A_467 : memref<80x128xf32, #tpu.memory_space<hbm>>) target_semaphore(%run_scoped3A : memref<!tpu.dma_semaphore, #tpu.memory_space<semaphore_mem>>)
        %dma_wait3A_468 = arith.constant 0 : i32
        %dma_wait3A_469 = tpu.memref_slice %arg5[%arg0, %add3A_357, %dma_wait3A_468] : memref<2x10000x128xf32, #tpu.memory_space<hbm>> -> memref<1x80x128xf32, #tpu.memory_space<hbm>>
        %dma_wait3A_470 = tpu.memref_squeeze %dma_wait3A_469 : memref<1x80x128xf32, #tpu.memory_space<hbm>> -> memref<80x128xf32, #tpu.memory_space<hbm>>
        %dma_wait3A_471 = arith.constant 0 : i32
        %dma_wait3A_472 = tpu.memref_slice %arg5[%arg0, %add3A_357, %dma_wait3A_471] : memref<2x10000x128xf32, #tpu.memory_space<hbm>> -> memref<1x80x128xf32, #tpu.memory_space<hbm>>
        %dma_wait3A_473 = tpu.memref_squeeze %dma_wait3A_472 : memref<1x80x128xf32, #tpu.memory_space<hbm>> -> memref<80x128xf32, #tpu.memory_space<hbm>>
        tpu.wait_dma2 semaphore(%run_scoped3A : memref<!tpu.dma_semaphore, #tpu.memory_space<semaphore_mem>>) src(%arg12 : memref<80x128xf32, #tpu.memory_space<vmem>>) dst(%dma_wait3A_473 : memref<80x128xf32, #tpu.memory_space<hbm>>)
        tpu.yield
      }) : () -> ()
      %add3A_409 = arith.constant 560 : i32
      %add3A_410 = arith.addi %multiple_of3A, %add3A_409 : i32
      %iota3A_411 = tpu.iota {dimensions = array<i32: 0>} : vector<16xi32>
      %add3A_412 = arith.constant 0 : i32
      %add3A_413 = arith.addi %add3A_410, %add3A_412 : i32
      %add3A_414 = vector.broadcast %add3A_413 : i32 to vector<16xi32>
      %add3A_415 = arith.addi %iota3A_411, %add3A_414 : vector<16xi32>
      %swap3A_416 = arith.constant 0 : index
      %swap3A_417 = tpu.vector_load %arg13[%swap3A_416] {strides = array<i32>} : memref<80xi32, #tpu.memory_space<vmem>>, vector<16xi32>,
      %swap3A_418 = vector.shape_cast %swap3A_417 : vector<16xi32> to vector<16xi32>
      %swap3A_419 = vector.shape_cast %add3A_415 : vector<16xi32> to vector<16xi32>
      tpu.vector_store %arg13[%swap3A_416], %swap3A_419 {strides = array<i32>} : memref<80xi32, #tpu.memory_space<vmem>>, vector<16xi32>,
      %iota3A_420 = tpu.iota {dimensions = array<i32: 0>} : vector<16xi32>
      %add3A_421 = arith.constant 16 : i32
      %add3A_422 = arith.addi %add3A_410, %add3A_421 : i32
      %add3A_423 = vector.broadcast %add3A_422 : i32 to vector<16xi32>
      %add3A_424 = arith.addi %iota3A_420, %add3A_423 : vector<16xi32>
      %swap3A_425 = arith.constant 16 : index
      %swap3A_426 = tpu.vector_load %arg13[%swap3A_425] {strides = array<i32>} : memref<80xi32, #tpu.memory_space<vmem>>, vector<16xi32>,
      %swap3A_427 = vector.shape_cast %swap3A_426 : vector<16xi32> to vector<16xi32>
      %swap3A_428 = vector.shape_cast %add3A_424 : vector<16xi32> to vector<16xi32>
      tpu.vector_store %arg13[%swap3A_425], %swap3A_428 {strides = array<i32>} : memref<80xi32, #tpu.memory_space<vmem>>, vector<16xi32>,
      %iota3A_429 = tpu.iota {dimensions = array<i32: 0>} : vector<16xi32>
      %add3A_430 = arith.constant 32 : i32
      %add3A_431 = arith.addi %add3A_410, %add3A_430 : i32
      %add3A_432 = vector.broadcast %add3A_431 : i32 to vector<16xi32>
      %add3A_433 = arith.addi %iota3A_429, %add3A_432 : vector<16xi32>
      %swap3A_434 = arith.constant 32 : index
      %swap3A_435 = tpu.vector_load %arg13[%swap3A_434] {strides = array<i32>} : memref<80xi32, #tpu.memory_space<vmem>>, vector<16xi32>,
      %swap3A_436 = vector.shape_cast %swap3A_435 : vector<16xi32> to vector<16xi32>
      %swap3A_437 = vector.shape_cast %add3A_433 : vector<16xi32> to vector<16xi32>
      tpu.vector_store %arg13[%swap3A_434], %swap3A_437 {strides = array<i32>} : memref<80xi32, #tpu.memory_space<vmem>>, vector<16xi32>,
      %iota3A_438 = tpu.iota {dimensions = array<i32: 0>} : vector<16xi32>
      %add3A_439 = arith.constant 48 : i32
      %add3A_440 = arith.addi %add3A_410, %add3A_439 : i32
      %add3A_441 = vector.broadcast %add3A_440 : i32 to vector<16xi32>
      %add3A_442 = arith.addi %iota3A_438, %add3A_441 : vector<16xi32>
      %swap3A_443 = arith.constant 48 : index
      %swap3A_444 = tpu.vector_load %arg13[%swap3A_443] {strides = array<i32>} : memref<80xi32, #tpu.memory_space<vmem>>, vector<16xi32>,
      %swap3A_445 = vector.shape_cast %swap3A_444 : vector<16xi32> to vector<16xi32>
      %swap3A_446 = vector.shape_cast %add3A_442 : vector<16xi32> to vector<16xi32>
      tpu.vector_store %arg13[%swap3A_443], %swap3A_446 {strides = array<i32>} : memref<80xi32, #tpu.memory_space<vmem>>, vector<16xi32>,
      %iota3A_447 = tpu.iota {dimensions = array<i32: 0>} : vector<16xi32>
      %add3A_448 = arith.constant 64 : i32
      %add3A_449 = arith.addi %add3A_410, %add3A_448 : i32
      %add3A_450 = vector.broadcast %add3A_449 : i32 to vector<16xi32>
      %add3A_451 = arith.addi %iota3A_447, %add3A_450 : vector<16xi32>
      %swap3A_452 = arith.constant 64 : index
      %swap3A_453 = tpu.vector_load %arg13[%swap3A_452] {strides = array<i32>} : memref<80xi32, #tpu.memory_space<vmem>>, vector<16xi32>,
      %swap3A_454 = vector.shape_cast %swap3A_453 : vector<16xi32> to vector<16xi32>
      %swap3A_455 = vector.shape_cast %add3A_451 : vector<16xi32> to vector<16xi32>
      tpu.vector_store %arg13[%swap3A_452], %swap3A_455 {strides = array<i32>} : memref<80xi32, #tpu.memory_space<vmem>>, vector<16xi32>,
      %dma_start3A_456 = arith.constant 0 : i32
      %dma_start3A_457 = arith.constant 0 : i32
      %dma_start3A_458 = tpu.memref_slice %arg14[%dma_start3A_456, %dma_start3A_457] : memref<10000x128xf32, #tpu.memory_space<vmem_shared>> -> memref<10000x128xf32, #tpu.memory_space<vmem_shared>>
      tpu.enqueue_indirect_dma source(%dma_start3A_458 : memref<10000x128xf32, #tpu.memory_space<vmem_shared>>) target(%arg12 : memref<80x128xf32, #tpu.memory_space<vmem>>) offsets(%arg13 : memref<80xi32, #tpu.memory_space<vmem>>) semaphore(%arg16 : memref<!tpu.dma_semaphore, #tpu.memory_space<semaphore_mem>>)
      %dma_wait3A_459 = arith.constant 0 : i32
      %dma_wait3A_460 = arith.constant 0 : i32
      %dma_wait3A_461 = tpu.memref_slice %arg14[%dma_wait3A_459, %dma_wait3A_460] : memref<10000x128xf32, #tpu.memory_space<vmem_shared>> -> memref<10000x128xf32, #tpu.memory_space<vmem_shared>>
      tpu.wait_indirect_dma semaphore(%arg16 : memref<!tpu.dma_semaphore, #tpu.memory_space<semaphore_mem>>) src(%dma_wait3A_461 : memref<10000x128xf32, #tpu.memory_space<vmem_shared>>) dst(%arg12 : memref<80x128xf32, #tpu.memory_space<vmem>>)
      "tpu.region"() ({
        %run_scoped3A = tpu.sem_alloc : memref<!tpu.dma_semaphore, #tpu.memory_space<semaphore_mem>>
        %dma_start3A_462 = arith.constant 0 : i32
        %dma_start3A_463 = tpu.memref_slice %arg5[%arg0, %add3A_410, %dma_start3A_462] : memref<2x10000x128xf32, #tpu.memory_space<hbm>> -> memref<1x80x128xf32, #tpu.memory_space<hbm>>
        %dma_start3A_464 = tpu.memref_squeeze %dma_start3A_463 : memref<1x80x128xf32, #tpu.memory_space<hbm>> -> memref<80x128xf32, #tpu.memory_space<hbm>>
        %dma_start3A_465 = arith.constant 0 : i32
        %dma_start3A_466 = tpu.memref_slice %arg5[%arg0, %add3A_410, %dma_start3A_465] : memref<2x10000x128xf32, #tpu.memory_space<hbm>> -> memref<1x80x128xf32, #tpu.memory_space<hbm>>
        %dma_start3A_467 = tpu.memref_squeeze %dma_start3A_466 : memref<1x80x128xf32, #tpu.memory_space<hbm>> -> memref<80x128xf32, #tpu.memory_space<hbm>>
        tpu.enqueue_dma source(%arg12 : memref<80x128xf32, #tpu.memory_space<vmem>>) target(%dma_start3A_467 : memref<80x128xf32, #tpu.memory_space<hbm>>) target_semaphore(%run_scoped3A : memref<!tpu.dma_semaphore, #tpu.memory_space<semaphore_mem>>)
        %dma_wait3A_468 = arith.constant 0 : i32
        %dma_wait3A_469 = tpu.memref_slice %arg5[%arg0, %add3A_410, %dma_wait3A_468] : memref<2x10000x128xf32, #tpu.memory_space<hbm>> -> memref<1x80x128xf32, #tpu.memory_space<hbm>>
        %dma_wait3A_470 = tpu.memref_squeeze %dma_wait3A_469 : memref<1x80x128xf32, #tpu.memory_space<hbm>> -> memref<80x128xf32, #tpu.memory_space<hbm>>
        %dma_wait3A_471 = arith.constant 0 : i32
        %dma_wait3A_472 = tpu.memref_slice %arg5[%arg0, %add3A_410, %dma_wait3A_471] : memref<2x10000x128xf32, #tpu.memory_space<hbm>> -> memref<1x80x128xf32, #tpu.memory_space<hbm>>
        %dma_wait3A_473 = tpu.memref_squeeze %dma_wait3A_472 : memref<1x80x128xf32, #tpu.memory_space<hbm>> -> memref<80x128xf32, #tpu.memory_space<hbm>>
        tpu.wait_dma2 semaphore(%run_scoped3A : memref<!tpu.dma_semaphore, #tpu.memory_space<semaphore_mem>>) src(%arg12 : memref<80x128xf32, #tpu.memory_space<vmem>>) dst(%dma_wait3A_473 : memref<80x128xf32, #tpu.memory_space<hbm>>)
        tpu.yield
      }) : () -> ()
    } else {
    }
    %eq3A_30 = arith.constant 15 : i32
    %eq3A_31 = arith.cmpi eq, %arg1, %eq3A_30 : i32
    %convert_element_type3A_32 = arith.extui %eq3A_31 : i1 to i32
    %cond3A_33 = arith.constant 0 : i32
    %cond3A_34 = arith.cmpi ne, %convert_element_type3A_32, %cond3A_33 : i32
    scf.if %cond3A_34 {
      %iota3A = tpu.iota {dimensions = array<i32: 0>} : vector<16xi32>
      %add3A_40 = arith.constant 9600 : i32
      %add3A_41 = vector.broadcast %add3A_40 : i32 to vector<16xi32>
      %add3A_42 = arith.addi %iota3A, %add3A_41 : vector<16xi32>
      %swap3A = arith.constant 0 : index
      %swap3A_43 = tpu.vector_load %arg13[%swap3A] {strides = array<i32>} : memref<80xi32, #tpu.memory_space<vmem>>, vector<16xi32>,
      %swap3A_44 = vector.shape_cast %swap3A_43 : vector<16xi32> to vector<16xi32>
      %swap3A_45 = vector.shape_cast %add3A_42 : vector<16xi32> to vector<16xi32>
      tpu.vector_store %arg13[%swap3A], %swap3A_45 {strides = array<i32>} : memref<80xi32, #tpu.memory_space<vmem>>, vector<16xi32>,
      %iota3A_46 = tpu.iota {dimensions = array<i32: 0>} : vector<16xi32>
      %add3A_47 = arith.constant 9616 : i32
      %add3A_48 = vector.broadcast %add3A_47 : i32 to vector<16xi32>
      %add3A_49 = arith.addi %iota3A_46, %add3A_48 : vector<16xi32>
      %swap3A_50 = arith.constant 16 : index
      %swap3A_51 = tpu.vector_load %arg13[%swap3A_50] {strides = array<i32>} : memref<80xi32, #tpu.memory_space<vmem>>, vector<16xi32>,
      %swap3A_52 = vector.shape_cast %swap3A_51 : vector<16xi32> to vector<16xi32>
      %swap3A_53 = vector.shape_cast %add3A_49 : vector<16xi32> to vector<16xi32>
      tpu.vector_store %arg13[%swap3A_50], %swap3A_53 {strides = array<i32>} : memref<80xi32, #tpu.memory_space<vmem>>, vector<16xi32>,
      %iota3A_54 = tpu.iota {dimensions = array<i32: 0>} : vector<16xi32>
      %add3A_55 = arith.constant 9632 : i32
      %add3A_56 = vector.broadcast %add3A_55 : i32 to vector<16xi32>
      %add3A_57 = arith.addi %iota3A_54, %add3A_56 : vector<16xi32>
      %swap3A_58 = arith.constant 32 : index
      %swap3A_59 = tpu.vector_load %arg13[%swap3A_58] {strides = array<i32>} : memref<80xi32, #tpu.memory_space<vmem>>, vector<16xi32>,
      %swap3A_60 = vector.shape_cast %swap3A_59 : vector<16xi32> to vector<16xi32>
      %swap3A_61 = vector.shape_cast %add3A_57 : vector<16xi32> to vector<16xi32>
      tpu.vector_store %arg13[%swap3A_58], %swap3A_61 {strides = array<i32>} : memref<80xi32, #tpu.memory_space<vmem>>, vector<16xi32>,
      %iota3A_62 = tpu.iota {dimensions = array<i32: 0>} : vector<16xi32>
      %add3A_63 = arith.constant 9648 : i32
      %add3A_64 = vector.broadcast %add3A_63 : i32 to vector<16xi32>
      %add3A_65 = arith.addi %iota3A_62, %add3A_64 : vector<16xi32>
      %swap3A_66 = arith.constant 48 : index
      %swap3A_67 = tpu.vector_load %arg13[%swap3A_66] {strides = array<i32>} : memref<80xi32, #tpu.memory_space<vmem>>, vector<16xi32>,
      %swap3A_68 = vector.shape_cast %swap3A_67 : vector<16xi32> to vector<16xi32>
      %swap3A_69 = vector.shape_cast %add3A_65 : vector<16xi32> to vector<16xi32>
      tpu.vector_store %arg13[%swap3A_66], %swap3A_69 {strides = array<i32>} : memref<80xi32, #tpu.memory_space<vmem>>, vector<16xi32>,
      %iota3A_70 = tpu.iota {dimensions = array<i32: 0>} : vector<16xi32>
      %add3A_71 = arith.constant 9664 : i32
      %add3A_72 = vector.broadcast %add3A_71 : i32 to vector<16xi32>
      %add3A_73 = arith.addi %iota3A_70, %add3A_72 : vector<16xi32>
      %swap3A_74 = arith.constant 64 : index
      %swap3A_75 = tpu.vector_load %arg13[%swap3A_74] {strides = array<i32>} : memref<80xi32, #tpu.memory_space<vmem>>, vector<16xi32>,
      %swap3A_76 = vector.shape_cast %swap3A_75 : vector<16xi32> to vector<16xi32>
      %swap3A_77 = vector.shape_cast %add3A_73 : vector<16xi32> to vector<16xi32>
      tpu.vector_store %arg13[%swap3A_74], %swap3A_77 {strides = array<i32>} : memref<80xi32, #tpu.memory_space<vmem>>, vector<16xi32>,
      %dma_start3A = arith.constant 0 : i32
      %dma_start3A_78 = arith.constant 0 : i32
      %dma_start3A_79 = tpu.memref_slice %arg14[%dma_start3A, %dma_start3A_78] : memref<10000x128xf32, #tpu.memory_space<vmem_shared>> -> memref<10000x128xf32, #tpu.memory_space<vmem_shared>>
      tpu.enqueue_indirect_dma source(%dma_start3A_79 : memref<10000x128xf32, #tpu.memory_space<vmem_shared>>) target(%arg12 : memref<80x128xf32, #tpu.memory_space<vmem>>) offsets(%arg13 : memref<80xi32, #tpu.memory_space<vmem>>) semaphore(%arg16 : memref<!tpu.dma_semaphore, #tpu.memory_space<semaphore_mem>>)
      %dma_wait3A = arith.constant 0 : i32
      %dma_wait3A_80 = arith.constant 0 : i32
      %dma_wait3A_81 = tpu.memref_slice %arg14[%dma_wait3A, %dma_wait3A_80] : memref<10000x128xf32, #tpu.memory_space<vmem_shared>> -> memref<10000x128xf32, #tpu.memory_space<vmem_shared>>
      tpu.wait_indirect_dma semaphore(%arg16 : memref<!tpu.dma_semaphore, #tpu.memory_space<semaphore_mem>>) src(%dma_wait3A_81 : memref<10000x128xf32, #tpu.memory_space<vmem_shared>>) dst(%arg12 : memref<80x128xf32, #tpu.memory_space<vmem>>)
      "tpu.region"() ({
        %run_scoped3A = tpu.sem_alloc : memref<!tpu.dma_semaphore, #tpu.memory_space<semaphore_mem>>
        %dma_start3A_266 = arith.constant 9600 : i32
        %dma_start3A_267 = arith.constant 0 : i32
        %dma_start3A_268 = tpu.memref_slice %arg5[%arg0, %dma_start3A_266, %dma_start3A_267] : memref<2x10000x128xf32, #tpu.memory_space<hbm>> -> memref<1x80x128xf32, #tpu.memory_space<hbm>>
        %dma_start3A_269 = tpu.memref_squeeze %dma_start3A_268 : memref<1x80x128xf32, #tpu.memory_space<hbm>> -> memref<80x128xf32, #tpu.memory_space<hbm>>
        %dma_start3A_270 = arith.constant 9600 : i32
        %dma_start3A_271 = arith.constant 0 : i32
        %dma_start3A_272 = tpu.memref_slice %arg5[%arg0, %dma_start3A_270, %dma_start3A_271] : memref<2x10000x128xf32, #tpu.memory_space<hbm>> -> memref<1x80x128xf32, #tpu.memory_space<hbm>>
        %dma_start3A_273 = tpu.memref_squeeze %dma_start3A_272 : memref<1x80x128xf32, #tpu.memory_space<hbm>> -> memref<80x128xf32, #tpu.memory_space<hbm>>
        tpu.enqueue_dma source(%arg12 : memref<80x128xf32, #tpu.memory_space<vmem>>) target(%dma_start3A_273 : memref<80x128xf32, #tpu.memory_space<hbm>>) target_semaphore(%run_scoped3A : memref<!tpu.dma_semaphore, #tpu.memory_space<semaphore_mem>>)
        %dma_wait3A_274 = arith.constant 9600 : i32
        %dma_wait3A_275 = arith.constant 0 : i32
        %dma_wait3A_276 = tpu.memref_slice %arg5[%arg0, %dma_wait3A_274, %dma_wait3A_275] : memref<2x10000x128xf32, #tpu.memory_space<hbm>> -> memref<1x80x128xf32, #tpu.memory_space<hbm>>
        %dma_wait3A_277 = tpu.memref_squeeze %dma_wait3A_276 : memref<1x80x128xf32, #tpu.memory_space<hbm>> -> memref<80x128xf32, #tpu.memory_space<hbm>>
        %dma_wait3A_278 = arith.constant 9600 : i32
        %dma_wait3A_279 = arith.constant 0 : i32
        %dma_wait3A_280 = tpu.memref_slice %arg5[%arg0, %dma_wait3A_278, %dma_wait3A_279] : memref<2x10000x128xf32, #tpu.memory_space<hbm>> -> memref<1x80x128xf32, #tpu.memory_space<hbm>>
        %dma_wait3A_281 = tpu.memref_squeeze %dma_wait3A_280 : memref<1x80x128xf32, #tpu.memory_space<hbm>> -> memref<80x128xf32, #tpu.memory_space<hbm>>
        tpu.wait_dma2 semaphore(%run_scoped3A : memref<!tpu.dma_semaphore, #tpu.memory_space<semaphore_mem>>) src(%arg12 : memref<80x128xf32, #tpu.memory_space<vmem>>) dst(%dma_wait3A_281 : memref<80x128xf32, #tpu.memory_space<hbm>>)
        tpu.yield
      }) : () -> ()
      %iota3A_82 = tpu.iota {dimensions = array<i32: 0>} : vector<16xi32>
      %add3A_83 = arith.constant 9680 : i32
      %add3A_84 = vector.broadcast %add3A_83 : i32 to vector<16xi32>
      %add3A_85 = arith.addi %iota3A_82, %add3A_84 : vector<16xi32>
      %swap3A_86 = arith.constant 0 : index
      %swap3A_87 = tpu.vector_load %arg13[%swap3A_86] {strides = array<i32>} : memref<80xi32, #tpu.memory_space<vmem>>, vector<16xi32>,
      %swap3A_88 = vector.shape_cast %swap3A_87 : vector<16xi32> to vector<16xi32>
      %swap3A_89 = vector.shape_cast %add3A_85 : vector<16xi32> to vector<16xi32>
      tpu.vector_store %arg13[%swap3A_86], %swap3A_89 {strides = array<i32>} : memref<80xi32, #tpu.memory_space<vmem>>, vector<16xi32>,
      %iota3A_90 = tpu.iota {dimensions = array<i32: 0>} : vector<16xi32>
      %add3A_91 = arith.constant 9696 : i32
      %add3A_92 = vector.broadcast %add3A_91 : i32 to vector<16xi32>
      %add3A_93 = arith.addi %iota3A_90, %add3A_92 : vector<16xi32>
      %swap3A_94 = arith.constant 16 : index
      %swap3A_95 = tpu.vector_load %arg13[%swap3A_94] {strides = array<i32>} : memref<80xi32, #tpu.memory_space<vmem>>, vector<16xi32>,
      %swap3A_96 = vector.shape_cast %swap3A_95 : vector<16xi32> to vector<16xi32>
      %swap3A_97 = vector.shape_cast %add3A_93 : vector<16xi32> to vector<16xi32>
      tpu.vector_store %arg13[%swap3A_94], %swap3A_97 {strides = array<i32>} : memref<80xi32, #tpu.memory_space<vmem>>, vector<16xi32>,
      %iota3A_98 = tpu.iota {dimensions = array<i32: 0>} : vector<16xi32>
      %add3A_99 = arith.constant 9712 : i32
      %add3A_100 = vector.broadcast %add3A_99 : i32 to vector<16xi32>
      %add3A_101 = arith.addi %iota3A_98, %add3A_100 : vector<16xi32>
      %swap3A_102 = arith.constant 32 : index
      %swap3A_103 = tpu.vector_load %arg13[%swap3A_102] {strides = array<i32>} : memref<80xi32, #tpu.memory_space<vmem>>, vector<16xi32>,
      %swap3A_104 = vector.shape_cast %swap3A_103 : vector<16xi32> to vector<16xi32>
      %swap3A_105 = vector.shape_cast %add3A_101 : vector<16xi32> to vector<16xi32>
      tpu.vector_store %arg13[%swap3A_102], %swap3A_105 {strides = array<i32>} : memref<80xi32, #tpu.memory_space<vmem>>, vector<16xi32>,
      %iota3A_106 = tpu.iota {dimensions = array<i32: 0>} : vector<16xi32>
      %add3A_107 = arith.constant 9728 : i32
      %add3A_108 = vector.broadcast %add3A_107 : i32 to vector<16xi32>
      %add3A_109 = arith.addi %iota3A_106, %add3A_108 : vector<16xi32>
      %swap3A_110 = arith.constant 48 : index
      %swap3A_111 = tpu.vector_load %arg13[%swap3A_110] {strides = array<i32>} : memref<80xi32, #tpu.memory_space<vmem>>, vector<16xi32>,
      %swap3A_112 = vector.shape_cast %swap3A_111 : vector<16xi32> to vector<16xi32>
      %swap3A_113 = vector.shape_cast %add3A_109 : vector<16xi32> to vector<16xi32>
      tpu.vector_store %arg13[%swap3A_110], %swap3A_113 {strides = array<i32>} : memref<80xi32, #tpu.memory_space<vmem>>, vector<16xi32>,
      %iota3A_114 = tpu.iota {dimensions = array<i32: 0>} : vector<16xi32>
      %add3A_115 = arith.constant 9744 : i32
      %add3A_116 = vector.broadcast %add3A_115 : i32 to vector<16xi32>
      %add3A_117 = arith.addi %iota3A_114, %add3A_116 : vector<16xi32>
      %swap3A_118 = arith.constant 64 : index
      %swap3A_119 = tpu.vector_load %arg13[%swap3A_118] {strides = array<i32>} : memref<80xi32, #tpu.memory_space<vmem>>, vector<16xi32>,
      %swap3A_120 = vector.shape_cast %swap3A_119 : vector<16xi32> to vector<16xi32>
      %swap3A_121 = vector.shape_cast %add3A_117 : vector<16xi32> to vector<16xi32>
      tpu.vector_store %arg13[%swap3A_118], %swap3A_121 {strides = array<i32>} : memref<80xi32, #tpu.memory_space<vmem>>, vector<16xi32>,
      %dma_start3A_122 = arith.constant 0 : i32
      %dma_start3A_123 = arith.constant 0 : i32
      %dma_start3A_124 = tpu.memref_slice %arg14[%dma_start3A_122, %dma_start3A_123] : memref<10000x128xf32, #tpu.memory_space<vmem_shared>> -> memref<10000x128xf32, #tpu.memory_space<vmem_shared>>
      tpu.enqueue_indirect_dma source(%dma_start3A_124 : memref<10000x128xf32, #tpu.memory_space<vmem_shared>>) target(%arg12 : memref<80x128xf32, #tpu.memory_space<vmem>>) offsets(%arg13 : memref<80xi32, #tpu.memory_space<vmem>>) semaphore(%arg16 : memref<!tpu.dma_semaphore, #tpu.memory_space<semaphore_mem>>)
      %dma_wait3A_125 = arith.constant 0 : i32
      %dma_wait3A_126 = arith.constant 0 : i32
      %dma_wait3A_127 = tpu.memref_slice %arg14[%dma_wait3A_125, %dma_wait3A_126] : memref<10000x128xf32, #tpu.memory_space<vmem_shared>> -> memref<10000x128xf32, #tpu.memory_space<vmem_shared>>
      tpu.wait_indirect_dma semaphore(%arg16 : memref<!tpu.dma_semaphore, #tpu.memory_space<semaphore_mem>>) src(%dma_wait3A_127 : memref<10000x128xf32, #tpu.memory_space<vmem_shared>>) dst(%arg12 : memref<80x128xf32, #tpu.memory_space<vmem>>)
      "tpu.region"() ({
        %run_scoped3A = tpu.sem_alloc : memref<!tpu.dma_semaphore, #tpu.memory_space<semaphore_mem>>
        %dma_start3A_266 = arith.constant 9680 : i32
        %dma_start3A_267 = arith.constant 0 : i32
        %dma_start3A_268 = tpu.memref_slice %arg5[%arg0, %dma_start3A_266, %dma_start3A_267] : memref<2x10000x128xf32, #tpu.memory_space<hbm>> -> memref<1x80x128xf32, #tpu.memory_space<hbm>>
        %dma_start3A_269 = tpu.memref_squeeze %dma_start3A_268 : memref<1x80x128xf32, #tpu.memory_space<hbm>> -> memref<80x128xf32, #tpu.memory_space<hbm>>
        %dma_start3A_270 = arith.constant 9680 : i32
        %dma_start3A_271 = arith.constant 0 : i32
        %dma_start3A_272 = tpu.memref_slice %arg5[%arg0, %dma_start3A_270, %dma_start3A_271] : memref<2x10000x128xf32, #tpu.memory_space<hbm>> -> memref<1x80x128xf32, #tpu.memory_space<hbm>>
        %dma_start3A_273 = tpu.memref_squeeze %dma_start3A_272 : memref<1x80x128xf32, #tpu.memory_space<hbm>> -> memref<80x128xf32, #tpu.memory_space<hbm>>
        tpu.enqueue_dma source(%arg12 : memref<80x128xf32, #tpu.memory_space<vmem>>) target(%dma_start3A_273 : memref<80x128xf32, #tpu.memory_space<hbm>>) target_semaphore(%run_scoped3A : memref<!tpu.dma_semaphore, #tpu.memory_space<semaphore_mem>>)
        %dma_wait3A_274 = arith.constant 9680 : i32
        %dma_wait3A_275 = arith.constant 0 : i32
        %dma_wait3A_276 = tpu.memref_slice %arg5[%arg0, %dma_wait3A_274, %dma_wait3A_275] : memref<2x10000x128xf32, #tpu.memory_space<hbm>> -> memref<1x80x128xf32, #tpu.memory_space<hbm>>
        %dma_wait3A_277 = tpu.memref_squeeze %dma_wait3A_276 : memref<1x80x128xf32, #tpu.memory_space<hbm>> -> memref<80x128xf32, #tpu.memory_space<hbm>>
        %dma_wait3A_278 = arith.constant 9680 : i32
        %dma_wait3A_279 = arith.constant 0 : i32
        %dma_wait3A_280 = tpu.memref_slice %arg5[%arg0, %dma_wait3A_278, %dma_wait3A_279] : memref<2x10000x128xf32, #tpu.memory_space<hbm>> -> memref<1x80x128xf32, #tpu.memory_space<hbm>>
        %dma_wait3A_281 = tpu.memref_squeeze %dma_wait3A_280 : memref<1x80x128xf32, #tpu.memory_space<hbm>> -> memref<80x128xf32, #tpu.memory_space<hbm>>
        tpu.wait_dma2 semaphore(%run_scoped3A : memref<!tpu.dma_semaphore, #tpu.memory_space<semaphore_mem>>) src(%arg12 : memref<80x128xf32, #tpu.memory_space<vmem>>) dst(%dma_wait3A_281 : memref<80x128xf32, #tpu.memory_space<hbm>>)
        tpu.yield
      }) : () -> ()
      %iota3A_128 = tpu.iota {dimensions = array<i32: 0>} : vector<16xi32>
      %add3A_129 = arith.constant 9760 : i32
      %add3A_130 = vector.broadcast %add3A_129 : i32 to vector<16xi32>
      %add3A_131 = arith.addi %iota3A_128, %add3A_130 : vector<16xi32>
      %swap3A_132 = arith.constant 0 : index
      %swap3A_133 = tpu.vector_load %arg13[%swap3A_132] {strides = array<i32>} : memref<80xi32, #tpu.memory_space<vmem>>, vector<16xi32>,
      %swap3A_134 = vector.shape_cast %swap3A_133 : vector<16xi32> to vector<16xi32>
      %swap3A_135 = vector.shape_cast %add3A_131 : vector<16xi32> to vector<16xi32>
      tpu.vector_store %arg13[%swap3A_132], %swap3A_135 {strides = array<i32>} : memref<80xi32, #tpu.memory_space<vmem>>, vector<16xi32>,
      %iota3A_136 = tpu.iota {dimensions = array<i32: 0>} : vector<16xi32>
      %add3A_137 = arith.constant 9776 : i32
      %add3A_138 = vector.broadcast %add3A_137 : i32 to vector<16xi32>
      %add3A_139 = arith.addi %iota3A_136, %add3A_138 : vector<16xi32>
      %swap3A_140 = arith.constant 16 : index
      %swap3A_141 = tpu.vector_load %arg13[%swap3A_140] {strides = array<i32>} : memref<80xi32, #tpu.memory_space<vmem>>, vector<16xi32>,
      %swap3A_142 = vector.shape_cast %swap3A_141 : vector<16xi32> to vector<16xi32>
      %swap3A_143 = vector.shape_cast %add3A_139 : vector<16xi32> to vector<16xi32>
      tpu.vector_store %arg13[%swap3A_140], %swap3A_143 {strides = array<i32>} : memref<80xi32, #tpu.memory_space<vmem>>, vector<16xi32>,
      %iota3A_144 = tpu.iota {dimensions = array<i32: 0>} : vector<16xi32>
      %add3A_145 = arith.constant 9792 : i32
      %add3A_146 = vector.broadcast %add3A_145 : i32 to vector<16xi32>
      %add3A_147 = arith.addi %iota3A_144, %add3A_146 : vector<16xi32>
      %swap3A_148 = arith.constant 32 : index
      %swap3A_149 = tpu.vector_load %arg13[%swap3A_148] {strides = array<i32>} : memref<80xi32, #tpu.memory_space<vmem>>, vector<16xi32>,
      %swap3A_150 = vector.shape_cast %swap3A_149 : vector<16xi32> to vector<16xi32>
      %swap3A_151 = vector.shape_cast %add3A_147 : vector<16xi32> to vector<16xi32>
      tpu.vector_store %arg13[%swap3A_148], %swap3A_151 {strides = array<i32>} : memref<80xi32, #tpu.memory_space<vmem>>, vector<16xi32>,
      %iota3A_152 = tpu.iota {dimensions = array<i32: 0>} : vector<16xi32>
      %add3A_153 = arith.constant 9808 : i32
      %add3A_154 = vector.broadcast %add3A_153 : i32 to vector<16xi32>
      %add3A_155 = arith.addi %iota3A_152, %add3A_154 : vector<16xi32>
      %swap3A_156 = arith.constant 48 : index
      %swap3A_157 = tpu.vector_load %arg13[%swap3A_156] {strides = array<i32>} : memref<80xi32, #tpu.memory_space<vmem>>, vector<16xi32>,
      %swap3A_158 = vector.shape_cast %swap3A_157 : vector<16xi32> to vector<16xi32>
      %swap3A_159 = vector.shape_cast %add3A_155 : vector<16xi32> to vector<16xi32>
      tpu.vector_store %arg13[%swap3A_156], %swap3A_159 {strides = array<i32>} : memref<80xi32, #tpu.memory_space<vmem>>, vector<16xi32>,
      %iota3A_160 = tpu.iota {dimensions = array<i32: 0>} : vector<16xi32>
      %add3A_161 = arith.constant 9824 : i32
      %add3A_162 = vector.broadcast %add3A_161 : i32 to vector<16xi32>
      %add3A_163 = arith.addi %iota3A_160, %add3A_162 : vector<16xi32>
      %swap3A_164 = arith.constant 64 : index
      %swap3A_165 = tpu.vector_load %arg13[%swap3A_164] {strides = array<i32>} : memref<80xi32, #tpu.memory_space<vmem>>, vector<16xi32>,
      %swap3A_166 = vector.shape_cast %swap3A_165 : vector<16xi32> to vector<16xi32>
      %swap3A_167 = vector.shape_cast %add3A_163 : vector<16xi32> to vector<16xi32>
      tpu.vector_store %arg13[%swap3A_164], %swap3A_167 {strides = array<i32>} : memref<80xi32, #tpu.memory_space<vmem>>, vector<16xi32>,
      %dma_start3A_168 = arith.constant 0 : i32
      %dma_start3A_169 = arith.constant 0 : i32
      %dma_start3A_170 = tpu.memref_slice %arg14[%dma_start3A_168, %dma_start3A_169] : memref<10000x128xf32, #tpu.memory_space<vmem_shared>> -> memref<10000x128xf32, #tpu.memory_space<vmem_shared>>
      tpu.enqueue_indirect_dma source(%dma_start3A_170 : memref<10000x128xf32, #tpu.memory_space<vmem_shared>>) target(%arg12 : memref<80x128xf32, #tpu.memory_space<vmem>>) offsets(%arg13 : memref<80xi32, #tpu.memory_space<vmem>>) semaphore(%arg16 : memref<!tpu.dma_semaphore, #tpu.memory_space<semaphore_mem>>)
      %dma_wait3A_171 = arith.constant 0 : i32
      %dma_wait3A_172 = arith.constant 0 : i32
      %dma_wait3A_173 = tpu.memref_slice %arg14[%dma_wait3A_171, %dma_wait3A_172] : memref<10000x128xf32, #tpu.memory_space<vmem_shared>> -> memref<10000x128xf32, #tpu.memory_space<vmem_shared>>
      tpu.wait_indirect_dma semaphore(%arg16 : memref<!tpu.dma_semaphore, #tpu.memory_space<semaphore_mem>>) src(%dma_wait3A_173 : memref<10000x128xf32, #tpu.memory_space<vmem_shared>>) dst(%arg12 : memref<80x128xf32, #tpu.memory_space<vmem>>)
      "tpu.region"() ({
        %run_scoped3A = tpu.sem_alloc : memref<!tpu.dma_semaphore, #tpu.memory_space<semaphore_mem>>
        %dma_start3A_266 = arith.constant 9760 : i32
        %dma_start3A_267 = arith.constant 0 : i32
        %dma_start3A_268 = tpu.memref_slice %arg5[%arg0, %dma_start3A_266, %dma_start3A_267] : memref<2x10000x128xf32, #tpu.memory_space<hbm>> -> memref<1x80x128xf32, #tpu.memory_space<hbm>>
        %dma_start3A_269 = tpu.memref_squeeze %dma_start3A_268 : memref<1x80x128xf32, #tpu.memory_space<hbm>> -> memref<80x128xf32, #tpu.memory_space<hbm>>
        %dma_start3A_270 = arith.constant 9760 : i32
        %dma_start3A_271 = arith.constant 0 : i32
        %dma_start3A_272 = tpu.memref_slice %arg5[%arg0, %dma_start3A_270, %dma_start3A_271] : memref<2x10000x128xf32, #tpu.memory_space<hbm>> -> memref<1x80x128xf32, #tpu.memory_space<hbm>>
        %dma_start3A_273 = tpu.memref_squeeze %dma_start3A_272 : memref<1x80x128xf32, #tpu.memory_space<hbm>> -> memref<80x128xf32, #tpu.memory_space<hbm>>
        tpu.enqueue_dma source(%arg12 : memref<80x128xf32, #tpu.memory_space<vmem>>) target(%dma_start3A_273 : memref<80x128xf32, #tpu.memory_space<hbm>>) target_semaphore(%run_scoped3A : memref<!tpu.dma_semaphore, #tpu.memory_space<semaphore_mem>>)
        %dma_wait3A_274 = arith.constant 9760 : i32
        %dma_wait3A_275 = arith.constant 0 : i32
        %dma_wait3A_276 = tpu.memref_slice %arg5[%arg0, %dma_wait3A_274, %dma_wait3A_275] : memref<2x10000x128xf32, #tpu.memory_space<hbm>> -> memref<1x80x128xf32, #tpu.memory_space<hbm>>
        %dma_wait3A_277 = tpu.memref_squeeze %dma_wait3A_276 : memref<1x80x128xf32, #tpu.memory_space<hbm>> -> memref<80x128xf32, #tpu.memory_space<hbm>>
        %dma_wait3A_278 = arith.constant 9760 : i32
        %dma_wait3A_279 = arith.constant 0 : i32
        %dma_wait3A_280 = tpu.memref_slice %arg5[%arg0, %dma_wait3A_278, %dma_wait3A_279] : memref<2x10000x128xf32, #tpu.memory_space<hbm>> -> memref<1x80x128xf32, #tpu.memory_space<hbm>>
        %dma_wait3A_281 = tpu.memref_squeeze %dma_wait3A_280 : memref<1x80x128xf32, #tpu.memory_space<hbm>> -> memref<80x128xf32, #tpu.memory_space<hbm>>
        tpu.wait_dma2 semaphore(%run_scoped3A : memref<!tpu.dma_semaphore, #tpu.memory_space<semaphore_mem>>) src(%arg12 : memref<80x128xf32, #tpu.memory_space<vmem>>) dst(%dma_wait3A_281 : memref<80x128xf32, #tpu.memory_space<hbm>>)
        tpu.yield
      }) : () -> ()
      %iota3A_174 = tpu.iota {dimensions = array<i32: 0>} : vector<16xi32>
      %add3A_175 = arith.constant 9840 : i32
      %add3A_176 = vector.broadcast %add3A_175 : i32 to vector<16xi32>
      %add3A_177 = arith.addi %iota3A_174, %add3A_176 : vector<16xi32>
      %swap3A_178 = arith.constant 0 : index
      %swap3A_179 = tpu.vector_load %arg13[%swap3A_178] {strides = array<i32>} : memref<80xi32, #tpu.memory_space<vmem>>, vector<16xi32>,
      %swap3A_180 = vector.shape_cast %swap3A_179 : vector<16xi32> to vector<16xi32>
      %swap3A_181 = vector.shape_cast %add3A_177 : vector<16xi32> to vector<16xi32>
      tpu.vector_store %arg13[%swap3A_178], %swap3A_181 {strides = array<i32>} : memref<80xi32, #tpu.memory_space<vmem>>, vector<16xi32>,
      %iota3A_182 = tpu.iota {dimensions = array<i32: 0>} : vector<16xi32>
      %add3A_183 = arith.constant 9856 : i32
      %add3A_184 = vector.broadcast %add3A_183 : i32 to vector<16xi32>
      %add3A_185 = arith.addi %iota3A_182, %add3A_184 : vector<16xi32>
      %swap3A_186 = arith.constant 16 : index
      %swap3A_187 = tpu.vector_load %arg13[%swap3A_186] {strides = array<i32>} : memref<80xi32, #tpu.memory_space<vmem>>, vector<16xi32>,
      %swap3A_188 = vector.shape_cast %swap3A_187 : vector<16xi32> to vector<16xi32>
      %swap3A_189 = vector.shape_cast %add3A_185 : vector<16xi32> to vector<16xi32>
      tpu.vector_store %arg13[%swap3A_186], %swap3A_189 {strides = array<i32>} : memref<80xi32, #tpu.memory_space<vmem>>, vector<16xi32>,
      %iota3A_190 = tpu.iota {dimensions = array<i32: 0>} : vector<16xi32>
      %add3A_191 = arith.constant 9872 : i32
      %add3A_192 = vector.broadcast %add3A_191 : i32 to vector<16xi32>
      %add3A_193 = arith.addi %iota3A_190, %add3A_192 : vector<16xi32>
      %swap3A_194 = arith.constant 32 : index
      %swap3A_195 = tpu.vector_load %arg13[%swap3A_194] {strides = array<i32>} : memref<80xi32, #tpu.memory_space<vmem>>, vector<16xi32>,
      %swap3A_196 = vector.shape_cast %swap3A_195 : vector<16xi32> to vector<16xi32>
      %swap3A_197 = vector.shape_cast %add3A_193 : vector<16xi32> to vector<16xi32>
      tpu.vector_store %arg13[%swap3A_194], %swap3A_197 {strides = array<i32>} : memref<80xi32, #tpu.memory_space<vmem>>, vector<16xi32>,
      %iota3A_198 = tpu.iota {dimensions = array<i32: 0>} : vector<16xi32>
      %add3A_199 = arith.constant 9888 : i32
      %add3A_200 = vector.broadcast %add3A_199 : i32 to vector<16xi32>
      %add3A_201 = arith.addi %iota3A_198, %add3A_200 : vector<16xi32>
      %swap3A_202 = arith.constant 48 : index
      %swap3A_203 = tpu.vector_load %arg13[%swap3A_202] {strides = array<i32>} : memref<80xi32, #tpu.memory_space<vmem>>, vector<16xi32>,
      %swap3A_204 = vector.shape_cast %swap3A_203 : vector<16xi32> to vector<16xi32>
      %swap3A_205 = vector.shape_cast %add3A_201 : vector<16xi32> to vector<16xi32>
      tpu.vector_store %arg13[%swap3A_202], %swap3A_205 {strides = array<i32>} : memref<80xi32, #tpu.memory_space<vmem>>, vector<16xi32>,
      %iota3A_206 = tpu.iota {dimensions = array<i32: 0>} : vector<16xi32>
      %add3A_207 = arith.constant 9904 : i32
      %add3A_208 = vector.broadcast %add3A_207 : i32 to vector<16xi32>
      %add3A_209 = arith.addi %iota3A_206, %add3A_208 : vector<16xi32>
      %swap3A_210 = arith.constant 64 : index
      %swap3A_211 = tpu.vector_load %arg13[%swap3A_210] {strides = array<i32>} : memref<80xi32, #tpu.memory_space<vmem>>, vector<16xi32>,
      %swap3A_212 = vector.shape_cast %swap3A_211 : vector<16xi32> to vector<16xi32>
      %swap3A_213 = vector.shape_cast %add3A_209 : vector<16xi32> to vector<16xi32>
      tpu.vector_store %arg13[%swap3A_210], %swap3A_213 {strides = array<i32>} : memref<80xi32, #tpu.memory_space<vmem>>, vector<16xi32>,
      %dma_start3A_214 = arith.constant 0 : i32
      %dma_start3A_215 = arith.constant 0 : i32
      %dma_start3A_216 = tpu.memref_slice %arg14[%dma_start3A_214, %dma_start3A_215] : memref<10000x128xf32, #tpu.memory_space<vmem_shared>> -> memref<10000x128xf32, #tpu.memory_space<vmem_shared>>
      tpu.enqueue_indirect_dma source(%dma_start3A_216 : memref<10000x128xf32, #tpu.memory_space<vmem_shared>>) target(%arg12 : memref<80x128xf32, #tpu.memory_space<vmem>>) offsets(%arg13 : memref<80xi32, #tpu.memory_space<vmem>>) semaphore(%arg16 : memref<!tpu.dma_semaphore, #tpu.memory_space<semaphore_mem>>)
      %dma_wait3A_217 = arith.constant 0 : i32
      %dma_wait3A_218 = arith.constant 0 : i32
      %dma_wait3A_219 = tpu.memref_slice %arg14[%dma_wait3A_217, %dma_wait3A_218] : memref<10000x128xf32, #tpu.memory_space<vmem_shared>> -> memref<10000x128xf32, #tpu.memory_space<vmem_shared>>
      tpu.wait_indirect_dma semaphore(%arg16 : memref<!tpu.dma_semaphore, #tpu.memory_space<semaphore_mem>>) src(%dma_wait3A_219 : memref<10000x128xf32, #tpu.memory_space<vmem_shared>>) dst(%arg12 : memref<80x128xf32, #tpu.memory_space<vmem>>)
      "tpu.region"() ({
        %run_scoped3A = tpu.sem_alloc : memref<!tpu.dma_semaphore, #tpu.memory_space<semaphore_mem>>
        %dma_start3A_266 = arith.constant 9840 : i32
        %dma_start3A_267 = arith.constant 0 : i32
        %dma_start3A_268 = tpu.memref_slice %arg5[%arg0, %dma_start3A_266, %dma_start3A_267] : memref<2x10000x128xf32, #tpu.memory_space<hbm>> -> memref<1x80x128xf32, #tpu.memory_space<hbm>>
        %dma_start3A_269 = tpu.memref_squeeze %dma_start3A_268 : memref<1x80x128xf32, #tpu.memory_space<hbm>> -> memref<80x128xf32, #tpu.memory_space<hbm>>
        %dma_start3A_270 = arith.constant 9840 : i32
        %dma_start3A_271 = arith.constant 0 : i32
        %dma_start3A_272 = tpu.memref_slice %arg5[%arg0, %dma_start3A_270, %dma_start3A_271] : memref<2x10000x128xf32, #tpu.memory_space<hbm>> -> memref<1x80x128xf32, #tpu.memory_space<hbm>>
        %dma_start3A_273 = tpu.memref_squeeze %dma_start3A_272 : memref<1x80x128xf32, #tpu.memory_space<hbm>> -> memref<80x128xf32, #tpu.memory_space<hbm>>
        tpu.enqueue_dma source(%arg12 : memref<80x128xf32, #tpu.memory_space<vmem>>) target(%dma_start3A_273 : memref<80x128xf32, #tpu.memory_space<hbm>>) target_semaphore(%run_scoped3A : memref<!tpu.dma_semaphore, #tpu.memory_space<semaphore_mem>>)
        %dma_wait3A_274 = arith.constant 9840 : i32
        %dma_wait3A_275 = arith.constant 0 : i32
        %dma_wait3A_276 = tpu.memref_slice %arg5[%arg0, %dma_wait3A_274, %dma_wait3A_275] : memref<2x10000x128xf32, #tpu.memory_space<hbm>> -> memref<1x80x128xf32, #tpu.memory_space<hbm>>
        %dma_wait3A_277 = tpu.memref_squeeze %dma_wait3A_276 : memref<1x80x128xf32, #tpu.memory_space<hbm>> -> memref<80x128xf32, #tpu.memory_space<hbm>>
        %dma_wait3A_278 = arith.constant 9840 : i32
        %dma_wait3A_279 = arith.constant 0 : i32
        %dma_wait3A_280 = tpu.memref_slice %arg5[%arg0, %dma_wait3A_278, %dma_wait3A_279] : memref<2x10000x128xf32, #tpu.memory_space<hbm>> -> memref<1x80x128xf32, #tpu.memory_space<hbm>>
        %dma_wait3A_281 = tpu.memref_squeeze %dma_wait3A_280 : memref<1x80x128xf32, #tpu.memory_space<hbm>> -> memref<80x128xf32, #tpu.memory_space<hbm>>
        tpu.wait_dma2 semaphore(%run_scoped3A : memref<!tpu.dma_semaphore, #tpu.memory_space<semaphore_mem>>) src(%arg12 : memref<80x128xf32, #tpu.memory_space<vmem>>) dst(%dma_wait3A_281 : memref<80x128xf32, #tpu.memory_space<hbm>>)
        tpu.yield
      }) : () -> ()
      %iota3A_220 = tpu.iota {dimensions = array<i32: 0>} : vector<16xi32>
      %add3A_221 = arith.constant 9920 : i32
      %add3A_222 = vector.broadcast %add3A_221 : i32 to vector<16xi32>
      %add3A_223 = arith.addi %iota3A_220, %add3A_222 : vector<16xi32>
      %swap3A_224 = arith.constant 0 : index
      %swap3A_225 = tpu.vector_load %arg13[%swap3A_224] {strides = array<i32>} : memref<80xi32, #tpu.memory_space<vmem>>, vector<16xi32>,
      %swap3A_226 = vector.shape_cast %swap3A_225 : vector<16xi32> to vector<16xi32>
      %swap3A_227 = vector.shape_cast %add3A_223 : vector<16xi32> to vector<16xi32>
      tpu.vector_store %arg13[%swap3A_224], %swap3A_227 {strides = array<i32>} : memref<80xi32, #tpu.memory_space<vmem>>, vector<16xi32>,
      %iota3A_228 = tpu.iota {dimensions = array<i32: 0>} : vector<16xi32>
      %add3A_229 = arith.constant 9936 : i32
      %add3A_230 = vector.broadcast %add3A_229 : i32 to vector<16xi32>
      %add3A_231 = arith.addi %iota3A_228, %add3A_230 : vector<16xi32>
      %swap3A_232 = arith.constant 16 : index
      %swap3A_233 = tpu.vector_load %arg13[%swap3A_232] {strides = array<i32>} : memref<80xi32, #tpu.memory_space<vmem>>, vector<16xi32>,
      %swap3A_234 = vector.shape_cast %swap3A_233 : vector<16xi32> to vector<16xi32>
      %swap3A_235 = vector.shape_cast %add3A_231 : vector<16xi32> to vector<16xi32>
      tpu.vector_store %arg13[%swap3A_232], %swap3A_235 {strides = array<i32>} : memref<80xi32, #tpu.memory_space<vmem>>, vector<16xi32>,
      %iota3A_236 = tpu.iota {dimensions = array<i32: 0>} : vector<16xi32>
      %add3A_237 = arith.constant 9952 : i32
      %add3A_238 = vector.broadcast %add3A_237 : i32 to vector<16xi32>
      %add3A_239 = arith.addi %iota3A_236, %add3A_238 : vector<16xi32>
      %swap3A_240 = arith.constant 32 : index
      %swap3A_241 = tpu.vector_load %arg13[%swap3A_240] {strides = array<i32>} : memref<80xi32, #tpu.memory_space<vmem>>, vector<16xi32>,
      %swap3A_242 = vector.shape_cast %swap3A_241 : vector<16xi32> to vector<16xi32>
      %swap3A_243 = vector.shape_cast %add3A_239 : vector<16xi32> to vector<16xi32>
      tpu.vector_store %arg13[%swap3A_240], %swap3A_243 {strides = array<i32>} : memref<80xi32, #tpu.memory_space<vmem>>, vector<16xi32>,
      %iota3A_244 = tpu.iota {dimensions = array<i32: 0>} : vector<16xi32>
      %add3A_245 = arith.constant 9968 : i32
      %add3A_246 = vector.broadcast %add3A_245 : i32 to vector<16xi32>
      %add3A_247 = arith.addi %iota3A_244, %add3A_246 : vector<16xi32>
      %swap3A_248 = arith.constant 48 : index
      %swap3A_249 = tpu.vector_load %arg13[%swap3A_248] {strides = array<i32>} : memref<80xi32, #tpu.memory_space<vmem>>, vector<16xi32>,
      %swap3A_250 = vector.shape_cast %swap3A_249 : vector<16xi32> to vector<16xi32>
      %swap3A_251 = vector.shape_cast %add3A_247 : vector<16xi32> to vector<16xi32>
      tpu.vector_store %arg13[%swap3A_248], %swap3A_251 {strides = array<i32>} : memref<80xi32, #tpu.memory_space<vmem>>, vector<16xi32>,
      %iota3A_252 = tpu.iota {dimensions = array<i32: 0>} : vector<16xi32>
      %add3A_253 = arith.constant 9984 : i32
      %add3A_254 = vector.broadcast %add3A_253 : i32 to vector<16xi32>
      %add3A_255 = arith.addi %iota3A_252, %add3A_254 : vector<16xi32>
      %swap3A_256 = arith.constant 64 : index
      %swap3A_257 = tpu.vector_load %arg13[%swap3A_256] {strides = array<i32>} : memref<80xi32, #tpu.memory_space<vmem>>, vector<16xi32>,
      %swap3A_258 = vector.shape_cast %swap3A_257 : vector<16xi32> to vector<16xi32>
      %swap3A_259 = vector.shape_cast %add3A_255 : vector<16xi32> to vector<16xi32>
      tpu.vector_store %arg13[%swap3A_256], %swap3A_259 {strides = array<i32>} : memref<80xi32, #tpu.memory_space<vmem>>, vector<16xi32>,
      %dma_start3A_260 = arith.constant 0 : i32
      %dma_start3A_261 = arith.constant 0 : i32
      %dma_start3A_262 = tpu.memref_slice %arg14[%dma_start3A_260, %dma_start3A_261] : memref<10000x128xf32, #tpu.memory_space<vmem_shared>> -> memref<10000x128xf32, #tpu.memory_space<vmem_shared>>
      tpu.enqueue_indirect_dma source(%dma_start3A_262 : memref<10000x128xf32, #tpu.memory_space<vmem_shared>>) target(%arg12 : memref<80x128xf32, #tpu.memory_space<vmem>>) offsets(%arg13 : memref<80xi32, #tpu.memory_space<vmem>>) semaphore(%arg16 : memref<!tpu.dma_semaphore, #tpu.memory_space<semaphore_mem>>)
      %dma_wait3A_263 = arith.constant 0 : i32
      %dma_wait3A_264 = arith.constant 0 : i32
      %dma_wait3A_265 = tpu.memref_slice %arg14[%dma_wait3A_263, %dma_wait3A_264] : memref<10000x128xf32, #tpu.memory_space<vmem_shared>> -> memref<10000x128xf32, #tpu.memory_space<vmem_shared>>
      tpu.wait_indirect_dma semaphore(%arg16 : memref<!tpu.dma_semaphore, #tpu.memory_space<semaphore_mem>>) src(%dma_wait3A_265 : memref<10000x128xf32, #tpu.memory_space<vmem_shared>>) dst(%arg12 : memref<80x128xf32, #tpu.memory_space<vmem>>)
      "tpu.region"() ({
        %run_scoped3A = tpu.sem_alloc : memref<!tpu.dma_semaphore, #tpu.memory_space<semaphore_mem>>
        %dma_start3A_266 = arith.constant 9920 : i32
        %dma_start3A_267 = arith.constant 0 : i32
        %dma_start3A_268 = tpu.memref_slice %arg5[%arg0, %dma_start3A_266, %dma_start3A_267] : memref<2x10000x128xf32, #tpu.memory_space<hbm>> -> memref<1x80x128xf32, #tpu.memory_space<hbm>>
        %dma_start3A_269 = tpu.memref_squeeze %dma_start3A_268 : memref<1x80x128xf32, #tpu.memory_space<hbm>> -> memref<80x128xf32, #tpu.memory_space<hbm>>
        %dma_start3A_270 = arith.constant 9920 : i32
        %dma_start3A_271 = arith.constant 0 : i32
        %dma_start3A_272 = tpu.memref_slice %arg5[%arg0, %dma_start3A_270, %dma_start3A_271] : memref<2x10000x128xf32, #tpu.memory_space<hbm>> -> memref<1x80x128xf32, #tpu.memory_space<hbm>>
        %dma_start3A_273 = tpu.memref_squeeze %dma_start3A_272 : memref<1x80x128xf32, #tpu.memory_space<hbm>> -> memref<80x128xf32, #tpu.memory_space<hbm>>
        tpu.enqueue_dma source(%arg12 : memref<80x128xf32, #tpu.memory_space<vmem>>) target(%dma_start3A_273 : memref<80x128xf32, #tpu.memory_space<hbm>>) target_semaphore(%run_scoped3A : memref<!tpu.dma_semaphore, #tpu.memory_space<semaphore_mem>>)
        %dma_wait3A_274 = arith.constant 9920 : i32
        %dma_wait3A_275 = arith.constant 0 : i32
        %dma_wait3A_276 = tpu.memref_slice %arg5[%arg0, %dma_wait3A_274, %dma_wait3A_275] : memref<2x10000x128xf32, #tpu.memory_space<hbm>> -> memref<1x80x128xf32, #tpu.memory_space<hbm>>
        %dma_wait3A_277 = tpu.memref_squeeze %dma_wait3A_276 : memref<1x80x128xf32, #tpu.memory_space<hbm>> -> memref<80x128xf32, #tpu.memory_space<hbm>>
        %dma_wait3A_278 = arith.constant 9920 : i32
        %dma_wait3A_279 = arith.constant 0 : i32
        %dma_wait3A_280 = tpu.memref_slice %arg5[%arg0, %dma_wait3A_278, %dma_wait3A_279] : memref<2x10000x128xf32, #tpu.memory_space<hbm>> -> memref<1x80x128xf32, #tpu.memory_space<hbm>>
        %dma_wait3A_281 = tpu.memref_squeeze %dma_wait3A_280 : memref<1x80x128xf32, #tpu.memory_space<hbm>> -> memref<80x128xf32, #tpu.memory_space<hbm>>
        tpu.wait_dma2 semaphore(%run_scoped3A : memref<!tpu.dma_semaphore, #tpu.memory_space<semaphore_mem>>) src(%arg12 : memref<80x128xf32, #tpu.memory_space<vmem>>) dst(%dma_wait3A_281 : memref<80x128xf32, #tpu.memory_space<hbm>>)
        tpu.yield
      }) : () -> ()
    } else {
    }
    %eq3A_35 = arith.constant 0 : i32
    %eq3A_36 = arith.cmpi eq, %arg1, %eq3A_35 : i32
    %convert_element_type3A_37 = arith.extui %eq3A_36 : i1 to i32
    %cond3A_38 = arith.constant 0 : i32
    %cond3A_39 = arith.cmpi ne, %convert_element_type3A_37, %cond3A_38 : i32
    scf.if %cond3A_39 {
      %iota3A = tpu.iota {dimensions = array<i32: 0>} : vector<16xi32>
      %add3A_40 = arith.constant 0 : i32
      %add3A_41 = vector.broadcast %add3A_40 : i32 to vector<16xi32>
      %add3A_42 = arith.addi %iota3A, %add3A_41 : vector<16xi32>
      %swap3A = arith.constant 0 : index
      %swap3A_43 = tpu.vector_load %arg13[%swap3A] {strides = array<i32>} : memref<80xi32, #tpu.memory_space<vmem>>, vector<16xi32>,
      %swap3A_44 = vector.shape_cast %swap3A_43 : vector<16xi32> to vector<16xi32>
      %swap3A_45 = vector.shape_cast %add3A_42 : vector<16xi32> to vector<16xi32>
      tpu.vector_store %arg13[%swap3A], %swap3A_45 {strides = array<i32>} : memref<80xi32, #tpu.memory_space<vmem>>, vector<16xi32>,
      %iota3A_46 = tpu.iota {dimensions = array<i32: 0>} : vector<16xi32>
      %add3A_47 = arith.constant 16 : i32
      %add3A_48 = vector.broadcast %add3A_47 : i32 to vector<16xi32>
      %add3A_49 = arith.addi %iota3A_46, %add3A_48 : vector<16xi32>
      %swap3A_50 = arith.constant 16 : index
      %swap3A_51 = tpu.vector_load %arg13[%swap3A_50] {strides = array<i32>} : memref<80xi32, #tpu.memory_space<vmem>>, vector<16xi32>,
      %swap3A_52 = vector.shape_cast %swap3A_51 : vector<16xi32> to vector<16xi32>
      %swap3A_53 = vector.shape_cast %add3A_49 : vector<16xi32> to vector<16xi32>
      tpu.vector_store %arg13[%swap3A_50], %swap3A_53 {strides = array<i32>} : memref<80xi32, #tpu.memory_space<vmem>>, vector<16xi32>,
      %iota3A_54 = tpu.iota {dimensions = array<i32: 0>} : vector<16xi32>
      %add3A_55 = arith.constant 32 : i32
      %add3A_56 = vector.broadcast %add3A_55 : i32 to vector<16xi32>
      %add3A_57 = arith.addi %iota3A_54, %add3A_56 : vector<16xi32>
      %swap3A_58 = arith.constant 32 : index
      %swap3A_59 = tpu.vector_load %arg13[%swap3A_58] {strides = array<i32>} : memref<80xi32, #tpu.memory_space<vmem>>, vector<16xi32>,
      %swap3A_60 = vector.shape_cast %swap3A_59 : vector<16xi32> to vector<16xi32>
      %swap3A_61 = vector.shape_cast %add3A_57 : vector<16xi32> to vector<16xi32>
      tpu.vector_store %arg13[%swap3A_58], %swap3A_61 {strides = array<i32>} : memref<80xi32, #tpu.memory_space<vmem>>, vector<16xi32>,
      %iota3A_62 = tpu.iota {dimensions = array<i32: 0>} : vector<16xi32>
      %add3A_63 = arith.constant 48 : i32
      %add3A_64 = vector.broadcast %add3A_63 : i32 to vector<16xi32>
      %add3A_65 = arith.addi %iota3A_62, %add3A_64 : vector<16xi32>
      %swap3A_66 = arith.constant 48 : index
      %swap3A_67 = tpu.vector_load %arg13[%swap3A_66] {strides = array<i32>} : memref<80xi32, #tpu.memory_space<vmem>>, vector<16xi32>,
      %swap3A_68 = vector.shape_cast %swap3A_67 : vector<16xi32> to vector<16xi32>
      %swap3A_69 = vector.shape_cast %add3A_65 : vector<16xi32> to vector<16xi32>
      tpu.vector_store %arg13[%swap3A_66], %swap3A_69 {strides = array<i32>} : memref<80xi32, #tpu.memory_space<vmem>>, vector<16xi32>,
      %iota3A_70 = tpu.iota {dimensions = array<i32: 0>} : vector<16xi32>
      %add3A_71 = arith.constant 64 : i32
      %add3A_72 = vector.broadcast %add3A_71 : i32 to vector<16xi32>
      %add3A_73 = arith.addi %iota3A_70, %add3A_72 : vector<16xi32>
      %swap3A_74 = arith.constant 64 : index
      %swap3A_75 = tpu.vector_load %arg13[%swap3A_74] {strides = array<i32>} : memref<80xi32, #tpu.memory_space<vmem>>, vector<16xi32>,
      %swap3A_76 = vector.shape_cast %swap3A_75 : vector<16xi32> to vector<16xi32>
      %swap3A_77 = vector.shape_cast %add3A_73 : vector<16xi32> to vector<16xi32>
      tpu.vector_store %arg13[%swap3A_74], %swap3A_77 {strides = array<i32>} : memref<80xi32, #tpu.memory_space<vmem>>, vector<16xi32>,
      %dma_start3A = arith.constant 0 : i32
      %dma_start3A_78 = arith.constant 0 : i32
      %dma_start3A_79 = tpu.memref_slice %arg15[%dma_start3A, %dma_start3A_78] : memref<80x128xf32, #tpu.memory_space<vmem_shared>> -> memref<80x128xf32, #tpu.memory_space<vmem_shared>>
      tpu.enqueue_indirect_dma source(%dma_start3A_79 : memref<80x128xf32, #tpu.memory_space<vmem_shared>>) target(%arg12 : memref<80x128xf32, #tpu.memory_space<vmem>>) offsets(%arg13 : memref<80xi32, #tpu.memory_space<vmem>>) semaphore(%arg16 : memref<!tpu.dma_semaphore, #tpu.memory_space<semaphore_mem>>)
      %dma_wait3A = arith.constant 0 : i32
      %dma_wait3A_80 = arith.constant 0 : i32
      %dma_wait3A_81 = tpu.memref_slice %arg15[%dma_wait3A, %dma_wait3A_80] : memref<80x128xf32, #tpu.memory_space<vmem_shared>> -> memref<80x128xf32, #tpu.memory_space<vmem_shared>>
      tpu.wait_indirect_dma semaphore(%arg16 : memref<!tpu.dma_semaphore, #tpu.memory_space<semaphore_mem>>) src(%dma_wait3A_81 : memref<80x128xf32, #tpu.memory_space<vmem_shared>>) dst(%arg12 : memref<80x128xf32, #tpu.memory_space<vmem>>)
      "tpu.region"() ({
        %run_scoped3A = tpu.sem_alloc : memref<!tpu.dma_semaphore, #tpu.memory_space<semaphore_mem>>
        %dma_start3A_82 = arith.constant 0 : i32
        %dma_start3A_83 = arith.constant 0 : i32
        %dma_start3A_84 = tpu.memref_slice %arg6[%arg0, %dma_start3A_82, %dma_start3A_83] : memref<2x80x128xf32, #tpu.memory_space<hbm>> -> memref<1x80x128xf32, #tpu.memory_space<hbm>>
        %dma_start3A_85 = tpu.memref_squeeze %dma_start3A_84 : memref<1x80x128xf32, #tpu.memory_space<hbm>> -> memref<80x128xf32, #tpu.memory_space<hbm>>
        %dma_start3A_86 = arith.constant 0 : i32
        %dma_start3A_87 = arith.constant 0 : i32
        %dma_start3A_88 = tpu.memref_slice %arg6[%arg0, %dma_start3A_86, %dma_start3A_87] : memref<2x80x128xf32, #tpu.memory_space<hbm>> -> memref<1x80x128xf32, #tpu.memory_space<hbm>>
        %dma_start3A_89 = tpu.memref_squeeze %dma_start3A_88 : memref<1x80x128xf32, #tpu.memory_space<hbm>> -> memref<80x128xf32, #tpu.memory_space<hbm>>
        tpu.enqueue_dma source(%arg12 : memref<80x128xf32, #tpu.memory_space<vmem>>) target(%dma_start3A_89 : memref<80x128xf32, #tpu.memory_space<hbm>>) target_semaphore(%run_scoped3A : memref<!tpu.dma_semaphore, #tpu.memory_space<semaphore_mem>>)
        %dma_wait3A_90 = arith.constant 0 : i32
        %dma_wait3A_91 = arith.constant 0 : i32
        %dma_wait3A_92 = tpu.memref_slice %arg6[%arg0, %dma_wait3A_90, %dma_wait3A_91] : memref<2x80x128xf32, #tpu.memory_space<hbm>> -> memref<1x80x128xf32, #tpu.memory_space<hbm>>
        %dma_wait3A_93 = tpu.memref_squeeze %dma_wait3A_92 : memref<1x80x128xf32, #tpu.memory_space<hbm>> -> memref<80x128xf32, #tpu.memory_space<hbm>>
        %dma_wait3A_94 = arith.constant 0 : i32
        %dma_wait3A_95 = arith.constant 0 : i32
        %dma_wait3A_96 = tpu.memref_slice %arg6[%arg0, %dma_wait3A_94, %dma_wait3A_95] : memref<2x80x128xf32, #tpu.memory_space<hbm>> -> memref<1x80x128xf32, #tpu.memory_space<hbm>>
        %dma_wait3A_97 = tpu.memref_squeeze %dma_wait3A_96 : memref<1x80x128xf32, #tpu.memory_space<hbm>> -> memref<80x128xf32, #tpu.memory_space<hbm>>
        tpu.wait_dma2 semaphore(%run_scoped3A : memref<!tpu.dma_semaphore, #tpu.memory_space<semaphore_mem>>) src(%arg12 : memref<80x128xf32, #tpu.memory_space<vmem>>) dst(%dma_wait3A_97 : memref<80x128xf32, #tpu.memory_space<hbm>>)
        tpu.yield
      }) : () -> ()
    } else {
    }
    return
  }
}

#map = affine_map<(d0, d1) -> (0, 0, 0)>
#map1 = affine_map<(d0, d1) -> (0, 0)>
#map2 = affine_map<(d0, d1) -> (0)>
module attributes {stable_mosaic.version = 14 : i64} {
  func.func @_sc_layer2_body(%arg0: i32, %arg1: i32, %arg2: memref<4000x2x80xi32, #tpu.memory_space<hbm>>, %arg3: memref<20000x128xf32, #tpu.memory_space<hbm>>, %arg4: memref<1024xi32, #tpu.memory_space<hbm>>, %arg5: memref<2x1024x128xf32, #tpu.memory_space<hbm>>, %arg6: memref<2x1024x128xf32, #tpu.memory_space<hbm>>, %arg7: memref<2x80xi32, #tpu.memory_space<vmem>>, %arg8: memref<80x128xf32, #tpu.memory_space<vmem>>, %arg9: memref<64xi32, #tpu.memory_space<vmem>>, %arg10: memref<64xi32, #tpu.memory_space<vmem>>, %arg11: memref<64x128xf32, #tpu.memory_space<vmem>>, %arg12: memref<80x128xf32, #tpu.memory_space<vmem>>, %arg13: memref<80xi32, #tpu.memory_space<vmem>>, %arg14: memref<10000x128xf32, #tpu.memory_space<vmem_shared>>, %arg15: memref<!tpu.dma_semaphore, #tpu.memory_space<semaphore_mem>>) attributes {dimension_semantics = [#tpu.dimension_semantics<core_parallel>, #tpu.dimension_semantics<subcore_parallel>], iteration_bounds = array<i64: 2, 16>, scalar_prefetch = 0 : i64, scratch_operands = 9 : i64, tpu.core_type = #tpu.core_type<sc_vector_subcore>, window_params = [{transform_indices = #map}, {transform_indices = #map1}, {transform_indices = #map2}, {transform_indices = #map}, {transform_indices = #map}]} {
    %mul3A = arith.constant 2 : i32
    %mul3A_0 = arith.muli %arg1, %mul3A : i32
    %add3A = arith.addi %mul3A_0, %arg0 : i32
    %broadcast_in_dim3A = arith.constant 0.000000e+00 : f32
    %broadcast_in_dim3A_1 = vector.broadcast %broadcast_in_dim3A : f32 to vector<16xf32>
    %scan3A = arith.constant 0 : i32
    %scan3A_2 = arith.constant 0 : i32
    %scan3A_3 = arith.constant 80 : i32
    %scan3A_4 = arith.addi %scan3A_2, %scan3A_3 : i32
    %scan3A_5 = arith.constant 1 : i32
    scf.for %scan3A_68 = %scan3A_2 to %scan3A_4 step %scan3A_5  : i32 {
      %swap3A_69 = arith.index_cast %scan3A_68 : i32 to index
      %swap3A_70 = arith.constant 0 : index
      %swap3A_71 = tpu.vector_load %arg12[%swap3A_69, %swap3A_70] {strides = array<i32>} : memref<80x128xf32, #tpu.memory_space<vmem>>, vector<1x16xf32>,
      %swap3A_72 = vector.shape_cast %swap3A_71 : vector<1x16xf32> to vector<16xf32>
      %swap3A_73 = vector.shape_cast %broadcast_in_dim3A_1 : vector<16xf32> to vector<1x16xf32>
      tpu.vector_store %arg12[%swap3A_69, %swap3A_70], %swap3A_73 {strides = array<i32>} : memref<80x128xf32, #tpu.memory_space<vmem>>, vector<1x16xf32>,
      %swap3A_74 = arith.index_cast %scan3A_68 : i32 to index
      %swap3A_75 = arith.constant 16 : index
      %swap3A_76 = tpu.vector_load %arg12[%swap3A_74, %swap3A_75] {strides = array<i32>} : memref<80x128xf32, #tpu.memory_space<vmem>>, vector<1x16xf32>,
      %swap3A_77 = vector.shape_cast %swap3A_76 : vector<1x16xf32> to vector<16xf32>
      %swap3A_78 = vector.shape_cast %broadcast_in_dim3A_1 : vector<16xf32> to vector<1x16xf32>
      tpu.vector_store %arg12[%swap3A_74, %swap3A_75], %swap3A_78 {strides = array<i32>} : memref<80x128xf32, #tpu.memory_space<vmem>>, vector<1x16xf32>,
      %swap3A_79 = arith.index_cast %scan3A_68 : i32 to index
      %swap3A_80 = arith.constant 32 : index
      %swap3A_81 = tpu.vector_load %arg12[%swap3A_79, %swap3A_80] {strides = array<i32>} : memref<80x128xf32, #tpu.memory_space<vmem>>, vector<1x16xf32>,
      %swap3A_82 = vector.shape_cast %swap3A_81 : vector<1x16xf32> to vector<16xf32>
      %swap3A_83 = vector.shape_cast %broadcast_in_dim3A_1 : vector<16xf32> to vector<1x16xf32>
      tpu.vector_store %arg12[%swap3A_79, %swap3A_80], %swap3A_83 {strides = array<i32>} : memref<80x128xf32, #tpu.memory_space<vmem>>, vector<1x16xf32>,
      %swap3A_84 = arith.index_cast %scan3A_68 : i32 to index
      %swap3A_85 = arith.constant 48 : index
      %swap3A_86 = tpu.vector_load %arg12[%swap3A_84, %swap3A_85] {strides = array<i32>} : memref<80x128xf32, #tpu.memory_space<vmem>>, vector<1x16xf32>,
      %swap3A_87 = vector.shape_cast %swap3A_86 : vector<1x16xf32> to vector<16xf32>
      %swap3A_88 = vector.shape_cast %broadcast_in_dim3A_1 : vector<16xf32> to vector<1x16xf32>
      tpu.vector_store %arg12[%swap3A_84, %swap3A_85], %swap3A_88 {strides = array<i32>} : memref<80x128xf32, #tpu.memory_space<vmem>>, vector<1x16xf32>,
      %swap3A_89 = arith.index_cast %scan3A_68 : i32 to index
      %swap3A_90 = arith.constant 64 : index
      %swap3A_91 = tpu.vector_load %arg12[%swap3A_89, %swap3A_90] {strides = array<i32>} : memref<80x128xf32, #tpu.memory_space<vmem>>, vector<1x16xf32>,
      %swap3A_92 = vector.shape_cast %swap3A_91 : vector<1x16xf32> to vector<16xf32>
      %swap3A_93 = vector.shape_cast %broadcast_in_dim3A_1 : vector<16xf32> to vector<1x16xf32>
      tpu.vector_store %arg12[%swap3A_89, %swap3A_90], %swap3A_93 {strides = array<i32>} : memref<80x128xf32, #tpu.memory_space<vmem>>, vector<1x16xf32>,
      %swap3A_94 = arith.index_cast %scan3A_68 : i32 to index
      %swap3A_95 = arith.constant 80 : index
      %swap3A_96 = tpu.vector_load %arg12[%swap3A_94, %swap3A_95] {strides = array<i32>} : memref<80x128xf32, #tpu.memory_space<vmem>>, vector<1x16xf32>,
      %swap3A_97 = vector.shape_cast %swap3A_96 : vector<1x16xf32> to vector<16xf32>
      %swap3A_98 = vector.shape_cast %broadcast_in_dim3A_1 : vector<16xf32> to vector<1x16xf32>
      tpu.vector_store %arg12[%swap3A_94, %swap3A_95], %swap3A_98 {strides = array<i32>} : memref<80x128xf32, #tpu.memory_space<vmem>>, vector<1x16xf32>,
      %swap3A_99 = arith.index_cast %scan3A_68 : i32 to index
      %swap3A_100 = arith.constant 96 : index
      %swap3A_101 = tpu.vector_load %arg12[%swap3A_99, %swap3A_100] {strides = array<i32>} : memref<80x128xf32, #tpu.memory_space<vmem>>, vector<1x16xf32>,
      %swap3A_102 = vector.shape_cast %swap3A_101 : vector<1x16xf32> to vector<16xf32>
      %swap3A_103 = vector.shape_cast %broadcast_in_dim3A_1 : vector<16xf32> to vector<1x16xf32>
      tpu.vector_store %arg12[%swap3A_99, %swap3A_100], %swap3A_103 {strides = array<i32>} : memref<80x128xf32, #tpu.memory_space<vmem>>, vector<1x16xf32>,
      %swap3A_104 = arith.index_cast %scan3A_68 : i32 to index
      %swap3A_105 = arith.constant 112 : index
      %swap3A_106 = tpu.vector_load %arg12[%swap3A_104, %swap3A_105] {strides = array<i32>} : memref<80x128xf32, #tpu.memory_space<vmem>>, vector<1x16xf32>,
      %swap3A_107 = vector.shape_cast %swap3A_106 : vector<1x16xf32> to vector<16xf32>
      %swap3A_108 = vector.shape_cast %broadcast_in_dim3A_1 : vector<16xf32> to vector<1x16xf32>
      tpu.vector_store %arg12[%swap3A_104, %swap3A_105], %swap3A_108 {strides = array<i32>} : memref<80x128xf32, #tpu.memory_space<vmem>>, vector<1x16xf32>,
    }
    %scan3A_6 = arith.constant 80 : i32
    %lt3A = arith.constant 15 : i32
    %lt3A_7 = arith.cmpi slt, %arg1, %lt3A : i32
    %convert_element_type3A = arith.extui %lt3A_7 : i1 to i32
    %cond3A = arith.constant 0 : i32
    %cond3A_8 = arith.cmpi ne, %convert_element_type3A, %cond3A : i32
    scf.if %cond3A_8 {
      %mul3A_68 = arith.constant 640 : i32
      %mul3A_69 = arith.muli %arg1, %mul3A_68 : i32
      %multiple_of3A = tpu.assume_multiple %mul3A_69, 8 : i32
      %add3A_70 = arith.constant 0 : i32
      %add3A_71 = arith.addi %multiple_of3A, %add3A_70 : i32
      %iota3A = tpu.iota {dimensions = array<i32: 0>} : vector<16xi32>
      %add3A_72 = arith.constant 0 : i32
      %add3A_73 = arith.addi %add3A_71, %add3A_72 : i32
      %add3A_74 = vector.broadcast %add3A_73 : i32 to vector<16xi32>
      %add3A_75 = arith.addi %iota3A, %add3A_74 : vector<16xi32>
      %swap3A_76 = arith.constant 0 : index
      %swap3A_77 = tpu.vector_load %arg13[%swap3A_76] {strides = array<i32>} : memref<80xi32, #tpu.memory_space<vmem>>, vector<16xi32>,
      %swap3A_78 = vector.shape_cast %swap3A_77 : vector<16xi32> to vector<16xi32>
      %swap3A_79 = vector.shape_cast %add3A_75 : vector<16xi32> to vector<16xi32>
      tpu.vector_store %arg13[%swap3A_76], %swap3A_79 {strides = array<i32>} : memref<80xi32, #tpu.memory_space<vmem>>, vector<16xi32>,
      %iota3A_80 = tpu.iota {dimensions = array<i32: 0>} : vector<16xi32>
      %add3A_81 = arith.constant 16 : i32
      %add3A_82 = arith.addi %add3A_71, %add3A_81 : i32
      %add3A_83 = vector.broadcast %add3A_82 : i32 to vector<16xi32>
      %add3A_84 = arith.addi %iota3A_80, %add3A_83 : vector<16xi32>
      %swap3A_85 = arith.constant 16 : index
      %swap3A_86 = tpu.vector_load %arg13[%swap3A_85] {strides = array<i32>} : memref<80xi32, #tpu.memory_space<vmem>>, vector<16xi32>,
      %swap3A_87 = vector.shape_cast %swap3A_86 : vector<16xi32> to vector<16xi32>
      %swap3A_88 = vector.shape_cast %add3A_84 : vector<16xi32> to vector<16xi32>
      tpu.vector_store %arg13[%swap3A_85], %swap3A_88 {strides = array<i32>} : memref<80xi32, #tpu.memory_space<vmem>>, vector<16xi32>,
      %iota3A_89 = tpu.iota {dimensions = array<i32: 0>} : vector<16xi32>
      %add3A_90 = arith.constant 32 : i32
      %add3A_91 = arith.addi %add3A_71, %add3A_90 : i32
      %add3A_92 = vector.broadcast %add3A_91 : i32 to vector<16xi32>
      %add3A_93 = arith.addi %iota3A_89, %add3A_92 : vector<16xi32>
      %swap3A_94 = arith.constant 32 : index
      %swap3A_95 = tpu.vector_load %arg13[%swap3A_94] {strides = array<i32>} : memref<80xi32, #tpu.memory_space<vmem>>, vector<16xi32>,
      %swap3A_96 = vector.shape_cast %swap3A_95 : vector<16xi32> to vector<16xi32>
      %swap3A_97 = vector.shape_cast %add3A_93 : vector<16xi32> to vector<16xi32>
      tpu.vector_store %arg13[%swap3A_94], %swap3A_97 {strides = array<i32>} : memref<80xi32, #tpu.memory_space<vmem>>, vector<16xi32>,
      %iota3A_98 = tpu.iota {dimensions = array<i32: 0>} : vector<16xi32>
      %add3A_99 = arith.constant 48 : i32
      %add3A_100 = arith.addi %add3A_71, %add3A_99 : i32
      %add3A_101 = vector.broadcast %add3A_100 : i32 to vector<16xi32>
      %add3A_102 = arith.addi %iota3A_98, %add3A_101 : vector<16xi32>
      %swap3A_103 = arith.constant 48 : index
      %swap3A_104 = tpu.vector_load %arg13[%swap3A_103] {strides = array<i32>} : memref<80xi32, #tpu.memory_space<vmem>>, vector<16xi32>,
      %swap3A_105 = vector.shape_cast %swap3A_104 : vector<16xi32> to vector<16xi32>
      %swap3A_106 = vector.shape_cast %add3A_102 : vector<16xi32> to vector<16xi32>
      tpu.vector_store %arg13[%swap3A_103], %swap3A_106 {strides = array<i32>} : memref<80xi32, #tpu.memory_space<vmem>>, vector<16xi32>,
      %iota3A_107 = tpu.iota {dimensions = array<i32: 0>} : vector<16xi32>
      %add3A_108 = arith.constant 64 : i32
      %add3A_109 = arith.addi %add3A_71, %add3A_108 : i32
      %add3A_110 = vector.broadcast %add3A_109 : i32 to vector<16xi32>
      %add3A_111 = arith.addi %iota3A_107, %add3A_110 : vector<16xi32>
      %swap3A_112 = arith.constant 64 : index
      %swap3A_113 = tpu.vector_load %arg13[%swap3A_112] {strides = array<i32>} : memref<80xi32, #tpu.memory_space<vmem>>, vector<16xi32>,
      %swap3A_114 = vector.shape_cast %swap3A_113 : vector<16xi32> to vector<16xi32>
      %swap3A_115 = vector.shape_cast %add3A_111 : vector<16xi32> to vector<16xi32>
      tpu.vector_store %arg13[%swap3A_112], %swap3A_115 {strides = array<i32>} : memref<80xi32, #tpu.memory_space<vmem>>, vector<16xi32>,
      "tpu.region"() ({
        %run_scoped3A = tpu.sem_alloc : memref<!tpu.dma_semaphore, #tpu.memory_space<semaphore_mem>>
        %dma_start3A_445 = arith.constant 0 : i32
        %dma_start3A_446 = arith.constant 0 : i32
        %dma_start3A_447 = tpu.memref_slice %arg14[%dma_start3A_445, %dma_start3A_446] : memref<10000x128xf32, #tpu.memory_space<vmem_shared>> -> memref<10000x128xf32, #tpu.memory_space<vmem_shared>>
        tpu.enqueue_indirect_dma source(%arg12 : memref<80x128xf32, #tpu.memory_space<vmem>>) target(%dma_start3A_447 : memref<10000x128xf32, #tpu.memory_space<vmem_shared>>) offsets(%arg13 : memref<80xi32, #tpu.memory_space<vmem>>) semaphore(%run_scoped3A : memref<!tpu.dma_semaphore, #tpu.memory_space<semaphore_mem>>)
        %dma_wait3A_448 = arith.constant 0 : i32
        %dma_wait3A_449 = arith.constant 0 : i32
        %dma_wait3A_450 = tpu.memref_slice %arg14[%dma_wait3A_448, %dma_wait3A_449] : memref<10000x128xf32, #tpu.memory_space<vmem_shared>> -> memref<10000x128xf32, #tpu.memory_space<vmem_shared>>
        tpu.wait_indirect_dma semaphore(%run_scoped3A : memref<!tpu.dma_semaphore, #tpu.memory_space<semaphore_mem>>) src(%arg12 : memref<80x128xf32, #tpu.memory_space<vmem>>) dst(%dma_wait3A_450 : memref<10000x128xf32, #tpu.memory_space<vmem_shared>>)
        tpu.yield
      }) : () -> ()
      %add3A_116 = arith.constant 80 : i32
      %add3A_117 = arith.addi %multiple_of3A, %add3A_116 : i32
      %iota3A_118 = tpu.iota {dimensions = array<i32: 0>} : vector<16xi32>
      %add3A_119 = arith.constant 0 : i32
      %add3A_120 = arith.addi %add3A_117, %add3A_119 : i32
      %add3A_121 = vector.broadcast %add3A_120 : i32 to vector<16xi32>
      %add3A_122 = arith.addi %iota3A_118, %add3A_121 : vector<16xi32>
      %swap3A_123 = arith.constant 0 : index
      %swap3A_124 = tpu.vector_load %arg13[%swap3A_123] {strides = array<i32>} : memref<80xi32, #tpu.memory_space<vmem>>, vector<16xi32>,
      %swap3A_125 = vector.shape_cast %swap3A_124 : vector<16xi32> to vector<16xi32>
      %swap3A_126 = vector.shape_cast %add3A_122 : vector<16xi32> to vector<16xi32>
      tpu.vector_store %arg13[%swap3A_123], %swap3A_126 {strides = array<i32>} : memref<80xi32, #tpu.memory_space<vmem>>, vector<16xi32>,
      %iota3A_127 = tpu.iota {dimensions = array<i32: 0>} : vector<16xi32>
      %add3A_128 = arith.constant 16 : i32
      %add3A_129 = arith.addi %add3A_117, %add3A_128 : i32
      %add3A_130 = vector.broadcast %add3A_129 : i32 to vector<16xi32>
      %add3A_131 = arith.addi %iota3A_127, %add3A_130 : vector<16xi32>
      %swap3A_132 = arith.constant 16 : index
      %swap3A_133 = tpu.vector_load %arg13[%swap3A_132] {strides = array<i32>} : memref<80xi32, #tpu.memory_space<vmem>>, vector<16xi32>,
      %swap3A_134 = vector.shape_cast %swap3A_133 : vector<16xi32> to vector<16xi32>
      %swap3A_135 = vector.shape_cast %add3A_131 : vector<16xi32> to vector<16xi32>
      tpu.vector_store %arg13[%swap3A_132], %swap3A_135 {strides = array<i32>} : memref<80xi32, #tpu.memory_space<vmem>>, vector<16xi32>,
      %iota3A_136 = tpu.iota {dimensions = array<i32: 0>} : vector<16xi32>
      %add3A_137 = arith.constant 32 : i32
      %add3A_138 = arith.addi %add3A_117, %add3A_137 : i32
      %add3A_139 = vector.broadcast %add3A_138 : i32 to vector<16xi32>
      %add3A_140 = arith.addi %iota3A_136, %add3A_139 : vector<16xi32>
      %swap3A_141 = arith.constant 32 : index
      %swap3A_142 = tpu.vector_load %arg13[%swap3A_141] {strides = array<i32>} : memref<80xi32, #tpu.memory_space<vmem>>, vector<16xi32>,
      %swap3A_143 = vector.shape_cast %swap3A_142 : vector<16xi32> to vector<16xi32>
      %swap3A_144 = vector.shape_cast %add3A_140 : vector<16xi32> to vector<16xi32>
      tpu.vector_store %arg13[%swap3A_141], %swap3A_144 {strides = array<i32>} : memref<80xi32, #tpu.memory_space<vmem>>, vector<16xi32>,
      %iota3A_145 = tpu.iota {dimensions = array<i32: 0>} : vector<16xi32>
      %add3A_146 = arith.constant 48 : i32
      %add3A_147 = arith.addi %add3A_117, %add3A_146 : i32
      %add3A_148 = vector.broadcast %add3A_147 : i32 to vector<16xi32>
      %add3A_149 = arith.addi %iota3A_145, %add3A_148 : vector<16xi32>
      %swap3A_150 = arith.constant 48 : index
      %swap3A_151 = tpu.vector_load %arg13[%swap3A_150] {strides = array<i32>} : memref<80xi32, #tpu.memory_space<vmem>>, vector<16xi32>,
      %swap3A_152 = vector.shape_cast %swap3A_151 : vector<16xi32> to vector<16xi32>
      %swap3A_153 = vector.shape_cast %add3A_149 : vector<16xi32> to vector<16xi32>
      tpu.vector_store %arg13[%swap3A_150], %swap3A_153 {strides = array<i32>} : memref<80xi32, #tpu.memory_space<vmem>>, vector<16xi32>,
      %iota3A_154 = tpu.iota {dimensions = array<i32: 0>} : vector<16xi32>
      %add3A_155 = arith.constant 64 : i32
      %add3A_156 = arith.addi %add3A_117, %add3A_155 : i32
      %add3A_157 = vector.broadcast %add3A_156 : i32 to vector<16xi32>
      %add3A_158 = arith.addi %iota3A_154, %add3A_157 : vector<16xi32>
      %swap3A_159 = arith.constant 64 : index
      %swap3A_160 = tpu.vector_load %arg13[%swap3A_159] {strides = array<i32>} : memref<80xi32, #tpu.memory_space<vmem>>, vector<16xi32>,
      %swap3A_161 = vector.shape_cast %swap3A_160 : vector<16xi32> to vector<16xi32>
      %swap3A_162 = vector.shape_cast %add3A_158 : vector<16xi32> to vector<16xi32>
      tpu.vector_store %arg13[%swap3A_159], %swap3A_162 {strides = array<i32>} : memref<80xi32, #tpu.memory_space<vmem>>, vector<16xi32>,
      "tpu.region"() ({
        %run_scoped3A = tpu.sem_alloc : memref<!tpu.dma_semaphore, #tpu.memory_space<semaphore_mem>>
        %dma_start3A_445 = arith.constant 0 : i32
        %dma_start3A_446 = arith.constant 0 : i32
        %dma_start3A_447 = tpu.memref_slice %arg14[%dma_start3A_445, %dma_start3A_446] : memref<10000x128xf32, #tpu.memory_space<vmem_shared>> -> memref<10000x128xf32, #tpu.memory_space<vmem_shared>>
        tpu.enqueue_indirect_dma source(%arg12 : memref<80x128xf32, #tpu.memory_space<vmem>>) target(%dma_start3A_447 : memref<10000x128xf32, #tpu.memory_space<vmem_shared>>) offsets(%arg13 : memref<80xi32, #tpu.memory_space<vmem>>) semaphore(%run_scoped3A : memref<!tpu.dma_semaphore, #tpu.memory_space<semaphore_mem>>)
        %dma_wait3A_448 = arith.constant 0 : i32
        %dma_wait3A_449 = arith.constant 0 : i32
        %dma_wait3A_450 = tpu.memref_slice %arg14[%dma_wait3A_448, %dma_wait3A_449] : memref<10000x128xf32, #tpu.memory_space<vmem_shared>> -> memref<10000x128xf32, #tpu.memory_space<vmem_shared>>
        tpu.wait_indirect_dma semaphore(%run_scoped3A : memref<!tpu.dma_semaphore, #tpu.memory_space<semaphore_mem>>) src(%arg12 : memref<80x128xf32, #tpu.memory_space<vmem>>) dst(%dma_wait3A_450 : memref<10000x128xf32, #tpu.memory_space<vmem_shared>>)
        tpu.yield
      }) : () -> ()
      %add3A_163 = arith.constant 160 : i32
      %add3A_164 = arith.addi %multiple_of3A, %add3A_163 : i32
      %iota3A_165 = tpu.iota {dimensions = array<i32: 0>} : vector<16xi32>
      %add3A_166 = arith.constant 0 : i32
      %add3A_167 = arith.addi %add3A_164, %add3A_166 : i32
      %add3A_168 = vector.broadcast %add3A_167 : i32 to vector<16xi32>
      %add3A_169 = arith.addi %iota3A_165, %add3A_168 : vector<16xi32>
      %swap3A_170 = arith.constant 0 : index
      %swap3A_171 = tpu.vector_load %arg13[%swap3A_170] {strides = array<i32>} : memref<80xi32, #tpu.memory_space<vmem>>, vector<16xi32>,
      %swap3A_172 = vector.shape_cast %swap3A_171 : vector<16xi32> to vector<16xi32>
      %swap3A_173 = vector.shape_cast %add3A_169 : vector<16xi32> to vector<16xi32>
      tpu.vector_store %arg13[%swap3A_170], %swap3A_173 {strides = array<i32>} : memref<80xi32, #tpu.memory_space<vmem>>, vector<16xi32>,
      %iota3A_174 = tpu.iota {dimensions = array<i32: 0>} : vector<16xi32>
      %add3A_175 = arith.constant 16 : i32
      %add3A_176 = arith.addi %add3A_164, %add3A_175 : i32
      %add3A_177 = vector.broadcast %add3A_176 : i32 to vector<16xi32>
      %add3A_178 = arith.addi %iota3A_174, %add3A_177 : vector<16xi32>
      %swap3A_179 = arith.constant 16 : index
      %swap3A_180 = tpu.vector_load %arg13[%swap3A_179] {strides = array<i32>} : memref<80xi32, #tpu.memory_space<vmem>>, vector<16xi32>,
      %swap3A_181 = vector.shape_cast %swap3A_180 : vector<16xi32> to vector<16xi32>
      %swap3A_182 = vector.shape_cast %add3A_178 : vector<16xi32> to vector<16xi32>
      tpu.vector_store %arg13[%swap3A_179], %swap3A_182 {strides = array<i32>} : memref<80xi32, #tpu.memory_space<vmem>>, vector<16xi32>,
      %iota3A_183 = tpu.iota {dimensions = array<i32: 0>} : vector<16xi32>
      %add3A_184 = arith.constant 32 : i32
      %add3A_185 = arith.addi %add3A_164, %add3A_184 : i32
      %add3A_186 = vector.broadcast %add3A_185 : i32 to vector<16xi32>
      %add3A_187 = arith.addi %iota3A_183, %add3A_186 : vector<16xi32>
      %swap3A_188 = arith.constant 32 : index
      %swap3A_189 = tpu.vector_load %arg13[%swap3A_188] {strides = array<i32>} : memref<80xi32, #tpu.memory_space<vmem>>, vector<16xi32>,
      %swap3A_190 = vector.shape_cast %swap3A_189 : vector<16xi32> to vector<16xi32>
      %swap3A_191 = vector.shape_cast %add3A_187 : vector<16xi32> to vector<16xi32>
      tpu.vector_store %arg13[%swap3A_188], %swap3A_191 {strides = array<i32>} : memref<80xi32, #tpu.memory_space<vmem>>, vector<16xi32>,
      %iota3A_192 = tpu.iota {dimensions = array<i32: 0>} : vector<16xi32>
      %add3A_193 = arith.constant 48 : i32
      %add3A_194 = arith.addi %add3A_164, %add3A_193 : i32
      %add3A_195 = vector.broadcast %add3A_194 : i32 to vector<16xi32>
      %add3A_196 = arith.addi %iota3A_192, %add3A_195 : vector<16xi32>
      %swap3A_197 = arith.constant 48 : index
      %swap3A_198 = tpu.vector_load %arg13[%swap3A_197] {strides = array<i32>} : memref<80xi32, #tpu.memory_space<vmem>>, vector<16xi32>,
      %swap3A_199 = vector.shape_cast %swap3A_198 : vector<16xi32> to vector<16xi32>
      %swap3A_200 = vector.shape_cast %add3A_196 : vector<16xi32> to vector<16xi32>
      tpu.vector_store %arg13[%swap3A_197], %swap3A_200 {strides = array<i32>} : memref<80xi32, #tpu.memory_space<vmem>>, vector<16xi32>,
      %iota3A_201 = tpu.iota {dimensions = array<i32: 0>} : vector<16xi32>
      %add3A_202 = arith.constant 64 : i32
      %add3A_203 = arith.addi %add3A_164, %add3A_202 : i32
      %add3A_204 = vector.broadcast %add3A_203 : i32 to vector<16xi32>
      %add3A_205 = arith.addi %iota3A_201, %add3A_204 : vector<16xi32>
      %swap3A_206 = arith.constant 64 : index
      %swap3A_207 = tpu.vector_load %arg13[%swap3A_206] {strides = array<i32>} : memref<80xi32, #tpu.memory_space<vmem>>, vector<16xi32>,
      %swap3A_208 = vector.shape_cast %swap3A_207 : vector<16xi32> to vector<16xi32>
      %swap3A_209 = vector.shape_cast %add3A_205 : vector<16xi32> to vector<16xi32>
      tpu.vector_store %arg13[%swap3A_206], %swap3A_209 {strides = array<i32>} : memref<80xi32, #tpu.memory_space<vmem>>, vector<16xi32>,
      "tpu.region"() ({
        %run_scoped3A = tpu.sem_alloc : memref<!tpu.dma_semaphore, #tpu.memory_space<semaphore_mem>>
        %dma_start3A_445 = arith.constant 0 : i32
        %dma_start3A_446 = arith.constant 0 : i32
        %dma_start3A_447 = tpu.memref_slice %arg14[%dma_start3A_445, %dma_start3A_446] : memref<10000x128xf32, #tpu.memory_space<vmem_shared>> -> memref<10000x128xf32, #tpu.memory_space<vmem_shared>>
        tpu.enqueue_indirect_dma source(%arg12 : memref<80x128xf32, #tpu.memory_space<vmem>>) target(%dma_start3A_447 : memref<10000x128xf32, #tpu.memory_space<vmem_shared>>) offsets(%arg13 : memref<80xi32, #tpu.memory_space<vmem>>) semaphore(%run_scoped3A : memref<!tpu.dma_semaphore, #tpu.memory_space<semaphore_mem>>)
        %dma_wait3A_448 = arith.constant 0 : i32
        %dma_wait3A_449 = arith.constant 0 : i32
        %dma_wait3A_450 = tpu.memref_slice %arg14[%dma_wait3A_448, %dma_wait3A_449] : memref<10000x128xf32, #tpu.memory_space<vmem_shared>> -> memref<10000x128xf32, #tpu.memory_space<vmem_shared>>
        tpu.wait_indirect_dma semaphore(%run_scoped3A : memref<!tpu.dma_semaphore, #tpu.memory_space<semaphore_mem>>) src(%arg12 : memref<80x128xf32, #tpu.memory_space<vmem>>) dst(%dma_wait3A_450 : memref<10000x128xf32, #tpu.memory_space<vmem_shared>>)
        tpu.yield
      }) : () -> ()
      %add3A_210 = arith.constant 240 : i32
      %add3A_211 = arith.addi %multiple_of3A, %add3A_210 : i32
      %iota3A_212 = tpu.iota {dimensions = array<i32: 0>} : vector<16xi32>
      %add3A_213 = arith.constant 0 : i32
      %add3A_214 = arith.addi %add3A_211, %add3A_213 : i32
      %add3A_215 = vector.broadcast %add3A_214 : i32 to vector<16xi32>
      %add3A_216 = arith.addi %iota3A_212, %add3A_215 : vector<16xi32>
      %swap3A_217 = arith.constant 0 : index
      %swap3A_218 = tpu.vector_load %arg13[%swap3A_217] {strides = array<i32>} : memref<80xi32, #tpu.memory_space<vmem>>, vector<16xi32>,
      %swap3A_219 = vector.shape_cast %swap3A_218 : vector<16xi32> to vector<16xi32>
      %swap3A_220 = vector.shape_cast %add3A_216 : vector<16xi32> to vector<16xi32>
      tpu.vector_store %arg13[%swap3A_217], %swap3A_220 {strides = array<i32>} : memref<80xi32, #tpu.memory_space<vmem>>, vector<16xi32>,
      %iota3A_221 = tpu.iota {dimensions = array<i32: 0>} : vector<16xi32>
      %add3A_222 = arith.constant 16 : i32
      %add3A_223 = arith.addi %add3A_211, %add3A_222 : i32
      %add3A_224 = vector.broadcast %add3A_223 : i32 to vector<16xi32>
      %add3A_225 = arith.addi %iota3A_221, %add3A_224 : vector<16xi32>
      %swap3A_226 = arith.constant 16 : index
      %swap3A_227 = tpu.vector_load %arg13[%swap3A_226] {strides = array<i32>} : memref<80xi32, #tpu.memory_space<vmem>>, vector<16xi32>,
      %swap3A_228 = vector.shape_cast %swap3A_227 : vector<16xi32> to vector<16xi32>
      %swap3A_229 = vector.shape_cast %add3A_225 : vector<16xi32> to vector<16xi32>
      tpu.vector_store %arg13[%swap3A_226], %swap3A_229 {strides = array<i32>} : memref<80xi32, #tpu.memory_space<vmem>>, vector<16xi32>,
      %iota3A_230 = tpu.iota {dimensions = array<i32: 0>} : vector<16xi32>
      %add3A_231 = arith.constant 32 : i32
      %add3A_232 = arith.addi %add3A_211, %add3A_231 : i32
      %add3A_233 = vector.broadcast %add3A_232 : i32 to vector<16xi32>
      %add3A_234 = arith.addi %iota3A_230, %add3A_233 : vector<16xi32>
      %swap3A_235 = arith.constant 32 : index
      %swap3A_236 = tpu.vector_load %arg13[%swap3A_235] {strides = array<i32>} : memref<80xi32, #tpu.memory_space<vmem>>, vector<16xi32>,
      %swap3A_237 = vector.shape_cast %swap3A_236 : vector<16xi32> to vector<16xi32>
      %swap3A_238 = vector.shape_cast %add3A_234 : vector<16xi32> to vector<16xi32>
      tpu.vector_store %arg13[%swap3A_235], %swap3A_238 {strides = array<i32>} : memref<80xi32, #tpu.memory_space<vmem>>, vector<16xi32>,
      %iota3A_239 = tpu.iota {dimensions = array<i32: 0>} : vector<16xi32>
      %add3A_240 = arith.constant 48 : i32
      %add3A_241 = arith.addi %add3A_211, %add3A_240 : i32
      %add3A_242 = vector.broadcast %add3A_241 : i32 to vector<16xi32>
      %add3A_243 = arith.addi %iota3A_239, %add3A_242 : vector<16xi32>
      %swap3A_244 = arith.constant 48 : index
      %swap3A_245 = tpu.vector_load %arg13[%swap3A_244] {strides = array<i32>} : memref<80xi32, #tpu.memory_space<vmem>>, vector<16xi32>,
      %swap3A_246 = vector.shape_cast %swap3A_245 : vector<16xi32> to vector<16xi32>
      %swap3A_247 = vector.shape_cast %add3A_243 : vector<16xi32> to vector<16xi32>
      tpu.vector_store %arg13[%swap3A_244], %swap3A_247 {strides = array<i32>} : memref<80xi32, #tpu.memory_space<vmem>>, vector<16xi32>,
      %iota3A_248 = tpu.iota {dimensions = array<i32: 0>} : vector<16xi32>
      %add3A_249 = arith.constant 64 : i32
      %add3A_250 = arith.addi %add3A_211, %add3A_249 : i32
      %add3A_251 = vector.broadcast %add3A_250 : i32 to vector<16xi32>
      %add3A_252 = arith.addi %iota3A_248, %add3A_251 : vector<16xi32>
      %swap3A_253 = arith.constant 64 : index
      %swap3A_254 = tpu.vector_load %arg13[%swap3A_253] {strides = array<i32>} : memref<80xi32, #tpu.memory_space<vmem>>, vector<16xi32>,
      %swap3A_255 = vector.shape_cast %swap3A_254 : vector<16xi32> to vector<16xi32>
      %swap3A_256 = vector.shape_cast %add3A_252 : vector<16xi32> to vector<16xi32>
      tpu.vector_store %arg13[%swap3A_253], %swap3A_256 {strides = array<i32>} : memref<80xi32, #tpu.memory_space<vmem>>, vector<16xi32>,
      "tpu.region"() ({
        %run_scoped3A = tpu.sem_alloc : memref<!tpu.dma_semaphore, #tpu.memory_space<semaphore_mem>>
        %dma_start3A_445 = arith.constant 0 : i32
        %dma_start3A_446 = arith.constant 0 : i32
        %dma_start3A_447 = tpu.memref_slice %arg14[%dma_start3A_445, %dma_start3A_446] : memref<10000x128xf32, #tpu.memory_space<vmem_shared>> -> memref<10000x128xf32, #tpu.memory_space<vmem_shared>>
        tpu.enqueue_indirect_dma source(%arg12 : memref<80x128xf32, #tpu.memory_space<vmem>>) target(%dma_start3A_447 : memref<10000x128xf32, #tpu.memory_space<vmem_shared>>) offsets(%arg13 : memref<80xi32, #tpu.memory_space<vmem>>) semaphore(%run_scoped3A : memref<!tpu.dma_semaphore, #tpu.memory_space<semaphore_mem>>)
        %dma_wait3A_448 = arith.constant 0 : i32
        %dma_wait3A_449 = arith.constant 0 : i32
        %dma_wait3A_450 = tpu.memref_slice %arg14[%dma_wait3A_448, %dma_wait3A_449] : memref<10000x128xf32, #tpu.memory_space<vmem_shared>> -> memref<10000x128xf32, #tpu.memory_space<vmem_shared>>
        tpu.wait_indirect_dma semaphore(%run_scoped3A : memref<!tpu.dma_semaphore, #tpu.memory_space<semaphore_mem>>) src(%arg12 : memref<80x128xf32, #tpu.memory_space<vmem>>) dst(%dma_wait3A_450 : memref<10000x128xf32, #tpu.memory_space<vmem_shared>>)
        tpu.yield
      }) : () -> ()
      %add3A_257 = arith.constant 320 : i32
      %add3A_258 = arith.addi %multiple_of3A, %add3A_257 : i32
      %iota3A_259 = tpu.iota {dimensions = array<i32: 0>} : vector<16xi32>
      %add3A_260 = arith.constant 0 : i32
      %add3A_261 = arith.addi %add3A_258, %add3A_260 : i32
      %add3A_262 = vector.broadcast %add3A_261 : i32 to vector<16xi32>
      %add3A_263 = arith.addi %iota3A_259, %add3A_262 : vector<16xi32>
      %swap3A_264 = arith.constant 0 : index
      %swap3A_265 = tpu.vector_load %arg13[%swap3A_264] {strides = array<i32>} : memref<80xi32, #tpu.memory_space<vmem>>, vector<16xi32>,
      %swap3A_266 = vector.shape_cast %swap3A_265 : vector<16xi32> to vector<16xi32>
      %swap3A_267 = vector.shape_cast %add3A_263 : vector<16xi32> to vector<16xi32>
      tpu.vector_store %arg13[%swap3A_264], %swap3A_267 {strides = array<i32>} : memref<80xi32, #tpu.memory_space<vmem>>, vector<16xi32>,
      %iota3A_268 = tpu.iota {dimensions = array<i32: 0>} : vector<16xi32>
      %add3A_269 = arith.constant 16 : i32
      %add3A_270 = arith.addi %add3A_258, %add3A_269 : i32
      %add3A_271 = vector.broadcast %add3A_270 : i32 to vector<16xi32>
      %add3A_272 = arith.addi %iota3A_268, %add3A_271 : vector<16xi32>
      %swap3A_273 = arith.constant 16 : index
      %swap3A_274 = tpu.vector_load %arg13[%swap3A_273] {strides = array<i32>} : memref<80xi32, #tpu.memory_space<vmem>>, vector<16xi32>,
      %swap3A_275 = vector.shape_cast %swap3A_274 : vector<16xi32> to vector<16xi32>
      %swap3A_276 = vector.shape_cast %add3A_272 : vector<16xi32> to vector<16xi32>
      tpu.vector_store %arg13[%swap3A_273], %swap3A_276 {strides = array<i32>} : memref<80xi32, #tpu.memory_space<vmem>>, vector<16xi32>,
      %iota3A_277 = tpu.iota {dimensions = array<i32: 0>} : vector<16xi32>
      %add3A_278 = arith.constant 32 : i32
      %add3A_279 = arith.addi %add3A_258, %add3A_278 : i32
      %add3A_280 = vector.broadcast %add3A_279 : i32 to vector<16xi32>
      %add3A_281 = arith.addi %iota3A_277, %add3A_280 : vector<16xi32>
      %swap3A_282 = arith.constant 32 : index
      %swap3A_283 = tpu.vector_load %arg13[%swap3A_282] {strides = array<i32>} : memref<80xi32, #tpu.memory_space<vmem>>, vector<16xi32>,
      %swap3A_284 = vector.shape_cast %swap3A_283 : vector<16xi32> to vector<16xi32>
      %swap3A_285 = vector.shape_cast %add3A_281 : vector<16xi32> to vector<16xi32>
      tpu.vector_store %arg13[%swap3A_282], %swap3A_285 {strides = array<i32>} : memref<80xi32, #tpu.memory_space<vmem>>, vector<16xi32>,
      %iota3A_286 = tpu.iota {dimensions = array<i32: 0>} : vector<16xi32>
      %add3A_287 = arith.constant 48 : i32
      %add3A_288 = arith.addi %add3A_258, %add3A_287 : i32
      %add3A_289 = vector.broadcast %add3A_288 : i32 to vector<16xi32>
      %add3A_290 = arith.addi %iota3A_286, %add3A_289 : vector<16xi32>
      %swap3A_291 = arith.constant 48 : index
      %swap3A_292 = tpu.vector_load %arg13[%swap3A_291] {strides = array<i32>} : memref<80xi32, #tpu.memory_space<vmem>>, vector<16xi32>,
      %swap3A_293 = vector.shape_cast %swap3A_292 : vector<16xi32> to vector<16xi32>
      %swap3A_294 = vector.shape_cast %add3A_290 : vector<16xi32> to vector<16xi32>
      tpu.vector_store %arg13[%swap3A_291], %swap3A_294 {strides = array<i32>} : memref<80xi32, #tpu.memory_space<vmem>>, vector<16xi32>,
      %iota3A_295 = tpu.iota {dimensions = array<i32: 0>} : vector<16xi32>
      %add3A_296 = arith.constant 64 : i32
      %add3A_297 = arith.addi %add3A_258, %add3A_296 : i32
      %add3A_298 = vector.broadcast %add3A_297 : i32 to vector<16xi32>
      %add3A_299 = arith.addi %iota3A_295, %add3A_298 : vector<16xi32>
      %swap3A_300 = arith.constant 64 : index
      %swap3A_301 = tpu.vector_load %arg13[%swap3A_300] {strides = array<i32>} : memref<80xi32, #tpu.memory_space<vmem>>, vector<16xi32>,
      %swap3A_302 = vector.shape_cast %swap3A_301 : vector<16xi32> to vector<16xi32>
      %swap3A_303 = vector.shape_cast %add3A_299 : vector<16xi32> to vector<16xi32>
      tpu.vector_store %arg13[%swap3A_300], %swap3A_303 {strides = array<i32>} : memref<80xi32, #tpu.memory_space<vmem>>, vector<16xi32>,
      "tpu.region"() ({
        %run_scoped3A = tpu.sem_alloc : memref<!tpu.dma_semaphore, #tpu.memory_space<semaphore_mem>>
        %dma_start3A_445 = arith.constant 0 : i32
        %dma_start3A_446 = arith.constant 0 : i32
        %dma_start3A_447 = tpu.memref_slice %arg14[%dma_start3A_445, %dma_start3A_446] : memref<10000x128xf32, #tpu.memory_space<vmem_shared>> -> memref<10000x128xf32, #tpu.memory_space<vmem_shared>>
        tpu.enqueue_indirect_dma source(%arg12 : memref<80x128xf32, #tpu.memory_space<vmem>>) target(%dma_start3A_447 : memref<10000x128xf32, #tpu.memory_space<vmem_shared>>) offsets(%arg13 : memref<80xi32, #tpu.memory_space<vmem>>) semaphore(%run_scoped3A : memref<!tpu.dma_semaphore, #tpu.memory_space<semaphore_mem>>)
        %dma_wait3A_448 = arith.constant 0 : i32
        %dma_wait3A_449 = arith.constant 0 : i32
        %dma_wait3A_450 = tpu.memref_slice %arg14[%dma_wait3A_448, %dma_wait3A_449] : memref<10000x128xf32, #tpu.memory_space<vmem_shared>> -> memref<10000x128xf32, #tpu.memory_space<vmem_shared>>
        tpu.wait_indirect_dma semaphore(%run_scoped3A : memref<!tpu.dma_semaphore, #tpu.memory_space<semaphore_mem>>) src(%arg12 : memref<80x128xf32, #tpu.memory_space<vmem>>) dst(%dma_wait3A_450 : memref<10000x128xf32, #tpu.memory_space<vmem_shared>>)
        tpu.yield
      }) : () -> ()
      %add3A_304 = arith.constant 400 : i32
      %add3A_305 = arith.addi %multiple_of3A, %add3A_304 : i32
      %iota3A_306 = tpu.iota {dimensions = array<i32: 0>} : vector<16xi32>
      %add3A_307 = arith.constant 0 : i32
      %add3A_308 = arith.addi %add3A_305, %add3A_307 : i32
      %add3A_309 = vector.broadcast %add3A_308 : i32 to vector<16xi32>
      %add3A_310 = arith.addi %iota3A_306, %add3A_309 : vector<16xi32>
      %swap3A_311 = arith.constant 0 : index
      %swap3A_312 = tpu.vector_load %arg13[%swap3A_311] {strides = array<i32>} : memref<80xi32, #tpu.memory_space<vmem>>, vector<16xi32>,
      %swap3A_313 = vector.shape_cast %swap3A_312 : vector<16xi32> to vector<16xi32>
      %swap3A_314 = vector.shape_cast %add3A_310 : vector<16xi32> to vector<16xi32>
      tpu.vector_store %arg13[%swap3A_311], %swap3A_314 {strides = array<i32>} : memref<80xi32, #tpu.memory_space<vmem>>, vector<16xi32>,
      %iota3A_315 = tpu.iota {dimensions = array<i32: 0>} : vector<16xi32>
      %add3A_316 = arith.constant 16 : i32
      %add3A_317 = arith.addi %add3A_305, %add3A_316 : i32
      %add3A_318 = vector.broadcast %add3A_317 : i32 to vector<16xi32>
      %add3A_319 = arith.addi %iota3A_315, %add3A_318 : vector<16xi32>
      %swap3A_320 = arith.constant 16 : index
      %swap3A_321 = tpu.vector_load %arg13[%swap3A_320] {strides = array<i32>} : memref<80xi32, #tpu.memory_space<vmem>>, vector<16xi32>,
      %swap3A_322 = vector.shape_cast %swap3A_321 : vector<16xi32> to vector<16xi32>
      %swap3A_323 = vector.shape_cast %add3A_319 : vector<16xi32> to vector<16xi32>
      tpu.vector_store %arg13[%swap3A_320], %swap3A_323 {strides = array<i32>} : memref<80xi32, #tpu.memory_space<vmem>>, vector<16xi32>,
      %iota3A_324 = tpu.iota {dimensions = array<i32: 0>} : vector<16xi32>
      %add3A_325 = arith.constant 32 : i32
      %add3A_326 = arith.addi %add3A_305, %add3A_325 : i32
      %add3A_327 = vector.broadcast %add3A_326 : i32 to vector<16xi32>
      %add3A_328 = arith.addi %iota3A_324, %add3A_327 : vector<16xi32>
      %swap3A_329 = arith.constant 32 : index
      %swap3A_330 = tpu.vector_load %arg13[%swap3A_329] {strides = array<i32>} : memref<80xi32, #tpu.memory_space<vmem>>, vector<16xi32>,
      %swap3A_331 = vector.shape_cast %swap3A_330 : vector<16xi32> to vector<16xi32>
      %swap3A_332 = vector.shape_cast %add3A_328 : vector<16xi32> to vector<16xi32>
      tpu.vector_store %arg13[%swap3A_329], %swap3A_332 {strides = array<i32>} : memref<80xi32, #tpu.memory_space<vmem>>, vector<16xi32>,
      %iota3A_333 = tpu.iota {dimensions = array<i32: 0>} : vector<16xi32>
      %add3A_334 = arith.constant 48 : i32
      %add3A_335 = arith.addi %add3A_305, %add3A_334 : i32
      %add3A_336 = vector.broadcast %add3A_335 : i32 to vector<16xi32>
      %add3A_337 = arith.addi %iota3A_333, %add3A_336 : vector<16xi32>
      %swap3A_338 = arith.constant 48 : index
      %swap3A_339 = tpu.vector_load %arg13[%swap3A_338] {strides = array<i32>} : memref<80xi32, #tpu.memory_space<vmem>>, vector<16xi32>,
      %swap3A_340 = vector.shape_cast %swap3A_339 : vector<16xi32> to vector<16xi32>
      %swap3A_341 = vector.shape_cast %add3A_337 : vector<16xi32> to vector<16xi32>
      tpu.vector_store %arg13[%swap3A_338], %swap3A_341 {strides = array<i32>} : memref<80xi32, #tpu.memory_space<vmem>>, vector<16xi32>,
      %iota3A_342 = tpu.iota {dimensions = array<i32: 0>} : vector<16xi32>
      %add3A_343 = arith.constant 64 : i32
      %add3A_344 = arith.addi %add3A_305, %add3A_343 : i32
      %add3A_345 = vector.broadcast %add3A_344 : i32 to vector<16xi32>
      %add3A_346 = arith.addi %iota3A_342, %add3A_345 : vector<16xi32>
      %swap3A_347 = arith.constant 64 : index
      %swap3A_348 = tpu.vector_load %arg13[%swap3A_347] {strides = array<i32>} : memref<80xi32, #tpu.memory_space<vmem>>, vector<16xi32>,
      %swap3A_349 = vector.shape_cast %swap3A_348 : vector<16xi32> to vector<16xi32>
      %swap3A_350 = vector.shape_cast %add3A_346 : vector<16xi32> to vector<16xi32>
      tpu.vector_store %arg13[%swap3A_347], %swap3A_350 {strides = array<i32>} : memref<80xi32, #tpu.memory_space<vmem>>, vector<16xi32>,
      "tpu.region"() ({
        %run_scoped3A = tpu.sem_alloc : memref<!tpu.dma_semaphore, #tpu.memory_space<semaphore_mem>>
        %dma_start3A_445 = arith.constant 0 : i32
        %dma_start3A_446 = arith.constant 0 : i32
        %dma_start3A_447 = tpu.memref_slice %arg14[%dma_start3A_445, %dma_start3A_446] : memref<10000x128xf32, #tpu.memory_space<vmem_shared>> -> memref<10000x128xf32, #tpu.memory_space<vmem_shared>>
        tpu.enqueue_indirect_dma source(%arg12 : memref<80x128xf32, #tpu.memory_space<vmem>>) target(%dma_start3A_447 : memref<10000x128xf32, #tpu.memory_space<vmem_shared>>) offsets(%arg13 : memref<80xi32, #tpu.memory_space<vmem>>) semaphore(%run_scoped3A : memref<!tpu.dma_semaphore, #tpu.memory_space<semaphore_mem>>)
        %dma_wait3A_448 = arith.constant 0 : i32
        %dma_wait3A_449 = arith.constant 0 : i32
        %dma_wait3A_450 = tpu.memref_slice %arg14[%dma_wait3A_448, %dma_wait3A_449] : memref<10000x128xf32, #tpu.memory_space<vmem_shared>> -> memref<10000x128xf32, #tpu.memory_space<vmem_shared>>
        tpu.wait_indirect_dma semaphore(%run_scoped3A : memref<!tpu.dma_semaphore, #tpu.memory_space<semaphore_mem>>) src(%arg12 : memref<80x128xf32, #tpu.memory_space<vmem>>) dst(%dma_wait3A_450 : memref<10000x128xf32, #tpu.memory_space<vmem_shared>>)
        tpu.yield
      }) : () -> ()
      %add3A_351 = arith.constant 480 : i32
      %add3A_352 = arith.addi %multiple_of3A, %add3A_351 : i32
      %iota3A_353 = tpu.iota {dimensions = array<i32: 0>} : vector<16xi32>
      %add3A_354 = arith.constant 0 : i32
      %add3A_355 = arith.addi %add3A_352, %add3A_354 : i32
      %add3A_356 = vector.broadcast %add3A_355 : i32 to vector<16xi32>
      %add3A_357 = arith.addi %iota3A_353, %add3A_356 : vector<16xi32>
      %swap3A_358 = arith.constant 0 : index
      %swap3A_359 = tpu.vector_load %arg13[%swap3A_358] {strides = array<i32>} : memref<80xi32, #tpu.memory_space<vmem>>, vector<16xi32>,
      %swap3A_360 = vector.shape_cast %swap3A_359 : vector<16xi32> to vector<16xi32>
      %swap3A_361 = vector.shape_cast %add3A_357 : vector<16xi32> to vector<16xi32>
      tpu.vector_store %arg13[%swap3A_358], %swap3A_361 {strides = array<i32>} : memref<80xi32, #tpu.memory_space<vmem>>, vector<16xi32>,
      %iota3A_362 = tpu.iota {dimensions = array<i32: 0>} : vector<16xi32>
      %add3A_363 = arith.constant 16 : i32
      %add3A_364 = arith.addi %add3A_352, %add3A_363 : i32
      %add3A_365 = vector.broadcast %add3A_364 : i32 to vector<16xi32>
      %add3A_366 = arith.addi %iota3A_362, %add3A_365 : vector<16xi32>
      %swap3A_367 = arith.constant 16 : index
      %swap3A_368 = tpu.vector_load %arg13[%swap3A_367] {strides = array<i32>} : memref<80xi32, #tpu.memory_space<vmem>>, vector<16xi32>,
      %swap3A_369 = vector.shape_cast %swap3A_368 : vector<16xi32> to vector<16xi32>
      %swap3A_370 = vector.shape_cast %add3A_366 : vector<16xi32> to vector<16xi32>
      tpu.vector_store %arg13[%swap3A_367], %swap3A_370 {strides = array<i32>} : memref<80xi32, #tpu.memory_space<vmem>>, vector<16xi32>,
      %iota3A_371 = tpu.iota {dimensions = array<i32: 0>} : vector<16xi32>
      %add3A_372 = arith.constant 32 : i32
      %add3A_373 = arith.addi %add3A_352, %add3A_372 : i32
      %add3A_374 = vector.broadcast %add3A_373 : i32 to vector<16xi32>
      %add3A_375 = arith.addi %iota3A_371, %add3A_374 : vector<16xi32>
      %swap3A_376 = arith.constant 32 : index
      %swap3A_377 = tpu.vector_load %arg13[%swap3A_376] {strides = array<i32>} : memref<80xi32, #tpu.memory_space<vmem>>, vector<16xi32>,
      %swap3A_378 = vector.shape_cast %swap3A_377 : vector<16xi32> to vector<16xi32>
      %swap3A_379 = vector.shape_cast %add3A_375 : vector<16xi32> to vector<16xi32>
      tpu.vector_store %arg13[%swap3A_376], %swap3A_379 {strides = array<i32>} : memref<80xi32, #tpu.memory_space<vmem>>, vector<16xi32>,
      %iota3A_380 = tpu.iota {dimensions = array<i32: 0>} : vector<16xi32>
      %add3A_381 = arith.constant 48 : i32
      %add3A_382 = arith.addi %add3A_352, %add3A_381 : i32
      %add3A_383 = vector.broadcast %add3A_382 : i32 to vector<16xi32>
      %add3A_384 = arith.addi %iota3A_380, %add3A_383 : vector<16xi32>
      %swap3A_385 = arith.constant 48 : index
      %swap3A_386 = tpu.vector_load %arg13[%swap3A_385] {strides = array<i32>} : memref<80xi32, #tpu.memory_space<vmem>>, vector<16xi32>,
      %swap3A_387 = vector.shape_cast %swap3A_386 : vector<16xi32> to vector<16xi32>
      %swap3A_388 = vector.shape_cast %add3A_384 : vector<16xi32> to vector<16xi32>
      tpu.vector_store %arg13[%swap3A_385], %swap3A_388 {strides = array<i32>} : memref<80xi32, #tpu.memory_space<vmem>>, vector<16xi32>,
      %iota3A_389 = tpu.iota {dimensions = array<i32: 0>} : vector<16xi32>
      %add3A_390 = arith.constant 64 : i32
      %add3A_391 = arith.addi %add3A_352, %add3A_390 : i32
      %add3A_392 = vector.broadcast %add3A_391 : i32 to vector<16xi32>
      %add3A_393 = arith.addi %iota3A_389, %add3A_392 : vector<16xi32>
      %swap3A_394 = arith.constant 64 : index
      %swap3A_395 = tpu.vector_load %arg13[%swap3A_394] {strides = array<i32>} : memref<80xi32, #tpu.memory_space<vmem>>, vector<16xi32>,
      %swap3A_396 = vector.shape_cast %swap3A_395 : vector<16xi32> to vector<16xi32>
      %swap3A_397 = vector.shape_cast %add3A_393 : vector<16xi32> to vector<16xi32>
      tpu.vector_store %arg13[%swap3A_394], %swap3A_397 {strides = array<i32>} : memref<80xi32, #tpu.memory_space<vmem>>, vector<16xi32>,
      "tpu.region"() ({
        %run_scoped3A = tpu.sem_alloc : memref<!tpu.dma_semaphore, #tpu.memory_space<semaphore_mem>>
        %dma_start3A_445 = arith.constant 0 : i32
        %dma_start3A_446 = arith.constant 0 : i32
        %dma_start3A_447 = tpu.memref_slice %arg14[%dma_start3A_445, %dma_start3A_446] : memref<10000x128xf32, #tpu.memory_space<vmem_shared>> -> memref<10000x128xf32, #tpu.memory_space<vmem_shared>>
        tpu.enqueue_indirect_dma source(%arg12 : memref<80x128xf32, #tpu.memory_space<vmem>>) target(%dma_start3A_447 : memref<10000x128xf32, #tpu.memory_space<vmem_shared>>) offsets(%arg13 : memref<80xi32, #tpu.memory_space<vmem>>) semaphore(%run_scoped3A : memref<!tpu.dma_semaphore, #tpu.memory_space<semaphore_mem>>)
        %dma_wait3A_448 = arith.constant 0 : i32
        %dma_wait3A_449 = arith.constant 0 : i32
        %dma_wait3A_450 = tpu.memref_slice %arg14[%dma_wait3A_448, %dma_wait3A_449] : memref<10000x128xf32, #tpu.memory_space<vmem_shared>> -> memref<10000x128xf32, #tpu.memory_space<vmem_shared>>
        tpu.wait_indirect_dma semaphore(%run_scoped3A : memref<!tpu.dma_semaphore, #tpu.memory_space<semaphore_mem>>) src(%arg12 : memref<80x128xf32, #tpu.memory_space<vmem>>) dst(%dma_wait3A_450 : memref<10000x128xf32, #tpu.memory_space<vmem_shared>>)
        tpu.yield
      }) : () -> ()
      %add3A_398 = arith.constant 560 : i32
      %add3A_399 = arith.addi %multiple_of3A, %add3A_398 : i32
      %iota3A_400 = tpu.iota {dimensions = array<i32: 0>} : vector<16xi32>
      %add3A_401 = arith.constant 0 : i32
      %add3A_402 = arith.addi %add3A_399, %add3A_401 : i32
      %add3A_403 = vector.broadcast %add3A_402 : i32 to vector<16xi32>
      %add3A_404 = arith.addi %iota3A_400, %add3A_403 : vector<16xi32>
      %swap3A_405 = arith.constant 0 : index
      %swap3A_406 = tpu.vector_load %arg13[%swap3A_405] {strides = array<i32>} : memref<80xi32, #tpu.memory_space<vmem>>, vector<16xi32>,
      %swap3A_407 = vector.shape_cast %swap3A_406 : vector<16xi32> to vector<16xi32>
      %swap3A_408 = vector.shape_cast %add3A_404 : vector<16xi32> to vector<16xi32>
      tpu.vector_store %arg13[%swap3A_405], %swap3A_408 {strides = array<i32>} : memref<80xi32, #tpu.memory_space<vmem>>, vector<16xi32>,
      %iota3A_409 = tpu.iota {dimensions = array<i32: 0>} : vector<16xi32>
      %add3A_410 = arith.constant 16 : i32
      %add3A_411 = arith.addi %add3A_399, %add3A_410 : i32
      %add3A_412 = vector.broadcast %add3A_411 : i32 to vector<16xi32>
      %add3A_413 = arith.addi %iota3A_409, %add3A_412 : vector<16xi32>
      %swap3A_414 = arith.constant 16 : index
      %swap3A_415 = tpu.vector_load %arg13[%swap3A_414] {strides = array<i32>} : memref<80xi32, #tpu.memory_space<vmem>>, vector<16xi32>,
      %swap3A_416 = vector.shape_cast %swap3A_415 : vector<16xi32> to vector<16xi32>
      %swap3A_417 = vector.shape_cast %add3A_413 : vector<16xi32> to vector<16xi32>
      tpu.vector_store %arg13[%swap3A_414], %swap3A_417 {strides = array<i32>} : memref<80xi32, #tpu.memory_space<vmem>>, vector<16xi32>,
      %iota3A_418 = tpu.iota {dimensions = array<i32: 0>} : vector<16xi32>
      %add3A_419 = arith.constant 32 : i32
      %add3A_420 = arith.addi %add3A_399, %add3A_419 : i32
      %add3A_421 = vector.broadcast %add3A_420 : i32 to vector<16xi32>
      %add3A_422 = arith.addi %iota3A_418, %add3A_421 : vector<16xi32>
      %swap3A_423 = arith.constant 32 : index
      %swap3A_424 = tpu.vector_load %arg13[%swap3A_423] {strides = array<i32>} : memref<80xi32, #tpu.memory_space<vmem>>, vector<16xi32>,
      %swap3A_425 = vector.shape_cast %swap3A_424 : vector<16xi32> to vector<16xi32>
      %swap3A_426 = vector.shape_cast %add3A_422 : vector<16xi32> to vector<16xi32>
      tpu.vector_store %arg13[%swap3A_423], %swap3A_426 {strides = array<i32>} : memref<80xi32, #tpu.memory_space<vmem>>, vector<16xi32>,
      %iota3A_427 = tpu.iota {dimensions = array<i32: 0>} : vector<16xi32>
      %add3A_428 = arith.constant 48 : i32
      %add3A_429 = arith.addi %add3A_399, %add3A_428 : i32
      %add3A_430 = vector.broadcast %add3A_429 : i32 to vector<16xi32>
      %add3A_431 = arith.addi %iota3A_427, %add3A_430 : vector<16xi32>
      %swap3A_432 = arith.constant 48 : index
      %swap3A_433 = tpu.vector_load %arg13[%swap3A_432] {strides = array<i32>} : memref<80xi32, #tpu.memory_space<vmem>>, vector<16xi32>,
      %swap3A_434 = vector.shape_cast %swap3A_433 : vector<16xi32> to vector<16xi32>
      %swap3A_435 = vector.shape_cast %add3A_431 : vector<16xi32> to vector<16xi32>
      tpu.vector_store %arg13[%swap3A_432], %swap3A_435 {strides = array<i32>} : memref<80xi32, #tpu.memory_space<vmem>>, vector<16xi32>,
      %iota3A_436 = tpu.iota {dimensions = array<i32: 0>} : vector<16xi32>
      %add3A_437 = arith.constant 64 : i32
      %add3A_438 = arith.addi %add3A_399, %add3A_437 : i32
      %add3A_439 = vector.broadcast %add3A_438 : i32 to vector<16xi32>
      %add3A_440 = arith.addi %iota3A_436, %add3A_439 : vector<16xi32>
      %swap3A_441 = arith.constant 64 : index
      %swap3A_442 = tpu.vector_load %arg13[%swap3A_441] {strides = array<i32>} : memref<80xi32, #tpu.memory_space<vmem>>, vector<16xi32>,
      %swap3A_443 = vector.shape_cast %swap3A_442 : vector<16xi32> to vector<16xi32>
      %swap3A_444 = vector.shape_cast %add3A_440 : vector<16xi32> to vector<16xi32>
      tpu.vector_store %arg13[%swap3A_441], %swap3A_444 {strides = array<i32>} : memref<80xi32, #tpu.memory_space<vmem>>, vector<16xi32>,
      "tpu.region"() ({
        %run_scoped3A = tpu.sem_alloc : memref<!tpu.dma_semaphore, #tpu.memory_space<semaphore_mem>>
        %dma_start3A_445 = arith.constant 0 : i32
        %dma_start3A_446 = arith.constant 0 : i32
        %dma_start3A_447 = tpu.memref_slice %arg14[%dma_start3A_445, %dma_start3A_446] : memref<10000x128xf32, #tpu.memory_space<vmem_shared>> -> memref<10000x128xf32, #tpu.memory_space<vmem_shared>>
        tpu.enqueue_indirect_dma source(%arg12 : memref<80x128xf32, #tpu.memory_space<vmem>>) target(%dma_start3A_447 : memref<10000x128xf32, #tpu.memory_space<vmem_shared>>) offsets(%arg13 : memref<80xi32, #tpu.memory_space<vmem>>) semaphore(%run_scoped3A : memref<!tpu.dma_semaphore, #tpu.memory_space<semaphore_mem>>)
        %dma_wait3A_448 = arith.constant 0 : i32
        %dma_wait3A_449 = arith.constant 0 : i32
        %dma_wait3A_450 = tpu.memref_slice %arg14[%dma_wait3A_448, %dma_wait3A_449] : memref<10000x128xf32, #tpu.memory_space<vmem_shared>> -> memref<10000x128xf32, #tpu.memory_space<vmem_shared>>
        tpu.wait_indirect_dma semaphore(%run_scoped3A : memref<!tpu.dma_semaphore, #tpu.memory_space<semaphore_mem>>) src(%arg12 : memref<80x128xf32, #tpu.memory_space<vmem>>) dst(%dma_wait3A_450 : memref<10000x128xf32, #tpu.memory_space<vmem_shared>>)
        tpu.yield
      }) : () -> ()
    } else {
    }
    %eq3A = arith.constant 15 : i32
    %eq3A_9 = arith.cmpi eq, %arg1, %eq3A : i32
    %convert_element_type3A_10 = arith.extui %eq3A_9 : i1 to i32
    %cond3A_11 = arith.constant 0 : i32
    %cond3A_12 = arith.cmpi ne, %convert_element_type3A_10, %cond3A_11 : i32
    scf.if %cond3A_12 {
      %iota3A = tpu.iota {dimensions = array<i32: 0>} : vector<16xi32>
      %add3A_68 = arith.constant 9600 : i32
      %add3A_69 = vector.broadcast %add3A_68 : i32 to vector<16xi32>
      %add3A_70 = arith.addi %iota3A, %add3A_69 : vector<16xi32>
      %swap3A_71 = arith.constant 0 : index
      %swap3A_72 = tpu.vector_load %arg13[%swap3A_71] {strides = array<i32>} : memref<80xi32, #tpu.memory_space<vmem>>, vector<16xi32>,
      %swap3A_73 = vector.shape_cast %swap3A_72 : vector<16xi32> to vector<16xi32>
      %swap3A_74 = vector.shape_cast %add3A_70 : vector<16xi32> to vector<16xi32>
      tpu.vector_store %arg13[%swap3A_71], %swap3A_74 {strides = array<i32>} : memref<80xi32, #tpu.memory_space<vmem>>, vector<16xi32>,
      %iota3A_75 = tpu.iota {dimensions = array<i32: 0>} : vector<16xi32>
      %add3A_76 = arith.constant 9616 : i32
      %add3A_77 = vector.broadcast %add3A_76 : i32 to vector<16xi32>
      %add3A_78 = arith.addi %iota3A_75, %add3A_77 : vector<16xi32>
      %swap3A_79 = arith.constant 16 : index
      %swap3A_80 = tpu.vector_load %arg13[%swap3A_79] {strides = array<i32>} : memref<80xi32, #tpu.memory_space<vmem>>, vector<16xi32>,
      %swap3A_81 = vector.shape_cast %swap3A_80 : vector<16xi32> to vector<16xi32>
      %swap3A_82 = vector.shape_cast %add3A_78 : vector<16xi32> to vector<16xi32>
      tpu.vector_store %arg13[%swap3A_79], %swap3A_82 {strides = array<i32>} : memref<80xi32, #tpu.memory_space<vmem>>, vector<16xi32>,
      %iota3A_83 = tpu.iota {dimensions = array<i32: 0>} : vector<16xi32>
      %add3A_84 = arith.constant 9632 : i32
      %add3A_85 = vector.broadcast %add3A_84 : i32 to vector<16xi32>
      %add3A_86 = arith.addi %iota3A_83, %add3A_85 : vector<16xi32>
      %swap3A_87 = arith.constant 32 : index
      %swap3A_88 = tpu.vector_load %arg13[%swap3A_87] {strides = array<i32>} : memref<80xi32, #tpu.memory_space<vmem>>, vector<16xi32>,
      %swap3A_89 = vector.shape_cast %swap3A_88 : vector<16xi32> to vector<16xi32>
      %swap3A_90 = vector.shape_cast %add3A_86 : vector<16xi32> to vector<16xi32>
      tpu.vector_store %arg13[%swap3A_87], %swap3A_90 {strides = array<i32>} : memref<80xi32, #tpu.memory_space<vmem>>, vector<16xi32>,
      %iota3A_91 = tpu.iota {dimensions = array<i32: 0>} : vector<16xi32>
      %add3A_92 = arith.constant 9648 : i32
      %add3A_93 = vector.broadcast %add3A_92 : i32 to vector<16xi32>
      %add3A_94 = arith.addi %iota3A_91, %add3A_93 : vector<16xi32>
      %swap3A_95 = arith.constant 48 : index
      %swap3A_96 = tpu.vector_load %arg13[%swap3A_95] {strides = array<i32>} : memref<80xi32, #tpu.memory_space<vmem>>, vector<16xi32>,
      %swap3A_97 = vector.shape_cast %swap3A_96 : vector<16xi32> to vector<16xi32>
      %swap3A_98 = vector.shape_cast %add3A_94 : vector<16xi32> to vector<16xi32>
      tpu.vector_store %arg13[%swap3A_95], %swap3A_98 {strides = array<i32>} : memref<80xi32, #tpu.memory_space<vmem>>, vector<16xi32>,
      %iota3A_99 = tpu.iota {dimensions = array<i32: 0>} : vector<16xi32>
      %add3A_100 = arith.constant 9664 : i32
      %add3A_101 = vector.broadcast %add3A_100 : i32 to vector<16xi32>
      %add3A_102 = arith.addi %iota3A_99, %add3A_101 : vector<16xi32>
      %swap3A_103 = arith.constant 64 : index
      %swap3A_104 = tpu.vector_load %arg13[%swap3A_103] {strides = array<i32>} : memref<80xi32, #tpu.memory_space<vmem>>, vector<16xi32>,
      %swap3A_105 = vector.shape_cast %swap3A_104 : vector<16xi32> to vector<16xi32>
      %swap3A_106 = vector.shape_cast %add3A_102 : vector<16xi32> to vector<16xi32>
      tpu.vector_store %arg13[%swap3A_103], %swap3A_106 {strides = array<i32>} : memref<80xi32, #tpu.memory_space<vmem>>, vector<16xi32>,
      "tpu.region"() ({
        %run_scoped3A = tpu.sem_alloc : memref<!tpu.dma_semaphore, #tpu.memory_space<semaphore_mem>>
        %dma_start3A_267 = arith.constant 0 : i32
        %dma_start3A_268 = arith.constant 0 : i32
        %dma_start3A_269 = tpu.memref_slice %arg14[%dma_start3A_267, %dma_start3A_268] : memref<10000x128xf32, #tpu.memory_space<vmem_shared>> -> memref<10000x128xf32, #tpu.memory_space<vmem_shared>>
        tpu.enqueue_indirect_dma source(%arg12 : memref<80x128xf32, #tpu.memory_space<vmem>>) target(%dma_start3A_269 : memref<10000x128xf32, #tpu.memory_space<vmem_shared>>) offsets(%arg13 : memref<80xi32, #tpu.memory_space<vmem>>) semaphore(%run_scoped3A : memref<!tpu.dma_semaphore, #tpu.memory_space<semaphore_mem>>)
        %dma_wait3A_270 = arith.constant 0 : i32
        %dma_wait3A_271 = arith.constant 0 : i32
        %dma_wait3A_272 = tpu.memref_slice %arg14[%dma_wait3A_270, %dma_wait3A_271] : memref<10000x128xf32, #tpu.memory_space<vmem_shared>> -> memref<10000x128xf32, #tpu.memory_space<vmem_shared>>
        tpu.wait_indirect_dma semaphore(%run_scoped3A : memref<!tpu.dma_semaphore, #tpu.memory_space<semaphore_mem>>) src(%arg12 : memref<80x128xf32, #tpu.memory_space<vmem>>) dst(%dma_wait3A_272 : memref<10000x128xf32, #tpu.memory_space<vmem_shared>>)
        tpu.yield
      }) : () -> ()
      %iota3A_107 = tpu.iota {dimensions = array<i32: 0>} : vector<16xi32>
      %add3A_108 = arith.constant 9680 : i32
      %add3A_109 = vector.broadcast %add3A_108 : i32 to vector<16xi32>
      %add3A_110 = arith.addi %iota3A_107, %add3A_109 : vector<16xi32>
      %swap3A_111 = arith.constant 0 : index
      %swap3A_112 = tpu.vector_load %arg13[%swap3A_111] {strides = array<i32>} : memref<80xi32, #tpu.memory_space<vmem>>, vector<16xi32>,
      %swap3A_113 = vector.shape_cast %swap3A_112 : vector<16xi32> to vector<16xi32>
      %swap3A_114 = vector.shape_cast %add3A_110 : vector<16xi32> to vector<16xi32>
      tpu.vector_store %arg13[%swap3A_111], %swap3A_114 {strides = array<i32>} : memref<80xi32, #tpu.memory_space<vmem>>, vector<16xi32>,
      %iota3A_115 = tpu.iota {dimensions = array<i32: 0>} : vector<16xi32>
      %add3A_116 = arith.constant 9696 : i32
      %add3A_117 = vector.broadcast %add3A_116 : i32 to vector<16xi32>
      %add3A_118 = arith.addi %iota3A_115, %add3A_117 : vector<16xi32>
      %swap3A_119 = arith.constant 16 : index
      %swap3A_120 = tpu.vector_load %arg13[%swap3A_119] {strides = array<i32>} : memref<80xi32, #tpu.memory_space<vmem>>, vector<16xi32>,
      %swap3A_121 = vector.shape_cast %swap3A_120 : vector<16xi32> to vector<16xi32>
      %swap3A_122 = vector.shape_cast %add3A_118 : vector<16xi32> to vector<16xi32>
      tpu.vector_store %arg13[%swap3A_119], %swap3A_122 {strides = array<i32>} : memref<80xi32, #tpu.memory_space<vmem>>, vector<16xi32>,
      %iota3A_123 = tpu.iota {dimensions = array<i32: 0>} : vector<16xi32>
      %add3A_124 = arith.constant 9712 : i32
      %add3A_125 = vector.broadcast %add3A_124 : i32 to vector<16xi32>
      %add3A_126 = arith.addi %iota3A_123, %add3A_125 : vector<16xi32>
      %swap3A_127 = arith.constant 32 : index
      %swap3A_128 = tpu.vector_load %arg13[%swap3A_127] {strides = array<i32>} : memref<80xi32, #tpu.memory_space<vmem>>, vector<16xi32>,
      %swap3A_129 = vector.shape_cast %swap3A_128 : vector<16xi32> to vector<16xi32>
      %swap3A_130 = vector.shape_cast %add3A_126 : vector<16xi32> to vector<16xi32>
      tpu.vector_store %arg13[%swap3A_127], %swap3A_130 {strides = array<i32>} : memref<80xi32, #tpu.memory_space<vmem>>, vector<16xi32>,
      %iota3A_131 = tpu.iota {dimensions = array<i32: 0>} : vector<16xi32>
      %add3A_132 = arith.constant 9728 : i32
      %add3A_133 = vector.broadcast %add3A_132 : i32 to vector<16xi32>
      %add3A_134 = arith.addi %iota3A_131, %add3A_133 : vector<16xi32>
      %swap3A_135 = arith.constant 48 : index
      %swap3A_136 = tpu.vector_load %arg13[%swap3A_135] {strides = array<i32>} : memref<80xi32, #tpu.memory_space<vmem>>, vector<16xi32>,
      %swap3A_137 = vector.shape_cast %swap3A_136 : vector<16xi32> to vector<16xi32>
      %swap3A_138 = vector.shape_cast %add3A_134 : vector<16xi32> to vector<16xi32>
      tpu.vector_store %arg13[%swap3A_135], %swap3A_138 {strides = array<i32>} : memref<80xi32, #tpu.memory_space<vmem>>, vector<16xi32>,
      %iota3A_139 = tpu.iota {dimensions = array<i32: 0>} : vector<16xi32>
      %add3A_140 = arith.constant 9744 : i32
      %add3A_141 = vector.broadcast %add3A_140 : i32 to vector<16xi32>
      %add3A_142 = arith.addi %iota3A_139, %add3A_141 : vector<16xi32>
      %swap3A_143 = arith.constant 64 : index
      %swap3A_144 = tpu.vector_load %arg13[%swap3A_143] {strides = array<i32>} : memref<80xi32, #tpu.memory_space<vmem>>, vector<16xi32>,
      %swap3A_145 = vector.shape_cast %swap3A_144 : vector<16xi32> to vector<16xi32>
      %swap3A_146 = vector.shape_cast %add3A_142 : vector<16xi32> to vector<16xi32>
      tpu.vector_store %arg13[%swap3A_143], %swap3A_146 {strides = array<i32>} : memref<80xi32, #tpu.memory_space<vmem>>, vector<16xi32>,
      "tpu.region"() ({
        %run_scoped3A = tpu.sem_alloc : memref<!tpu.dma_semaphore, #tpu.memory_space<semaphore_mem>>
        %dma_start3A_267 = arith.constant 0 : i32
        %dma_start3A_268 = arith.constant 0 : i32
        %dma_start3A_269 = tpu.memref_slice %arg14[%dma_start3A_267, %dma_start3A_268] : memref<10000x128xf32, #tpu.memory_space<vmem_shared>> -> memref<10000x128xf32, #tpu.memory_space<vmem_shared>>
        tpu.enqueue_indirect_dma source(%arg12 : memref<80x128xf32, #tpu.memory_space<vmem>>) target(%dma_start3A_269 : memref<10000x128xf32, #tpu.memory_space<vmem_shared>>) offsets(%arg13 : memref<80xi32, #tpu.memory_space<vmem>>) semaphore(%run_scoped3A : memref<!tpu.dma_semaphore, #tpu.memory_space<semaphore_mem>>)
        %dma_wait3A_270 = arith.constant 0 : i32
        %dma_wait3A_271 = arith.constant 0 : i32
        %dma_wait3A_272 = tpu.memref_slice %arg14[%dma_wait3A_270, %dma_wait3A_271] : memref<10000x128xf32, #tpu.memory_space<vmem_shared>> -> memref<10000x128xf32, #tpu.memory_space<vmem_shared>>
        tpu.wait_indirect_dma semaphore(%run_scoped3A : memref<!tpu.dma_semaphore, #tpu.memory_space<semaphore_mem>>) src(%arg12 : memref<80x128xf32, #tpu.memory_space<vmem>>) dst(%dma_wait3A_272 : memref<10000x128xf32, #tpu.memory_space<vmem_shared>>)
        tpu.yield
      }) : () -> ()
      %iota3A_147 = tpu.iota {dimensions = array<i32: 0>} : vector<16xi32>
      %add3A_148 = arith.constant 9760 : i32
      %add3A_149 = vector.broadcast %add3A_148 : i32 to vector<16xi32>
      %add3A_150 = arith.addi %iota3A_147, %add3A_149 : vector<16xi32>
      %swap3A_151 = arith.constant 0 : index
      %swap3A_152 = tpu.vector_load %arg13[%swap3A_151] {strides = array<i32>} : memref<80xi32, #tpu.memory_space<vmem>>, vector<16xi32>,
      %swap3A_153 = vector.shape_cast %swap3A_152 : vector<16xi32> to vector<16xi32>
      %swap3A_154 = vector.shape_cast %add3A_150 : vector<16xi32> to vector<16xi32>
      tpu.vector_store %arg13[%swap3A_151], %swap3A_154 {strides = array<i32>} : memref<80xi32, #tpu.memory_space<vmem>>, vector<16xi32>,
      %iota3A_155 = tpu.iota {dimensions = array<i32: 0>} : vector<16xi32>
      %add3A_156 = arith.constant 9776 : i32
      %add3A_157 = vector.broadcast %add3A_156 : i32 to vector<16xi32>
      %add3A_158 = arith.addi %iota3A_155, %add3A_157 : vector<16xi32>
      %swap3A_159 = arith.constant 16 : index
      %swap3A_160 = tpu.vector_load %arg13[%swap3A_159] {strides = array<i32>} : memref<80xi32, #tpu.memory_space<vmem>>, vector<16xi32>,
      %swap3A_161 = vector.shape_cast %swap3A_160 : vector<16xi32> to vector<16xi32>
      %swap3A_162 = vector.shape_cast %add3A_158 : vector<16xi32> to vector<16xi32>
      tpu.vector_store %arg13[%swap3A_159], %swap3A_162 {strides = array<i32>} : memref<80xi32, #tpu.memory_space<vmem>>, vector<16xi32>,
      %iota3A_163 = tpu.iota {dimensions = array<i32: 0>} : vector<16xi32>
      %add3A_164 = arith.constant 9792 : i32
      %add3A_165 = vector.broadcast %add3A_164 : i32 to vector<16xi32>
      %add3A_166 = arith.addi %iota3A_163, %add3A_165 : vector<16xi32>
      %swap3A_167 = arith.constant 32 : index
      %swap3A_168 = tpu.vector_load %arg13[%swap3A_167] {strides = array<i32>} : memref<80xi32, #tpu.memory_space<vmem>>, vector<16xi32>,
      %swap3A_169 = vector.shape_cast %swap3A_168 : vector<16xi32> to vector<16xi32>
      %swap3A_170 = vector.shape_cast %add3A_166 : vector<16xi32> to vector<16xi32>
      tpu.vector_store %arg13[%swap3A_167], %swap3A_170 {strides = array<i32>} : memref<80xi32, #tpu.memory_space<vmem>>, vector<16xi32>,
      %iota3A_171 = tpu.iota {dimensions = array<i32: 0>} : vector<16xi32>
      %add3A_172 = arith.constant 9808 : i32
      %add3A_173 = vector.broadcast %add3A_172 : i32 to vector<16xi32>
      %add3A_174 = arith.addi %iota3A_171, %add3A_173 : vector<16xi32>
      %swap3A_175 = arith.constant 48 : index
      %swap3A_176 = tpu.vector_load %arg13[%swap3A_175] {strides = array<i32>} : memref<80xi32, #tpu.memory_space<vmem>>, vector<16xi32>,
      %swap3A_177 = vector.shape_cast %swap3A_176 : vector<16xi32> to vector<16xi32>
      %swap3A_178 = vector.shape_cast %add3A_174 : vector<16xi32> to vector<16xi32>
      tpu.vector_store %arg13[%swap3A_175], %swap3A_178 {strides = array<i32>} : memref<80xi32, #tpu.memory_space<vmem>>, vector<16xi32>,
      %iota3A_179 = tpu.iota {dimensions = array<i32: 0>} : vector<16xi32>
      %add3A_180 = arith.constant 9824 : i32
      %add3A_181 = vector.broadcast %add3A_180 : i32 to vector<16xi32>
      %add3A_182 = arith.addi %iota3A_179, %add3A_181 : vector<16xi32>
      %swap3A_183 = arith.constant 64 : index
      %swap3A_184 = tpu.vector_load %arg13[%swap3A_183] {strides = array<i32>} : memref<80xi32, #tpu.memory_space<vmem>>, vector<16xi32>,
      %swap3A_185 = vector.shape_cast %swap3A_184 : vector<16xi32> to vector<16xi32>
      %swap3A_186 = vector.shape_cast %add3A_182 : vector<16xi32> to vector<16xi32>
      tpu.vector_store %arg13[%swap3A_183], %swap3A_186 {strides = array<i32>} : memref<80xi32, #tpu.memory_space<vmem>>, vector<16xi32>,
      "tpu.region"() ({
        %run_scoped3A = tpu.sem_alloc : memref<!tpu.dma_semaphore, #tpu.memory_space<semaphore_mem>>
        %dma_start3A_267 = arith.constant 0 : i32
        %dma_start3A_268 = arith.constant 0 : i32
        %dma_start3A_269 = tpu.memref_slice %arg14[%dma_start3A_267, %dma_start3A_268] : memref<10000x128xf32, #tpu.memory_space<vmem_shared>> -> memref<10000x128xf32, #tpu.memory_space<vmem_shared>>
        tpu.enqueue_indirect_dma source(%arg12 : memref<80x128xf32, #tpu.memory_space<vmem>>) target(%dma_start3A_269 : memref<10000x128xf32, #tpu.memory_space<vmem_shared>>) offsets(%arg13 : memref<80xi32, #tpu.memory_space<vmem>>) semaphore(%run_scoped3A : memref<!tpu.dma_semaphore, #tpu.memory_space<semaphore_mem>>)
        %dma_wait3A_270 = arith.constant 0 : i32
        %dma_wait3A_271 = arith.constant 0 : i32
        %dma_wait3A_272 = tpu.memref_slice %arg14[%dma_wait3A_270, %dma_wait3A_271] : memref<10000x128xf32, #tpu.memory_space<vmem_shared>> -> memref<10000x128xf32, #tpu.memory_space<vmem_shared>>
        tpu.wait_indirect_dma semaphore(%run_scoped3A : memref<!tpu.dma_semaphore, #tpu.memory_space<semaphore_mem>>) src(%arg12 : memref<80x128xf32, #tpu.memory_space<vmem>>) dst(%dma_wait3A_272 : memref<10000x128xf32, #tpu.memory_space<vmem_shared>>)
        tpu.yield
      }) : () -> ()
      %iota3A_187 = tpu.iota {dimensions = array<i32: 0>} : vector<16xi32>
      %add3A_188 = arith.constant 9840 : i32
      %add3A_189 = vector.broadcast %add3A_188 : i32 to vector<16xi32>
      %add3A_190 = arith.addi %iota3A_187, %add3A_189 : vector<16xi32>
      %swap3A_191 = arith.constant 0 : index
      %swap3A_192 = tpu.vector_load %arg13[%swap3A_191] {strides = array<i32>} : memref<80xi32, #tpu.memory_space<vmem>>, vector<16xi32>,
      %swap3A_193 = vector.shape_cast %swap3A_192 : vector<16xi32> to vector<16xi32>
      %swap3A_194 = vector.shape_cast %add3A_190 : vector<16xi32> to vector<16xi32>
      tpu.vector_store %arg13[%swap3A_191], %swap3A_194 {strides = array<i32>} : memref<80xi32, #tpu.memory_space<vmem>>, vector<16xi32>,
      %iota3A_195 = tpu.iota {dimensions = array<i32: 0>} : vector<16xi32>
      %add3A_196 = arith.constant 9856 : i32
      %add3A_197 = vector.broadcast %add3A_196 : i32 to vector<16xi32>
      %add3A_198 = arith.addi %iota3A_195, %add3A_197 : vector<16xi32>
      %swap3A_199 = arith.constant 16 : index
      %swap3A_200 = tpu.vector_load %arg13[%swap3A_199] {strides = array<i32>} : memref<80xi32, #tpu.memory_space<vmem>>, vector<16xi32>,
      %swap3A_201 = vector.shape_cast %swap3A_200 : vector<16xi32> to vector<16xi32>
      %swap3A_202 = vector.shape_cast %add3A_198 : vector<16xi32> to vector<16xi32>
      tpu.vector_store %arg13[%swap3A_199], %swap3A_202 {strides = array<i32>} : memref<80xi32, #tpu.memory_space<vmem>>, vector<16xi32>,
      %iota3A_203 = tpu.iota {dimensions = array<i32: 0>} : vector<16xi32>
      %add3A_204 = arith.constant 9872 : i32
      %add3A_205 = vector.broadcast %add3A_204 : i32 to vector<16xi32>
      %add3A_206 = arith.addi %iota3A_203, %add3A_205 : vector<16xi32>
      %swap3A_207 = arith.constant 32 : index
      %swap3A_208 = tpu.vector_load %arg13[%swap3A_207] {strides = array<i32>} : memref<80xi32, #tpu.memory_space<vmem>>, vector<16xi32>,
      %swap3A_209 = vector.shape_cast %swap3A_208 : vector<16xi32> to vector<16xi32>
      %swap3A_210 = vector.shape_cast %add3A_206 : vector<16xi32> to vector<16xi32>
      tpu.vector_store %arg13[%swap3A_207], %swap3A_210 {strides = array<i32>} : memref<80xi32, #tpu.memory_space<vmem>>, vector<16xi32>,
      %iota3A_211 = tpu.iota {dimensions = array<i32: 0>} : vector<16xi32>
      %add3A_212 = arith.constant 9888 : i32
      %add3A_213 = vector.broadcast %add3A_212 : i32 to vector<16xi32>
      %add3A_214 = arith.addi %iota3A_211, %add3A_213 : vector<16xi32>
      %swap3A_215 = arith.constant 48 : index
      %swap3A_216 = tpu.vector_load %arg13[%swap3A_215] {strides = array<i32>} : memref<80xi32, #tpu.memory_space<vmem>>, vector<16xi32>,
      %swap3A_217 = vector.shape_cast %swap3A_216 : vector<16xi32> to vector<16xi32>
      %swap3A_218 = vector.shape_cast %add3A_214 : vector<16xi32> to vector<16xi32>
      tpu.vector_store %arg13[%swap3A_215], %swap3A_218 {strides = array<i32>} : memref<80xi32, #tpu.memory_space<vmem>>, vector<16xi32>,
      %iota3A_219 = tpu.iota {dimensions = array<i32: 0>} : vector<16xi32>
      %add3A_220 = arith.constant 9904 : i32
      %add3A_221 = vector.broadcast %add3A_220 : i32 to vector<16xi32>
      %add3A_222 = arith.addi %iota3A_219, %add3A_221 : vector<16xi32>
      %swap3A_223 = arith.constant 64 : index
      %swap3A_224 = tpu.vector_load %arg13[%swap3A_223] {strides = array<i32>} : memref<80xi32, #tpu.memory_space<vmem>>, vector<16xi32>,
      %swap3A_225 = vector.shape_cast %swap3A_224 : vector<16xi32> to vector<16xi32>
      %swap3A_226 = vector.shape_cast %add3A_222 : vector<16xi32> to vector<16xi32>
      tpu.vector_store %arg13[%swap3A_223], %swap3A_226 {strides = array<i32>} : memref<80xi32, #tpu.memory_space<vmem>>, vector<16xi32>,
      "tpu.region"() ({
        %run_scoped3A = tpu.sem_alloc : memref<!tpu.dma_semaphore, #tpu.memory_space<semaphore_mem>>
        %dma_start3A_267 = arith.constant 0 : i32
        %dma_start3A_268 = arith.constant 0 : i32
        %dma_start3A_269 = tpu.memref_slice %arg14[%dma_start3A_267, %dma_start3A_268] : memref<10000x128xf32, #tpu.memory_space<vmem_shared>> -> memref<10000x128xf32, #tpu.memory_space<vmem_shared>>
        tpu.enqueue_indirect_dma source(%arg12 : memref<80x128xf32, #tpu.memory_space<vmem>>) target(%dma_start3A_269 : memref<10000x128xf32, #tpu.memory_space<vmem_shared>>) offsets(%arg13 : memref<80xi32, #tpu.memory_space<vmem>>) semaphore(%run_scoped3A : memref<!tpu.dma_semaphore, #tpu.memory_space<semaphore_mem>>)
        %dma_wait3A_270 = arith.constant 0 : i32
        %dma_wait3A_271 = arith.constant 0 : i32
        %dma_wait3A_272 = tpu.memref_slice %arg14[%dma_wait3A_270, %dma_wait3A_271] : memref<10000x128xf32, #tpu.memory_space<vmem_shared>> -> memref<10000x128xf32, #tpu.memory_space<vmem_shared>>
        tpu.wait_indirect_dma semaphore(%run_scoped3A : memref<!tpu.dma_semaphore, #tpu.memory_space<semaphore_mem>>) src(%arg12 : memref<80x128xf32, #tpu.memory_space<vmem>>) dst(%dma_wait3A_272 : memref<10000x128xf32, #tpu.memory_space<vmem_shared>>)
        tpu.yield
      }) : () -> ()
      %iota3A_227 = tpu.iota {dimensions = array<i32: 0>} : vector<16xi32>
      %add3A_228 = arith.constant 9920 : i32
      %add3A_229 = vector.broadcast %add3A_228 : i32 to vector<16xi32>
      %add3A_230 = arith.addi %iota3A_227, %add3A_229 : vector<16xi32>
      %swap3A_231 = arith.constant 0 : index
      %swap3A_232 = tpu.vector_load %arg13[%swap3A_231] {strides = array<i32>} : memref<80xi32, #tpu.memory_space<vmem>>, vector<16xi32>,
      %swap3A_233 = vector.shape_cast %swap3A_232 : vector<16xi32> to vector<16xi32>
      %swap3A_234 = vector.shape_cast %add3A_230 : vector<16xi32> to vector<16xi32>
      tpu.vector_store %arg13[%swap3A_231], %swap3A_234 {strides = array<i32>} : memref<80xi32, #tpu.memory_space<vmem>>, vector<16xi32>,
      %iota3A_235 = tpu.iota {dimensions = array<i32: 0>} : vector<16xi32>
      %add3A_236 = arith.constant 9936 : i32
      %add3A_237 = vector.broadcast %add3A_236 : i32 to vector<16xi32>
      %add3A_238 = arith.addi %iota3A_235, %add3A_237 : vector<16xi32>
      %swap3A_239 = arith.constant 16 : index
      %swap3A_240 = tpu.vector_load %arg13[%swap3A_239] {strides = array<i32>} : memref<80xi32, #tpu.memory_space<vmem>>, vector<16xi32>,
      %swap3A_241 = vector.shape_cast %swap3A_240 : vector<16xi32> to vector<16xi32>
      %swap3A_242 = vector.shape_cast %add3A_238 : vector<16xi32> to vector<16xi32>
      tpu.vector_store %arg13[%swap3A_239], %swap3A_242 {strides = array<i32>} : memref<80xi32, #tpu.memory_space<vmem>>, vector<16xi32>,
      %iota3A_243 = tpu.iota {dimensions = array<i32: 0>} : vector<16xi32>
      %add3A_244 = arith.constant 9952 : i32
      %add3A_245 = vector.broadcast %add3A_244 : i32 to vector<16xi32>
      %add3A_246 = arith.addi %iota3A_243, %add3A_245 : vector<16xi32>
      %swap3A_247 = arith.constant 32 : index
      %swap3A_248 = tpu.vector_load %arg13[%swap3A_247] {strides = array<i32>} : memref<80xi32, #tpu.memory_space<vmem>>, vector<16xi32>,
      %swap3A_249 = vector.shape_cast %swap3A_248 : vector<16xi32> to vector<16xi32>
      %swap3A_250 = vector.shape_cast %add3A_246 : vector<16xi32> to vector<16xi32>
      tpu.vector_store %arg13[%swap3A_247], %swap3A_250 {strides = array<i32>} : memref<80xi32, #tpu.memory_space<vmem>>, vector<16xi32>,
      %iota3A_251 = tpu.iota {dimensions = array<i32: 0>} : vector<16xi32>
      %add3A_252 = arith.constant 9968 : i32
      %add3A_253 = vector.broadcast %add3A_252 : i32 to vector<16xi32>
      %add3A_254 = arith.addi %iota3A_251, %add3A_253 : vector<16xi32>
      %swap3A_255 = arith.constant 48 : index
      %swap3A_256 = tpu.vector_load %arg13[%swap3A_255] {strides = array<i32>} : memref<80xi32, #tpu.memory_space<vmem>>, vector<16xi32>,
      %swap3A_257 = vector.shape_cast %swap3A_256 : vector<16xi32> to vector<16xi32>
      %swap3A_258 = vector.shape_cast %add3A_254 : vector<16xi32> to vector<16xi32>
      tpu.vector_store %arg13[%swap3A_255], %swap3A_258 {strides = array<i32>} : memref<80xi32, #tpu.memory_space<vmem>>, vector<16xi32>,
      %iota3A_259 = tpu.iota {dimensions = array<i32: 0>} : vector<16xi32>
      %add3A_260 = arith.constant 9984 : i32
      %add3A_261 = vector.broadcast %add3A_260 : i32 to vector<16xi32>
      %add3A_262 = arith.addi %iota3A_259, %add3A_261 : vector<16xi32>
      %swap3A_263 = arith.constant 64 : index
      %swap3A_264 = tpu.vector_load %arg13[%swap3A_263] {strides = array<i32>} : memref<80xi32, #tpu.memory_space<vmem>>, vector<16xi32>,
      %swap3A_265 = vector.shape_cast %swap3A_264 : vector<16xi32> to vector<16xi32>
      %swap3A_266 = vector.shape_cast %add3A_262 : vector<16xi32> to vector<16xi32>
      tpu.vector_store %arg13[%swap3A_263], %swap3A_266 {strides = array<i32>} : memref<80xi32, #tpu.memory_space<vmem>>, vector<16xi32>,
      "tpu.region"() ({
        %run_scoped3A = tpu.sem_alloc : memref<!tpu.dma_semaphore, #tpu.memory_space<semaphore_mem>>
        %dma_start3A_267 = arith.constant 0 : i32
        %dma_start3A_268 = arith.constant 0 : i32
        %dma_start3A_269 = tpu.memref_slice %arg14[%dma_start3A_267, %dma_start3A_268] : memref<10000x128xf32, #tpu.memory_space<vmem_shared>> -> memref<10000x128xf32, #tpu.memory_space<vmem_shared>>
        tpu.enqueue_indirect_dma source(%arg12 : memref<80x128xf32, #tpu.memory_space<vmem>>) target(%dma_start3A_269 : memref<10000x128xf32, #tpu.memory_space<vmem_shared>>) offsets(%arg13 : memref<80xi32, #tpu.memory_space<vmem>>) semaphore(%run_scoped3A : memref<!tpu.dma_semaphore, #tpu.memory_space<semaphore_mem>>)
        %dma_wait3A_270 = arith.constant 0 : i32
        %dma_wait3A_271 = arith.constant 0 : i32
        %dma_wait3A_272 = tpu.memref_slice %arg14[%dma_wait3A_270, %dma_wait3A_271] : memref<10000x128xf32, #tpu.memory_space<vmem_shared>> -> memref<10000x128xf32, #tpu.memory_space<vmem_shared>>
        tpu.wait_indirect_dma semaphore(%run_scoped3A : memref<!tpu.dma_semaphore, #tpu.memory_space<semaphore_mem>>) src(%arg12 : memref<80x128xf32, #tpu.memory_space<vmem>>) dst(%dma_wait3A_272 : memref<10000x128xf32, #tpu.memory_space<vmem_shared>>)
        tpu.yield
      }) : () -> ()
    } else {
    }
    %barrier3A = arith.constant 0 : index
    tpu.barrier barrier_id(%barrier3A)
    %scan3A_13 = arith.constant 0 : i32
    %scan3A_14 = arith.constant 0 : i32
    %scan3A_15 = arith.constant 125 : i32
    %scan3A_16 = arith.addi %scan3A_14, %scan3A_15 : i32
    %scan3A_17 = arith.constant 1 : i32
    scf.for %scan3A_68 = %scan3A_14 to %scan3A_16 step %scan3A_17  : i32 {
      %mul3A_69 = arith.constant 125 : i32
      %mul3A_70 = arith.muli %add3A, %mul3A_69 : i32
      %add3A_71 = arith.addi %mul3A_70, %scan3A_68 : i32
      "tpu.region"() ({
        %run_scoped3A_86 = tpu.sem_alloc : memref<!tpu.dma_semaphore, #tpu.memory_space<semaphore_mem>>
        %dma_start3A_87 = arith.constant 0 : i32
        %dma_start3A_88 = arith.constant 0 : i32
        %dma_start3A_89 = tpu.memref_slice %arg2[%add3A_71, %dma_start3A_87, %dma_start3A_88] : memref<4000x2x80xi32, #tpu.memory_space<hbm>> -> memref<1x2x80xi32, #tpu.memory_space<hbm>>
        %dma_start3A_90 = tpu.memref_squeeze %dma_start3A_89 : memref<1x2x80xi32, #tpu.memory_space<hbm>> -> memref<2x80xi32, #tpu.memory_space<hbm>>
        %dma_start3A_91 = arith.constant 0 : i32
        %dma_start3A_92 = arith.constant 0 : i32
        %dma_start3A_93 = tpu.memref_slice %arg2[%add3A_71, %dma_start3A_91, %dma_start3A_92] : memref<4000x2x80xi32, #tpu.memory_space<hbm>> -> memref<1x2x80xi32, #tpu.memory_space<hbm>>
        %dma_start3A_94 = tpu.memref_squeeze %dma_start3A_93 : memref<1x2x80xi32, #tpu.memory_space<hbm>> -> memref<2x80xi32, #tpu.memory_space<hbm>>
        tpu.enqueue_dma source(%dma_start3A_94 : memref<2x80xi32, #tpu.memory_space<hbm>>) target(%arg7 : memref<2x80xi32, #tpu.memory_space<vmem>>) target_semaphore(%run_scoped3A_86 : memref<!tpu.dma_semaphore, #tpu.memory_space<semaphore_mem>>)
        %dma_wait3A_95 = arith.constant 0 : i32
        %dma_wait3A_96 = arith.constant 0 : i32
        %dma_wait3A_97 = tpu.memref_slice %arg2[%add3A_71, %dma_wait3A_95, %dma_wait3A_96] : memref<4000x2x80xi32, #tpu.memory_space<hbm>> -> memref<1x2x80xi32, #tpu.memory_space<hbm>>
        %dma_wait3A_98 = tpu.memref_squeeze %dma_wait3A_97 : memref<1x2x80xi32, #tpu.memory_space<hbm>> -> memref<2x80xi32, #tpu.memory_space<hbm>>
        %dma_wait3A_99 = arith.constant 0 : i32
        %dma_wait3A_100 = arith.constant 0 : i32
        %dma_wait3A_101 = tpu.memref_slice %arg2[%add3A_71, %dma_wait3A_99, %dma_wait3A_100] : memref<4000x2x80xi32, #tpu.memory_space<hbm>> -> memref<1x2x80xi32, #tpu.memory_space<hbm>>
        %dma_wait3A_102 = tpu.memref_squeeze %dma_wait3A_101 : memref<1x2x80xi32, #tpu.memory_space<hbm>> -> memref<2x80xi32, #tpu.memory_space<hbm>>
        tpu.wait_dma2 semaphore(%run_scoped3A_86 : memref<!tpu.dma_semaphore, #tpu.memory_space<semaphore_mem>>) src(%dma_wait3A_102 : memref<2x80xi32, #tpu.memory_space<hbm>>) dst(%arg7 : memref<2x80xi32, #tpu.memory_space<vmem>>)
        tpu.yield
      }) : () -> ()
      %dma_start3A_72 = arith.constant 0 : i32
      %dma_start3A_73 = arith.constant 0 : i32
      %dma_start3A_74 = tpu.memref_slice %arg7[%dma_start3A_72, %dma_start3A_73] : memref<2x80xi32, #tpu.memory_space<vmem>> -> memref<1x80xi32, #tpu.memory_space<vmem>>
      %dma_start3A_75 = tpu.memref_squeeze %dma_start3A_74 : memref<1x80xi32, #tpu.memory_space<vmem>> -> memref<80xi32, #tpu.memory_space<vmem>>
      %dma_start3A_76 = arith.constant 0 : i32
      %dma_start3A_77 = arith.constant 0 : i32
      %dma_start3A_78 = tpu.memref_slice %arg3[%dma_start3A_76, %dma_start3A_77] : memref<20000x128xf32, #tpu.memory_space<hbm>> -> memref<20000x128xf32, #tpu.memory_space<hbm>>
      tpu.enqueue_indirect_dma source(%dma_start3A_78 : memref<20000x128xf32, #tpu.memory_space<hbm>>) target(%arg8 : memref<80x128xf32, #tpu.memory_space<vmem>>) offsets(%dma_start3A_75 : memref<80xi32, #tpu.memory_space<vmem>>) semaphore(%arg15 : memref<!tpu.dma_semaphore, #tpu.memory_space<semaphore_mem>>)
      %dma_wait3A_79 = arith.constant 0 : i32
      %dma_wait3A_80 = arith.constant 0 : i32
      %dma_wait3A_81 = tpu.memref_slice %arg7[%dma_wait3A_79, %dma_wait3A_80] : memref<2x80xi32, #tpu.memory_space<vmem>> -> memref<1x80xi32, #tpu.memory_space<vmem>>
      %dma_wait3A_82 = tpu.memref_squeeze %dma_wait3A_81 : memref<1x80xi32, #tpu.memory_space<vmem>> -> memref<80xi32, #tpu.memory_space<vmem>>
      %dma_wait3A_83 = arith.constant 0 : i32
      %dma_wait3A_84 = arith.constant 0 : i32
      %dma_wait3A_85 = tpu.memref_slice %arg3[%dma_wait3A_83, %dma_wait3A_84] : memref<20000x128xf32, #tpu.memory_space<hbm>> -> memref<20000x128xf32, #tpu.memory_space<hbm>>
      tpu.wait_indirect_dma semaphore(%arg15 : memref<!tpu.dma_semaphore, #tpu.memory_space<semaphore_mem>>) src(%dma_wait3A_85 : memref<20000x128xf32, #tpu.memory_space<hbm>>) dst(%arg8 : memref<80x128xf32, #tpu.memory_space<vmem>>)
      %run_scoped3A = arith.constant 1 : i32
      "tpu.region"() ({
        %run_scoped3A_86 = tpu.sem_alloc : memref<!tpu.dma_semaphore, #tpu.memory_space<semaphore_mem>>
        %dma_start3A_87 = arith.constant 0 : i32
        %dma_start3A_88 = tpu.memref_slice %arg7[%run_scoped3A, %dma_start3A_87] : memref<2x80xi32, #tpu.memory_space<vmem>> -> memref<1x80xi32, #tpu.memory_space<vmem>>
        %dma_start3A_89 = tpu.memref_squeeze %dma_start3A_88 : memref<1x80xi32, #tpu.memory_space<vmem>> -> memref<80xi32, #tpu.memory_space<vmem>>
        %dma_start3A_90 = arith.constant 0 : i32
        %dma_start3A_91 = arith.constant 0 : i32
        %dma_start3A_92 = tpu.memref_slice %arg14[%dma_start3A_90, %dma_start3A_91] : memref<10000x128xf32, #tpu.memory_space<vmem_shared>> -> memref<10000x128xf32, #tpu.memory_space<vmem_shared>>
        tpu.enqueue_indirect_dma source(%arg8 : memref<80x128xf32, #tpu.memory_space<vmem>>) target(%dma_start3A_92 : memref<10000x128xf32, #tpu.memory_space<vmem_shared>>) offsets(%dma_start3A_89 : memref<80xi32, #tpu.memory_space<vmem>>) semaphore(%run_scoped3A_86 : memref<!tpu.dma_semaphore, #tpu.memory_space<semaphore_mem>>) {add = true}
        %dma_wait3A_93 = arith.constant 0 : i32
        %dma_wait3A_94 = tpu.memref_slice %arg7[%run_scoped3A, %dma_wait3A_93] : memref<2x80xi32, #tpu.memory_space<vmem>> -> memref<1x80xi32, #tpu.memory_space<vmem>>
        %dma_wait3A_95 = tpu.memref_squeeze %dma_wait3A_94 : memref<1x80xi32, #tpu.memory_space<vmem>> -> memref<80xi32, #tpu.memory_space<vmem>>
        %dma_wait3A_96 = arith.constant 0 : i32
        %dma_wait3A_97 = arith.constant 0 : i32
        %dma_wait3A_98 = tpu.memref_slice %arg14[%dma_wait3A_96, %dma_wait3A_97] : memref<10000x128xf32, #tpu.memory_space<vmem_shared>> -> memref<10000x128xf32, #tpu.memory_space<vmem_shared>>
        tpu.wait_indirect_dma semaphore(%run_scoped3A_86 : memref<!tpu.dma_semaphore, #tpu.memory_space<semaphore_mem>>) src(%arg8 : memref<80x128xf32, #tpu.memory_space<vmem>>) dst(%dma_wait3A_98 : memref<10000x128xf32, #tpu.memory_space<vmem_shared>>)
        tpu.yield
      }) : () -> ()
    }
    %scan3A_18 = arith.constant 125 : i32
    %barrier3A_19 = arith.constant 0 : index
    tpu.barrier barrier_id(%barrier3A_19)
    %mul3A_20 = arith.constant 64 : i32
    %mul3A_21 = arith.muli %arg1, %mul3A_20 : i32
    "tpu.region"() ({
      %run_scoped3A = tpu.sem_alloc : memref<!tpu.dma_semaphore, #tpu.memory_space<semaphore_mem>>
      %dma_start3A_68 = tpu.memref_slice %arg4[%mul3A_21] : memref<1024xi32, #tpu.memory_space<hbm>> -> memref<64xi32, #tpu.memory_space<hbm>>
      %dma_start3A_69 = tpu.memref_slice %arg4[%mul3A_21] : memref<1024xi32, #tpu.memory_space<hbm>> -> memref<64xi32, #tpu.memory_space<hbm>>
      tpu.enqueue_dma source(%dma_start3A_69 : memref<64xi32, #tpu.memory_space<hbm>>) target(%arg9 : memref<64xi32, #tpu.memory_space<vmem>>) target_semaphore(%run_scoped3A : memref<!tpu.dma_semaphore, #tpu.memory_space<semaphore_mem>>)
      %dma_wait3A_70 = tpu.memref_slice %arg4[%mul3A_21] : memref<1024xi32, #tpu.memory_space<hbm>> -> memref<64xi32, #tpu.memory_space<hbm>>
      %dma_wait3A_71 = tpu.memref_slice %arg4[%mul3A_21] : memref<1024xi32, #tpu.memory_space<hbm>> -> memref<64xi32, #tpu.memory_space<hbm>>
      tpu.wait_dma2 semaphore(%run_scoped3A : memref<!tpu.dma_semaphore, #tpu.memory_space<semaphore_mem>>) src(%dma_wait3A_71 : memref<64xi32, #tpu.memory_space<hbm>>) dst(%arg9 : memref<64xi32, #tpu.memory_space<vmem>>)
      tpu.yield
    }) : () -> ()
    %dma_start3A = arith.constant 0 : i32
    %dma_start3A_22 = arith.constant 0 : i32
    %dma_start3A_23 = tpu.memref_slice %arg14[%dma_start3A, %dma_start3A_22] : memref<10000x128xf32, #tpu.memory_space<vmem_shared>> -> memref<10000x128xf32, #tpu.memory_space<vmem_shared>>
    tpu.enqueue_indirect_dma source(%dma_start3A_23 : memref<10000x128xf32, #tpu.memory_space<vmem_shared>>) target(%arg11 : memref<64x128xf32, #tpu.memory_space<vmem>>) offsets(%arg9 : memref<64xi32, #tpu.memory_space<vmem>>) semaphore(%arg15 : memref<!tpu.dma_semaphore, #tpu.memory_space<semaphore_mem>>)
    %dma_wait3A = arith.constant 0 : i32
    %dma_wait3A_24 = arith.constant 0 : i32
    %dma_wait3A_25 = tpu.memref_slice %arg14[%dma_wait3A, %dma_wait3A_24] : memref<10000x128xf32, #tpu.memory_space<vmem_shared>> -> memref<10000x128xf32, #tpu.memory_space<vmem_shared>>
    tpu.wait_indirect_dma semaphore(%arg15 : memref<!tpu.dma_semaphore, #tpu.memory_space<semaphore_mem>>) src(%dma_wait3A_25 : memref<10000x128xf32, #tpu.memory_space<vmem_shared>>) dst(%arg11 : memref<64x128xf32, #tpu.memory_space<vmem>>)
    "tpu.region"() ({
      %run_scoped3A = tpu.sem_alloc : memref<!tpu.dma_semaphore, #tpu.memory_space<semaphore_mem>>
      %dma_start3A_68 = arith.constant 0 : i32
      %dma_start3A_69 = tpu.memref_slice %arg5[%arg0, %mul3A_21, %dma_start3A_68] : memref<2x1024x128xf32, #tpu.memory_space<hbm>> -> memref<1x64x128xf32, #tpu.memory_space<hbm>>
      %dma_start3A_70 = tpu.memref_squeeze %dma_start3A_69 : memref<1x64x128xf32, #tpu.memory_space<hbm>> -> memref<64x128xf32, #tpu.memory_space<hbm>>
      %dma_start3A_71 = arith.constant 0 : i32
      %dma_start3A_72 = tpu.memref_slice %arg5[%arg0, %mul3A_21, %dma_start3A_71] : memref<2x1024x128xf32, #tpu.memory_space<hbm>> -> memref<1x64x128xf32, #tpu.memory_space<hbm>>
      %dma_start3A_73 = tpu.memref_squeeze %dma_start3A_72 : memref<1x64x128xf32, #tpu.memory_space<hbm>> -> memref<64x128xf32, #tpu.memory_space<hbm>>
      tpu.enqueue_dma source(%arg11 : memref<64x128xf32, #tpu.memory_space<vmem>>) target(%dma_start3A_73 : memref<64x128xf32, #tpu.memory_space<hbm>>) target_semaphore(%run_scoped3A : memref<!tpu.dma_semaphore, #tpu.memory_space<semaphore_mem>>)
      %dma_wait3A_74 = arith.constant 0 : i32
      %dma_wait3A_75 = tpu.memref_slice %arg5[%arg0, %mul3A_21, %dma_wait3A_74] : memref<2x1024x128xf32, #tpu.memory_space<hbm>> -> memref<1x64x128xf32, #tpu.memory_space<hbm>>
      %dma_wait3A_76 = tpu.memref_squeeze %dma_wait3A_75 : memref<1x64x128xf32, #tpu.memory_space<hbm>> -> memref<64x128xf32, #tpu.memory_space<hbm>>
      %dma_wait3A_77 = arith.constant 0 : i32
      %dma_wait3A_78 = tpu.memref_slice %arg5[%arg0, %mul3A_21, %dma_wait3A_77] : memref<2x1024x128xf32, #tpu.memory_space<hbm>> -> memref<1x64x128xf32, #tpu.memory_space<hbm>>
      %dma_wait3A_79 = tpu.memref_squeeze %dma_wait3A_78 : memref<1x64x128xf32, #tpu.memory_space<hbm>> -> memref<64x128xf32, #tpu.memory_space<hbm>>
      tpu.wait_dma2 semaphore(%run_scoped3A : memref<!tpu.dma_semaphore, #tpu.memory_space<semaphore_mem>>) src(%arg11 : memref<64x128xf32, #tpu.memory_space<vmem>>) dst(%dma_wait3A_79 : memref<64x128xf32, #tpu.memory_space<hbm>>)
      tpu.yield
    }) : () -> ()
    %mul3A_26 = arith.constant 10000 : i32
    %mul3A_27 = arith.muli %arg0, %mul3A_26 : i32
    %get3A = arith.constant 0 : index
    %get3A_28 = tpu.vector_load %arg9[%get3A] {strides = array<i32>} : memref<64xi32, #tpu.memory_space<vmem>>, vector<16xi32>,
    %get3A_29 = vector.shape_cast %get3A_28 : vector<16xi32> to vector<16xi32>
    %add3A_30 = vector.broadcast %mul3A_27 : i32 to vector<16xi32>
    %add3A_31 = arith.addi %get3A_29, %add3A_30 : vector<16xi32>
    %swap3A = arith.constant 0 : index
    %swap3A_32 = tpu.vector_load %arg10[%swap3A] {strides = array<i32>} : memref<64xi32, #tpu.memory_space<vmem>>, vector<16xi32>,
    %swap3A_33 = vector.shape_cast %swap3A_32 : vector<16xi32> to vector<16xi32>
    %swap3A_34 = vector.shape_cast %add3A_31 : vector<16xi32> to vector<16xi32>
    tpu.vector_store %arg10[%swap3A], %swap3A_34 {strides = array<i32>} : memref<64xi32, #tpu.memory_space<vmem>>, vector<16xi32>,
    %get3A_35 = arith.constant 16 : index
    %get3A_36 = tpu.vector_load %arg9[%get3A_35] {strides = array<i32>} : memref<64xi32, #tpu.memory_space<vmem>>, vector<16xi32>,
    %get3A_37 = vector.shape_cast %get3A_36 : vector<16xi32> to vector<16xi32>
    %add3A_38 = vector.broadcast %mul3A_27 : i32 to vector<16xi32>
    %add3A_39 = arith.addi %get3A_37, %add3A_38 : vector<16xi32>
    %swap3A_40 = arith.constant 16 : index
    %swap3A_41 = tpu.vector_load %arg10[%swap3A_40] {strides = array<i32>} : memref<64xi32, #tpu.memory_space<vmem>>, vector<16xi32>,
    %swap3A_42 = vector.shape_cast %swap3A_41 : vector<16xi32> to vector<16xi32>
    %swap3A_43 = vector.shape_cast %add3A_39 : vector<16xi32> to vector<16xi32>
    tpu.vector_store %arg10[%swap3A_40], %swap3A_43 {strides = array<i32>} : memref<64xi32, #tpu.memory_space<vmem>>, vector<16xi32>,
    %get3A_44 = arith.constant 32 : index
    %get3A_45 = tpu.vector_load %arg9[%get3A_44] {strides = array<i32>} : memref<64xi32, #tpu.memory_space<vmem>>, vector<16xi32>,
    %get3A_46 = vector.shape_cast %get3A_45 : vector<16xi32> to vector<16xi32>
    %add3A_47 = vector.broadcast %mul3A_27 : i32 to vector<16xi32>
    %add3A_48 = arith.addi %get3A_46, %add3A_47 : vector<16xi32>
    %swap3A_49 = arith.constant 32 : index
    %swap3A_50 = tpu.vector_load %arg10[%swap3A_49] {strides = array<i32>} : memref<64xi32, #tpu.memory_space<vmem>>, vector<16xi32>,
    %swap3A_51 = vector.shape_cast %swap3A_50 : vector<16xi32> to vector<16xi32>
    %swap3A_52 = vector.shape_cast %add3A_48 : vector<16xi32> to vector<16xi32>
    tpu.vector_store %arg10[%swap3A_49], %swap3A_52 {strides = array<i32>} : memref<64xi32, #tpu.memory_space<vmem>>, vector<16xi32>,
    %get3A_53 = arith.constant 48 : index
    %get3A_54 = tpu.vector_load %arg9[%get3A_53] {strides = array<i32>} : memref<64xi32, #tpu.memory_space<vmem>>, vector<16xi32>,
    %get3A_55 = vector.shape_cast %get3A_54 : vector<16xi32> to vector<16xi32>
    %add3A_56 = vector.broadcast %mul3A_27 : i32 to vector<16xi32>
    %add3A_57 = arith.addi %get3A_55, %add3A_56 : vector<16xi32>
    %swap3A_58 = arith.constant 48 : index
    %swap3A_59 = tpu.vector_load %arg10[%swap3A_58] {strides = array<i32>} : memref<64xi32, #tpu.memory_space<vmem>>, vector<16xi32>,
    %swap3A_60 = vector.shape_cast %swap3A_59 : vector<16xi32> to vector<16xi32>
    %swap3A_61 = vector.shape_cast %add3A_57 : vector<16xi32> to vector<16xi32>
    tpu.vector_store %arg10[%swap3A_58], %swap3A_61 {strides = array<i32>} : memref<64xi32, #tpu.memory_space<vmem>>, vector<16xi32>,
    %dma_start3A_62 = arith.constant 0 : i32
    %dma_start3A_63 = arith.constant 0 : i32
    %dma_start3A_64 = tpu.memref_slice %arg3[%dma_start3A_62, %dma_start3A_63] : memref<20000x128xf32, #tpu.memory_space<hbm>> -> memref<20000x128xf32, #tpu.memory_space<hbm>>
    tpu.enqueue_indirect_dma source(%dma_start3A_64 : memref<20000x128xf32, #tpu.memory_space<hbm>>) target(%arg11 : memref<64x128xf32, #tpu.memory_space<vmem>>) offsets(%arg10 : memref<64xi32, #tpu.memory_space<vmem>>) semaphore(%arg15 : memref<!tpu.dma_semaphore, #tpu.memory_space<semaphore_mem>>)
    %dma_wait3A_65 = arith.constant 0 : i32
    %dma_wait3A_66 = arith.constant 0 : i32
    %dma_wait3A_67 = tpu.memref_slice %arg3[%dma_wait3A_65, %dma_wait3A_66] : memref<20000x128xf32, #tpu.memory_space<hbm>> -> memref<20000x128xf32, #tpu.memory_space<hbm>>
    tpu.wait_indirect_dma semaphore(%arg15 : memref<!tpu.dma_semaphore, #tpu.memory_space<semaphore_mem>>) src(%dma_wait3A_67 : memref<20000x128xf32, #tpu.memory_space<hbm>>) dst(%arg11 : memref<64x128xf32, #tpu.memory_space<vmem>>)
    "tpu.region"() ({
      %run_scoped3A = tpu.sem_alloc : memref<!tpu.dma_semaphore, #tpu.memory_space<semaphore_mem>>
      %dma_start3A_68 = arith.constant 0 : i32
      %dma_start3A_69 = tpu.memref_slice %arg6[%arg0, %mul3A_21, %dma_start3A_68] : memref<2x1024x128xf32, #tpu.memory_space<hbm>> -> memref<1x64x128xf32, #tpu.memory_space<hbm>>
      %dma_start3A_70 = tpu.memref_squeeze %dma_start3A_69 : memref<1x64x128xf32, #tpu.memory_space<hbm>> -> memref<64x128xf32, #tpu.memory_space<hbm>>
      %dma_start3A_71 = arith.constant 0 : i32
      %dma_start3A_72 = tpu.memref_slice %arg6[%arg0, %mul3A_21, %dma_start3A_71] : memref<2x1024x128xf32, #tpu.memory_space<hbm>> -> memref<1x64x128xf32, #tpu.memory_space<hbm>>
      %dma_start3A_73 = tpu.memref_squeeze %dma_start3A_72 : memref<1x64x128xf32, #tpu.memory_space<hbm>> -> memref<64x128xf32, #tpu.memory_space<hbm>>
      tpu.enqueue_dma source(%arg11 : memref<64x128xf32, #tpu.memory_space<vmem>>) target(%dma_start3A_73 : memref<64x128xf32, #tpu.memory_space<hbm>>) target_semaphore(%run_scoped3A : memref<!tpu.dma_semaphore, #tpu.memory_space<semaphore_mem>>)
      %dma_wait3A_74 = arith.constant 0 : i32
      %dma_wait3A_75 = tpu.memref_slice %arg6[%arg0, %mul3A_21, %dma_wait3A_74] : memref<2x1024x128xf32, #tpu.memory_space<hbm>> -> memref<1x64x128xf32, #tpu.memory_space<hbm>>
      %dma_wait3A_76 = tpu.memref_squeeze %dma_wait3A_75 : memref<1x64x128xf32, #tpu.memory_space<hbm>> -> memref<64x128xf32, #tpu.memory_space<hbm>>
      %dma_wait3A_77 = arith.constant 0 : i32
      %dma_wait3A_78 = tpu.memref_slice %arg6[%arg0, %mul3A_21, %dma_wait3A_77] : memref<2x1024x128xf32, #tpu.memory_space<hbm>> -> memref<1x64x128xf32, #tpu.memory_space<hbm>>
      %dma_wait3A_79 = tpu.memref_squeeze %dma_wait3A_78 : memref<1x64x128xf32, #tpu.memory_space<hbm>> -> memref<64x128xf32, #tpu.memory_space<hbm>>
      tpu.wait_dma2 semaphore(%run_scoped3A : memref<!tpu.dma_semaphore, #tpu.memory_space<semaphore_mem>>) src(%arg11 : memref<64x128xf32, #tpu.memory_space<vmem>>) dst(%dma_wait3A_79 : memref<64x128xf32, #tpu.memory_space<hbm>>)
      tpu.yield
    }) : () -> ()
    return
  }
}

module attributes {stable_mosaic.version = 14 : i64} {
  func.func @_tc1_body(%arg0: i32, %arg1: memref<1000x128xf32, #tpu.memory_space<vmem>>, %arg2: memref<2x1000x128xf32, #tpu.memory_space<vmem>>, %arg3: memref<1000x1xf32, #tpu.memory_space<vmem>>, %arg4: memref<128x128xf32, #tpu.memory_space<vmem>>, %arg5: memref<128x128xf32, #tpu.memory_space<vmem>>, %arg6: memref<1x128xf32, #tpu.memory_space<vmem>>, %arg7: memref<1000x128xf32, #tpu.memory_space<vmem>>, %arg8: memref<1000x128xf32, #tpu.memory_space<vmem>>) attributes {dimension_semantics = [#tpu.dimension_semantics<arbitrary>], iteration_bounds = array<i64: 10>, scalar_prefetch = 0 : i64, scratch_operands = 0 : i64, tpu.core_type = #tpu.core_type<tc>, window_params = [{transform_indices = @transform_0, window_bounds = array<i64: 1000, 128>}, {transform_indices = @transform_1, window_bounds = array<i64: 2, 1000, 128>}, {transform_indices = @transform_2, window_bounds = array<i64: 1000, 1>}, {pipeline_mode = #tpu.pipeline_mode<synchronous>, transform_indices = @transform_3, window_bounds = array<i64: 128, 128>}, {pipeline_mode = #tpu.pipeline_mode<synchronous>, transform_indices = @transform_4, window_bounds = array<i64: 128, 128>}, {pipeline_mode = #tpu.pipeline_mode<synchronous>, transform_indices = @transform_5, window_bounds = array<i64: 1, 128>}, {transform_indices = @transform_6, window_bounds = array<i64: 1000, 128>}, {transform_indices = @transform_7, window_bounds = array<i64: 1000, 128>}]} {
    %get3A = arith.constant 0 : index
    %get3A_0 = arith.constant 0 : index
    %get3A_1 = vector.load %arg3[%get3A, %get3A_0] : memref<1000x1xf32, #tpu.memory_space<vmem>>, vector<1000x1xf32>
    %max3A = arith.constant 1.000000e+00 : f32
    %max3A_2 = vector.broadcast %max3A : f32 to vector<1000x1xf32>
    %max3A_3 = arith.maximumf %get3A_1, %max3A_2 : vector<1000x1xf32>
    %div3A = arith.constant 1.000000e+00 : f32
    %div3A_4 = vector.broadcast %div3A : f32 to vector<1000x1xf32>
    %div3A_5 = arith.divf %div3A_4, %max3A_3 : vector<1000x1xf32>
    %get3A_6 = arith.constant 0 : index
    %get3A_7 = arith.constant 0 : index
    %get3A_8 = arith.constant 0 : index
    %get3A_9 = vector.load %arg2[%get3A_6, %get3A_7, %get3A_8] : memref<2x1000x128xf32, #tpu.memory_space<vmem>>, vector<1x1000x128xf32>
    %get3A_10 = vector.shape_cast %get3A_9 : vector<1x1000x128xf32> to vector<1000x128xf32>
    %get3A_11 = arith.constant 1 : index
    %get3A_12 = arith.constant 0 : index
    %get3A_13 = arith.constant 0 : index
    %get3A_14 = vector.load %arg2[%get3A_11, %get3A_12, %get3A_13] : memref<2x1000x128xf32, #tpu.memory_space<vmem>>, vector<1x1000x128xf32>
    %get3A_15 = vector.shape_cast %get3A_14 : vector<1x1000x128xf32> to vector<1000x128xf32>
    %add3A = arith.addf %get3A_10, %get3A_15 : vector<1000x128xf32>
    %mul3A = vector.broadcast %div3A_5 : vector<1000x1xf32> to vector<1000x128xf32>
    %mul3A_16 = arith.mulf %add3A, %mul3A : vector<1000x128xf32>
    %get3A_17 = arith.constant 0 : index
    %get3A_18 = arith.constant 0 : index
    %get3A_19 = vector.load %arg1[%get3A_17, %get3A_18] : memref<1000x128xf32, #tpu.memory_space<vmem>>, vector<1000x128xf32>
    %get3A_20 = arith.constant 0 : index
    %get3A_21 = arith.constant 0 : index
    %get3A_22 = vector.load %arg4[%get3A_20, %get3A_21] : memref<128x128xf32, #tpu.memory_space<vmem>>, vector<128x128xf32>
    %dot_general3A = arith.constant dense<0.000000e+00> : vector<1000x128xf32>
    %dot_general3A_23 = tpu.matmul %get3A_19, %get3A_22, %dot_general3A {dimension_numbers = #tpu.dot_dimension_numbers<[1], [0], [0], [1], [0, 0, 1, 1], [], []>, transpose_lhs_hint = false} : vector<1000x128xf32>, vector<128x128xf32>, vector<1000x128xf32> -> vector<1000x128xf32>
    %get3A_24 = arith.constant 0 : index
    %get3A_25 = arith.constant 0 : index
    %get3A_26 = vector.load %arg5[%get3A_24, %get3A_25] : memref<128x128xf32, #tpu.memory_space<vmem>>, vector<128x128xf32>
    %dot_general3A_27 = arith.constant dense<0.000000e+00> : vector<1000x128xf32>
    %dot_general3A_28 = tpu.matmul %mul3A_16, %get3A_26, %dot_general3A_27 {dimension_numbers = #tpu.dot_dimension_numbers<[1], [0], [0], [1], [0, 0, 1, 1], [], []>, transpose_lhs_hint = false} : vector<1000x128xf32>, vector<128x128xf32>, vector<1000x128xf32> -> vector<1000x128xf32>
    %add3A_29 = arith.addf %dot_general3A_23, %dot_general3A_28 : vector<1000x128xf32>
    %get3A_30 = arith.constant 0 : index
    %get3A_31 = arith.constant 0 : index
    %get3A_32 = vector.load %arg6[%get3A_30, %get3A_31] : memref<1x128xf32, #tpu.memory_space<vmem>>, vector<1x128xf32>
    %add3A_33 = vector.broadcast %get3A_32 : vector<1x128xf32> to vector<1000x128xf32>
    %add3A_34 = arith.addf %add3A_29, %add3A_33 : vector<1000x128xf32>
    %max3A_35 = arith.constant 0.000000e+00 : f32
    %max3A_36 = vector.broadcast %max3A_35 : f32 to vector<1000x128xf32>
    %max3A_37 = arith.maximumf %add3A_34, %max3A_36 : vector<1000x128xf32>
    %swap3A = arith.constant 0 : index
    %swap3A_38 = arith.constant 0 : index
    %swap3A_39 = vector.load %arg7[%swap3A, %swap3A_38] : memref<1000x128xf32, #tpu.memory_space<vmem>>, vector<1000x128xf32>
    tpu.vector_store %arg7[%swap3A, %swap3A_38], %max3A_37 {strides = array<i32>} : memref<1000x128xf32, #tpu.memory_space<vmem>>, vector<1000x128xf32>,
    %broadcast_in_dim3A = vector.shape_cast %div3A_5 : vector<1000x1xf32> to vector<1000x1xf32>
    %broadcast_in_dim3A_40 = vector.broadcast %broadcast_in_dim3A : vector<1000x1xf32> to vector<1000x128xf32>
    %swap3A_41 = arith.constant 0 : index
    %swap3A_42 = arith.constant 0 : index
    %swap3A_43 = vector.load %arg8[%swap3A_41, %swap3A_42] : memref<1000x128xf32, #tpu.memory_space<vmem>>, vector<1000x128xf32>
    tpu.vector_store %arg8[%swap3A_41, %swap3A_42], %broadcast_in_dim3A_40 {strides = array<i32>} : memref<1000x128xf32, #tpu.memory_space<vmem>>, vector<1000x128xf32>,
    return
  }
  func.func @transform_0(%arg0: i32) -> (i32, i32) {
    %c0_i32 = arith.constant 0 : i32
    %c0_i32_0 = arith.constant 0 : i32
    return %arg0, %c0_i32 : i32, i32
  }
  func.func @transform_1(%arg0: i32) -> (i32, i32, i32) {
    %c0_i32 = arith.constant 0 : i32
    %c0_i32_0 = arith.constant 0 : i32
    %c0_i32_1 = arith.constant 0 : i32
    return %c0_i32, %arg0, %c0_i32_0 : i32, i32, i32
  }
  func.func @transform_2(%arg0: i32) -> (i32, i32) {
    %c0_i32 = arith.constant 0 : i32
    %c0_i32_0 = arith.constant 0 : i32
    return %arg0, %c0_i32 : i32, i32
  }
  func.func @transform_3(%arg0: i32) -> (i32, i32) {
    %c0_i32 = arith.constant 0 : i32
    %c0_i32_0 = arith.constant 0 : i32
    %c0_i32_1 = arith.constant 0 : i32
    return %c0_i32, %c0_i32_0 : i32, i32
  }
  func.func @transform_4(%arg0: i32) -> (i32, i32) {
    %c0_i32 = arith.constant 0 : i32
    %c0_i32_0 = arith.constant 0 : i32
    %c0_i32_1 = arith.constant 0 : i32
    return %c0_i32, %c0_i32_0 : i32, i32
  }
  func.func @transform_5(%arg0: i32) -> (i32, i32) {
    %c0_i32 = arith.constant 0 : i32
    %c0_i32_0 = arith.constant 0 : i32
    %c0_i32_1 = arith.constant 0 : i32
    return %c0_i32, %c0_i32_0 : i32, i32
  }
  func.func @transform_6(%arg0: i32) -> (i32, i32) {
    %c0_i32 = arith.constant 0 : i32
    %c0_i32_0 = arith.constant 0 : i32
    return %arg0, %c0_i32 : i32, i32
  }
  func.func @transform_7(%arg0: i32) -> (i32, i32) {
    %c0_i32 = arith.constant 0 : i32
    %c0_i32_0 = arith.constant 0 : i32
    return %arg0, %c0_i32 : i32, i32
  }
}

module attributes {stable_mosaic.version = 14 : i64} {
  func.func @_tc2_body(%arg0: i32, %arg1: memref<2x1024x128xf32, #tpu.memory_space<vmem>>, %arg2: memref<2x1024x128xf32, #tpu.memory_space<vmem>>, %arg3: memref<128x128xf32, #tpu.memory_space<vmem>>, %arg4: memref<128x128xf32, #tpu.memory_space<vmem>>, %arg5: memref<1x128xf32, #tpu.memory_space<vmem>>, %arg6: memref<1024x128xf32, #tpu.memory_space<vmem>>) attributes {dimension_semantics = [#tpu.dimension_semantics<arbitrary>], iteration_bounds = array<i64: 1>, scalar_prefetch = 0 : i64, scratch_operands = 0 : i64, tpu.core_type = #tpu.core_type<tc>, window_params = [{pipeline_mode = #tpu.pipeline_mode<synchronous>, transform_indices = @transform_0, window_bounds = array<i64: 2, 1024, 128>}, {pipeline_mode = #tpu.pipeline_mode<synchronous>, transform_indices = @transform_1, window_bounds = array<i64: 2, 1024, 128>}, {pipeline_mode = #tpu.pipeline_mode<synchronous>, transform_indices = @transform_2, window_bounds = array<i64: 128, 128>}, {pipeline_mode = #tpu.pipeline_mode<synchronous>, transform_indices = @transform_3, window_bounds = array<i64: 128, 128>}, {pipeline_mode = #tpu.pipeline_mode<synchronous>, transform_indices = @transform_4, window_bounds = array<i64: 1, 128>}, {pipeline_mode = #tpu.pipeline_mode<synchronous>, transform_indices = @transform_5, window_bounds = array<i64: 1024, 128>}]} {
    %get3A = arith.constant 0 : index
    %get3A_0 = arith.constant 0 : index
    %get3A_1 = arith.constant 0 : index
    %get3A_2 = vector.load %arg1[%get3A, %get3A_0, %get3A_1] : memref<2x1024x128xf32, #tpu.memory_space<vmem>>, vector<1x1024x128xf32>
    %get3A_3 = vector.shape_cast %get3A_2 : vector<1x1024x128xf32> to vector<1024x128xf32>
    %get3A_4 = arith.constant 1 : index
    %get3A_5 = arith.constant 0 : index
    %get3A_6 = arith.constant 0 : index
    %get3A_7 = vector.load %arg1[%get3A_4, %get3A_5, %get3A_6] : memref<2x1024x128xf32, #tpu.memory_space<vmem>>, vector<1x1024x128xf32>
    %get3A_8 = vector.shape_cast %get3A_7 : vector<1x1024x128xf32> to vector<1024x128xf32>
    %add3A = arith.addf %get3A_3, %get3A_8 : vector<1024x128xf32>
    %get3A_9 = arith.constant 1 : index
    %get3A_10 = arith.constant 0 : index
    %get3A_11 = arith.constant 0 : index
    %get3A_12 = vector.load %arg2[%get3A_9, %get3A_10, %get3A_11] : memref<2x1024x128xf32, #tpu.memory_space<vmem>>, vector<1x1024x128xf32>
    %get3A_13 = vector.shape_cast %get3A_12 : vector<1x1024x128xf32> to vector<1024x128xf32>
    %mul3A = arith.mulf %add3A, %get3A_13 : vector<1024x128xf32>
    %get3A_14 = arith.constant 0 : index
    %get3A_15 = arith.constant 0 : index
    %get3A_16 = arith.constant 0 : index
    %get3A_17 = vector.load %arg2[%get3A_14, %get3A_15, %get3A_16] : memref<2x1024x128xf32, #tpu.memory_space<vmem>>, vector<1x1024x128xf32>
    %get3A_18 = vector.shape_cast %get3A_17 : vector<1x1024x128xf32> to vector<1024x128xf32>
    %get3A_19 = arith.constant 0 : index
    %get3A_20 = arith.constant 0 : index
    %get3A_21 = vector.load %arg3[%get3A_19, %get3A_20] : memref<128x128xf32, #tpu.memory_space<vmem>>, vector<128x128xf32>
    %dot_general3A = arith.constant dense<0.000000e+00> : vector<1024x128xf32>
    %dot_general3A_22 = tpu.matmul %get3A_18, %get3A_21, %dot_general3A {dimension_numbers = #tpu.dot_dimension_numbers<[1], [0], [0], [1], [0, 0, 1, 1], [], []>, transpose_lhs_hint = false} : vector<1024x128xf32>, vector<128x128xf32>, vector<1024x128xf32> -> vector<1024x128xf32>
    %get3A_23 = arith.constant 0 : index
    %get3A_24 = arith.constant 0 : index
    %get3A_25 = vector.load %arg4[%get3A_23, %get3A_24] : memref<128x128xf32, #tpu.memory_space<vmem>>, vector<128x128xf32>
    %dot_general3A_26 = arith.constant dense<0.000000e+00> : vector<1024x128xf32>
    %dot_general3A_27 = tpu.matmul %mul3A, %get3A_25, %dot_general3A_26 {dimension_numbers = #tpu.dot_dimension_numbers<[1], [0], [0], [1], [0, 0, 1, 1], [], []>, transpose_lhs_hint = false} : vector<1024x128xf32>, vector<128x128xf32>, vector<1024x128xf32> -> vector<1024x128xf32>
    %add3A_28 = arith.addf %dot_general3A_22, %dot_general3A_27 : vector<1024x128xf32>
    %get3A_29 = arith.constant 0 : index
    %get3A_30 = arith.constant 0 : index
    %get3A_31 = vector.load %arg5[%get3A_29, %get3A_30] : memref<1x128xf32, #tpu.memory_space<vmem>>, vector<1x128xf32>
    %add3A_32 = vector.broadcast %get3A_31 : vector<1x128xf32> to vector<1024x128xf32>
    %add3A_33 = arith.addf %add3A_28, %add3A_32 : vector<1024x128xf32>
    %swap3A = arith.constant 0 : index
    %swap3A_34 = arith.constant 0 : index
    %swap3A_35 = vector.load %arg6[%swap3A, %swap3A_34] : memref<1024x128xf32, #tpu.memory_space<vmem>>, vector<1024x128xf32>
    tpu.vector_store %arg6[%swap3A, %swap3A_34], %add3A_33 {strides = array<i32>} : memref<1024x128xf32, #tpu.memory_space<vmem>>, vector<1024x128xf32>,
    return
  }
  func.func @transform_0(%arg0: i32) -> (i32, i32, i32) {
    %c0_i32 = arith.constant 0 : i32
    %c0_i32_0 = arith.constant 0 : i32
    %c0_i32_1 = arith.constant 0 : i32
    %c0_i32_2 = arith.constant 0 : i32
    return %c0_i32, %c0_i32_0, %c0_i32_1 : i32, i32, i32
  }
  func.func @transform_1(%arg0: i32) -> (i32, i32, i32) {
    %c0_i32 = arith.constant 0 : i32
    %c0_i32_0 = arith.constant 0 : i32
    %c0_i32_1 = arith.constant 0 : i32
    %c0_i32_2 = arith.constant 0 : i32
    return %c0_i32, %c0_i32_0, %c0_i32_1 : i32, i32, i32
  }
  func.func @transform_2(%arg0: i32) -> (i32, i32) {
    %c0_i32 = arith.constant 0 : i32
    %c0_i32_0 = arith.constant 0 : i32
    %c0_i32_1 = arith.constant 0 : i32
    return %c0_i32, %c0_i32_0 : i32, i32
  }
  func.func @transform_3(%arg0: i32) -> (i32, i32) {
    %c0_i32 = arith.constant 0 : i32
    %c0_i32_0 = arith.constant 0 : i32
    %c0_i32_1 = arith.constant 0 : i32
    return %c0_i32, %c0_i32_0 : i32, i32
  }
  func.func @transform_4(%arg0: i32) -> (i32, i32) {
    %c0_i32 = arith.constant 0 : i32
    %c0_i32_0 = arith.constant 0 : i32
    %c0_i32_1 = arith.constant 0 : i32
    return %c0_i32, %c0_i32_0 : i32, i32
  }
  func.func @transform_5(%arg0: i32) -> (i32, i32) {
    %c0_i32 = arith.constant 0 : i32
    %c0_i32_0 = arith.constant 0 : i32
    %c0_i32_1 = arith.constant 0 : i32
    return %c0_i32, %c0_i32_0 : i32, i32
  }
}

</mosaic_0001>

<sc_bundles>
// kernel: kernel.6.cloned.1.call-start
scs
__scs_entry_jumppad:
0x0: {  	(pc) =	sbr.rel $0x88, $3  }
0x1: {  	(tag) =	ssettag $0x0;
	lr =	simm.s32 $0x1  }
0x2: {  	[smem:$0x3F98] =	sst lr;
	_ =	strace $0xD0000000  }
0x3: {  	_ = 	snop  }
0x4: {  	_ = 	snop  }
0x5: {  	_ = 	snop  }
0x6: {  	_ = 	snop  }
0x7: {  	_ = 	snop  }
__scs_overlays_trampoline_lowered:
0x8: {  	[smem:$0x3FA7] =	sst s0  }
0x9: {  	[smem:$0x3FA8] =	sst s1  }
0xa: {  	[smem:$0x3FA9] =	sst s2  }
0xb: {  	[smem:$0x3FAA] =	sst s3  }
0xc: {  	[smem:$0x3FAB] =	sst s4  }
0xd: {  	[smem:$0x3FAC] =	sst s5  }
0xe: {  	[smem:$0x3FAD] =	sst s6  }
0xf: {  	[smem:$0x3FAE] =	sst s7  }
0x10: {  	[smem:$0x3FAF] =	sst s8  }
0x11: {  	[smem:$0x3FB0] =	sst s9;
	s0 =	simm.s32 @!p0 $0x0  }
0x12: {  	s1 =	sld [smem:$0x3F96];
	s0 =	simm.s32 @p0 $0x1  }
0x13: {  	[smem:$0x3FB1] =	sst s0;
	s0 =	simm.s32 @!p1 $0x0  }
0x14: {  	s2 =	sld [smem:$0x3F95];
	s0 =	simm.s32 @p1 $0x1  }
0x15: {  	[smem:$0x3FB2] =	sst s0;
	s0 =	simm.s32 @!p2 $0x0  }
0x16: {  	s3 =	sld [smem:$0x3FDB];
	s0 =	simm.s32 @p2 $0x1  }
0x17: {  	s4 =	simm.s32 $0x1BF5;
	[smem:$0x3FB4] =	sst s0  }
0x18: {  	s0 =	sld [smem:$0x3F97];
	_ =	swait.ge [sflag:s4], $0x0  }
0x19: {  	s7 =	sld [smem:$0x3F98]  }
0x1a: {  	s8 =	sadd.s32 $0xFFFFE003, lr  }
0x1b: {  	s9 =	sadd.s32 $0xFFFFFEF7, lr;
	s5 =	simm.s32 $0xFFFFFFFF;
	p2 =	slt.u32 s8, $0xFFFFF086  }
0x1c: {  	p1 =	slt.u32 s9, $0xF7A;
	s5 =	simm.s32 @!p2 $0x0  }
0x1d: {  	s5 =	simm.s32 @p1 $0x1;
	p0 =	seq.s32 s7, s2  }
0x1e: {  	s7 =	smul.u32 @!p0 $0xF7A, s2;
	p2 =	seq.s32 @!p0 s5, $0x0  }
0x1f: {  	s9 =	smul.u32 $0xF7A, s1;
	s8 =	simm.s32 @!p0 $0x1BF5;
	p2 =	por !p2, p0  }
0x20: {  	[sflag:s8] =	ssyncset.s32 @!p0 $0xFFFFF086;
	s6 =	sadd.s32 @!p0 s3, s7;
	s7 =	simm.s32 @!p0 $0x108  }
0x21: {  	s3 =	sadd.s32 s3, s9;
	s6 =	sadd.s32 @!p0 $0x88, s6;
	s7 =	simm.s32 @p2 $0x1082  }
0x22: {  	[simem:s7], [sflag:s8] =	dma.local @!p0 [hbm:s6], $0xF7A  }
0x23: {  	s9 =	sor.u32 $0xD0000000, s2;
	s6 =	simm.s32 $0x108;
	_ =	swait.ge @!p0 [sflag:s8], $0x0  }
0x24: {  	s3 =	sadd.s32 $0x88, s3;
	s6 =	simm.s32 @!p1 $0x1082;
	[sflag:s4] =	ssyncset.s32 $0xFFFFF086  }
0x25: {  	[simem:s6], [sflag:s4] =	dma.local [hbm:s3], $0xF7A  }
0x26: {  	[smem:$0x3F98] =	sst s1;
	(tag) =	ssettag s2;
	_ =	strace s9  }
0x27: {  	s1 =	sld [smem:$0x3FA8]  }
0x28: {  	s2 =	sld [smem:$0x3FA9]  }
0x29: {  	s4 =	sld [smem:$0x3FAB]  }
0x2a: {  	p0 =	seq.s32 s5, $0x0;
	s5 =	sld [smem:$0x3FAC]  }
0x2b: {  	s6 =	sld [smem:$0x3FAD]  }
0x2c: {  	s7 =	sld [smem:$0x3FAE]  }
0x2d: {  	s3 =	simm.s32 $0x108;
	s8 =	sld [smem:$0x3FAF]  }
0x2e: {  	s3 =	simm.s32 @!p0 $0x1082;
	s9 =	sld [smem:$0x3FB0]  }
0x2f: {  	lr =	sadd.s32 s0, s3;
	s0 =	sld [smem:$0x3FA7]  }
0x30: {  	s3 =	sld [smem:$0x3FAA]  }
0x31: {  	[smem:$0x3FB3] =	sst s10  }
0x32: {  	s10 =	sld [smem:$0x3FB1];
	_ =	sdelay $0x3  }
0x33: {  	p0 =	seq.s32 s10, $0x1;
	s10 =	sld [smem:$0x3FB3];
	_ =	sdelay $0x3  }
0x34: {  	[smem:$0x3FB3] =	sst s10  }
0x35: {  	s10 =	sld [smem:$0x3FB2];
	_ =	sdelay $0x3  }
0x36: {  	p1 =	seq.s32 s10, $0x1;
	s10 =	sld [smem:$0x3FB3];
	_ =	sdelay $0x3  }
0x37: {  	[smem:$0x3FB3] =	sst s10  }
0x38: {  	s10 =	sld [smem:$0x3FB4]  }
0x39: {  	_ = 	snop;
	(pc) =	sbr.ind lr, $3  }
0x3a: {  	_ = 	snop  }
0x3b: {  	_ = 	snop  }
0x3c: {  	p2 =	seq.s32 s10, $0x1;
	s10 =	sld [smem:$0x3FB3]  }
0x3d: {  	_ =	shalt  }
0x3e: {  	_ =	shalt  }
0x3f: {  	_ =	shalt  }
0x40: {  	_ =	shalt  }
0x41: {  	_ =	shalt  }
0x42: {  	_ =	shalt  }
0x43: {  	_ =	shalt  }
0x44: {  	_ =	shalt  }
0x45: {  	_ =	shalt  }
0x46: {  	_ =	shalt  }
0x47: {  	_ =	shalt  }
0x48: {  	_ =	shalt  }
0x49: {  	_ =	shalt  }
0x4a: {  	_ =	shalt  }
0x4b: {  	_ =	shalt  }
0x4c: {  	_ =	shalt  }
0x4d: {  	_ =	shalt  }
0x4e: {  	_ =	shalt  }
0x4f: {  	_ =	shalt  }
0x50: {  	_ =	shalt  }
0x51: {  	_ =	shalt  }
0x52: {  	_ =	shalt  }
0x53: {  	_ =	shalt  }
0x54: {  	_ =	shalt  }
0x55: {  	_ =	shalt  }
0x56: {  	_ =	shalt  }
0x57: {  	_ =	shalt  }
0x58: {  	_ =	shalt  }
0x59: {  	_ =	shalt  }
0x5a: {  	_ =	shalt  }
0x5b: {  	_ =	shalt  }
0x5c: {  	_ =	shalt  }
0x5d: {  	_ =	shalt  }
0x5e: {  	_ =	shalt  }
0x5f: {  	_ =	shalt  }
0x60: {  	_ =	shalt  }
0x61: {  	_ =	shalt  }
0x62: {  	_ =	shalt  }
0x63: {  	_ =	shalt  }
0x64: {  	_ =	shalt  }
0x65: {  	_ =	shalt  }
0x66: {  	_ =	shalt  }
0x67: {  	_ =	shalt  }
0x68: {  	_ =	shalt  }
0x69: {  	_ =	shalt  }
0x6a: {  	_ =	shalt  }
0x6b: {  	_ =	shalt  }
0x6c: {  	_ =	shalt  }
0x6d: {  	_ =	shalt  }
0x6e: {  	_ =	shalt  }
0x6f: {  	_ =	shalt  }
0x70: {  	_ =	shalt  }
0x71: {  	_ =	shalt  }
0x72: {  	_ =	shalt  }
0x73: {  	_ =	shalt  }
0x74: {  	_ =	shalt  }
0x75: {  	_ =	shalt  }
0x76: {  	_ =	shalt  }
0x77: {  	_ =	shalt  }
0x78: {  	_ =	shalt  }
0x79: {  	_ =	shalt  }
0x7a: {  	_ =	shalt  }
0x7b: {  	_ =	shalt  }
0x7c: {  	_ =	shalt  }
0x7d: {  	_ =	shalt  }
0x7e: {  	_ =	shalt  }
0x7f: {  	_ =	shalt  }
0x80: {  	_ =	shalt  }
0x81: {  	_ =	shalt  }
0x82: {  	_ =	shalt  }
0x83: {  	_ =	shalt  }
0x84: {  	_ =	shalt  }
0x85: {  	_ =	shalt  }
0x86: {  	_ =	shalt  }
0x87: {  	_ =	shalt  }
.Lfunc_end0:
.L_simem_size_0:
called_computation_lowered:
.L_overlay_start_0:
0x88: {  	s2 =	sld [smem:$0x3FD9]  }
0x89: {  	s3 =	sld [smem:$0x3FFE];
	_ =	sdelay $0x1  }
0x8a: {  	s1 =	srdreg.scid  }
0x8b: {  	s0 =	sand.u32 $0x1, s1  }
0x8c: {  	s17 =	sshll.u32 s0, $0xA;
	s2 =	sadd.s32 s3, s2  }
0x8d: {  	s2 =	sadd.s32 s2, s17  }
0x8e: {  	[smem:$0x3FBF] =	sst s2  }
0x8f: {  	_ = 	snop  }
0x90: {  	s2 =	sld [smem:$0x3FC9]  }
0x91: {  	s18 =	sld [smem:$0x3FD0];
	(tm) =	ssettm $0x1  }
0x92: {  	s4 =	sld [smem:$0x3FFB];
	_ =	sdelay $0x3  }
0x93: {  	_ =	strace s4  }
0x94: {  	s4 =	sld [smem:$0x3FFC];
	_ =	sdelay $0x3  }
0x95: {  	_ =	strace s4  }
0x96: {  	s4 =	sld [smem:$0x3FFD];
	_ =	sdelay $0x3  }
0x97: {  	_ =	strace s4  }
0x98: {  	_ =	strace $0x8FFFFFFF  }
0x99: {  	s19 =	sld [smem:$0x3FDB];
	_ =	sdelay $0x1  }
0x9a: {  	s5 =	simm.s32 $_scs_section_size  }
0x9b: {  	s6 =	simm.s32 $_size__tile_overlayer_lowered;
	s7 =	simm.s32 $_tile_overlayer_lowered  }
0x9c: {  	s22 =	simm.s32 $0x1BFF;
	s21 =	sshll.u32 s7, $0x1;
	s4 =	sadd.s32 s5, s19  }
0x9d: {  	s8 =	simm.s32 $0x0;
	s20 =	sshll.u32 s6, $0x1;
	s6 =	sadd.s32 s21, s4  }
0x9e: {  	[timem:s8], [sflag:s22] =	dma.local [hbm:s6], s20  }
0x9f: {  	_ =	swait.ge [sflag:s22], s20  }
0xa0: {  	s5 =	ssub.s32 $0x0, s20;
	[sflag:s22] =	ssyncset.done $0x0  }
0xa1: {  	[sflag:s22] =	ssyncadd.s32 s5;
	_ =	sdelay $0x1  }
0xa2: {  	s23 =	simm.s32 $0x1B8B  }
0xa3: {  	_ =	swait.ge [sflag:s23], $0x1  }
0xa4: {  	[sflag:s23] =	ssyncset.done $0x0  }
0xa5: {  	s25 =	simm.s32 $0x1B8E;
	s24 =	sld [smem:$0x3FFE];
	[sflag:s23] =	ssyncadd.s32 $0xFFFFFFFF  }
0xa6: {  	s26 =	simm.s32 $execute0_lowered;
	[smem:$0x3FD2] =	sst s25  }
0xa7: {  	s6 =	sshll.u32 s26, $0x1;
	_ =	strace $0x80000046;
	[dreg:$0x1] =	wrdreg $0xFFFFFFFF  }
0xa8: {  	s28 =	simm.s32 $_size_execute0_lowered;
	s4 =	sadd.s32 s4, s6;
	[dreg:$0x0] =	wrdreg $0x0  }
0xa9: {  	s6 =	sshll.u32 s28, $0x1;
	[dreg:$0x2] =	wrdreg s4  }
0xaa: {  	[dreg:$0x3] =	wrdreg s6  }
0xab: {  	[dreg:$0x4] =	wrdreg $0xC0  }
0xac: {  	_ =	task [dreg:s8], $0x5FFFF  }
0xad: {  	[dreg:$0x1] =	wrdreg $0xFFFFFFFF  }
0xae: {  	[dreg:$0x0] =	wrdreg $0x60  }
0xaf: {  	[dreg:$0x2] =	wrdreg s24  }
0xb0: {  	[dreg:$0x3] =	wrdreg s2  }
0xb1: {  	[dreg:$0x4] =	wrdreg s18  }
0xb2: {  	[dreg:$0x5] =	wrdreg $0x7A800  }
0xb3: {  	[dreg:$0x6] =	wrdreg $0x1B3000  }
0xb4: {  	[dreg:$0x7] =	wrdreg $0x9  }
0xb5: {  	_ =	task.clear_ibuf [dreg:s8], $0x8FFFF;
	_ =	strace $0x90000046  }
0xb6: {  	s29 =	simm.s32 $0x9;
	_ =	strace $0x80000048  }
0xb7: {  	_ =	swait.ge [sflag:s29], $0x1  }
0xb8: {  	[sflag:s29] =	ssyncadd.s32 $0xFFFFFFFF  }
0xb9: {  	_ =	strace $0x90000048  }
0xba: {  	_ =	sfence  }
0xbb: {  	s30 =	sld [smem:$0x0];
	_ =	sdelay $0x2  }
0xbc: {  	s31 =	sshll.u32 s1, $0xD;
	s1 =	sshrl.u32 s1, $0x2  }
0xbd: {  	s3 =	sand.u32 $0x4000, s31;
	s1 =	sadd.s32 s1, s30  }
0xbe: {  	s0 =	sor.u32 s3, s0;
	s1 =	sshll.u32 s1, $0x11  }
0xbf: {  	s0 =	sor.u32 s1, s0  }
0xc0: {  	s0 =	sadd.s32 $0x8F2B, s0  }
0xc1: {  	[sflag:s0] =	ssyncadd.remote.s32 $0x1  }
0xc2: {  	_ =	sfence.sel $0xFFFF  }
0xc3: {  	[dreg:$0x0] =	wrdreg $0xFFFFFFFF;
	(pc) =	sbr.abs _section_cstart, $3  }
0xc4: {  	[dreg:$0x1] =	wrdreg $0xFFFFFFFF  }
0xc5: {  	_ =	task.clear_ibuf [dreg:s8], $0x2FFFF;
	_ =	strace $0x9FFFFFFF  }
0xc6: {  	(tm) =	ssettm $0x7FFFFFFF  }
0xc7: {  	_ =	shalt  }
tec
execute0_lowered:
.L_overlay_start_1:
0x0: {  	(tag) =	ssettag $0x1  }
0x1: {  	s7 =	rddreg [dreg:$0x0]  }
0x2: {  	s1 =	rddreg [dreg:$0x1]  }
0x3: {  	s2 =	rddreg [dreg:$0x3]  }
0x4: {  	s3 =	rddreg [dreg:$0x4]  }
0x5: {  	s0 =	stileid.u32;
	s4 =	simm.s32 $0x0;
	s6 =	srdreg.scid  }
0x6: {  	s5 =	smul.u32 $0x1F40, s0;
	[smem:$0x7FF] =	sst s4;
	s12 =	sand.u32 $0x1, s6  }
0x7: {  	s6 =	smul.u32 $0x280, s0;
	s24 =	sadd.s32 $0x21E00, s7;
	p0 =	sne.s32 s0, $0xF  }
0x8: {  	_ =	strace $0x80000047;
	s8 =	ssub.s32 $0x2, s12;
	s5 =	sadd.s32 s5, s7  }
0x9: {  	s10 =	sshrl.u32 s8, $0x1;
	s14 =	sor.u32 $0x10, s6;
	s15 =	sor.u32 $0x20, s6  }
0xa: {  	s16 =	sor.u32 $0x30, s6;
	s17 =	sor.u32 $0x40, s6;
	s18 =	sor.u32 $0x50, s6  }
0xb: {  	s19 =	sor.u32 $0x60, s6;
	s20 =	sor.u32 $0x70, s6;
	s21 =	sadd.s32 $0x80, s6  }
0xc: {  	s22 =	sadd.s32 $0x90, s6;
	s23 =	sadd.s32 $0xA0, s6;
	s25 =	sadd.s32 $0xB0, s6  }
0xd: {  	s26 =	sadd.s32 $0xC0, s6;
	s28 =	sadd.s32 $0xD0, s6;
	s29 =	sadd.s32 $0xE0, s6  }
0xe: {  	s9 =	sadd.s32 $0xF0, s6;
	s30 =	sadd.s32 $0x100, s6;
	s31 =	sadd.s32 $0x110, s6  }
0xf: {  	s0 =	sadd.s32 $0x130, s6;
	s11 =	sadd.s32 $0x170, s6;
	[dreg:$0xa] =	wrdreg s5  }
0x10: {  	v0 =	vlaneseq.u32;
	s5 =	sadd.s32 $0x2200, s7;
	s13 =	ssub.s32 s8, s10;
	s7 =	sadd.s32 $0x120, s6  }
0x11: {  	v42 =	vor.u32 $0x10, v0;
	s10 =	sadd.s32 $0x150, s6;
	v1 =	vor.u32 s14, v0;
	s8 =	sadd.s32 $0x160, s6;
	s14 =	sadd.s32 $0x180, s6  }
0x12: {  	v3 =	vor.u32 s16, v0;
	v4 =	vor.u32 s17, v0;
	s16 =	sadd.s32 $0x190, s6;
	s17 =	sadd.s32 $0x1A0, s6;
	v5 =	vor.u32 s19, v0;
	s19 =	sadd.s32 $0x1C0, s6  }
0x13: {  	v6 =	vor.u32 s20, v0;
	v7 =	vor.u32 s21, v0;
	s20 =	sadd.s32 $0x1D0, s6;
	s21 =	sadd.s32 $0x1E0, s6;
	v8 =	vor.u32 s22, v0;
	s22 =	sadd.s32 $0x1F0, s6  }
0x14: {  	v2 =	vor.u32 s15, v0;
	v9 =	vor.u32 s25, v0;
	v10 =	vor.u32 s26, v0;
	s25 =	sadd.s32 $0x200, s6;
	s15 =	smul.u32 $0x138800, s12;
	s26 =	sadd.s32 $0x210, s6  }
0x15: {  	v11 =	vor.u32 s28, v0;
	v13 =	vor.u32 s30, v0;
	s28 =	sadd.s32 $0x220, s6;
	v16 =	vor.u32 s0, v0;
	s0 =	sadd.s32 $0x230, s6;
	s30 =	sadd.s32 $0x240, s6  }
0x16: {  	v56 =	vor.u32 $0x20, v0;
	v14 =	vor.u32 s31, v0;
	s31 =	sadd.s32 $0x250, s6;
	v22 =	vor.u32 s23, v0;
	s23 =	sshll.u32 s23, $0x7;
	[dreg:$0xb] =	wrdreg s13  }
0x17: {  	v57 =	vor.u32 $0x30, v0;
	v58 =	vor.u32 $0x40, v0;
	[tilespmem:$0x1FE90] =	vst v42;
	v28 =	vor.u32 s9, v0;
	s9 =	sshll.u32 s9, $0x7;
	s13 =	sadd.s32 $0x140, s6;
	[dreg:$0xd] =	wrdreg s14  }
0x18: {  	v53 =	vor.u32 $0x2690, v0;
	v45 =	vor.u32 $0x2640, v0;
	v59 =	vor.u32 $0x2610, v0;
	[tilespmem:$0x1FEA0] =	vst v56;
	s14 =	sadd.s32 $0x1B0, s6;
	[dreg:$0xc] =	wrdreg s28;
	s28 =	stileid.u32  }
0x19: {  	[tilespmem:$0x1FEB0] =	vst v57;
	v17 =	vor.u32 s10, v0;
	v18 =	vor.u32 s8, v0;
	s10 =	sadd.s32 $0x260, s6;
	s8 =	sshll.u32 s18, $0x7;
	v31 =	vor.u32 s26, v0;
	s26 =	sshll.u32 s16, $0x7  }
0x1a: {  	[tilespmem:$0x1FEC0] =	vst v58;
	v12 =	vor.u32 s29, v0;
	v36 =	vor.u32 s0, v0;
	v37 =	vor.u32 s30, v0;
	s0 =	sshll.u32 s0, $0x7;
	s30 =	rddreg [dreg:$0x2];
	s29 =	smul.u32 $0x14000, s28  }
0x1b: {  	v44 =	vor.u32 $0x2630, v0;
	[tilespmem:$0x1FEF0] =	vst v59;
	v21 =	vor.u32 s18, v0;
	v30 =	vor.u32 s25, v0;
	s28 =	sadd.s32 $0x270, s6;
	s18 =	rddreg [dreg:$0xd];
	s25 =	sshll.u32 s13, $0x7  }
0x1c: {  	[tilespmem:$0x1FF20] =	vst v44;
	v24 =	vor.u32 s17, v0;
	v33 =	vor.u32 s16, v0;
	v25 =	vor.u32 s14, v0;
	s16 =	sadd.s32 $0x12C000, s15;
	s14 =	smul.u32 $0x500, s12;
	s17 =	sadd.s32 $0x12E800, s15  }
0x1d: {  	v55 =	vor.u32 $0x2670, v0;
	[tilespmem:$0x1FF40] =	vst v45;
	v26 =	vor.u32 s19, v0;
	v38 =	vor.u32 s31, v0;
	s0 =	sadd.s32 s15, s0;
	s19 =	sadd.s32 $0x133800, s15;
	s31 =	rddreg [dreg:$0xb]  }
0x1e: {  	v54 =	vor.u32 $0x2680, v0;
	[tilespmem:$0x1FFA0] =	vst v55;
	v32 =	vor.u32 s13, v0;
	s13 =	simm.s32 $0x7A00;
	v23 =	vor.u32 s18, v0;
	s25 =	sadd.s32 s15, s25;
	s18 =	sadd.s32 $0x131000, s15  }
0x1f: {  	[tilespmem:$0x1FFC0] =	vst v54;
	v15 =	vor.u32 s7, v0;
	v39 =	vor.u32 s10, v0;
	v40 =	vor.u32 s28, v0;
	s10 =	smax.u32 s31, $0x1;
	s28 =	simm.s32 $0x5100;
	s7 =	sadd.s32 s29, s15  }
0x20: {  	v57 =	vor.u32 $0x2650, v0;
	[tilespmem:$0x1FFE0] =	vst v53;
	v19 =	vor.u32 s6, v0;
	s29 =	simm.s32 $0x0;
	s6 =	sshrl.u32 s7, $0x3;
	s7 =	sadd.s32 s15, s8  }
0x21: {  	v56 =	vor.u32 $0x2660, v0;
	[tilespmem:$0x1FF60] =	vst v57;
	s8 =	sadd.s32 s15, s23;
	s6 =	sadd.s32 s24, s6;
	s7 =	sshrl.u32 s7, $0x3  }
0x22: {  	[tilespmem:$0x1FF80] =	vst v56;
	v20 =	vor.u32 s11, v0;
	v29 =	vor.u32 s22, v0;
	s8 =	sshrl.u32 s8, $0x3;
	[dreg:$0x6] =	wrdreg s6;
	s22 =	sadd.s32 s24, s7  }
0x23: {  	[tilespmem:$0x1FED0] =	vst v20;
	s23 =	sadd.s32 s24, s8;
	s7 =	sshll.u32 s21, $0x7;
	s8 =	rddreg [dreg:$0xc]  }
0x24: {  	v34 =	vor.u32 s21, v0;
	[tilespmem:$0x1FF00] =	vst v33;
	s21 =	sadd.s32 $0x136000, s15;
	s6 =	sadd.s32 s30, s14;
	[dreg:$0x7] =	wrdreg s22  }
0x25: {  	[tilespmem:$0x1FF10] =	vst v24;
	s14 =	simm.s32 $0x5200;
	[dreg:$0x8] =	wrdreg s23;
	s23 =	sadd.s32 s15, s9  }
0x26: {  	v46 =	vor.u32 $0x2700, v0;
	v27 =	vor.u32 s20, v0;
	[tilespmem:$0x1FF50] =	vst v26;
	s22 =	sadd.s32 s15, s26;
	s26 =	smul.u32 $0xFA0, s12;
	[dreg:$0x9] =	wrdreg s6  }
0x27: {  	v47 =	vor.u32 $0x26F0, v0;
	v50 =	vor.u32 $0x26E0, v0;
	[tilespmem:$0x1FF70] =	vst v27;
	v35 =	vor.u32 s8, v0;
	s20 =	sadd.s32 s15, s7;
	s7 =	rddreg [dreg:$0xa];
	s8 =	stileid.u32  }
0x28: {  	v51 =	vor.u32 $0x26D0, v0;
	v48 =	vor.u32 $0x26C0, v0;
	v52 =	vor.u32 $0x26A0, v0;
	[tilespmem:$0x1FF90] =	vst v34;
	s12 =	simm.s32 $0x50;
	s15 =	simm.s32 $0x3;
	p2 =	seq.s32 s8, $0xF  }
0x29: {  	v49 =	vor.u32 $0x26B0, v0;
	v61 =	vor.u32 $0x2600, v0;
	v62 =	vor.u32 $0x2620, v0;
	v60 =	vmovc v52;
	v58 =	vmovc v47;
	[tilespmem:$0x1FFB0] =	vst v29;
	p1 =	sne.s32 s8, $0x0;
	s11 =	sadd.s32 s26, s7;
	s23 =	smov.u32 @p2 s16  }
0x2a: {  	[tilespmem:$0x1FFD0] =	vst v30;
	s25 =	smov.u32 @p2 s17;
	s16 =	simm.s32 $0x100;
	s22 =	smov.u32 @p2 s18;
	v63 =	vpsel p2, v61, v20;
	v42 =	vpsel p2, v59, v23;
	v43 =	vpsel p2, v62, v33  }
0x2b: {  	[tilespmem:$0x1FF30] =	vst v25;
	s17 =	simm.s32 $0x5180;
	s20 =	smov.u32 @p2 s19;
	s18 =	simm.s32 $0x2900;
	v44 =	vpsel p2, v44, v24;
	v45 =	vpsel p2, v45, v25;
	v20 =	vpsel p2, v57, v26  }
0x2c: {  	[tilespmem:$0x1FEE0] =	vst v23;
	s0 =	smov.u32 @p2 s21;
	s19 =	simm.s32 $0x1;
	v23 =	vpsel p2, v56, v27;
	v24 =	vpsel p2, v55, v34;
	v25 =	vpsel p2, v54, v29;
	s11 =	sadd.s32 $0x2A00, s11  }
0x2d: {  	v41 =	vimm.f32 $0.0e+00;
	[tilespmem:$0x1FFF0] =	vst v31;
	v26 =	vpsel p2, v53, v30;
	v27 =	vpsel p2, v52, v31;
	v54 =	vmovc v35;
	v53 =	vmovc v49;
	s0 =	sshrl.u32 s0, $0x3;
	s9 =	sshrl.u32 s20, $0x3;
	s26 =	sshrl.u32 s22, $0x3  }
0x2e: {  	v29 =	vpsel p2, v49, v35;
	v55 =	vmovc v36;
	v59 =	vmovc v48;
	v30 =	vpsel p2, v48, v36;
	v49 =	vmov v37;
	s30 =	sshrl.u32 s25, $0x3;
	s31 =	sshrl.u32 s23, $0x3;
	s25 =	simm.s32 $0x80  }
0x2f: {  	v48 =	vmovc v51;
	v31 =	vpsel p2, v51, v37;
	v56 =	vmovc v38;
	v52 =	vmov v50;
	v33 =	vpsel p2, v50, v38;
	s20 =	sadd.s32 s24, s0;
	s21 =	sadd.s32 s24, s9;
	s22 =	sadd.s32 s24, s26  }
0x30: {  	v51 =	vmovc v39;
	v34 =	vpsel p2, v47, v39;
	v57 =	vmovc v40;
	v50 =	vmov v46;
	v35 =	vpsel p2, v46, v40;
	s23 =	sadd.s32 s24, s30;
	s24 =	sadd.s32 s24, s31;
	s26 =	simm.s32 $0x2  }
.LBB2_1:
0x31: {  	s30 =	simm.s32 $0x0;
	s31 =	simm.s32 $0x200  }
.LBB2_2:
0x32: {  	p3 =	sne.s32 s31, $0x9E00;
	[tilespmem:s30+$0x5270] =	vst v41  }
0x33: {  	[tilespmem:s30+$0x5200] =	vst v41  }
0x34: {  	[tilespmem:s30+$0x5210] =	vst v41  }
.Ltmp0:
0x35: {  	[tilespmem:s30+$0x5220] =	vst v41;
	(pc) =	sbr.rel @p3 .LBB2_2-.Ltmp0, $4  }
0x36: {  	[tilespmem:s30+$0x5230] =	vst v41  }
0x37: {  	[tilespmem:s30+$0x5240] =	vst v41  }
0x38: {  	[tilespmem:s30+$0x5250] =	vst v41  }
0x39: {  	[tilespmem:s30+$0x5260] =	vst v41;
	s30 =	sshra.s32 s31, $0x2;
	s31 =	sadd.s32 $0x200, s31  }
0x3a: {  	[tilespmem:s30+$0x5270] =	vst v41  }
0x3b: {  	[tilespmem:s30+$0x5200] =	vst v41  }
0x3c: {  	[tilespmem:s30+$0x5210] =	vst v41  }
.Ltmp1:
0x3d: {  	[tilespmem:s30+$0x5220] =	vst v41;
	(pc) =	sbr.rel @!p0 .LBB2_4-.Ltmp1, $4  }
0x3e: {  	[tilespmem:s30+$0x5230] =	vst v41  }
0x3f: {  	[tilespmem:s30+$0x5240] =	vst v41  }
0x40: {  	[tilespmem:s30+$0x5250] =	vst v41  }
0x41: {  	[tilespmem:s30+$0x5260] =	vst v41  }
0x42: {  	[tilespmem:$0x7A00] =	vst v19  }
0x43: {  	[tilespmem:$0x7A10] =	vst v1  }
0x44: {  	[tilespmem:$0x7A20] =	vst v2  }
0x45: {  	[tilespmem:$0x7A30] =	vst v3  }
0x46: {  	[tilespmem:$0x7A40] =	vst v4  }
0x47: {  	[spmem:s2] =	stream.indirect.scatter [tilespmem:s14], [sflag:$0x3], $0x80, s13, s12, $0xb8;
	[tilespmem:$0x1B580] =	vst v63  }
0x48: {  	_ =	swait.ge [sflag:s15], $0x2800  }
0x49: {  	[sflag:s15] =	ssyncset.done $0x0  }
0x4a: {  	[sflag:s15] =	ssyncadd.s32 $0xFFFFD800  }
0x4b: {  	[tilespmem:$0x7A00] =	vst v21  }
0x4c: {  	[tilespmem:$0x7A10] =	vst v5  }
0x4d: {  	[tilespmem:$0x7A20] =	vst v6  }
0x4e: {  	[tilespmem:$0x7A30] =	vst v7  }
0x4f: {  	[tilespmem:$0x7A40] =	vst v8  }
0x50: {  	[spmem:s2] =	stream.indirect.scatter [tilespmem:s14], [sflag:$0x3], $0x80, s13, s12, $0xb8;
	[tilespmem:$0x1B580] =	vst v63  }
0x51: {  	_ =	swait.ge [sflag:s15], $0x2800  }
0x52: {  	[sflag:s15] =	ssyncset.done $0x0  }
0x53: {  	[sflag:s15] =	ssyncadd.s32 $0xFFFFD800  }
0x54: {  	[tilespmem:$0x7A00] =	vst v22  }
0x55: {  	[tilespmem:$0x7A10] =	vst v9  }
0x56: {  	[tilespmem:$0x7A20] =	vst v10  }
0x57: {  	[tilespmem:$0x7A30] =	vst v11  }
0x58: {  	[tilespmem:$0x7A40] =	vst v12  }
0x59: {  	[spmem:s2] =	stream.indirect.scatter [tilespmem:s14], [sflag:$0x3], $0x80, s13, s12, $0xb8;
	[tilespmem:$0x1B580] =	vst v63  }
0x5a: {  	_ =	swait.ge [sflag:s15], $0x2800  }
0x5b: {  	[sflag:s15] =	ssyncset.done $0x0  }
0x5c: {  	[sflag:s15] =	ssyncadd.s32 $0xFFFFD800  }
0x5d: {  	[tilespmem:$0x7A00] =	vst v28  }
0x5e: {  	[tilespmem:$0x7A10] =	vst v13  }
0x5f: {  	[tilespmem:$0x7A20] =	vst v14  }
0x60: {  	[tilespmem:$0x7A30] =	vst v15  }
0x61: {  	[tilespmem:$0x7A40] =	vst v16  }
0x62: {  	[spmem:s2] =	stream.indirect.scatter [tilespmem:s14], [sflag:$0x3], $0x80, s13, s12, $0xb8;
	[tilespmem:$0x1B580] =	vst v63  }
0x63: {  	_ =	swait.ge [sflag:s15], $0x2800  }
0x64: {  	[sflag:s15] =	ssyncset.done $0x0;
	v36 =	vld [tilespmem:$0x1FED0]  }
0x65: {  	v47 =	vld [tilespmem:$0x1FEE0];
	[sflag:s15] =	ssyncadd.s32 $0xFFFFD800  }
0x66: {  	[tilespmem:$0x7A00] =	vst v32  }
0x67: {  	[tilespmem:$0x7A10] =	vst v17  }
0x68: {  	[tilespmem:$0x7A20] =	vst v18  }
0x69: {  	[tilespmem:$0x7A30] =	vst v36  }
0x6a: {  	[tilespmem:$0x7A40] =	vst v47  }
0x6b: {  	[spmem:s2] =	stream.indirect.scatter [tilespmem:s14], [sflag:$0x3], $0x80, s13, s12, $0xb8;
	[tilespmem:$0x1B580] =	vst v63  }
0x6c: {  	_ =	swait.ge [sflag:s15], $0x2800  }
0x6d: {  	v40 =	vld [tilespmem:$0x1FF00]  }
0x6e: {  	v46 =	vld [tilespmem:$0x1FF10];
	_ =	sdelay $0x1  }
0x6f: {  	[sflag:s15] =	ssyncset.done $0x0  }
0x70: {  	v47 =	vld [tilespmem:$0x1FF30];
	[sflag:s15] =	ssyncadd.s32 $0xFFFFD800  }
0x71: {  	[tilespmem:$0x7A00] =	vst v40;
	v40 =	vld [tilespmem:$0x1FF50]  }
0x72: {  	[tilespmem:$0x7A10] =	vst v46;
	v46 =	vld [tilespmem:$0x1FF70];
	_ =	sdelay $0x2  }
0x73: {  	[tilespmem:$0x7A20] =	vst v47  }
0x74: {  	[tilespmem:$0x7A30] =	vst v40  }
0x75: {  	[tilespmem:$0x7A40] =	vst v46  }
0x76: {  	[spmem:s2] =	stream.indirect.scatter [tilespmem:s14], [sflag:$0x3], $0x80, s13, s12, $0xb8;
	[tilespmem:$0x1B580] =	vst v63  }
0x77: {  	_ =	swait.ge [sflag:s15], $0x2800  }
0x78: {  	v47 =	vld [tilespmem:$0x1FF90];
	_ =	sdelay $0x2  }
0x79: {  	[sflag:s15] =	ssyncset.done $0x0;
	v40 =	vld [tilespmem:$0x1FFB0]  }
0x7a: {  	v46 =	vld [tilespmem:$0x1FFD0];
	[sflag:s15] =	ssyncadd.s32 $0xFFFFD800  }
0x7b: {  	[tilespmem:$0x7A00] =	vst v47;
	v47 =	vld [tilespmem:$0x1FFF0];
	_ =	sdelay $0x1  }
0x7c: {  	[tilespmem:$0x7A40] =	vst v54  }
0x7d: {  	[tilespmem:$0x7A10] =	vst v40  }
0x7e: {  	[tilespmem:$0x7A20] =	vst v46  }
0x7f: {  	[tilespmem:$0x7A30] =	vst v47  }
0x80: {  	[spmem:s2] =	stream.indirect.scatter [tilespmem:s14], [sflag:$0x3], $0x80, s13, s12, $0xb8;
	[tilespmem:$0x1B580] =	vst v63  }
0x81: {  	_ =	swait.ge [sflag:s15], $0x2800  }
0x82: {  	[sflag:s15] =	ssyncset.done $0x0  }
0x83: {  	[sflag:s15] =	ssyncadd.s32 $0xFFFFD800  }
0x84: {  	[tilespmem:$0x7A00] =	vst v55  }
0x85: {  	[tilespmem:$0x7A10] =	vst v49  }
0x86: {  	[tilespmem:$0x7A20] =	vst v56  }
0x87: {  	[tilespmem:$0x7A30] =	vst v51  }
.Ltmp2:
0x88: {  	[tilespmem:$0x7A40] =	vst v57;
	(pc) =	sbr.rel @p1 .LBB2_8-.Ltmp2, $4  }
0x89: {  	[spmem:s2] =	stream.indirect.scatter [tilespmem:s14], [sflag:$0x3], $0x80, s13, s12, $0xb8;
	[tilespmem:$0x1B580] =	vst v63  }
0x8a: {  	_ =	swait.ge [sflag:s15], $0x2800  }
0x8b: {  	[sflag:s15] =	ssyncset.done $0x0  }
0x8c: {  	p3 =	por $0x0, $0x0;
	[sflag:s15] =	ssyncadd.s32 $0xFFFFD800  }
0x8d: {  	v36 =	vld [tilespmem:$0x1FE90]  }
0x8e: {  	v40 =	vld [tilespmem:$0x1FEA0]  }
0x8f: {  	v46 =	vld [tilespmem:$0x1FEB0]  }
0x90: {  	v47 =	vld [tilespmem:$0x1FEC0]  }
0x91: {  	[tilespmem:$0x7A00] =	vst v0  }
.Ltmp3:
0x92: {  	[tilespmem:$0x7A10] =	vst v36;
	(pc) =	sbr.rel .LBB2_7-.Ltmp3, $4  }
0x93: {  	[tilespmem:$0x7A20] =	vst v40  }
0x94: {  	[tilespmem:$0x7A30] =	vst v46  }
0x95: {  	[tilespmem:$0x7A40] =	vst v47  }
0x96: {  	[spmem:s3] =	stream.indirect.scatter [tilespmem:s14], [sflag:$0x3], $0x80, s13, s12, $0xb8;
	[tilespmem:$0x1B580] =	vst v63  }
.LBB2_4:
0x97: {  	v36 =	vor.u32 $0x2580, v0  }
0x98: {  	v40 =	vor.u32 $0x2590, v0;
	[tilespmem:$0x7A00] =	vst v36  }
0x99: {  	v46 =	vor.u32 $0x25A0, v0;
	[tilespmem:$0x7A10] =	vst v40  }
0x9a: {  	v47 =	vor.u32 $0x25B0, v0;
	[tilespmem:$0x7A20] =	vst v46  }
0x9b: {  	[tilespmem:$0x7A30] =	vst v47;
	v40 =	vor.u32 $0x25C0, v0  }
0x9c: {  	[tilespmem:$0x7A40] =	vst v40  }
0x9d: {  	[spmem:s2] =	stream.indirect.scatter [tilespmem:s14], [sflag:$0x3], $0x80, s13, s12, $0xb8;
	[tilespmem:$0x1B580] =	vst v63  }
0x9e: {  	_ =	swait.ge [sflag:s15], $0x2800  }
0x9f: {  	[sflag:s15] =	ssyncset.done $0x0  }
0xa0: {  	v46 =	vor.u32 $0x25D0, v0;
	[sflag:s15] =	ssyncadd.s32 $0xFFFFD800  }
0xa1: {  	[tilespmem:$0x7A00] =	vst v46;
	v46 =	vld [tilespmem:$0x1FEF0]  }
0xa2: {  	v47 =	vor.u32 $0x25E0, v0  }
0xa3: {  	v40 =	vor.u32 $0x25F0, v0;
	[tilespmem:$0x7A10] =	vst v47  }
0xa4: {  	[tilespmem:$0x7A20] =	vst v40  }
0xa5: {  	[tilespmem:$0x7A30] =	vst v61  }
0xa6: {  	[tilespmem:$0x7A40] =	vst v46  }
0xa7: {  	[spmem:s2] =	stream.indirect.scatter [tilespmem:s14], [sflag:$0x3], $0x80, s13, s12, $0xb8;
	[tilespmem:$0x1B580] =	vst v63  }
0xa8: {  	_ =	swait.ge [sflag:s15], $0x2800  }
0xa9: {  	v47 =	vld [tilespmem:$0x1FF20];
	_ =	sdelay $0x2  }
0xaa: {  	[sflag:s15] =	ssyncset.done $0x0;
	v40 =	vld [tilespmem:$0x1FF40]  }
0xab: {  	v46 =	vld [tilespmem:$0x1FF60];
	[sflag:s15] =	ssyncadd.s32 $0xFFFFD800  }
0xac: {  	[tilespmem:$0x7A10] =	vst v47;
	v47 =	vld [tilespmem:$0x1FF80];
	_ =	sdelay $0x1  }
0xad: {  	[tilespmem:$0x7A00] =	vst v62  }
0xae: {  	[tilespmem:$0x7A20] =	vst v40  }
0xaf: {  	[tilespmem:$0x7A30] =	vst v46  }
0xb0: {  	[tilespmem:$0x7A40] =	vst v47  }
0xb1: {  	[spmem:s2] =	stream.indirect.scatter [tilespmem:s14], [sflag:$0x3], $0x80, s13, s12, $0xb8;
	[tilespmem:$0x1B580] =	vst v63  }
0xb2: {  	_ =	swait.ge [sflag:s15], $0x2800  }
0xb3: {  	v40 =	vld [tilespmem:$0x1FFA0]  }
0xb4: {  	[sflag:s15] =	ssyncset.done $0x0;
	v46 =	vld [tilespmem:$0x1FFC0]  }
0xb5: {  	v47 =	vld [tilespmem:$0x1FFE0];
	[sflag:s15] =	ssyncadd.s32 $0xFFFFD800  }
0xb6: {  	[tilespmem:$0x7A30] =	vst v60  }
0xb7: {  	[tilespmem:$0x7A40] =	vst v53  }
0xb8: {  	[tilespmem:$0x7A00] =	vst v40  }
0xb9: {  	[tilespmem:$0x7A10] =	vst v46  }
0xba: {  	[tilespmem:$0x7A20] =	vst v47  }
0xbb: {  	[spmem:s2] =	stream.indirect.scatter [tilespmem:s14], [sflag:$0x3], $0x80, s13, s12, $0xb8;
	[tilespmem:$0x1B580] =	vst v63  }
0xbc: {  	_ =	swait.ge [sflag:s15], $0x2800  }
0xbd: {  	[sflag:s15] =	ssyncset.done $0x0  }
0xbe: {  	[sflag:s15] =	ssyncadd.s32 $0xFFFFD800  }
0xbf: {  	[tilespmem:$0x7A00] =	vst v59  }
0xc0: {  	[tilespmem:$0x7A10] =	vst v48  }
0xc1: {  	[tilespmem:$0x7A20] =	vst v52  }
0xc2: {  	[tilespmem:$0x7A30] =	vst v58  }
0xc3: {  	[tilespmem:$0x7A40] =	vst v50  }
0xc4: {  	[spmem:s2] =	stream.indirect.scatter [tilespmem:s14], [sflag:$0x3], $0x80, s13, s12, $0xb8;
	[tilespmem:$0x1B580] =	vst v63  }
.LBB2_7:
0xc5: {  	_ =	swait.ge [sflag:s15], $0x2800  }
0xc6: {  	[sflag:s15] =	ssyncset.done $0x0  }
0xc7: {  	p3 =	por p0, p0;
	[sflag:s15] =	ssyncadd.s32 $0xFFFFD800  }
.LBB2_8:
0xc8: {  	[bflag:$0x0] =	sbarrier.arrive $0xFFFF;
	s0 =	sadd.s32 $0x0, s11  }
0xc9: {  	[tilespmem:s4], [sflag:$0x3] =	stream.linear.gather [hbm4b:s0+s4], $0x100, $0x38;
	[tilespmem:$0x1B580] =	vst v63  }
0xca: {  	_ =	swait.ge [sflag:s15], $0x100  }
0xcb: {  	[sflag:s15] =	ssyncset.done $0x0  }
0xcc: {  	[sflag:s15] =	ssyncadd.s32 $0xFFFFFF00  }
0xcd: {  	[tilespmem:s16], [sflag:$0x1] =	stream.indirect.gather [hbm4b:s1+s12], $0x80, s4, s12, $0xb8;
	[tilespmem:$0x1B580] =	vst v63  }
0xce: {  	v36 =	vld [tilespmem:$0xC0];
	_ =	sdelay $0x1  }
0xcf: {  	v37 =	vld [tilespmem:$0xB0]  }
0xd0: {  	v38 =	vld [tilespmem:$0xA0];
	_ =	sdelay $0x1  }
0xd1: {  	v39 =	vshrl.u32 v36, $0x7  }
0xd2: {  	v40 =	vld [tilespmem:$0x80];
	v36 =	vand.u32 $0x7F, v36;
	[tilespmem:$0x5140] =	vst v39  }
0xd3: {  	v46 =	vshrl.u32 v37, $0x7;
	[tilespmem:$0x51C0] =	vst v36  }
0xd4: {  	v47 =	vshrl.u32 v38, $0x7;
	v39 =	vld [tilespmem:$0x90];
	[tilespmem:$0x5130] =	vst v46  }
0xd5: {  	v37 =	vand.u32 $0x7F, v37;
	[tilespmem:$0x5120] =	vst v47  }
0xd6: {  	v47 =	vand.u32 $0x7F, v38;
	[tilespmem:$0x51B0] =	vst v37  }
0xd7: {  	v46 =	vand.u32 $0x7F, v40;
	[tilespmem:$0x51A0] =	vst v47  }
0xd8: {  	[tilespmem:$0x5180] =	vst v46;
	v46 =	vshrl.u32 v40, $0x7  }
0xd9: {  	[tilespmem:$0x5100] =	vst v46;
	v47 =	vand.u32 $0x7F, v39  }
0xda: {  	[tilespmem:$0x5190] =	vst v47;
	v47 =	vshrl.u32 v39, $0x7  }
0xdb: {  	[tilespmem:$0x5110] =	vst v47  }
0xdc: {  	[tilespmem:s18], [sflag:$0x2] =	stream.indirect.gather [hbm4b:s5+s12], $0x80, s17, s12, $0xb8;
	[tilespmem:$0x1B580] =	vst v63  }
0xdd: {  	_ =	swait.ge [sflag:s19], $0x2800  }
0xde: {  	[sflag:s19] =	ssyncset.done $0x0  }
0xdf: {  	s30 =	simm.s32 $0x20;
	[sflag:s19] =	ssyncadd.s32 $0xFFFFD800  }
0xe0: {  	[spmem:s2] =	stream.indirect.scatter.add.f32 [tilespmem:s16], [sflag:$0x3], $0x80, s25, s12, $0xb8;
	[tilespmem:$0x1B580] =	vst v63  }
.LBB2_9:
0xe1: {  	p4 =	sne.s32 s30, $0xF80  }
0xe2: {  	_ =	swait.ge [sflag:s15], $0x2800;
	s0 =	smov.u32 s30;
	s30 =	sadd.s32 $0x20, s30  }
0xe3: {  	[sflag:s15] =	ssyncset.done $0x0  }
0xe4: {  	[sflag:s15] =	ssyncadd.s32 $0xFFFFD800  }
0xe5: {  	_ =	swait.ge [sflag:s26], $0x2800  }
0xe6: {  	[sflag:s26] =	ssyncset.done $0x0  }
0xe7: {  	[sflag:s26] =	ssyncadd.s32 $0xFFFFD800  }
0xe8: {  	[spmem:s3] =	stream.indirect.scatter.add.f32 [tilespmem:s18], [sflag:$0x3], $0x80, s28, s12, $0xb8;
	[tilespmem:$0x1B580] =	vst v63  }
0xe9: {  	_ =	swait.ge [sflag:s15], $0x2800  }
0xea: {  	[sflag:s15] =	ssyncset.done $0x0  }
0xeb: {  	s0 =	sadd.s32 s0, s11;
	[sflag:s15] =	ssyncadd.s32 $0xFFFFD800  }
0xec: {  	[tilespmem:s4], [sflag:$0x3] =	stream.linear.gather [hbm4b:s0+s4], $0x100, $0x38;
	[tilespmem:$0x1B580] =	vst v63  }
0xed: {  	_ =	swait.ge [sflag:s15], $0x100  }
0xee: {  	[sflag:s15] =	ssyncset.done $0x0  }
0xef: {  	[sflag:s15] =	ssyncadd.s32 $0xFFFFFF00  }
0xf0: {  	[tilespmem:s16], [sflag:$0x1] =	stream.indirect.gather [hbm4b:s1+s12], $0x80, s4, s12, $0xb8;
	[tilespmem:$0x1B580] =	vst v63  }
0xf1: {  	v36 =	vld [tilespmem:$0xC0]  }
0xf2: {  	v37 =	vld [tilespmem:$0xB0]  }
0xf3: {  	v38 =	vld [tilespmem:$0x90]  }
0xf4: {  	v39 =	vld [tilespmem:$0xA0]  }
0xf5: {  	v40 =	vld [tilespmem:$0x80]  }
0xf6: {  	v46 =	vshrl.u32 v36, $0x7;
	v36 =	vand.u32 $0x7F, v36  }
0xf7: {  	v47 =	vshrl.u32 v37, $0x7;
	v37 =	vand.u32 $0x7F, v37;
	[tilespmem:$0x5140] =	vst v46  }
0xf8: {  	[tilespmem:$0x51C0] =	vst v36  }
0xf9: {  	v36 =	vshrl.u32 v38, $0x7;
	v38 =	vand.u32 $0x7F, v38;
	v46 =	vshrl.u32 v39, $0x7;
	[tilespmem:$0x5130] =	vst v47  }
0xfa: {  	v39 =	vand.u32 $0x7F, v39;
	v47 =	vshrl.u32 v40, $0x7;
	v40 =	vand.u32 $0x7F, v40;
	[tilespmem:$0x5120] =	vst v46  }
0xfb: {  	[tilespmem:$0x51B0] =	vst v37  }
0xfc: {  	[tilespmem:$0x51A0] =	vst v39  }
0xfd: {  	[tilespmem:$0x5180] =	vst v40  }
0xfe: {  	[tilespmem:$0x5190] =	vst v38  }
0xff: {  	[tilespmem:$0x5100] =	vst v47  }
0x100: {  	[tilespmem:$0x5110] =	vst v36  }
0x101: {  	[tilespmem:s18], [sflag:$0x2] =	stream.indirect.gather [hbm4b:s5+s12], $0x80, s17, s12, $0xb8;
	[tilespmem:$0x1B580] =	vst v63  }
.Ltmp4:
0x102: {  	_ = 	snop;
	(pc) =	sbr.rel @p4 .LBB2_9-.Ltmp4, $4  }
0x103: {  	_ =	swait.ge [sflag:s19], $0x2800  }
0x104: {  	[sflag:s19] =	ssyncset.done $0x0  }
0x105: {  	[sflag:s19] =	ssyncadd.s32 $0xFFFFD800  }
0x106: {  	[spmem:s2] =	stream.indirect.scatter.add.f32 [tilespmem:s16], [sflag:$0x3], $0x80, s25, s12, $0xb8;
	[tilespmem:$0x1B580] =	vst v63  }
0x107: {  	_ =	swait.ge [sflag:s15], $0x2800  }
0x108: {  	[sflag:s15] =	ssyncset.done $0x0  }
0x109: {  	[sflag:s15] =	ssyncadd.s32 $0xFFFFD800  }
0x10a: {  	_ =	swait.ge [sflag:s26], $0x2800  }
0x10b: {  	[sflag:s26] =	ssyncset.done $0x0  }
0x10c: {  	[sflag:s26] =	ssyncadd.s32 $0xFFFFD800  }
0x10d: {  	[spmem:s3] =	stream.indirect.scatter.add.f32 [tilespmem:s18], [sflag:$0x3], $0x80, s28, s12, $0xb8;
	[tilespmem:$0x1B580] =	vst v63  }
0x10e: {  	_ =	swait.ge [sflag:s15], $0x2800  }
0x10f: {  	[sflag:s15] =	ssyncset.done $0x0  }
0x110: {  	[sflag:s15] =	ssyncadd.s32 $0xFFFFD800  }
0x111: {  	[bflag:$0x0] =	sbarrier.arrive $0xFFFF  }
0x112: {  	[tilespmem:$0x7A00] =	vst @!p2 v19  }
0x113: {  	[tilespmem:$0x7A10] =	vst @!p2 v1  }
0x114: {  	[tilespmem:$0x7A20] =	vst @!p2 v2  }
0x115: {  	s0 =	simm.s32 @!p2 $0x50;
	[tilespmem:$0x7A30] =	vst @!p2 v3  }
0x116: {  	s30 =	simm.s32 @!p2 $0x7A00;
	s31 =	simm.s32 @!p2 $0x5200;
	s6 =	simm.s32 @!p2 $0x1;
	[tilespmem:$0x7A40] =	vst @!p2 v4  }
0x117: {  	[tilespmem:s31], [sflag:$0x1] =	stream.indirect.gather @!p2 [spmem:s2], $0x80, s30, s0, $0xb8;
	[tilespmem:$0x1B580] =	vst v63  }
0x118: {  	_ =	swait.ge @!p2 [sflag:s6], $0x2800  }
0x119: {  	[sflag:s6] =	ssyncset.done @!p2 $0x0  }
0x11a: {  	s7 =	simm.s32 @!p2 $0x0;
	s8 =	rddreg [dreg:$0x6];
	[sflag:s6] =	ssyncadd.s32 @!p2 $0xFFFFD800  }
0x11b: {  	[hbm4b:s8+s7] =	stream.linear.scatter @!p2 [tilespmem:s31], [sflag:$0x3], $0x2800, $0x38;
	[tilespmem:$0x1B580] =	vst v63  }
0x11c: {  	s8 =	simm.s32 @!p2 $0x3  }
0x11d: {  	_ =	swait.ge @!p2 [sflag:s8], $0x2800  }
0x11e: {  	[sflag:s8] =	ssyncset.done @!p2 $0x0  }
0x11f: {  	[sflag:s8] =	ssyncadd.s32 @!p2 $0xFFFFD800  }
0x120: {  	[tilespmem:$0x7A00] =	vst @!p2 v21  }
0x121: {  	[tilespmem:$0x7A10] =	vst @!p2 v5  }
0x122: {  	[tilespmem:$0x7A20] =	vst @!p2 v6  }
0x123: {  	[tilespmem:$0x7A30] =	vst @!p2 v7  }
0x124: {  	[tilespmem:$0x7A40] =	vst @!p2 v8  }
0x125: {  	[tilespmem:s31], [sflag:$0x1] =	stream.indirect.gather @!p2 [spmem:s2], $0x80, s30, s0, $0xb8;
	[tilespmem:$0x1B580] =	vst v63  }
0x126: {  	_ =	swait.ge @!p2 [sflag:s6], $0x2800  }
0x127: {  	[sflag:s6] =	ssyncset.done @!p2 $0x0  }
0x128: {  	s9 =	rddreg [dreg:$0x7];
	[sflag:s6] =	ssyncadd.s32 @!p2 $0xFFFFD800  }
0x129: {  	[hbm4b:s9+s7] =	stream.linear.scatter @!p2 [tilespmem:s31], [sflag:$0x3], $0x2800, $0x38;
	[tilespmem:$0x1B580] =	vst v63  }
0x12a: {  	_ =	swait.ge @!p2 [sflag:s8], $0x2800  }
0x12b: {  	[sflag:s8] =	ssyncset.done @!p2 $0x0  }
0x12c: {  	[sflag:s8] =	ssyncadd.s32 @!p2 $0xFFFFD800  }
0x12d: {  	[tilespmem:$0x7A00] =	vst @!p2 v22  }
0x12e: {  	[tilespmem:$0x7A10] =	vst @!p2 v9  }
0x12f: {  	[tilespmem:$0x7A20] =	vst @!p2 v10  }
0x130: {  	[tilespmem:$0x7A30] =	vst @!p2 v11  }
0x131: {  	[tilespmem:$0x7A40] =	vst @!p2 v12  }
0x132: {  	[tilespmem:s31], [sflag:$0x1] =	stream.indirect.gather @!p2 [spmem:s2], $0x80, s30, s0, $0xb8;
	[tilespmem:$0x1B580] =	vst v63  }
0x133: {  	_ =	swait.ge @!p2 [sflag:s6], $0x2800  }
0x134: {  	[sflag:s6] =	ssyncset.done @!p2 $0x0  }
0x135: {  	s0 =	rddreg [dreg:$0x8];
	[sflag:s6] =	ssyncadd.s32 @!p2 $0xFFFFD800  }
0x136: {  	[hbm4b:s0+s7] =	stream.linear.scatter @!p2 [tilespmem:s31], [sflag:$0x3], $0x2800, $0x38;
	[tilespmem:$0x1B580] =	vst v63  }
0x137: {  	_ =	swait.ge @!p2 [sflag:s8], $0x2800  }
0x138: {  	v36 =	vor.u32 $0x2580, v0;
	[sflag:s8] =	ssyncset.done @!p2 $0x0  }
0x139: {  	v37 =	vor.u32 $0x2590, v0;
	v36 =	vpsel p2, v36, v28;
	[sflag:s8] =	ssyncadd.s32 @!p2 $0xFFFFD800  }
0x13a: {  	v38 =	vor.u32 $0x25A0, v0;
	v37 =	vpsel p2, v37, v13;
	[tilespmem:$0x7A00] =	vst v36  }
0x13b: {  	v40 =	vor.u32 $0x25B0, v0;
	v38 =	vpsel p2, v38, v14;
	[tilespmem:$0x7A10] =	vst v37  }
0x13c: {  	v46 =	vor.u32 $0x25C0, v0;
	v36 =	vpsel p2, v40, v15;
	[tilespmem:$0x7A20] =	vst v38  }
0x13d: {  	v37 =	vpsel p2, v46, v16;
	[tilespmem:$0x7A30] =	vst v36  }
0x13e: {  	[tilespmem:$0x7A40] =	vst v37  }
0x13f: {  	[tilespmem:s14], [sflag:$0x1] =	stream.indirect.gather [spmem:s2], $0x80, s13, s12, $0xb8;
	[tilespmem:$0x1B580] =	vst v63  }
0x140: {  	_ =	swait.ge [sflag:s19], $0x2800  }
0x141: {  	[sflag:s19] =	ssyncset.done $0x0  }
0x142: {  	[sflag:s19] =	ssyncadd.s32 $0xFFFFD800  }
0x143: {  	[hbm4b:s24+s4] =	stream.linear.scatter [tilespmem:s14], [sflag:$0x3], $0x2800, $0x38;
	[tilespmem:$0x1B580] =	vst v63  }
0x144: {  	_ =	swait.ge [sflag:s15], $0x2800  }
0x145: {  	v47 =	vor.u32 $0x25D0, v0;
	[sflag:s15] =	ssyncset.done $0x0  }
0x146: {  	v40 =	vor.u32 $0x25E0, v0;
	v36 =	vpsel p2, v47, v32;
	[sflag:s15] =	ssyncadd.s32 $0xFFFFD800  }
0x147: {  	v46 =	vor.u32 $0x25F0, v0;
	v37 =	vpsel p2, v40, v17;
	[tilespmem:$0x7A00] =	vst v36  }
0x148: {  	v47 =	vpsel p2, v46, v18;
	[tilespmem:$0x7A10] =	vst v37  }
0x149: {  	[tilespmem:$0x7A20] =	vst v47  }
0x14a: {  	[tilespmem:$0x7A30] =	vst v63  }
0x14b: {  	[tilespmem:$0x7A40] =	vst v42  }
0x14c: {  	[tilespmem:s14], [sflag:$0x1] =	stream.indirect.gather [spmem:s2], $0x80, s13, s12, $0xb8;
	[tilespmem:$0x1B580] =	vst v63  }
0x14d: {  	_ =	swait.ge [sflag:s19], $0x2800  }
0x14e: {  	[sflag:s19] =	ssyncset.done $0x0  }
0x14f: {  	[sflag:s19] =	ssyncadd.s32 $0xFFFFD800  }
0x150: {  	[hbm4b:s23+s4] =	stream.linear.scatter [tilespmem:s14], [sflag:$0x3], $0x2800, $0x38;
	[tilespmem:$0x1B580] =	vst v63  }
0x151: {  	_ =	swait.ge [sflag:s15], $0x2800  }
0x152: {  	[sflag:s15] =	ssyncset.done $0x0  }
0x153: {  	[sflag:s15] =	ssyncadd.s32 $0xFFFFD800  }
0x154: {  	[tilespmem:$0x7A00] =	vst v43  }
0x155: {  	[tilespmem:$0x7A10] =	vst v44  }
0x156: {  	[tilespmem:$0x7A20] =	vst v45  }
0x157: {  	[tilespmem:$0x7A30] =	vst v20  }
0x158: {  	[tilespmem:$0x7A40] =	vst v23  }
0x159: {  	[tilespmem:s14], [sflag:$0x1] =	stream.indirect.gather [spmem:s2], $0x80, s13, s12, $0xb8;
	[tilespmem:$0x1B580] =	vst v63  }
0x15a: {  	_ =	swait.ge [sflag:s19], $0x2800  }
0x15b: {  	[sflag:s19] =	ssyncset.done $0x0  }
0x15c: {  	[sflag:s19] =	ssyncadd.s32 $0xFFFFD800  }
0x15d: {  	[hbm4b:s22+s4] =	stream.linear.scatter [tilespmem:s14], [sflag:$0x3], $0x2800, $0x38;
	[tilespmem:$0x1B580] =	vst v63  }
0x15e: {  	_ =	swait.ge [sflag:s15], $0x2800  }
0x15f: {  	[sflag:s15] =	ssyncset.done $0x0  }
0x160: {  	[sflag:s15] =	ssyncadd.s32 $0xFFFFD800  }
0x161: {  	[tilespmem:$0x7A00] =	vst v24  }
0x162: {  	[tilespmem:$0x7A10] =	vst v25  }
0x163: {  	[tilespmem:$0x7A20] =	vst v26  }
0x164: {  	[tilespmem:$0x7A30] =	vst v27  }
0x165: {  	[tilespmem:$0x7A40] =	vst v29  }
0x166: {  	[tilespmem:s14], [sflag:$0x1] =	stream.indirect.gather [spmem:s2], $0x80, s13, s12, $0xb8;
	[tilespmem:$0x1B580] =	vst v63  }
0x167: {  	_ =	swait.ge [sflag:s19], $0x2800  }
0x168: {  	[sflag:s19] =	ssyncset.done $0x0  }
0x169: {  	[sflag:s19] =	ssyncadd.s32 $0xFFFFD800  }
0x16a: {  	[hbm4b:s21+s4] =	stream.linear.scatter [tilespmem:s14], [sflag:$0x3], $0x2800, $0x38;
	[tilespmem:$0x1B580] =	vst v63  }
0x16b: {  	_ =	swait.ge [sflag:s15], $0x2800  }
0x16c: {  	[sflag:s15] =	ssyncset.done $0x0  }
0x16d: {  	[sflag:s15] =	ssyncadd.s32 $0xFFFFD800  }
0x16e: {  	[tilespmem:$0x7A00] =	vst v30  }
0x16f: {  	[tilespmem:$0x7A10] =	vst v31  }
0x170: {  	[tilespmem:$0x7A20] =	vst v33  }
0x171: {  	[tilespmem:$0x7A30] =	vst v34  }
0x172: {  	[tilespmem:$0x7A40] =	vst v35  }
0x173: {  	[tilespmem:s14], [sflag:$0x1] =	stream.indirect.gather [spmem:s2], $0x80, s13, s12, $0xb8;
	[tilespmem:$0x1B580] =	vst v63  }
0x174: {  	_ =	swait.ge [sflag:s19], $0x2800  }
0x175: {  	[sflag:s19] =	ssyncset.done $0x0  }
0x176: {  	[sflag:s19] =	ssyncadd.s32 $0xFFFFD800  }
0x177: {  	[hbm4b:s20+s4] =	stream.linear.scatter [tilespmem:s14], [sflag:$0x3], $0x2800, $0x38;
	[tilespmem:$0x1B580] =	vst v63  }
0x178: {  	_ =	swait.ge [sflag:s15], $0x2800  }
0x179: {  	[sflag:s15] =	ssyncset.done $0x0  }
0x17a: {  	v36 =	vlaneseq.u32 @p3;
	[sflag:s15] =	ssyncadd.s32 $0xFFFFD800  }
0x17b: {  	v37 =	vor.u32 @p3 $0x10, v36;
	[tilespmem:$0x7A00] =	vst @p3 v36  }
0x17c: {  	[tilespmem:$0x7A10] =	vst @p3 v37;
	v37 =	vor.u32 @p3 $0x20, v36  }
0x17d: {  	[tilespmem:$0x7A20] =	vst @p3 v37;
	v37 =	vor.u32 @p3 $0x30, v36  }
0x17e: {  	v36 =	vor.u32 @p3 $0x40, v36;
	[tilespmem:$0x7A30] =	vst @p3 v37  }
0x17f: {  	s6 =	simm.s32 @p3 $0x7A00;
	s0 =	simm.s32 @p3 $0x50;
	s7 =	simm.s32 @p3 $0x5200;
	[tilespmem:$0x7A40] =	vst @p3 v36  }
0x180: {  	[tilespmem:s7], [sflag:$0x1] =	stream.indirect.gather @p3 [spmem:s3], $0x80, s6, s0, $0xb8;
	[tilespmem:$0x1B580] =	vst v63  }
0x181: {  	s0 =	simm.s32 @p3 $0x1  }
0x182: {  	s29 =	sadd.s32 $0x1, s29;
	_ =	swait.ge @p3 [sflag:s0], $0x2800  }
0x183: {  	p4 =	sne.s32 s29, s10;
	[sflag:s0] =	ssyncset.done @p3 $0x0  }
0x184: {  	s6 =	rddreg [dreg:$0x9];
	[sflag:s0] =	ssyncadd.s32 @p3 $0xFFFFD800;
	s0 =	simm.s32 @p3 $0x0  }
0x185: {  	[hbm4b:s6+s0] =	stream.linear.scatter @p3 [tilespmem:s7], [sflag:$0x3], $0x2800, $0x38;
	[tilespmem:$0x1B580] =	vst v63  }
.Ltmp5:
0x186: {  	_ = 	snop;
	(pc) =	sbr.rel @p4 .LBB2_1-.Ltmp5, $4  }
0x187: {  	s0 =	simm.s32 @p3 $0x3  }
0x188: {  	_ =	swait.ge @p3 [sflag:s0], $0x2800  }
0x189: {  	[sflag:s0] =	ssyncset.done @p3 $0x0  }
0x18a: {  	[sflag:s0] =	ssyncadd.s32 @p3 $0xFFFFD800  }
0x18b: {  	_ =	sfence.sel $0x180000  }
0x18c: {  	[bflag:$0x0] =	sbarrier.arrive $0xFFFF  }
0x18d: {  	_ =	strace $0x90000047  }
0x18e: {  	[bflag:$0x2] =	sbarrier.arrive $0xFFFF  }
0x18f: {  	s0 =	rddreg [dreg:$0x5]  }
0x190: {  	s0 =	sadd.s32 @!p1 $0x100000, s0  }
0x191: {  	[sflag:s0] =	ssyncadd.tile.s32 @!p1 $0x1;
	_ =	shalt  }
.Lfunc_end2:
_tile_overlayer_lowered:
.L_overlay_start_2:
0x192: {  	(tag) =	ssettag $0x2  }
0x193: {  	s0 =	rddreg [dreg:$0x0];
	s2 =	stileid.u32  }
0x194: {  	s1 =	rddreg [dreg:$0x1];
	p0 =	sne.s32 s2, $0x0  }
0x195: {  	s3 =	rddreg [dreg:$0x2];
	[bflag:$0x3] =	sbarrier.arrive $0xFFFF;
	s2 =	simm.s32 @!p0 $0x1C03  }
0x196: {  	[timem:s3], [sflag:s2] =	dma.local @!p0 [hbm:s0], s1  }
0x197: {  	s0 =	simm.s32 @!p0 $0x3  }
0x198: {  	_ =	swait.ge @!p0 [sflag:s0], s1  }
0x199: {  	s1 =	ssub.s32 @!p0 $0x0, s1;
	[sflag:s0] =	ssyncset.done @!p0 $0x0  }
0x19a: {  	[sflag:s0] =	ssyncadd.s32 @!p0 s1  }
0x19b: {  	[bflag:$0x3] =	sbarrier.arrive $0xFFFF  }
0x19c: {  	_ =	shalt  }

// kernel: kernel.9.cloned.1.call-start
scs
__scs_entry_jumppad:
0x0: {  	(pc) =	sbr.rel $0x88, $3  }
0x1: {  	(tag) =	ssettag $0x0;
	lr =	simm.s32 $0x1  }
0x2: {  	[smem:$0x3F98] =	sst lr;
	_ =	strace $0xD0000000  }
0x3: {  	_ = 	snop  }
0x4: {  	_ = 	snop  }
0x5: {  	_ = 	snop  }
0x6: {  	_ = 	snop  }
0x7: {  	_ = 	snop  }
__scs_overlays_trampoline_lowered:
0x8: {  	[smem:$0x3FA7] =	sst s0  }
0x9: {  	[smem:$0x3FA8] =	sst s1  }
0xa: {  	[smem:$0x3FA9] =	sst s2  }
0xb: {  	[smem:$0x3FAA] =	sst s3  }
0xc: {  	[smem:$0x3FAB] =	sst s4  }
0xd: {  	[smem:$0x3FAC] =	sst s5  }
0xe: {  	[smem:$0x3FAD] =	sst s6  }
0xf: {  	[smem:$0x3FAE] =	sst s7  }
0x10: {  	[smem:$0x3FAF] =	sst s8  }
0x11: {  	[smem:$0x3FB0] =	sst s9;
	s0 =	simm.s32 @!p0 $0x0  }
0x12: {  	s1 =	sld [smem:$0x3F96];
	s0 =	simm.s32 @p0 $0x1  }
0x13: {  	[smem:$0x3FB1] =	sst s0;
	s0 =	simm.s32 @!p1 $0x0  }
0x14: {  	s2 =	sld [smem:$0x3F95];
	s0 =	simm.s32 @p1 $0x1  }
0x15: {  	[smem:$0x3FB2] =	sst s0;
	s0 =	simm.s32 @!p2 $0x0  }
0x16: {  	s3 =	sld [smem:$0x3FDB];
	s0 =	simm.s32 @p2 $0x1  }
0x17: {  	s4 =	simm.s32 $0x1BF5;
	[smem:$0x3FB4] =	sst s0  }
0x18: {  	s0 =	sld [smem:$0x3F97];
	_ =	swait.ge [sflag:s4], $0x0  }
0x19: {  	s7 =	sld [smem:$0x3F98]  }
0x1a: {  	s8 =	sadd.s32 $0xFFFFE003, lr  }
0x1b: {  	s9 =	sadd.s32 $0xFFFFFEF7, lr;
	s5 =	simm.s32 $0xFFFFFFFF;
	p2 =	slt.u32 s8, $0xFFFFF086  }
0x1c: {  	p1 =	slt.u32 s9, $0xF7A;
	s5 =	simm.s32 @!p2 $0x0  }
0x1d: {  	s5 =	simm.s32 @p1 $0x1;
	p0 =	seq.s32 s7, s2  }
0x1e: {  	s7 =	smul.u32 @!p0 $0xF7A, s2;
	p2 =	seq.s32 @!p0 s5, $0x0  }
0x1f: {  	s9 =	smul.u32 $0xF7A, s1;
	s8 =	simm.s32 @!p0 $0x1BF5;
	p2 =	por !p2, p0  }
0x20: {  	[sflag:s8] =	ssyncset.s32 @!p0 $0xFFFFF086;
	s6 =	sadd.s32 @!p0 s3, s7;
	s7 =	simm.s32 @!p0 $0x108  }
0x21: {  	s3 =	sadd.s32 s3, s9;
	s6 =	sadd.s32 @!p0 $0x88, s6;
	s7 =	simm.s32 @p2 $0x1082  }
0x22: {  	[simem:s7], [sflag:s8] =	dma.local @!p0 [hbm:s6], $0xF7A  }
0x23: {  	s9 =	sor.u32 $0xD0000000, s2;
	s6 =	simm.s32 $0x108;
	_ =	swait.ge @!p0 [sflag:s8], $0x0  }
0x24: {  	s3 =	sadd.s32 $0x88, s3;
	s6 =	simm.s32 @!p1 $0x1082;
	[sflag:s4] =	ssyncset.s32 $0xFFFFF086  }
0x25: {  	[simem:s6], [sflag:s4] =	dma.local [hbm:s3], $0xF7A  }
0x26: {  	[smem:$0x3F98] =	sst s1;
	(tag) =	ssettag s2;
	_ =	strace s9  }
0x27: {  	s1 =	sld [smem:$0x3FA8]  }
0x28: {  	s2 =	sld [smem:$0x3FA9]  }
0x29: {  	s4 =	sld [smem:$0x3FAB]  }
0x2a: {  	p0 =	seq.s32 s5, $0x0;
	s5 =	sld [smem:$0x3FAC]  }
0x2b: {  	s6 =	sld [smem:$0x3FAD]  }
0x2c: {  	s7 =	sld [smem:$0x3FAE]  }
0x2d: {  	s3 =	simm.s32 $0x108;
	s8 =	sld [smem:$0x3FAF]  }
0x2e: {  	s3 =	simm.s32 @!p0 $0x1082;
	s9 =	sld [smem:$0x3FB0]  }
0x2f: {  	lr =	sadd.s32 s0, s3;
	s0 =	sld [smem:$0x3FA7]  }
0x30: {  	s3 =	sld [smem:$0x3FAA]  }
0x31: {  	[smem:$0x3FB3] =	sst s10  }
0x32: {  	s10 =	sld [smem:$0x3FB1];
	_ =	sdelay $0x3  }
0x33: {  	p0 =	seq.s32 s10, $0x1;
	s10 =	sld [smem:$0x3FB3];
	_ =	sdelay $0x3  }
0x34: {  	[smem:$0x3FB3] =	sst s10  }
0x35: {  	s10 =	sld [smem:$0x3FB2];
	_ =	sdelay $0x3  }
0x36: {  	p1 =	seq.s32 s10, $0x1;
	s10 =	sld [smem:$0x3FB3];
	_ =	sdelay $0x3  }
0x37: {  	[smem:$0x3FB3] =	sst s10  }
0x38: {  	s10 =	sld [smem:$0x3FB4]  }
0x39: {  	_ = 	snop;
	(pc) =	sbr.ind lr, $3  }
0x3a: {  	_ = 	snop  }
0x3b: {  	_ = 	snop  }
0x3c: {  	p2 =	seq.s32 s10, $0x1;
	s10 =	sld [smem:$0x3FB3]  }
0x3d: {  	_ =	shalt  }
0x3e: {  	_ =	shalt  }
0x3f: {  	_ =	shalt  }
0x40: {  	_ =	shalt  }
0x41: {  	_ =	shalt  }
0x42: {  	_ =	shalt  }
0x43: {  	_ =	shalt  }
0x44: {  	_ =	shalt  }
0x45: {  	_ =	shalt  }
0x46: {  	_ =	shalt  }
0x47: {  	_ =	shalt  }
0x48: {  	_ =	shalt  }
0x49: {  	_ =	shalt  }
0x4a: {  	_ =	shalt  }
0x4b: {  	_ =	shalt  }
0x4c: {  	_ =	shalt  }
0x4d: {  	_ =	shalt  }
0x4e: {  	_ =	shalt  }
0x4f: {  	_ =	shalt  }
0x50: {  	_ =	shalt  }
0x51: {  	_ =	shalt  }
0x52: {  	_ =	shalt  }
0x53: {  	_ =	shalt  }
0x54: {  	_ =	shalt  }
0x55: {  	_ =	shalt  }
0x56: {  	_ =	shalt  }
0x57: {  	_ =	shalt  }
0x58: {  	_ =	shalt  }
0x59: {  	_ =	shalt  }
0x5a: {  	_ =	shalt  }
0x5b: {  	_ =	shalt  }
0x5c: {  	_ =	shalt  }
0x5d: {  	_ =	shalt  }
0x5e: {  	_ =	shalt  }
0x5f: {  	_ =	shalt  }
0x60: {  	_ =	shalt  }
0x61: {  	_ =	shalt  }
0x62: {  	_ =	shalt  }
0x63: {  	_ =	shalt  }
0x64: {  	_ =	shalt  }
0x65: {  	_ =	shalt  }
0x66: {  	_ =	shalt  }
0x67: {  	_ =	shalt  }
0x68: {  	_ =	shalt  }
0x69: {  	_ =	shalt  }
0x6a: {  	_ =	shalt  }
0x6b: {  	_ =	shalt  }
0x6c: {  	_ =	shalt  }
0x6d: {  	_ =	shalt  }
0x6e: {  	_ =	shalt  }
0x6f: {  	_ =	shalt  }
0x70: {  	_ =	shalt  }
0x71: {  	_ =	shalt  }
0x72: {  	_ =	shalt  }
0x73: {  	_ =	shalt  }
0x74: {  	_ =	shalt  }
0x75: {  	_ =	shalt  }
0x76: {  	_ =	shalt  }
0x77: {  	_ =	shalt  }
0x78: {  	_ =	shalt  }
0x79: {  	_ =	shalt  }
0x7a: {  	_ =	shalt  }
0x7b: {  	_ =	shalt  }
0x7c: {  	_ =	shalt  }
0x7d: {  	_ =	shalt  }
0x7e: {  	_ =	shalt  }
0x7f: {  	_ =	shalt  }
0x80: {  	_ =	shalt  }
0x81: {  	_ =	shalt  }
0x82: {  	_ =	shalt  }
0x83: {  	_ =	shalt  }
0x84: {  	_ =	shalt  }
0x85: {  	_ =	shalt  }
0x86: {  	_ =	shalt  }
0x87: {  	_ =	shalt  }
.Lfunc_end0:
.L_simem_size_0:
called_computation.1_lowered:
.L_overlay_start_0:
0x88: {  	s2 =	sld [smem:$0x3FD9]  }
0x89: {  	s3 =	sld [smem:$0x3FFE];
	_ =	sdelay $0x1  }
0x8a: {  	s1 =	srdreg.scid  }
0x8b: {  	s0 =	sand.u32 $0x1, s1  }
0x8c: {  	s17 =	sshll.u32 s0, $0xA;
	s2 =	sadd.s32 s3, s2  }
0x8d: {  	s2 =	sadd.s32 s2, s17  }
0x8e: {  	[smem:$0x3FBF] =	sst s2  }
0x8f: {  	_ = 	snop  }
0x90: {  	s2 =	sld [smem:$0x3FC7];
	(tm) =	ssettm $0x1  }
0x91: {  	s18 =	sld [smem:$0x3FFB];
	_ =	sdelay $0x3  }
0x92: {  	_ =	strace s18  }
0x93: {  	s3 =	sld [smem:$0x3FFC];
	_ =	sdelay $0x3  }
0x94: {  	_ =	strace s3  }
0x95: {  	s3 =	sld [smem:$0x3FFD];
	_ =	sdelay $0x3  }
0x96: {  	_ =	strace s3  }
0x97: {  	_ =	strace $0x8FFFFFFF  }
0x98: {  	s19 =	sld [smem:$0x3FDB];
	_ =	sdelay $0x1  }
0x99: {  	s4 =	simm.s32 $_scs_section_size  }
0x9a: {  	s5 =	simm.s32 $_size__tile_overlayer_lowered;
	s6 =	simm.s32 $_tile_overlayer_lowered  }
0x9b: {  	s22 =	simm.s32 $0x1BFF;
	s21 =	sshll.u32 s6, $0x1;
	s3 =	sadd.s32 s4, s19  }
0x9c: {  	s7 =	simm.s32 $0x0;
	s20 =	sshll.u32 s5, $0x1;
	s5 =	sadd.s32 s21, s3  }
0x9d: {  	[timem:s7], [sflag:s22] =	dma.local [hbm:s5], s20  }
0x9e: {  	_ =	swait.ge [sflag:s22], s20  }
0x9f: {  	s4 =	ssub.s32 $0x0, s20;
	[sflag:s22] =	ssyncset.done $0x0  }
0xa0: {  	[sflag:s22] =	ssyncadd.s32 s4;
	_ =	sdelay $0x1  }
0xa1: {  	s23 =	simm.s32 $0x1B8B  }
0xa2: {  	_ =	swait.ge [sflag:s23], $0x1  }
0xa3: {  	[sflag:s23] =	ssyncset.done $0x0  }
0xa4: {  	s25 =	simm.s32 $0x1B8E;
	s24 =	sld [smem:$0x3FFE];
	[sflag:s23] =	ssyncadd.s32 $0xFFFFFFFF  }
0xa5: {  	s26 =	simm.s32 $execute0_lowered;
	[smem:$0x3FD2] =	sst s25  }
0xa6: {  	s5 =	sshll.u32 s26, $0x1;
	_ =	strace $0x80000049;
	[dreg:$0x1] =	wrdreg $0xFFFFFFFF  }
0xa7: {  	s28 =	simm.s32 $_size_execute0_lowered;
	s3 =	sadd.s32 s3, s5;
	[dreg:$0x0] =	wrdreg $0x0  }
0xa8: {  	s5 =	sshll.u32 s28, $0x1;
	[dreg:$0x2] =	wrdreg s3  }
0xa9: {  	[dreg:$0x3] =	wrdreg s5  }
0xaa: {  	[dreg:$0x4] =	wrdreg $0xC0  }
0xab: {  	_ =	task [dreg:s7], $0x5FFFF  }
0xac: {  	[dreg:$0x1] =	wrdreg $0xFFFFFFFF  }
0xad: {  	[dreg:$0x0] =	wrdreg $0x60  }
0xae: {  	[dreg:$0x2] =	wrdreg s24  }
0xaf: {  	[dreg:$0x3] =	wrdreg s2  }
0xb0: {  	[dreg:$0x4] =	wrdreg $0x72800  }
0xb1: {  	[dreg:$0x5] =	wrdreg $0x9  }
0xb2: {  	_ =	task.clear_ibuf [dreg:s7], $0x6FFFF;
	_ =	strace $0x90000049  }
0xb3: {  	s29 =	simm.s32 $0x9;
	_ =	strace $0x8000004B  }
0xb4: {  	_ =	swait.ge [sflag:s29], $0x1  }
0xb5: {  	[sflag:s29] =	ssyncadd.s32 $0xFFFFFFFF  }
0xb6: {  	_ =	strace $0x9000004B  }
0xb7: {  	_ =	sfence  }
0xb8: {  	s30 =	sld [smem:$0x0];
	_ =	sdelay $0x2  }
0xb9: {  	s31 =	sshll.u32 s1, $0xD;
	s1 =	sshrl.u32 s1, $0x2  }
0xba: {  	s3 =	sand.u32 $0x4000, s31;
	s1 =	sadd.s32 s1, s30  }
0xbb: {  	s0 =	sor.u32 s3, s0;
	s1 =	sshll.u32 s1, $0x11  }
0xbc: {  	s0 =	sor.u32 s1, s0  }
0xbd: {  	s0 =	sadd.s32 $0x8F2B, s0  }
0xbe: {  	[sflag:s0] =	ssyncadd.remote.s32 $0x1  }
0xbf: {  	_ =	sfence.sel $0xFFFF  }
0xc0: {  	[dreg:$0x0] =	wrdreg $0xFFFFFFFF;
	(pc) =	sbr.abs _section_cstart, $3  }
0xc1: {  	[dreg:$0x1] =	wrdreg $0xFFFFFFFF  }
0xc2: {  	_ =	task.clear_ibuf [dreg:s7], $0x2FFFF;
	_ =	strace $0x9FFFFFFF  }
0xc3: {  	(tm) =	ssettm $0x7FFFFFFF  }
tec
execute0_lowered:
.L_overlay_start_1:
0x0: {  	(tag) =	ssettag $0x1  }
0x1: {  	s5 =	rddreg [dreg:$0x0]  }
0x2: {  	s11 =	rddreg [dreg:$0x1]  }
0x3: {  	s2 =	rddreg [dreg:$0x2]  }
0x4: {  	s0 =	rddreg [dreg:$0x3]  }
0x5: {  	s1 =	stileid.u32;
	s3 =	simm.s32 $0x0;
	s6 =	srdreg.scid  }
0x6: {  	s4 =	smul.u32 $0x1F40, s1;
	[smem:$0x7FF] =	sst s3;
	s7 =	sand.u32 $0x1, s6  }
0x7: {  	s9 =	sshll.u32 s1, $0xA;
	s10 =	smul.u32 $0x280, s1;
	s30 =	sshll.u32 s1, $0x3  }
0x8: {  	p0 =	seq.s32 s1, $0xF;
	_ =	strace $0x8000004A;
	s8 =	sshll.u32 s7, $0xE  }
0x9: {  	s12 =	ssub.s32 $0x2, s7;
	s6 =	sadd.s32 s4, s5;
	s4 =	sadd.s32 $0x21E00, s5  }
0xa: {  	s8 =	sor.u32 s9, s8;
	s13 =	sshrl.u32 s12, $0x1;
	s29 =	sor.u32 $0x20, s10  }
0xb: {  	s14 =	sor.u32 $0x30, s10;
	s15 =	sor.u32 $0x40, s10;
	s16 =	sor.u32 $0x50, s10  }
0xc: {  	s17 =	sor.u32 $0x60, s10;
	s18 =	sor.u32 $0x70, s10;
	s19 =	sadd.s32 $0x80, s10  }
0xd: {  	s20 =	sadd.s32 $0x90, s10;
	s21 =	sadd.s32 $0xA0, s10;
	s22 =	sadd.s32 $0xB0, s10  }
0xe: {  	s23 =	sadd.s32 $0xC0, s10;
	s24 =	sadd.s32 $0xD0, s10;
	s25 =	sadd.s32 $0xE0, s10  }
0xf: {  	s31 =	sadd.s32 $0xF0, s10;
	s26 =	sadd.s32 $0x100, s10;
	s28 =	sadd.s32 $0x110, s10  }
0x10: {  	v39 =	vlaneseq.u32;
	s9 =	sadd.s32 s8, s5;
	s8 =	ssub.s32 s12, s13;
	s13 =	sor.u32 $0x10, s10  }
0x11: {  	v41 =	vimm.f32 $0.0e+00;
	s5 =	sadd.s32 s11, s30;
	v1 =	vor.u32 s29, v39;
	v2 =	vor.u32 s14, v39;
	s14 =	sadd.s32 $0x130, s10;
	s29 =	sadd.s32 $0x140, s10  }
0x12: {  	v23 =	vor.u32 s10, v39;
	v4 =	vor.u32 s16, v39;
	v5 =	vor.u32 s17, v39;
	s30 =	sadd.s32 $0x150, s10;
	s16 =	sadd.s32 $0x160, s10;
	s17 =	sadd.s32 $0x170, s10  }
0x13: {  	v6 =	vor.u32 s18, v39;
	v7 =	vor.u32 s19, v39;
	v8 =	vor.u32 s20, v39;
	s18 =	sadd.s32 $0x180, s10;
	s19 =	sadd.s32 $0x190, s10;
	s20 =	sadd.s32 $0x1A0, s10  }
0x14: {  	v9 =	vor.u32 s21, v39;
	v10 =	vor.u32 s22, v39;
	v11 =	vor.u32 s23, v39;
	s21 =	sadd.s32 $0x1B0, s10;
	s22 =	sadd.s32 $0x1C0, s10;
	s23 =	sadd.s32 $0x1D0, s10  }
0x15: {  	v3 =	vor.u32 s15, v39;
	v12 =	vor.u32 s24, v39;
	v13 =	vor.u32 s25, v39;
	s11 =	sadd.s32 $0x1E0, s10;
	s24 =	sadd.s32 $0x1F0, s10;
	s25 =	sadd.s32 $0x200, s10  }
0x16: {  	v14 =	vor.u32 s31, v39;
	v15 =	vor.u32 s26, v39;
	v16 =	vor.u32 s28, v39;
	s26 =	sadd.s32 $0x210, s10;
	s28 =	sadd.s32 $0x220, s10;
	s31 =	smul.u32 $0xFA0, s7  }
0x17: {  	s15 =	sadd.s32 $0x230, s10;
	v0 =	vor.u32 s13, v39;
	s13 =	sadd.s32 $0x120, s10;
	v18 =	vor.u32 s14, v39;
	v19 =	vor.u32 s29, v39;
	s29 =	sadd.s32 $0x240, s10  }
0x18: {  	v20 =	vor.u32 s30, v39;
	s30 =	sadd.s32 $0x250, s10;
	v22 =	vor.u32 s17, v39;
	s17 =	sadd.s32 $0x260, s10;
	v26 =	vor.u32 s20, v39;
	s20 =	smul.u32 $0x2710, s7  }
0x19: {  	v21 =	vor.u32 s16, v39;
	v24 =	vor.u32 s18, v39;
	s7 =	sadd.s32 $0x78000, s9;
	s8 =	smax.u32 s8, $0x1;
	v30 =	vor.u32 s11, v39;
	s11 =	simm.s32 $0x7200  }
0x1a: {  	v25 =	vor.u32 s19, v39;
	v27 =	vor.u32 s21, v39;
	v35 =	vor.u32 s15, v39;
	s14 =	simm.s32 $0x100;
	s15 =	simm.s32 $0x1;
	s16 =	simm.s32 $0x80  }
0x1b: {  	v28 =	vor.u32 s22, v39;
	v29 =	vor.u32 s23, v39;
	v31 =	vor.u32 s24, v39;
	s18 =	simm.s32 $0x40;
	s19 =	simm.s32 $0x2A00;
	s21 =	simm.s32 $0x0  }
0x1c: {  	v32 =	vor.u32 s25, v39;
	v33 =	vor.u32 s26, v39;
	v34 =	vor.u32 s28, v39;
	s12 =	sadd.s32 s31, s6;
	s31 =	sadd.s32 $0x270, s10;
	s6 =	sadd.s32 $0x70000, s9  }
0x1d: {  	v17 =	vor.u32 s13, v39;
	s10 =	simm.s32 $0x50;
	s13 =	simm.s32 $0x2;
	v36 =	vor.u32 s29, v39;
	v38 =	vor.u32 s17, v39;
	s17 =	simm.s32 $0x2900  }
0x1e: {  	v37 =	vor.u32 s30, v39;
	s9 =	sadd.s32 $0x2A00, s12;
	s12 =	simm.s32 $0x4A00;
	v39 =	vor.u32 s31, v39;
	v40 =	vmov s20;
	s20 =	simm.s32 $0x2980  }
.LBB2_1:
0x1f: {  	s22 =	simm.s32 $0x0;
	s23 =	simm.s32 $0x200  }
.LBB2_2:
0x20: {  	p1 =	sne.s32 s23, $0x9E00;
	[tilespmem:s22+$0x4A70] =	vst v41  }
0x21: {  	[tilespmem:s22+$0x4A00] =	vst v41  }
0x22: {  	[tilespmem:s22+$0x4A10] =	vst v41  }
.Ltmp0:
0x23: {  	[tilespmem:s22+$0x4A20] =	vst v41;
	(pc) =	sbr.rel @p1 .LBB2_2-.Ltmp0, $4  }
0x24: {  	[tilespmem:s22+$0x4A30] =	vst v41  }
0x25: {  	[tilespmem:s22+$0x4A40] =	vst v41  }
0x26: {  	[tilespmem:s22+$0x4A50] =	vst v41  }
0x27: {  	[tilespmem:s22+$0x4A60] =	vst v41;
	s22 =	sshra.s32 s23, $0x2;
	s23 =	sadd.s32 $0x200, s23  }
0x28: {  	[tilespmem:s22+$0x4A70] =	vst v41  }
0x29: {  	[tilespmem:s22+$0x4A00] =	vst v41  }
0x2a: {  	[tilespmem:s22+$0x4A10] =	vst v41  }
0x2b: {  	[tilespmem:s22+$0x4A20] =	vst v41  }
0x2c: {  	[tilespmem:s22+$0x4A30] =	vst v41  }
0x2d: {  	[tilespmem:s22+$0x4A40] =	vst v41  }
0x2e: {  	[tilespmem:s22+$0x4A50] =	vst v41;
	v42 =	vlaneseq.u32 @p0  }
0x2f: {  	[tilespmem:s22+$0x4A60] =	vst v41;
	v43 =	vor.u32 @p0 $0x2580, v42  }
0x30: {  	[tilespmem:$0x7200] =	vst @p0 v43;
	v43 =	vor.u32 @p0 $0x2590, v42  }
0x31: {  	[tilespmem:$0x7210] =	vst @p0 v43  }
0x32: {  	v43 =	vor.u32 @p0 $0x25A0, v42;
	[tilespmem:$0x7200] =	vst @!p0 v23  }
0x33: {  	[tilespmem:$0x7220] =	vst @p0 v43  }
0x34: {  	v43 =	vor.u32 @p0 $0x25B0, v42;
	[tilespmem:$0x7210] =	vst @!p0 v0  }
0x35: {  	[tilespmem:$0x7230] =	vst @p0 v43  }
0x36: {  	v43 =	vor.u32 @p0 $0x25C0, v42;
	[tilespmem:$0x7220] =	vst @!p0 v1  }
0x37: {  	[tilespmem:$0x7240] =	vst @p0 v43  }
0x38: {  	s22 =	simm.s32 @!p0 $0x50;
	[tilespmem:$0x7230] =	vst @!p0 v2  }
0x39: {  	s23 =	simm.s32 @!p0 $0x7200;
	s24 =	simm.s32 @!p0 $0x4A00;
	s25 =	simm.s32 @!p0 $0x2;
	[tilespmem:$0x7240] =	vst @!p0 v3  }
0x3a: {  	[spmem:s2] =	stream.indirect.scatter @!p0 [tilespmem:s24], [sflag:$0x2], $0x80, s23, s22, $0xb8;
	[tilespmem:$0x1AB00] =	vst v63  }
0x3b: {  	_ =	swait.ge @!p0 [sflag:s25], $0x2800  }
0x3c: {  	[sflag:s25] =	ssyncset.done @!p0 $0x0  }
0x3d: {  	[sflag:s25] =	ssyncadd.s32 @!p0 $0xFFFFD800  }
0x3e: {  	[tilespmem:$0x7200] =	vst @!p0 v4  }
0x3f: {  	[tilespmem:$0x7210] =	vst @!p0 v5  }
0x40: {  	[tilespmem:$0x7220] =	vst @!p0 v6  }
0x41: {  	[tilespmem:$0x7230] =	vst @!p0 v7  }
0x42: {  	[tilespmem:$0x7240] =	vst @!p0 v8  }
0x43: {  	[spmem:s2] =	stream.indirect.scatter @!p0 [tilespmem:s24], [sflag:$0x2], $0x80, s23, s22, $0xb8;
	[tilespmem:$0x1AB00] =	vst v63  }
0x44: {  	_ =	swait.ge @!p0 [sflag:s25], $0x2800  }
0x45: {  	[sflag:s25] =	ssyncset.done @!p0 $0x0  }
0x46: {  	[sflag:s25] =	ssyncadd.s32 @!p0 $0xFFFFD800  }
0x47: {  	[tilespmem:$0x7200] =	vst @!p0 v9  }
0x48: {  	[tilespmem:$0x7210] =	vst @!p0 v10  }
0x49: {  	[tilespmem:$0x7220] =	vst @!p0 v11  }
0x4a: {  	[tilespmem:$0x7230] =	vst @!p0 v12  }
0x4b: {  	[tilespmem:$0x7240] =	vst @!p0 v13  }
0x4c: {  	[spmem:s2] =	stream.indirect.scatter @!p0 [tilespmem:s24], [sflag:$0x2], $0x80, s23, s22, $0xb8;
	[tilespmem:$0x1AB00] =	vst v63  }
0x4d: {  	_ =	swait.ge @!p0 [sflag:s25], $0x2800  }
0x4e: {  	[sflag:s25] =	ssyncset.done @!p0 $0x0  }
0x4f: {  	[sflag:s25] =	ssyncadd.s32 @!p0 $0xFFFFD800  }
0x50: {  	[tilespmem:$0x7200] =	vst @!p0 v14  }
0x51: {  	[tilespmem:$0x7210] =	vst @!p0 v15  }
0x52: {  	[tilespmem:$0x7220] =	vst @!p0 v16  }
0x53: {  	[tilespmem:$0x7230] =	vst @!p0 v17  }
0x54: {  	[tilespmem:$0x7240] =	vst @!p0 v18  }
0x55: {  	[spmem:s2] =	stream.indirect.scatter [tilespmem:s12], [sflag:$0x2], $0x80, s11, s10, $0xb8;
	[tilespmem:$0x1AB00] =	vst v63  }
0x56: {  	_ =	swait.ge [sflag:s13], $0x2800  }
0x57: {  	v43 =	vor.u32 @p0 $0x25D0, v42;
	[sflag:s13] =	ssyncset.done $0x0  }
0x58: {  	v44 =	vor.u32 @p0 $0x25E0, v42;
	v43 =	vpsel p0, v43, v19;
	[sflag:s13] =	ssyncadd.s32 $0xFFFFD800  }
0x59: {  	v45 =	vor.u32 @p0 $0x25F0, v42;
	v44 =	vpsel p0, v44, v20;
	[tilespmem:$0x7200] =	vst v43  }
0x5a: {  	v45 =	vpsel p0, v45, v21;
	v43 =	vor.u32 @p0 $0x2600, v42;
	[tilespmem:$0x7210] =	vst v44  }
0x5b: {  	v44 =	vor.u32 @p0 $0x2610, v42;
	[tilespmem:$0x7220] =	vst v45;
	v43 =	vpsel p0, v43, v22  }
0x5c: {  	v44 =	vpsel p0, v44, v24;
	[tilespmem:$0x7230] =	vst v43  }
0x5d: {  	[tilespmem:$0x7240] =	vst v44  }
0x5e: {  	[spmem:s2] =	stream.indirect.scatter [tilespmem:s12], [sflag:$0x2], $0x80, s11, s10, $0xb8;
	[tilespmem:$0x1AB00] =	vst v63  }
0x5f: {  	_ =	swait.ge [sflag:s13], $0x2800  }
0x60: {  	v43 =	vor.u32 @p0 $0x2620, v42;
	[sflag:s13] =	ssyncset.done $0x0  }
0x61: {  	v44 =	vor.u32 @p0 $0x2630, v42;
	v43 =	vpsel p0, v43, v25;
	[sflag:s13] =	ssyncadd.s32 $0xFFFFD800  }
0x62: {  	v45 =	vor.u32 @p0 $0x2640, v42;
	v44 =	vpsel p0, v44, v26;
	[tilespmem:$0x7200] =	vst v43  }
0x63: {  	v45 =	vpsel p0, v45, v27;
	v43 =	vor.u32 @p0 $0x2650, v42;
	[tilespmem:$0x7210] =	vst v44  }
0x64: {  	v44 =	vor.u32 @p0 $0x2660, v42;
	[tilespmem:$0x7220] =	vst v45;
	v43 =	vpsel p0, v43, v28  }
0x65: {  	v44 =	vpsel p0, v44, v29;
	[tilespmem:$0x7230] =	vst v43  }
0x66: {  	[tilespmem:$0x7240] =	vst v44  }
0x67: {  	[spmem:s2] =	stream.indirect.scatter [tilespmem:s12], [sflag:$0x2], $0x80, s11, s10, $0xb8;
	[tilespmem:$0x1AB00] =	vst v63  }
0x68: {  	_ =	swait.ge [sflag:s13], $0x2800  }
0x69: {  	v43 =	vor.u32 @p0 $0x2670, v42;
	[sflag:s13] =	ssyncset.done $0x0  }
0x6a: {  	v44 =	vor.u32 @p0 $0x2680, v42;
	v43 =	vpsel p0, v43, v30;
	[sflag:s13] =	ssyncadd.s32 $0xFFFFD800  }
0x6b: {  	v45 =	vor.u32 @p0 $0x2690, v42;
	v44 =	vpsel p0, v44, v31;
	[tilespmem:$0x7200] =	vst v43  }
0x6c: {  	v45 =	vpsel p0, v45, v32;
	v43 =	vor.u32 @p0 $0x26A0, v42;
	[tilespmem:$0x7210] =	vst v44  }
0x6d: {  	v44 =	vor.u32 @p0 $0x26B0, v42;
	[tilespmem:$0x7220] =	vst v45;
	v43 =	vpsel p0, v43, v33  }
0x6e: {  	v44 =	vpsel p0, v44, v34;
	[tilespmem:$0x7230] =	vst v43  }
0x6f: {  	[tilespmem:$0x7240] =	vst v44  }
0x70: {  	[spmem:s2] =	stream.indirect.scatter [tilespmem:s12], [sflag:$0x2], $0x80, s11, s10, $0xb8;
	[tilespmem:$0x1AB00] =	vst v63  }
0x71: {  	_ =	swait.ge [sflag:s13], $0x2800  }
0x72: {  	v43 =	vor.u32 @p0 $0x26C0, v42;
	[sflag:s13] =	ssyncset.done $0x0  }
0x73: {  	v44 =	vor.u32 @p0 $0x26D0, v42;
	v43 =	vpsel p0, v43, v35;
	[sflag:s13] =	ssyncadd.s32 $0xFFFFD800  }
0x74: {  	v45 =	vor.u32 @p0 $0x26E0, v42;
	v44 =	vpsel p0, v44, v36;
	[tilespmem:$0x7200] =	vst v43  }
0x75: {  	v45 =	vpsel p0, v45, v37;
	v43 =	vor.u32 @p0 $0x26F0, v42;
	[tilespmem:$0x7210] =	vst v44  }
0x76: {  	v42 =	vor.u32 @p0 $0x2700, v42;
	[tilespmem:$0x7220] =	vst v45;
	v43 =	vpsel p0, v43, v38  }
0x77: {  	v42 =	vpsel p0, v42, v39;
	[tilespmem:$0x7230] =	vst v43  }
0x78: {  	[tilespmem:$0x7240] =	vst v42  }
0x79: {  	[spmem:s2] =	stream.indirect.scatter [tilespmem:s12], [sflag:$0x2], $0x80, s11, s10, $0xb8;
	[tilespmem:$0x1AB00] =	vst v63  }
0x7a: {  	_ =	swait.ge [sflag:s13], $0x2800  }
0x7b: {  	[sflag:s13] =	ssyncset.done $0x0  }
0x7c: {  	[sflag:s13] =	ssyncadd.s32 $0xFFFFD800  }
0x7d: {  	s31 =	sadd.s32 $0x0, s9;
	[bflag:$0x0] =	sbarrier.arrive $0xFFFF  }
0x7e: {  	[tilespmem:s3], [sflag:$0x2] =	stream.linear.gather [hbm4b:s31+s3], $0x100, $0x38;
	[tilespmem:$0x1AB00] =	vst v63  }
0x7f: {  	_ =	swait.ge [sflag:s13], $0x100  }
0x80: {  	[sflag:s13] =	ssyncset.done $0x0  }
0x81: {  	[sflag:s13] =	ssyncadd.s32 $0xFFFFFF00  }
0x82: {  	[tilespmem:s14], [sflag:$0x1] =	stream.indirect.gather [hbm4b:s4+s10], $0x80, s3, s10, $0xb8;
	[tilespmem:$0x1AB00] =	vst v63  }
0x83: {  	_ =	swait.ge [sflag:s15], $0x2800  }
0x84: {  	[sflag:s15] =	ssyncset.done $0x0  }
0x85: {  	[sflag:s15] =	ssyncadd.s32 $0xFFFFD800  }
0x86: {  	[spmem:s2] =	stream.indirect.scatter.add.f32 [tilespmem:s14], [sflag:$0x2], $0x80, s16, s10, $0xb8;
	[tilespmem:$0x1AB00] =	vst v63  }
0x87: {  	_ =	swait.ge [sflag:s13], $0x2800  }
0x88: {  	s22 =	simm.s32 $0x20;
	s23 =	simm.s32 $0x40;
	[sflag:s13] =	ssyncset.done $0x0  }
.LBB2_4:
0x89: {  	s24 =	sadd.s32 s22, s9  }
0x8a: {  	[sflag:s13] =	ssyncadd.s32 $0xFFFFD800;
	s22 =	smov.u32 s23;
	s25 =	sadd.s32 $0x20, s23  }
0x8b: {  	[tilespmem:s3], [sflag:$0x2] =	stream.linear.gather [hbm4b:s24+s3], $0x100, $0x38;
	[tilespmem:$0x1AB00] =	vst v63  }
0x8c: {  	p1 =	sne.s32 s23, $0xF80;
	_ =	swait.ge [sflag:s13], $0x100  }
0x8d: {  	[sflag:s13] =	ssyncset.done $0x0  }
0x8e: {  	[sflag:s13] =	ssyncadd.s32 $0xFFFFFF00  }
0x8f: {  	[tilespmem:s14], [sflag:$0x1] =	stream.indirect.gather [hbm4b:s4+s10], $0x80, s3, s10, $0xb8;
	[tilespmem:$0x1AB00] =	vst v63  }
0x90: {  	_ =	swait.ge [sflag:s15], $0x2800  }
.Ltmp1:
0x91: {  	[sflag:s15] =	ssyncset.done $0x0;
	(pc) =	sbr.rel @p1 .LBB2_4-.Ltmp1, $4  }
0x92: {  	[sflag:s15] =	ssyncadd.s32 $0xFFFFD800  }
0x93: {  	[spmem:s2] =	stream.indirect.scatter.add.f32 [tilespmem:s14], [sflag:$0x2], $0x80, s16, s10, $0xb8;
	[tilespmem:$0x1AB00] =	vst v63  }
0x94: {  	_ =	swait.ge [sflag:s13], $0x2800  }
0x95: {  	s23 =	smov.u32 s25;
	[sflag:s13] =	ssyncset.done $0x0  }
0x96: {  	s22 =	sadd.s32 s22, s9;
	[sflag:s13] =	ssyncadd.s32 $0xFFFFD800  }
0x97: {  	[tilespmem:s3], [sflag:$0x2] =	stream.linear.gather [hbm4b:s22+s3], $0x100, $0x38;
	[tilespmem:$0x1AB00] =	vst v63  }
0x98: {  	_ =	swait.ge [sflag:s13], $0x100  }
0x99: {  	[sflag:s13] =	ssyncset.done $0x0  }
0x9a: {  	[sflag:s13] =	ssyncadd.s32 $0xFFFFFF00  }
0x9b: {  	[tilespmem:s14], [sflag:$0x1] =	stream.indirect.gather [hbm4b:s4+s10], $0x80, s3, s10, $0xb8;
	[tilespmem:$0x1AB00] =	vst v63  }
0x9c: {  	_ =	swait.ge [sflag:s15], $0x2800  }
0x9d: {  	[sflag:s15] =	ssyncset.done $0x0  }
0x9e: {  	[sflag:s15] =	ssyncadd.s32 $0xFFFFD800  }
0x9f: {  	[spmem:s2] =	stream.indirect.scatter.add.f32 [tilespmem:s14], [sflag:$0x2], $0x80, s16, s10, $0xb8;
	[tilespmem:$0x1AB00] =	vst v63  }
0xa0: {  	_ =	swait.ge [sflag:s13], $0x2800  }
0xa1: {  	[sflag:s13] =	ssyncset.done $0x0  }
0xa2: {  	[sflag:s13] =	ssyncadd.s32 $0xFFFFD800  }
0xa3: {  	[bflag:$0x0] =	sbarrier.arrive $0xFFFF  }
0xa4: {  	[tilespmem:s17], [sflag:$0x2] =	stream.linear.gather [hbm4b:s5+s3], $0x40, $0x38;
	[tilespmem:$0x1AB00] =	vst v63  }
0xa5: {  	_ =	swait.ge [sflag:s13], $0x40  }
0xa6: {  	[sflag:s13] =	ssyncset.done $0x0  }
0xa7: {  	[sflag:s13] =	ssyncadd.s32 $0xFFFFFFC0  }
0xa8: {  	[tilespmem:s19], [sflag:$0x1] =	stream.indirect.gather [spmem:s2], $0x80, s17, s18, $0xb8;
	[tilespmem:$0x1AB00] =	vst v63  }
0xa9: {  	_ =	swait.ge [sflag:s15], $0x2000  }
0xaa: {  	[sflag:s15] =	ssyncset.done $0x0  }
0xab: {  	[sflag:s15] =	ssyncadd.s32 $0xFFFFE000  }
0xac: {  	[hbm4b:s6+s3] =	stream.linear.scatter [tilespmem:s19], [sflag:$0x2], $0x2000, $0x38;
	[tilespmem:$0x1AB00] =	vst v63  }
0xad: {  	_ =	swait.ge [sflag:s13], $0x2000  }
0xae: {  	[sflag:s13] =	ssyncset.done $0x0  }
0xaf: {  	[sflag:s13] =	ssyncadd.s32 $0xFFFFE000  }
0xb0: {  	v42 =	vld [tilespmem:$0x2900]  }
0xb1: {  	v43 =	vld [tilespmem:$0x2910]  }
0xb2: {  	v44 =	vld [tilespmem:$0x2920]  }
0xb3: {  	v45 =	vld [tilespmem:$0x2930];
	_ =	sdelay $0x1  }
0xb4: {  	v42 =	vadd.s32 v40, v42  }
0xb5: {  	v61 =	vadd.s32 v40, v43;
	[tilespmem:$0x2980] =	vst v42  }
0xb6: {  	v62 =	vadd.s32 v40, v44;
	[tilespmem:$0x2990] =	vst v61  }
0xb7: {  	v63 =	vadd.s32 v40, v45;
	[tilespmem:$0x29A0] =	vst v62  }
0xb8: {  	[tilespmem:$0x29B0] =	vst v63  }
0xb9: {  	[tilespmem:s19], [sflag:$0x1] =	stream.indirect.gather [hbm4b:s4+s18], $0x80, s20, s18, $0xb8;
	[tilespmem:$0x1AB00] =	vst v63  }
0xba: {  	s21 =	sadd.s32 $0x1, s21;
	_ =	swait.ge [sflag:s15], $0x2000  }
0xbb: {  	p1 =	sne.s32 s21, s8;
	[sflag:s15] =	ssyncset.done $0x0  }
.Ltmp2:
0xbc: {  	[sflag:s15] =	ssyncadd.s32 $0xFFFFE000;
	(pc) =	sbr.rel @p1 .LBB2_1-.Ltmp2, $4  }
0xbd: {  	[hbm4b:s7+s3] =	stream.linear.scatter [tilespmem:s19], [sflag:$0x2], $0x2000, $0x38;
	[tilespmem:$0x1AB00] =	vst v63  }
0xbe: {  	_ =	swait.ge [sflag:s13], $0x2000  }
0xbf: {  	[sflag:s13] =	ssyncset.done $0x0  }
0xc0: {  	[sflag:s13] =	ssyncadd.s32 $0xFFFFE000  }
0xc1: {  	_ =	sfence.sel $0x180000  }
0xc2: {  	[bflag:$0x0] =	sbarrier.arrive $0xFFFF  }
0xc3: {  	p0 =	sne.s32 s1, $0x0;
	_ =	strace $0x9000004A  }
0xc4: {  	s0 =	sadd.s32 @!p0 $0x100000, s0;
	[bflag:$0x2] =	sbarrier.arrive $0xFFFF  }
0xc5: {  	[sflag:s0] =	ssyncadd.tile.s32 @!p0 $0x1;
	_ =	shalt  }
.Lfunc_end2:
_tile_overlayer_lowered:
.L_overlay_start_2:
0xc6: {  	(tag) =	ssettag $0x2  }
0xc7: {  	s0 =	rddreg [dreg:$0x0];
	s2 =	stileid.u32  }
0xc8: {  	s1 =	rddreg [dreg:$0x1];
	p0 =	sne.s32 s2, $0x0  }
0xc9: {  	s3 =	rddreg [dreg:$0x2];
	[bflag:$0x3] =	sbarrier.arrive $0xFFFF;
	s2 =	simm.s32 @!p0 $0x1C02  }
0xca: {  	[timem:s3], [sflag:s2] =	dma.local @!p0 [hbm:s0], s1  }
0xcb: {  	s0 =	simm.s32 @!p0 $0x2  }
0xcc: {  	_ =	swait.ge @!p0 [sflag:s0], s1  }
0xcd: {  	s1 =	ssub.s32 @!p0 $0x0, s1;
	[sflag:s0] =	ssyncset.done @!p0 $0x0  }
0xce: {  	[sflag:s0] =	ssyncadd.s32 @!p0 s1  }
0xcf: {  	[bflag:$0x3] =	sbarrier.arrive $0xFFFF  }
0xd0: {  	_ =	shalt  }

</sc_bundles>
